<compile_context>
chip_gen: v7x
topology: tpu7x:2x2x1
jax: 0.10.2.dev20260603
libtpu: 0.0.44.dev20260713+nightly
codegen_flags: <defaults>
</compile_context>

<pallas_src>
import jax
import jax.numpy as jnp
from jax import lax
from jax.experimental import pallas as pl
from jax.experimental.pallas import tpu as pltpu
from jax.experimental.pallas import tpu_sc as plsc

N = 10000
E = 160000
D = 256
H = D // 2
EPS = 1e-5

NC = 2
NS = 16
NP = 10240
RPT = NP // NS
EPT = E // NS
K = 120
CHUNKS = EPT // K
TAIL = EPT - CHUNKS * K

DEG_E_SC = E // NC
DEG_E_T = DEG_E_SC // NS
DK = 128
DEG_CHUNKS = DEG_E_T // DK
DEG_TAIL = DEG_E_T - DEG_CHUNKS * DK

_mesh = plsc.VectorSubcoreMesh(core_axis_name="c", subcore_axis_name="s",
                               num_cores=NC, num_subcores=NS)
f32 = jnp.float32
i32 = jnp.int32


def _deg_body(dst_hbm, zeros_hbm, ones_hbm, degA_hbm, degB_hbm,
              acc, ones_v,
              didx0, didx1, didx2, didx3, didx4, didx5, didx6, didx7, tdidx,
              di0, di1, di2, di3, di4, di5, di6, di7,
              sc0, sc1, sc2, sc3):
    c = lax.axis_index("c")
    s = lax.axis_index("s")
    r0 = s * RPT
    base = c * DEG_E_SC + s * DEG_E_T
    didx = (didx0, didx1, didx2, didx3, didx4, didx5, didx6, didx7)
    di = (di0, di1, di2, di3, di4, di5, di6, di7)
    sc = (sc0, sc1, sc2, sc3)

    def issue_idx(g, q):
        off = pl.multiple_of(base + g * DK, 8)
        pltpu.async_copy(dst_hbm.at[pl.ds(off, DK)], didx[q], di[q])

    def wait_idx(q):
        pltpu.make_async_copy(dst_hbm.at[pl.ds(0, DK)], didx[q], di[q]).wait()

    def scatter(q8, q4):
        pltpu.async_copy(ones_v, acc.at[didx[q8]], sc[q4], add=True)

    def wait_scatter(q4):
        pltpu.make_async_copy(ones_v, acc.at[didx[0]], sc[q4]).wait()

    for q in range(4):
        issue_idx(q, q)
    pltpu.sync_copy(ones_hbm, ones_v)
    pltpu.sync_copy(zeros_hbm.at[pl.ds(r0, RPT)], acc.at[pl.ds(r0, RPT)])
    plsc.subcore_barrier()

    def octet(i, carry):
        for j in range(8):
            g = 8 * i + j
            q4 = j % 4

            @pl.when(g < DEG_CHUNKS)
            def _():
                wait_idx(j)

            @pl.when((g >= 4) & (g < DEG_CHUNKS))
            def _():
                wait_scatter(q4)

            @pl.when(g < DEG_CHUNKS)
            def _():
                scatter(j, q4)

            @pl.when(g + 4 < DEG_CHUNKS)
            def _():
                issue_idx(g + 4, (j + 4) % 8)

        return carry

    lax.fori_loop(0, (DEG_CHUNKS + 7) // 8, octet, 0)
    for q4 in range(4):
        wait_scatter(q4)
    toff = base + DEG_CHUNKS * DK
    pltpu.sync_copy(dst_hbm.at[pl.ds(toff, DEG_TAIL)], tdidx)
    pltpu.sync_copy(ones_v.at[pl.ds(0, DEG_TAIL)], acc.at[tdidx], add=True)
    plsc.subcore_barrier()

    @pl.when(c == 0)
    def _():
        pltpu.sync_copy(acc.at[pl.ds(r0, RPT)], degA_hbm.at[pl.ds(r0, RPT)])

    @pl.when(c == 1)
    def _():
        pltpu.sync_copy(acc.at[pl.ds(r0, RPT)], degB_hbm.at[pl.ds(r0, RPT)])


_deg_call = pl.kernel(
    _deg_body,
    out_type=[jax.ShapeDtypeStruct((NP,), f32)] * 2,
    mesh=_mesh,
    scratch_types=(
        [pltpu.VMEM_SHARED((NP,), f32)]
        + [pltpu.VMEM((DK,), f32)]
        + [pltpu.VMEM((DK,), i32)] * 8
        + [pltpu.VMEM((DEG_TAIL,), i32)]
        + [pltpu.SemaphoreType.DMA] * 12
    ),
)


def _agg_body(hA_hbm, hB_hbm, src_hbm, dst_hbm, outA_hbm, outB_hbm,
              acc, sidx0, sidx1, sidx2, didx0, didx1, didx2,
              rows0, rows1, rows2, tsidx, tdidx,
              si0, si1, si2, di0, di1, di2,
              g0, g1, g2, sc0, sc1, sc2):
    c = lax.axis_index("c")
    s = lax.axis_index("s")
    r0 = s * RPT
    base = s * EPT
    sidx = (sidx0, sidx1, sidx2)
    didx = (didx0, didx1, didx2)
    rows = (rows0, rows1, rows2)
    si = (si0, si1, si2)
    di = (di0, di1, di2)
    gs = (g0, g1, g2)
    sc = (sc0, sc1, sc2)

    def gather(q):
        @pl.when(c == 0)
        def _():
            pltpu.async_copy(hA_hbm.at[sidx[q]], rows[q], gs[q])

        @pl.when(c == 1)
        def _():
            pltpu.async_copy(hB_hbm.at[sidx[q]], rows[q], gs[q])

    def wait_gather(q):
        pltpu.make_async_copy(hA_hbm.at[sidx[q]], rows[q], gs[q]).wait()

    def issue_sidx(g, q):
        off = pl.multiple_of(base + g * K, 8)
        pltpu.async_copy(src_hbm.at[pl.ds(off, K)], sidx[q], si[q])

    def issue_didx(g, q):
        off = pl.multiple_of(base + g * K, 8)
        pltpu.async_copy(dst_hbm.at[pl.ds(off, K)], didx[q], di[q])

    def wait_sidx(q):
        pltpu.make_async_copy(src_hbm.at[pl.ds(0, K)], sidx[q], si[q]).wait()

    def wait_didx(q):
        pltpu.make_async_copy(dst_hbm.at[pl.ds(0, K)], didx[q], di[q]).wait()

    def scatter(q):
        pltpu.async_copy(rows[q], acc.at[didx[q]], sc[q], add=True)

    def wait_scatter(q):
        pltpu.make_async_copy(rows[q], acc.at[didx[q]], sc[q]).wait()

    for q in range(3):
        issue_sidx(q, q)
    issue_didx(0, 0)
    issue_didx(1, 1)
    wait_sidx(0)
    gather(0)
    wait_sidx(1)
    gather(1)

    @pl.when(c == 0)
    def _():
        pltpu.sync_copy(hA_hbm.at[pl.ds(r0, RPT)], acc.at[pl.ds(r0, RPT)])

    @pl.when(c == 1)
    def _():
        pltpu.sync_copy(hB_hbm.at[pl.ds(r0, RPT)], acc.at[pl.ds(r0, RPT)])

    plsc.subcore_barrier()

    def triple(i, carry):
        for q in range(3):
            g = 3 * i + q
            q2 = (q + 2) % 3

            @pl.when(g < CHUNKS)
            def _():
                wait_gather(q)

            @pl.when((g >= 1) & (g + 2 < CHUNKS))
            def _():
                wait_scatter(q2)

            @pl.when(g + 2 < CHUNKS)
            def _():
                issue_didx(g + 2, q2)
                wait_sidx(q2)
                gather(q2)

            @pl.when(g + 3 < CHUNKS)
            def _():
                issue_sidx(g + 3, q)

            @pl.when(g < CHUNKS)
            def _():
                wait_didx(q)
                scatter(q)

        return carry

    lax.fori_loop(0, (CHUNKS + 2) // 3, triple, 0)
    for q in range(3):
        wait_scatter(q)

    toff = base + CHUNKS * K
    pltpu.sync_copy(src_hbm.at[pl.ds(toff, TAIL)], tsidx)
    pltpu.sync_copy(dst_hbm.at[pl.ds(toff, TAIL)], tdidx)
    trows = rows0.at[pl.ds(0, TAIL)]

    @pl.when(c == 0)
    def _():
        pltpu.async_copy(hA_hbm.at[tsidx], trows, gs[0])

    @pl.when(c == 1)
    def _():
        pltpu.async_copy(hB_hbm.at[tsidx], trows, gs[0])

    pltpu.make_async_copy(hA_hbm.at[tsidx], trows, gs[0]).wait()
    pltpu.sync_copy(trows, acc.at[tdidx], add=True)
    plsc.subcore_barrier()

    @pl.when(c == 0)
    def _():
        pltpu.sync_copy(acc.at[pl.ds(r0, RPT)], outA_hbm.at[pl.ds(r0, RPT)])

    @pl.when(c == 1)
    def _():
        pltpu.sync_copy(acc.at[pl.ds(r0, RPT)], outB_hbm.at[pl.ds(r0, RPT)])


_agg_call = pl.kernel(
    _agg_body,
    out_type=[jax.ShapeDtypeStruct((NP, H), f32)] * 2,
    mesh=_mesh,
    scratch_types=(
        [pltpu.VMEM_SHARED((NP, H), f32)]
        + [pltpu.VMEM((K,), i32)] * 6
        + [pltpu.VMEM((K, H), f32)] * 3
        + [pltpu.VMEM((TAIL,), i32)] * 2
        + [pltpu.SemaphoreType.DMA] * 12
    ),
)


RB = 1000
PRB = 1024


def _pre_body(x_ref, w_ref, degA_ref, degB_ref, hA_ref, hB_ref, dinv_ref):
    i = pl.program_id(0)
    dA = degA_ref[pl.ds(i * PRB, PRB)]
    dB = degB_ref[pl.ds(i * PRB, PRB)]
    dinv = jnp.reshape(lax.rsqrt(dA + dB + 1.0), (PRB, 1))
    h = jnp.dot(x_ref[...], w_ref[...], preferred_element_type=f32) * dinv
    hA_ref[...] = h[:, :H]
    hB_ref[...] = h[:, H:]
    dinv_ref[...] = dinv


def _norm(accA, accB, dinv, b, g, be):
    z = jnp.concatenate([accA, accB], axis=1) * dinv + b
    mu = jnp.mean(z, axis=-1, keepdims=True)
    var = jnp.mean((z - mu) ** 2, axis=-1, keepdims=True)
    z = (z - mu) * lax.rsqrt(var + EPS) * g + be
    return jnp.maximum(z, 0.0)


def _stage_body(accA_ref, accB_ref, dinv_ref, b_ref, g_ref, be_ref,
                w_ref, hA_ref, hB_ref):
    dinv = dinv_ref[...]
    z = _norm(accA_ref[...], accB_ref[...], dinv,
              b_ref[...], g_ref[...], be_ref[...])
    h = jnp.dot(z, w_ref[...], preferred_element_type=f32) * dinv
    hA_ref[...] = h[:, :H]
    hB_ref[...] = h[:, H:]


def _final_body(accA_ref, accB_ref, dinv_ref, b_ref, g_ref, be_ref,
                out_ref):
    out_ref[...] = _norm(accA_ref[...], accB_ref[...], dinv_ref[...],
                         b_ref[...], g_ref[...], be_ref[...])


def _rows(shape):
    return pl.BlockSpec(shape, lambda i: (i, 0))


def _whole(shape):
    return pl.BlockSpec(shape, lambda i: (0, 0))


_halves = [pl.BlockSpec((RB, H), lambda i: (i, 0))] * 2
_half_shapes = [jax.ShapeDtypeStruct((NP, H), f32)] * 2
_vec_specs = [_whole((1, D))] * 3

_dinv_spec = _rows((RB, 1))
_deg1d_specs = [pl.BlockSpec((NP,), lambda i: (0,))] * 2

_pre_call = pl.pallas_call(
    _pre_body,
    grid=(NP // PRB,),
    in_specs=[_rows((PRB, D)), _whole((D, D))] + _deg1d_specs,
    out_specs=[pl.BlockSpec((PRB, H), lambda i: (i, 0))] * 2
    + [pl.BlockSpec((PRB, 1), lambda i: (i, 0))],
    out_shape=_half_shapes + [jax.ShapeDtypeStruct((NP, 1), f32)],
)

_stage_call = pl.pallas_call(
    _stage_body,
    grid=(N // RB,),
    in_specs=[_rows((RB, H))] * 2 + [_dinv_spec] + _vec_specs
    + [_whole((D, D))],
    out_specs=_halves,
    out_shape=_half_shapes,
)

_final_call = pl.pallas_call(
    _final_body,
    grid=(N // RB,),
    in_specs=[_rows((RB, H))] * 2 + [_dinv_spec] + _vec_specs,
    out_specs=_rows((RB, D)),
    out_shape=jax.ShapeDtypeStruct((N, D), f32),
)


def kernel(x, edge_index, W1, b1, g1, be1, W2, b2, g2, be2, W3, b3, g3, be3):
    src = edge_index[0]
    dst = edge_index[1]
    zeros1d = jnp.zeros((NP,), f32)
    ones1d = jnp.ones((DK,), f32)

    degA, degB = _deg_call(dst, zeros1d, ones1d)
    xp = jnp.pad(x, ((0, NP - N), (0, 0)))
    hA, hB, dinv = _pre_call(xp, W1, degA, degB)
    accA, accB = _agg_call(hA, hB, src, dst)
    hA, hB = _stage_call(accA, accB, dinv,
                         b1.reshape(1, D), g1.reshape(1, D), be1.reshape(1, D),
                         W2)
    accA, accB = _agg_call(hA, hB, src, dst)
    hA, hB = _stage_call(accA, accB, dinv,
                         b2.reshape(1, D), g2.reshape(1, D), be2.reshape(1, D),
                         W3)
    accA, accB = _agg_call(hA, hB, src, dst)
    return _final_call(accA, accB, dinv,
                       b3.reshape(1, D), g3.reshape(1, D), be3.reshape(1, D))

# --- scband reference (transcript-rebuilt; emitter-appended) ---
"""Pipeline reference for scband-gnnlayer-31963146616859 (READ-ONLY COPY).

The authoritative reference and input builder live on the scoring server;
editing this copy changes nothing except your own understanding.
"""

import jax, jax.numpy as jnp
import numpy as np

N = 10000
E = 160000
D = 256
EPS = 1e-5


def _gcn_conv(x, edge_index, W, b):
    # PyG GCNConv: add self-loops, symmetric normalization D^-1/2 (A+I) D^-1/2, then X @ W + b
    n = x.shape[0]
    loop = jnp.arange(n, dtype=edge_index.dtype)
    src = jnp.concatenate([edge_index[0], loop])
    dst = jnp.concatenate([edge_index[1], loop])
    deg = jnp.zeros((n,), jnp.float32).at[dst].add(1.0)
    dinv = jnp.where(deg > 0, jax.lax.rsqrt(deg), 0.0)
    w = dinv[src] * dinv[dst]
    h = x @ W
    msg = h[src] * w[:, None]
    out = jnp.zeros((n, W.shape[1]), h.dtype).at[dst].add(msg)
    return out + b


def _layer_norm(h, g, be):
    mu = jnp.mean(h, axis=-1, keepdims=True)
    var = jnp.mean((h - mu) ** 2, axis=-1, keepdims=True)
    return (h - mu) * jax.lax.rsqrt(var + EPS) * g + be


def setup_inputs(seed: int = 0):
    key = jax.random.key(seed)
    ks = jax.random.split(key, 16)
    scale = 1.0 / np.sqrt(D)
    inp = {
        "x": jax.random.normal(ks[0], (N, D), jnp.float32),
        # int32 used because default jax config disables x64; values identical
        "edge_index": jax.random.randint(ks[1], (2, E), 0, N, jnp.int32),
    }
    for i in range(3):
        inp[f"W{i+1}"] = jax.random.normal(ks[2 + 4 * i], (D, D), jnp.float32) * scale
        inp[f"b{i+1}"] = jnp.zeros((D,), jnp.float32)
        inp[f"g{i+1}"] = jnp.ones((D,), jnp.float32)
        inp[f"be{i+1}"] = jnp.zeros((D,), jnp.float32)
    return inp


def reference(x, edge_index, W1, b1, g1, be1, W2, b2, g2, be2, W3, b3, g3, be3):
    # GNNLayer with dim=[256,256,256,256], gnn='gcn', mode='plain', norm='layer', drop=0.0
    # Each DeepGCNLayerDef(block='plain'): h = conv(x); h = norm(h); h = act(h); dropout(p=0)
    h = x
    for (W, b, g, be) in ((W1, b1, g1, be1), (W2, b2, g2, be2), (W3, b3, g3, be3)):
        h = _gcn_conv(h, edge_index, W, b)
        h = _layer_norm(h, g, be)
        h = jax.nn.relu(h)
    return h

if __name__ == "__main__":
    import jax
    _d = setup_inputs()
    print(jax.jit(kernel)(*tuple(_d.values())))

</pallas_src>

<mosaic_0001>
#map = affine_map<(d0, d1) -> (0)>
module attributes {stable_mosaic.version = 14 : i64} {
  func.func @_deg_body(%arg0: i32, %arg1: i32, %arg2: memref<160000xi32, #tpu.memory_space<hbm>>, %arg3: memref<10240xf32, #tpu.memory_space<hbm>>, %arg4: memref<128xf32, #tpu.memory_space<hbm>>, %arg5: memref<10240xf32, #tpu.memory_space<hbm>>, %arg6: memref<10240xf32, #tpu.memory_space<hbm>>, %arg7: memref<10240xf32, #tpu.memory_space<vmem_shared>>, %arg8: memref<128xf32, #tpu.memory_space<vmem>>, %arg9: memref<128xi32, #tpu.memory_space<vmem>>, %arg10: memref<128xi32, #tpu.memory_space<vmem>>, %arg11: memref<128xi32, #tpu.memory_space<vmem>>, %arg12: memref<128xi32, #tpu.memory_space<vmem>>, %arg13: memref<128xi32, #tpu.memory_space<vmem>>, %arg14: memref<128xi32, #tpu.memory_space<vmem>>, %arg15: memref<128xi32, #tpu.memory_space<vmem>>, %arg16: memref<128xi32, #tpu.memory_space<vmem>>, %arg17: memref<8xi32, #tpu.memory_space<vmem>>, %arg18: memref<!tpu.dma_semaphore, #tpu.memory_space<semaphore_mem>>, %arg19: memref<!tpu.dma_semaphore, #tpu.memory_space<semaphore_mem>>, %arg20: memref<!tpu.dma_semaphore, #tpu.memory_space<semaphore_mem>>, %arg21: memref<!tpu.dma_semaphore, #tpu.memory_space<semaphore_mem>>, %arg22: memref<!tpu.dma_semaphore, #tpu.memory_space<semaphore_mem>>, %arg23: memref<!tpu.dma_semaphore, #tpu.memory_space<semaphore_mem>>, %arg24: memref<!tpu.dma_semaphore, #tpu.memory_space<semaphore_mem>>, %arg25: memref<!tpu.dma_semaphore, #tpu.memory_space<semaphore_mem>>, %arg26: memref<!tpu.dma_semaphore, #tpu.memory_space<semaphore_mem>>, %arg27: memref<!tpu.dma_semaphore, #tpu.memory_space<semaphore_mem>>, %arg28: memref<!tpu.dma_semaphore, #tpu.memory_space<semaphore_mem>>, %arg29: memref<!tpu.dma_semaphore, #tpu.memory_space<semaphore_mem>>) attributes {dimension_semantics = [#tpu.dimension_semantics<core_parallel>, #tpu.dimension_semantics<subcore_parallel>], iteration_bounds = array<i64: 2, 16>, scalar_prefetch = 0 : i64, scratch_operands = 23 : i64, tpu.core_type = #tpu.core_type<sc_vector_subcore>, window_params = [{transform_indices = #map}, {transform_indices = #map}, {transform_indices = #map}, {transform_indices = #map}, {transform_indices = #map}]} {
    %mul3A = arith.constant 640 : i32
    %mul3A_0 = arith.muli %arg1, %mul3A : i32
    %mul3A_1 = arith.constant 80000 : i32
    %mul3A_2 = arith.muli %arg0, %mul3A_1 : i32
    %mul3A_3 = arith.constant 5000 : i32
    %mul3A_4 = arith.muli %arg1, %mul3A_3 : i32
    %add3A = arith.addi %mul3A_2, %mul3A_4 : i32
    %add3A_5 = arith.constant 0 : i32
    %add3A_6 = arith.addi %add3A, %add3A_5 : i32
    %multiple_of3A = tpu.assume_multiple %add3A_6, 8 : i32
    %dma_start3A = tpu.memref_slice %arg2[%multiple_of3A] : memref<160000xi32, #tpu.memory_space<hbm>> -> memref<128xi32, #tpu.memory_space<hbm>>
    %dma_start3A_7 = tpu.memref_slice %arg2[%multiple_of3A] : memref<160000xi32, #tpu.memory_space<hbm>> -> memref<128xi32, #tpu.memory_space<hbm>>
    tpu.enqueue_dma source(%dma_start3A_7 : memref<128xi32, #tpu.memory_space<hbm>>) target(%arg9 : memref<128xi32, #tpu.memory_space<vmem>>) target_semaphore(%arg18 : memref<!tpu.dma_semaphore, #tpu.memory_space<semaphore_mem>>)
    %add3A_8 = arith.constant 128 : i32
    %add3A_9 = arith.addi %add3A, %add3A_8 : i32
    %multiple_of3A_10 = tpu.assume_multiple %add3A_9, 8 : i32
    %dma_start3A_11 = tpu.memref_slice %arg2[%multiple_of3A_10] : memref<160000xi32, #tpu.memory_space<hbm>> -> memref<128xi32, #tpu.memory_space<hbm>>
    %dma_start3A_12 = tpu.memref_slice %arg2[%multiple_of3A_10] : memref<160000xi32, #tpu.memory_space<hbm>> -> memref<128xi32, #tpu.memory_space<hbm>>
    tpu.enqueue_dma source(%dma_start3A_12 : memref<128xi32, #tpu.memory_space<hbm>>) target(%arg10 : memref<128xi32, #tpu.memory_space<vmem>>) target_semaphore(%arg19 : memref<!tpu.dma_semaphore, #tpu.memory_space<semaphore_mem>>)
    %add3A_13 = arith.constant 256 : i32
    %add3A_14 = arith.addi %add3A, %add3A_13 : i32
    %multiple_of3A_15 = tpu.assume_multiple %add3A_14, 8 : i32
    %dma_start3A_16 = tpu.memref_slice %arg2[%multiple_of3A_15] : memref<160000xi32, #tpu.memory_space<hbm>> -> memref<128xi32, #tpu.memory_space<hbm>>
    %dma_start3A_17 = tpu.memref_slice %arg2[%multiple_of3A_15] : memref<160000xi32, #tpu.memory_space<hbm>> -> memref<128xi32, #tpu.memory_space<hbm>>
    tpu.enqueue_dma source(%dma_start3A_17 : memref<128xi32, #tpu.memory_space<hbm>>) target(%arg11 : memref<128xi32, #tpu.memory_space<vmem>>) target_semaphore(%arg20 : memref<!tpu.dma_semaphore, #tpu.memory_space<semaphore_mem>>)
    %add3A_18 = arith.constant 384 : i32
    %add3A_19 = arith.addi %add3A, %add3A_18 : i32
    %multiple_of3A_20 = tpu.assume_multiple %add3A_19, 8 : i32
    %dma_start3A_21 = tpu.memref_slice %arg2[%multiple_of3A_20] : memref<160000xi32, #tpu.memory_space<hbm>> -> memref<128xi32, #tpu.memory_space<hbm>>
    %dma_start3A_22 = tpu.memref_slice %arg2[%multiple_of3A_20] : memref<160000xi32, #tpu.memory_space<hbm>> -> memref<128xi32, #tpu.memory_space<hbm>>
    tpu.enqueue_dma source(%dma_start3A_22 : memref<128xi32, #tpu.memory_space<hbm>>) target(%arg12 : memref<128xi32, #tpu.memory_space<vmem>>) target_semaphore(%arg21 : memref<!tpu.dma_semaphore, #tpu.memory_space<semaphore_mem>>)
    "tpu.region"() ({
      %run_scoped3A = tpu.sem_alloc : memref<!tpu.dma_semaphore, #tpu.memory_space<semaphore_mem>>
      tpu.enqueue_dma source(%arg4 : memref<128xf32, #tpu.memory_space<hbm>>) target(%arg8 : memref<128xf32, #tpu.memory_space<vmem>>) target_semaphore(%run_scoped3A : memref<!tpu.dma_semaphore, #tpu.memory_space<semaphore_mem>>)
      tpu.wait_dma2 semaphore(%run_scoped3A : memref<!tpu.dma_semaphore, #tpu.memory_space<semaphore_mem>>) src(%arg4 : memref<128xf32, #tpu.memory_space<hbm>>) dst(%arg8 : memref<128xf32, #tpu.memory_space<vmem>>)
      tpu.yield
    }) : () -> ()
    "tpu.region"() ({
      %run_scoped3A = tpu.sem_alloc : memref<!tpu.dma_semaphore, #tpu.memory_space<semaphore_mem>>
      %dma_start3A_45 = tpu.memref_slice %arg7[%mul3A_0] : memref<10240xf32, #tpu.memory_space<vmem_shared>> -> memref<640xf32, #tpu.memory_space<vmem_shared>>
      %dma_start3A_46 = tpu.memref_slice %arg3[%mul3A_0] : memref<10240xf32, #tpu.memory_space<hbm>> -> memref<640xf32, #tpu.memory_space<hbm>>
      tpu.enqueue_dma source(%dma_start3A_46 : memref<640xf32, #tpu.memory_space<hbm>>) target(%dma_start3A_45 : memref<640xf32, #tpu.memory_space<vmem_shared>>) target_semaphore(%run_scoped3A : memref<!tpu.dma_semaphore, #tpu.memory_space<semaphore_mem>>)
      %dma_wait3A_47 = tpu.memref_slice %arg7[%mul3A_0] : memref<10240xf32, #tpu.memory_space<vmem_shared>> -> memref<640xf32, #tpu.memory_space<vmem_shared>>
      %dma_wait3A_48 = tpu.memref_slice %arg3[%mul3A_0] : memref<10240xf32, #tpu.memory_space<hbm>> -> memref<640xf32, #tpu.memory_space<hbm>>
      tpu.wait_dma2 semaphore(%run_scoped3A : memref<!tpu.dma_semaphore, #tpu.memory_space<semaphore_mem>>) src(%dma_wait3A_48 : memref<640xf32, #tpu.memory_space<hbm>>) dst(%dma_wait3A_47 : memref<640xf32, #tpu.memory_space<vmem_shared>>)
      tpu.yield
    }) : () -> ()
    %barrier3A = arith.constant 0 : index
    tpu.barrier barrier_id(%barrier3A)
    %scan3A = arith.constant 0 : i32
    %scan3A_23 = arith.constant 0 : i32
    %scan3A_24 = arith.constant 5 : i32
    %scan3A_25 = arith.addi %scan3A_23, %scan3A_24 : i32
    %scan3A_26 = arith.constant 1 : i32
    scf.for %scan3A_45 = %scan3A_23 to %scan3A_25 step %scan3A_26  : i32 {
      %mul3A_46 = arith.constant 8 : i32
      %mul3A_47 = arith.muli %mul3A_46, %scan3A_45 : i32
      %add3A_48 = arith.constant 0 : i32
      %add3A_49 = arith.addi %mul3A_47, %add3A_48 : i32
      %lt3A = arith.constant 39 : i32
      %lt3A_50 = arith.cmpi slt, %add3A_49, %lt3A : i32
      %convert_element_type3A_51 = arith.extui %lt3A_50 : i1 to i32
      %cond3A_52 = arith.constant 0 : i32
      %cond3A_53 = arith.cmpi ne, %convert_element_type3A_51, %cond3A_52 : i32
      scf.if %cond3A_53 {
        %dma_wait3A_275 = arith.constant 0 : i32
        %dma_wait3A_276 = tpu.memref_slice %arg2[%dma_wait3A_275] : memref<160000xi32, #tpu.memory_space<hbm>> -> memref<128xi32, #tpu.memory_space<hbm>>
        %dma_wait3A_277 = arith.constant 0 : i32
        %dma_wait3A_278 = tpu.memref_slice %arg2[%dma_wait3A_277] : memref<160000xi32, #tpu.memory_space<hbm>> -> memref<128xi32, #tpu.memory_space<hbm>>
        tpu.wait_dma2 semaphore(%arg18 : memref<!tpu.dma_semaphore, #tpu.memory_space<semaphore_mem>>) src(%dma_wait3A_278 : memref<128xi32, #tpu.memory_space<hbm>>) dst(%arg9 : memref<128xi32, #tpu.memory_space<vmem>>)
      } else {
      }
      %ge3A = arith.constant 4 : i32
      %ge3A_54 = arith.cmpi sge, %add3A_49, %ge3A : i32
      %lt3A_55 = arith.constant 39 : i32
      %lt3A_56 = arith.cmpi slt, %add3A_49, %lt3A_55 : i32
      %and3A = arith.andi %ge3A_54, %lt3A_56 : i1
      %convert_element_type3A_57 = arith.extui %and3A : i1 to i32
      %cond3A_58 = arith.constant 0 : i32
      %cond3A_59 = arith.cmpi ne, %convert_element_type3A_57, %cond3A_58 : i32
      scf.if %cond3A_59 {
        %dma_wait3A_275 = arith.constant 0 : i32
        %dma_wait3A_276 = tpu.memref_slice %arg7[%dma_wait3A_275] : memref<10240xf32, #tpu.memory_space<vmem_shared>> -> memref<10240xf32, #tpu.memory_space<vmem_shared>>
        tpu.wait_indirect_dma semaphore(%arg26 : memref<!tpu.dma_semaphore, #tpu.memory_space<semaphore_mem>>) src(%arg8 : memref<128xf32, #tpu.memory_space<vmem>>) dst(%dma_wait3A_276 : memref<10240xf32, #tpu.memory_space<vmem_shared>>)
      } else {
      }
      %lt3A_60 = arith.constant 39 : i32
      %lt3A_61 = arith.cmpi slt, %add3A_49, %lt3A_60 : i32
      %convert_element_type3A_62 = arith.extui %lt3A_61 : i1 to i32
      %cond3A_63 = arith.constant 0 : i32
      %cond3A_64 = arith.cmpi ne, %convert_element_type3A_62, %cond3A_63 : i32
      scf.if %cond3A_64 {
        %dma_start3A_275 = arith.constant 0 : i32
        %dma_start3A_276 = tpu.memref_slice %arg7[%dma_start3A_275] : memref<10240xf32, #tpu.memory_space<vmem_shared>> -> memref<10240xf32, #tpu.memory_space<vmem_shared>>
        tpu.enqueue_indirect_dma source(%arg8 : memref<128xf32, #tpu.memory_space<vmem>>) target(%dma_start3A_276 : memref<10240xf32, #tpu.memory_space<vmem_shared>>) offsets(%arg9 : memref<128xi32, #tpu.memory_space<vmem>>) semaphore(%arg26 : memref<!tpu.dma_semaphore, #tpu.memory_space<semaphore_mem>>) {add = true}
      } else {
      }
      %add3A_65 = arith.constant 4 : i32
      %add3A_66 = arith.addi %add3A_49, %add3A_65 : i32
      %lt3A_67 = arith.constant 39 : i32
      %lt3A_68 = arith.cmpi slt, %add3A_66, %lt3A_67 : i32
      %convert_element_type3A_69 = arith.extui %lt3A_68 : i1 to i32
      %cond3A_70 = arith.constant 0 : i32
      %cond3A_71 = arith.cmpi ne, %convert_element_type3A_69, %cond3A_70 : i32
      scf.if %cond3A_71 {
        %add3A_275 = arith.constant 4 : i32
        %add3A_276 = arith.addi %add3A_49, %add3A_275 : i32
        %mul3A_277 = arith.constant 128 : i32
        %mul3A_278 = arith.muli %add3A_276, %mul3A_277 : i32
        %add3A_279 = arith.addi %add3A, %mul3A_278 : i32
        %multiple_of3A_280 = tpu.assume_multiple %add3A_279, 8 : i32
        %dma_start3A_281 = tpu.memref_slice %arg2[%multiple_of3A_280] : memref<160000xi32, #tpu.memory_space<hbm>> -> memref<128xi32, #tpu.memory_space<hbm>>
        %dma_start3A_282 = tpu.memref_slice %arg2[%multiple_of3A_280] : memref<160000xi32, #tpu.memory_space<hbm>> -> memref<128xi32, #tpu.memory_space<hbm>>
        tpu.enqueue_dma source(%dma_start3A_282 : memref<128xi32, #tpu.memory_space<hbm>>) target(%arg13 : memref<128xi32, #tpu.memory_space<vmem>>) target_semaphore(%arg22 : memref<!tpu.dma_semaphore, #tpu.memory_space<semaphore_mem>>)
      } else {
      }
      %mul3A_72 = arith.constant 8 : i32
      %mul3A_73 = arith.muli %mul3A_72, %scan3A_45 : i32
      %add3A_74 = arith.constant 1 : i32
      %add3A_75 = arith.addi %mul3A_73, %add3A_74 : i32
      %lt3A_76 = arith.constant 39 : i32
      %lt3A_77 = arith.cmpi slt, %add3A_75, %lt3A_76 : i32
      %convert_element_type3A_78 = arith.extui %lt3A_77 : i1 to i32
      %cond3A_79 = arith.constant 0 : i32
      %cond3A_80 = arith.cmpi ne, %convert_element_type3A_78, %cond3A_79 : i32
      scf.if %cond3A_80 {
        %dma_wait3A_275 = arith.constant 0 : i32
        %dma_wait3A_276 = tpu.memref_slice %arg2[%dma_wait3A_275] : memref<160000xi32, #tpu.memory_space<hbm>> -> memref<128xi32, #tpu.memory_space<hbm>>
        %dma_wait3A_277 = arith.constant 0 : i32
        %dma_wait3A_278 = tpu.memref_slice %arg2[%dma_wait3A_277] : memref<160000xi32, #tpu.memory_space<hbm>> -> memref<128xi32, #tpu.memory_space<hbm>>
        tpu.wait_dma2 semaphore(%arg19 : memref<!tpu.dma_semaphore, #tpu.memory_space<semaphore_mem>>) src(%dma_wait3A_278 : memref<128xi32, #tpu.memory_space<hbm>>) dst(%arg10 : memref<128xi32, #tpu.memory_space<vmem>>)
      } else {
      }
      %ge3A_81 = arith.constant 4 : i32
      %ge3A_82 = arith.cmpi sge, %add3A_75, %ge3A_81 : i32
      %lt3A_83 = arith.constant 39 : i32
      %lt3A_84 = arith.cmpi slt, %add3A_75, %lt3A_83 : i32
      %and3A_85 = arith.andi %ge3A_82, %lt3A_84 : i1
      %convert_element_type3A_86 = arith.extui %and3A_85 : i1 to i32
      %cond3A_87 = arith.constant 0 : i32
      %cond3A_88 = arith.cmpi ne, %convert_element_type3A_86, %cond3A_87 : i32
      scf.if %cond3A_88 {
        %dma_wait3A_275 = arith.constant 0 : i32
        %dma_wait3A_276 = tpu.memref_slice %arg7[%dma_wait3A_275] : memref<10240xf32, #tpu.memory_space<vmem_shared>> -> memref<10240xf32, #tpu.memory_space<vmem_shared>>
        tpu.wait_indirect_dma semaphore(%arg27 : memref<!tpu.dma_semaphore, #tpu.memory_space<semaphore_mem>>) src(%arg8 : memref<128xf32, #tpu.memory_space<vmem>>) dst(%dma_wait3A_276 : memref<10240xf32, #tpu.memory_space<vmem_shared>>)
      } else {
      }
      %lt3A_89 = arith.constant 39 : i32
      %lt3A_90 = arith.cmpi slt, %add3A_75, %lt3A_89 : i32
      %convert_element_type3A_91 = arith.extui %lt3A_90 : i1 to i32
      %cond3A_92 = arith.constant 0 : i32
      %cond3A_93 = arith.cmpi ne, %convert_element_type3A_91, %cond3A_92 : i32
      scf.if %cond3A_93 {
        %dma_start3A_275 = arith.constant 0 : i32
        %dma_start3A_276 = tpu.memref_slice %arg7[%dma_start3A_275] : memref<10240xf32, #tpu.memory_space<vmem_shared>> -> memref<10240xf32, #tpu.memory_space<vmem_shared>>
        tpu.enqueue_indirect_dma source(%arg8 : memref<128xf32, #tpu.memory_space<vmem>>) target(%dma_start3A_276 : memref<10240xf32, #tpu.memory_space<vmem_shared>>) offsets(%arg10 : memref<128xi32, #tpu.memory_space<vmem>>) semaphore(%arg27 : memref<!tpu.dma_semaphore, #tpu.memory_space<semaphore_mem>>) {add = true}
      } else {
      }
      %add3A_94 = arith.constant 4 : i32
      %add3A_95 = arith.addi %add3A_75, %add3A_94 : i32
      %lt3A_96 = arith.constant 39 : i32
      %lt3A_97 = arith.cmpi slt, %add3A_95, %lt3A_96 : i32
      %convert_element_type3A_98 = arith.extui %lt3A_97 : i1 to i32
      %cond3A_99 = arith.constant 0 : i32
      %cond3A_100 = arith.cmpi ne, %convert_element_type3A_98, %cond3A_99 : i32
      scf.if %cond3A_100 {
        %add3A_275 = arith.constant 4 : i32
        %add3A_276 = arith.addi %add3A_75, %add3A_275 : i32
        %mul3A_277 = arith.constant 128 : i32
        %mul3A_278 = arith.muli %add3A_276, %mul3A_277 : i32
        %add3A_279 = arith.addi %add3A, %mul3A_278 : i32
        %multiple_of3A_280 = tpu.assume_multiple %add3A_279, 8 : i32
        %dma_start3A_281 = tpu.memref_slice %arg2[%multiple_of3A_280] : memref<160000xi32, #tpu.memory_space<hbm>> -> memref<128xi32, #tpu.memory_space<hbm>>
        %dma_start3A_282 = tpu.memref_slice %arg2[%multiple_of3A_280] : memref<160000xi32, #tpu.memory_space<hbm>> -> memref<128xi32, #tpu.memory_space<hbm>>
        tpu.enqueue_dma source(%dma_start3A_282 : memref<128xi32, #tpu.memory_space<hbm>>) target(%arg14 : memref<128xi32, #tpu.memory_space<vmem>>) target_semaphore(%arg23 : memref<!tpu.dma_semaphore, #tpu.memory_space<semaphore_mem>>)
      } else {
      }
      %mul3A_101 = arith.constant 8 : i32
      %mul3A_102 = arith.muli %mul3A_101, %scan3A_45 : i32
      %add3A_103 = arith.constant 2 : i32
      %add3A_104 = arith.addi %mul3A_102, %add3A_103 : i32
      %lt3A_105 = arith.constant 39 : i32
      %lt3A_106 = arith.cmpi slt, %add3A_104, %lt3A_105 : i32
      %convert_element_type3A_107 = arith.extui %lt3A_106 : i1 to i32
      %cond3A_108 = arith.constant 0 : i32
      %cond3A_109 = arith.cmpi ne, %convert_element_type3A_107, %cond3A_108 : i32
      scf.if %cond3A_109 {
        %dma_wait3A_275 = arith.constant 0 : i32
        %dma_wait3A_276 = tpu.memref_slice %arg2[%dma_wait3A_275] : memref<160000xi32, #tpu.memory_space<hbm>> -> memref<128xi32, #tpu.memory_space<hbm>>
        %dma_wait3A_277 = arith.constant 0 : i32
        %dma_wait3A_278 = tpu.memref_slice %arg2[%dma_wait3A_277] : memref<160000xi32, #tpu.memory_space<hbm>> -> memref<128xi32, #tpu.memory_space<hbm>>
        tpu.wait_dma2 semaphore(%arg20 : memref<!tpu.dma_semaphore, #tpu.memory_space<semaphore_mem>>) src(%dma_wait3A_278 : memref<128xi32, #tpu.memory_space<hbm>>) dst(%arg11 : memref<128xi32, #tpu.memory_space<vmem>>)
      } else {
      }
      %ge3A_110 = arith.constant 4 : i32
      %ge3A_111 = arith.cmpi sge, %add3A_104, %ge3A_110 : i32
      %lt3A_112 = arith.constant 39 : i32
      %lt3A_113 = arith.cmpi slt, %add3A_104, %lt3A_112 : i32
      %and3A_114 = arith.andi %ge3A_111, %lt3A_113 : i1
      %convert_element_type3A_115 = arith.extui %and3A_114 : i1 to i32
      %cond3A_116 = arith.constant 0 : i32
      %cond3A_117 = arith.cmpi ne, %convert_element_type3A_115, %cond3A_116 : i32
      scf.if %cond3A_117 {
        %dma_wait3A_275 = arith.constant 0 : i32
        %dma_wait3A_276 = tpu.memref_slice %arg7[%dma_wait3A_275] : memref<10240xf32, #tpu.memory_space<vmem_shared>> -> memref<10240xf32, #tpu.memory_space<vmem_shared>>
        tpu.wait_indirect_dma semaphore(%arg28 : memref<!tpu.dma_semaphore, #tpu.memory_space<semaphore_mem>>) src(%arg8 : memref<128xf32, #tpu.memory_space<vmem>>) dst(%dma_wait3A_276 : memref<10240xf32, #tpu.memory_space<vmem_shared>>)
      } else {
      }
      %lt3A_118 = arith.constant 39 : i32
      %lt3A_119 = arith.cmpi slt, %add3A_104, %lt3A_118 : i32
      %convert_element_type3A_120 = arith.extui %lt3A_119 : i1 to i32
      %cond3A_121 = arith.constant 0 : i32
      %cond3A_122 = arith.cmpi ne, %convert_element_type3A_120, %cond3A_121 : i32
      scf.if %cond3A_122 {
        %dma_start3A_275 = arith.constant 0 : i32
        %dma_start3A_276 = tpu.memref_slice %arg7[%dma_start3A_275] : memref<10240xf32, #tpu.memory_space<vmem_shared>> -> memref<10240xf32, #tpu.memory_space<vmem_shared>>
        tpu.enqueue_indirect_dma source(%arg8 : memref<128xf32, #tpu.memory_space<vmem>>) target(%dma_start3A_276 : memref<10240xf32, #tpu.memory_space<vmem_shared>>) offsets(%arg11 : memref<128xi32, #tpu.memory_space<vmem>>) semaphore(%arg28 : memref<!tpu.dma_semaphore, #tpu.memory_space<semaphore_mem>>) {add = true}
      } else {
      }
      %add3A_123 = arith.constant 4 : i32
      %add3A_124 = arith.addi %add3A_104, %add3A_123 : i32
      %lt3A_125 = arith.constant 39 : i32
      %lt3A_126 = arith.cmpi slt, %add3A_124, %lt3A_125 : i32
      %convert_element_type3A_127 = arith.extui %lt3A_126 : i1 to i32
      %cond3A_128 = arith.constant 0 : i32
      %cond3A_129 = arith.cmpi ne, %convert_element_type3A_127, %cond3A_128 : i32
      scf.if %cond3A_129 {
        %add3A_275 = arith.constant 4 : i32
        %add3A_276 = arith.addi %add3A_104, %add3A_275 : i32
        %mul3A_277 = arith.constant 128 : i32
        %mul3A_278 = arith.muli %add3A_276, %mul3A_277 : i32
        %add3A_279 = arith.addi %add3A, %mul3A_278 : i32
        %multiple_of3A_280 = tpu.assume_multiple %add3A_279, 8 : i32
        %dma_start3A_281 = tpu.memref_slice %arg2[%multiple_of3A_280] : memref<160000xi32, #tpu.memory_space<hbm>> -> memref<128xi32, #tpu.memory_space<hbm>>
        %dma_start3A_282 = tpu.memref_slice %arg2[%multiple_of3A_280] : memref<160000xi32, #tpu.memory_space<hbm>> -> memref<128xi32, #tpu.memory_space<hbm>>
        tpu.enqueue_dma source(%dma_start3A_282 : memref<128xi32, #tpu.memory_space<hbm>>) target(%arg15 : memref<128xi32, #tpu.memory_space<vmem>>) target_semaphore(%arg24 : memref<!tpu.dma_semaphore, #tpu.memory_space<semaphore_mem>>)
      } else {
      }
      %mul3A_130 = arith.constant 8 : i32
      %mul3A_131 = arith.muli %mul3A_130, %scan3A_45 : i32
      %add3A_132 = arith.constant 3 : i32
      %add3A_133 = arith.addi %mul3A_131, %add3A_132 : i32
      %lt3A_134 = arith.constant 39 : i32
      %lt3A_135 = arith.cmpi slt, %add3A_133, %lt3A_134 : i32
      %convert_element_type3A_136 = arith.extui %lt3A_135 : i1 to i32
      %cond3A_137 = arith.constant 0 : i32
      %cond3A_138 = arith.cmpi ne, %convert_element_type3A_136, %cond3A_137 : i32
      scf.if %cond3A_138 {
        %dma_wait3A_275 = arith.constant 0 : i32
        %dma_wait3A_276 = tpu.memref_slice %arg2[%dma_wait3A_275] : memref<160000xi32, #tpu.memory_space<hbm>> -> memref<128xi32, #tpu.memory_space<hbm>>
        %dma_wait3A_277 = arith.constant 0 : i32
        %dma_wait3A_278 = tpu.memref_slice %arg2[%dma_wait3A_277] : memref<160000xi32, #tpu.memory_space<hbm>> -> memref<128xi32, #tpu.memory_space<hbm>>
        tpu.wait_dma2 semaphore(%arg21 : memref<!tpu.dma_semaphore, #tpu.memory_space<semaphore_mem>>) src(%dma_wait3A_278 : memref<128xi32, #tpu.memory_space<hbm>>) dst(%arg12 : memref<128xi32, #tpu.memory_space<vmem>>)
      } else {
      }
      %ge3A_139 = arith.constant 4 : i32
      %ge3A_140 = arith.cmpi sge, %add3A_133, %ge3A_139 : i32
      %lt3A_141 = arith.constant 39 : i32
      %lt3A_142 = arith.cmpi slt, %add3A_133, %lt3A_141 : i32
      %and3A_143 = arith.andi %ge3A_140, %lt3A_142 : i1
      %convert_element_type3A_144 = arith.extui %and3A_143 : i1 to i32
      %cond3A_145 = arith.constant 0 : i32
      %cond3A_146 = arith.cmpi ne, %convert_element_type3A_144, %cond3A_145 : i32
      scf.if %cond3A_146 {
        %dma_wait3A_275 = arith.constant 0 : i32
        %dma_wait3A_276 = tpu.memref_slice %arg7[%dma_wait3A_275] : memref<10240xf32, #tpu.memory_space<vmem_shared>> -> memref<10240xf32, #tpu.memory_space<vmem_shared>>
        tpu.wait_indirect_dma semaphore(%arg29 : memref<!tpu.dma_semaphore, #tpu.memory_space<semaphore_mem>>) src(%arg8 : memref<128xf32, #tpu.memory_space<vmem>>) dst(%dma_wait3A_276 : memref<10240xf32, #tpu.memory_space<vmem_shared>>)
      } else {
      }
      %lt3A_147 = arith.constant 39 : i32
      %lt3A_148 = arith.cmpi slt, %add3A_133, %lt3A_147 : i32
      %convert_element_type3A_149 = arith.extui %lt3A_148 : i1 to i32
      %cond3A_150 = arith.constant 0 : i32
      %cond3A_151 = arith.cmpi ne, %convert_element_type3A_149, %cond3A_150 : i32
      scf.if %cond3A_151 {
        %dma_start3A_275 = arith.constant 0 : i32
        %dma_start3A_276 = tpu.memref_slice %arg7[%dma_start3A_275] : memref<10240xf32, #tpu.memory_space<vmem_shared>> -> memref<10240xf32, #tpu.memory_space<vmem_shared>>
        tpu.enqueue_indirect_dma source(%arg8 : memref<128xf32, #tpu.memory_space<vmem>>) target(%dma_start3A_276 : memref<10240xf32, #tpu.memory_space<vmem_shared>>) offsets(%arg12 : memref<128xi32, #tpu.memory_space<vmem>>) semaphore(%arg29 : memref<!tpu.dma_semaphore, #tpu.memory_space<semaphore_mem>>) {add = true}
      } else {
      }
      %add3A_152 = arith.constant 4 : i32
      %add3A_153 = arith.addi %add3A_133, %add3A_152 : i32
      %lt3A_154 = arith.constant 39 : i32
      %lt3A_155 = arith.cmpi slt, %add3A_153, %lt3A_154 : i32
      %convert_element_type3A_156 = arith.extui %lt3A_155 : i1 to i32
      %cond3A_157 = arith.constant 0 : i32
      %cond3A_158 = arith.cmpi ne, %convert_element_type3A_156, %cond3A_157 : i32
      scf.if %cond3A_158 {
        %add3A_275 = arith.constant 4 : i32
        %add3A_276 = arith.addi %add3A_133, %add3A_275 : i32
        %mul3A_277 = arith.constant 128 : i32
        %mul3A_278 = arith.muli %add3A_276, %mul3A_277 : i32
        %add3A_279 = arith.addi %add3A, %mul3A_278 : i32
        %multiple_of3A_280 = tpu.assume_multiple %add3A_279, 8 : i32
        %dma_start3A_281 = tpu.memref_slice %arg2[%multiple_of3A_280] : memref<160000xi32, #tpu.memory_space<hbm>> -> memref<128xi32, #tpu.memory_space<hbm>>
        %dma_start3A_282 = tpu.memref_slice %arg2[%multiple_of3A_280] : memref<160000xi32, #tpu.memory_space<hbm>> -> memref<128xi32, #tpu.memory_space<hbm>>
        tpu.enqueue_dma source(%dma_start3A_282 : memref<128xi32, #tpu.memory_space<hbm>>) target(%arg16 : memref<128xi32, #tpu.memory_space<vmem>>) target_semaphore(%arg25 : memref<!tpu.dma_semaphore, #tpu.memory_space<semaphore_mem>>)
      } else {
      }
      %mul3A_159 = arith.constant 8 : i32
      %mul3A_160 = arith.muli %mul3A_159, %scan3A_45 : i32
      %add3A_161 = arith.constant 4 : i32
      %add3A_162 = arith.addi %mul3A_160, %add3A_161 : i32
      %lt3A_163 = arith.constant 39 : i32
      %lt3A_164 = arith.cmpi slt, %add3A_162, %lt3A_163 : i32
      %convert_element_type3A_165 = arith.extui %lt3A_164 : i1 to i32
      %cond3A_166 = arith.constant 0 : i32
      %cond3A_167 = arith.cmpi ne, %convert_element_type3A_165, %cond3A_166 : i32
      scf.if %cond3A_167 {
        %dma_wait3A_275 = arith.constant 0 : i32
        %dma_wait3A_276 = tpu.memref_slice %arg2[%dma_wait3A_275] : memref<160000xi32, #tpu.memory_space<hbm>> -> memref<128xi32, #tpu.memory_space<hbm>>
        %dma_wait3A_277 = arith.constant 0 : i32
        %dma_wait3A_278 = tpu.memref_slice %arg2[%dma_wait3A_277] : memref<160000xi32, #tpu.memory_space<hbm>> -> memref<128xi32, #tpu.memory_space<hbm>>
        tpu.wait_dma2 semaphore(%arg22 : memref<!tpu.dma_semaphore, #tpu.memory_space<semaphore_mem>>) src(%dma_wait3A_278 : memref<128xi32, #tpu.memory_space<hbm>>) dst(%arg13 : memref<128xi32, #tpu.memory_space<vmem>>)
      } else {
      }
      %ge3A_168 = arith.constant 4 : i32
      %ge3A_169 = arith.cmpi sge, %add3A_162, %ge3A_168 : i32
      %lt3A_170 = arith.constant 39 : i32
      %lt3A_171 = arith.cmpi slt, %add3A_162, %lt3A_170 : i32
      %and3A_172 = arith.andi %ge3A_169, %lt3A_171 : i1
      %convert_element_type3A_173 = arith.extui %and3A_172 : i1 to i32
      %cond3A_174 = arith.constant 0 : i32
      %cond3A_175 = arith.cmpi ne, %convert_element_type3A_173, %cond3A_174 : i32
      scf.if %cond3A_175 {
        %dma_wait3A_275 = arith.constant 0 : i32
        %dma_wait3A_276 = tpu.memref_slice %arg7[%dma_wait3A_275] : memref<10240xf32, #tpu.memory_space<vmem_shared>> -> memref<10240xf32, #tpu.memory_space<vmem_shared>>
        tpu.wait_indirect_dma semaphore(%arg26 : memref<!tpu.dma_semaphore, #tpu.memory_space<semaphore_mem>>) src(%arg8 : memref<128xf32, #tpu.memory_space<vmem>>) dst(%dma_wait3A_276 : memref<10240xf32, #tpu.memory_space<vmem_shared>>)
      } else {
      }
      %lt3A_176 = arith.constant 39 : i32
      %lt3A_177 = arith.cmpi slt, %add3A_162, %lt3A_176 : i32
      %convert_element_type3A_178 = arith.extui %lt3A_177 : i1 to i32
      %cond3A_179 = arith.constant 0 : i32
      %cond3A_180 = arith.cmpi ne, %convert_element_type3A_178, %cond3A_179 : i32
      scf.if %cond3A_180 {
        %dma_start3A_275 = arith.constant 0 : i32
        %dma_start3A_276 = tpu.memref_slice %arg7[%dma_start3A_275] : memref<10240xf32, #tpu.memory_space<vmem_shared>> -> memref<10240xf32, #tpu.memory_space<vmem_shared>>
        tpu.enqueue_indirect_dma source(%arg8 : memref<128xf32, #tpu.memory_space<vmem>>) target(%dma_start3A_276 : memref<10240xf32, #tpu.memory_space<vmem_shared>>) offsets(%arg13 : memref<128xi32, #tpu.memory_space<vmem>>) semaphore(%arg26 : memref<!tpu.dma_semaphore, #tpu.memory_space<semaphore_mem>>) {add = true}
      } else {
      }
      %add3A_181 = arith.constant 4 : i32
      %add3A_182 = arith.addi %add3A_162, %add3A_181 : i32
      %lt3A_183 = arith.constant 39 : i32
      %lt3A_184 = arith.cmpi slt, %add3A_182, %lt3A_183 : i32
      %convert_element_type3A_185 = arith.extui %lt3A_184 : i1 to i32
      %cond3A_186 = arith.constant 0 : i32
      %cond3A_187 = arith.cmpi ne, %convert_element_type3A_185, %cond3A_186 : i32
      scf.if %cond3A_187 {
        %add3A_275 = arith.constant 4 : i32
        %add3A_276 = arith.addi %add3A_162, %add3A_275 : i32
        %mul3A_277 = arith.constant 128 : i32
        %mul3A_278 = arith.muli %add3A_276, %mul3A_277 : i32
        %add3A_279 = arith.addi %add3A, %mul3A_278 : i32
        %multiple_of3A_280 = tpu.assume_multiple %add3A_279, 8 : i32
        %dma_start3A_281 = tpu.memref_slice %arg2[%multiple_of3A_280] : memref<160000xi32, #tpu.memory_space<hbm>> -> memref<128xi32, #tpu.memory_space<hbm>>
        %dma_start3A_282 = tpu.memref_slice %arg2[%multiple_of3A_280] : memref<160000xi32, #tpu.memory_space<hbm>> -> memref<128xi32, #tpu.memory_space<hbm>>
        tpu.enqueue_dma source(%dma_start3A_282 : memref<128xi32, #tpu.memory_space<hbm>>) target(%arg9 : memref<128xi32, #tpu.memory_space<vmem>>) target_semaphore(%arg18 : memref<!tpu.dma_semaphore, #tpu.memory_space<semaphore_mem>>)
      } else {
      }
      %mul3A_188 = arith.constant 8 : i32
      %mul3A_189 = arith.muli %mul3A_188, %scan3A_45 : i32
      %add3A_190 = arith.constant 5 : i32
      %add3A_191 = arith.addi %mul3A_189, %add3A_190 : i32
      %lt3A_192 = arith.constant 39 : i32
      %lt3A_193 = arith.cmpi slt, %add3A_191, %lt3A_192 : i32
      %convert_element_type3A_194 = arith.extui %lt3A_193 : i1 to i32
      %cond3A_195 = arith.constant 0 : i32
      %cond3A_196 = arith.cmpi ne, %convert_element_type3A_194, %cond3A_195 : i32
      scf.if %cond3A_196 {
        %dma_wait3A_275 = arith.constant 0 : i32
        %dma_wait3A_276 = tpu.memref_slice %arg2[%dma_wait3A_275] : memref<160000xi32, #tpu.memory_space<hbm>> -> memref<128xi32, #tpu.memory_space<hbm>>
        %dma_wait3A_277 = arith.constant 0 : i32
        %dma_wait3A_278 = tpu.memref_slice %arg2[%dma_wait3A_277] : memref<160000xi32, #tpu.memory_space<hbm>> -> memref<128xi32, #tpu.memory_space<hbm>>
        tpu.wait_dma2 semaphore(%arg23 : memref<!tpu.dma_semaphore, #tpu.memory_space<semaphore_mem>>) src(%dma_wait3A_278 : memref<128xi32, #tpu.memory_space<hbm>>) dst(%arg14 : memref<128xi32, #tpu.memory_space<vmem>>)
      } else {
      }
      %ge3A_197 = arith.constant 4 : i32
      %ge3A_198 = arith.cmpi sge, %add3A_191, %ge3A_197 : i32
      %lt3A_199 = arith.constant 39 : i32
      %lt3A_200 = arith.cmpi slt, %add3A_191, %lt3A_199 : i32
      %and3A_201 = arith.andi %ge3A_198, %lt3A_200 : i1
      %convert_element_type3A_202 = arith.extui %and3A_201 : i1 to i32
      %cond3A_203 = arith.constant 0 : i32
      %cond3A_204 = arith.cmpi ne, %convert_element_type3A_202, %cond3A_203 : i32
      scf.if %cond3A_204 {
        %dma_wait3A_275 = arith.constant 0 : i32
        %dma_wait3A_276 = tpu.memref_slice %arg7[%dma_wait3A_275] : memref<10240xf32, #tpu.memory_space<vmem_shared>> -> memref<10240xf32, #tpu.memory_space<vmem_shared>>
        tpu.wait_indirect_dma semaphore(%arg27 : memref<!tpu.dma_semaphore, #tpu.memory_space<semaphore_mem>>) src(%arg8 : memref<128xf32, #tpu.memory_space<vmem>>) dst(%dma_wait3A_276 : memref<10240xf32, #tpu.memory_space<vmem_shared>>)
      } else {
      }
      %lt3A_205 = arith.constant 39 : i32
      %lt3A_206 = arith.cmpi slt, %add3A_191, %lt3A_205 : i32
      %convert_element_type3A_207 = arith.extui %lt3A_206 : i1 to i32
      %cond3A_208 = arith.constant 0 : i32
      %cond3A_209 = arith.cmpi ne, %convert_element_type3A_207, %cond3A_208 : i32
      scf.if %cond3A_209 {
        %dma_start3A_275 = arith.constant 0 : i32
        %dma_start3A_276 = tpu.memref_slice %arg7[%dma_start3A_275] : memref<10240xf32, #tpu.memory_space<vmem_shared>> -> memref<10240xf32, #tpu.memory_space<vmem_shared>>
        tpu.enqueue_indirect_dma source(%arg8 : memref<128xf32, #tpu.memory_space<vmem>>) target(%dma_start3A_276 : memref<10240xf32, #tpu.memory_space<vmem_shared>>) offsets(%arg14 : memref<128xi32, #tpu.memory_space<vmem>>) semaphore(%arg27 : memref<!tpu.dma_semaphore, #tpu.memory_space<semaphore_mem>>) {add = true}
      } else {
      }
      %add3A_210 = arith.constant 4 : i32
      %add3A_211 = arith.addi %add3A_191, %add3A_210 : i32
      %lt3A_212 = arith.constant 39 : i32
      %lt3A_213 = arith.cmpi slt, %add3A_211, %lt3A_212 : i32
      %convert_element_type3A_214 = arith.extui %lt3A_213 : i1 to i32
      %cond3A_215 = arith.constant 0 : i32
      %cond3A_216 = arith.cmpi ne, %convert_element_type3A_214, %cond3A_215 : i32
      scf.if %cond3A_216 {
        %add3A_275 = arith.constant 4 : i32
        %add3A_276 = arith.addi %add3A_191, %add3A_275 : i32
        %mul3A_277 = arith.constant 128 : i32
        %mul3A_278 = arith.muli %add3A_276, %mul3A_277 : i32
        %add3A_279 = arith.addi %add3A, %mul3A_278 : i32
        %multiple_of3A_280 = tpu.assume_multiple %add3A_279, 8 : i32
        %dma_start3A_281 = tpu.memref_slice %arg2[%multiple_of3A_280] : memref<160000xi32, #tpu.memory_space<hbm>> -> memref<128xi32, #tpu.memory_space<hbm>>
        %dma_start3A_282 = tpu.memref_slice %arg2[%multiple_of3A_280] : memref<160000xi32, #tpu.memory_space<hbm>> -> memref<128xi32, #tpu.memory_space<hbm>>
        tpu.enqueue_dma source(%dma_start3A_282 : memref<128xi32, #tpu.memory_space<hbm>>) target(%arg10 : memref<128xi32, #tpu.memory_space<vmem>>) target_semaphore(%arg19 : memref<!tpu.dma_semaphore, #tpu.memory_space<semaphore_mem>>)
      } else {
      }
      %mul3A_217 = arith.constant 8 : i32
      %mul3A_218 = arith.muli %mul3A_217, %scan3A_45 : i32
      %add3A_219 = arith.constant 6 : i32
      %add3A_220 = arith.addi %mul3A_218, %add3A_219 : i32
      %lt3A_221 = arith.constant 39 : i32
      %lt3A_222 = arith.cmpi slt, %add3A_220, %lt3A_221 : i32
      %convert_element_type3A_223 = arith.extui %lt3A_222 : i1 to i32
      %cond3A_224 = arith.constant 0 : i32
      %cond3A_225 = arith.cmpi ne, %convert_element_type3A_223, %cond3A_224 : i32
      scf.if %cond3A_225 {
        %dma_wait3A_275 = arith.constant 0 : i32
        %dma_wait3A_276 = tpu.memref_slice %arg2[%dma_wait3A_275] : memref<160000xi32, #tpu.memory_space<hbm>> -> memref<128xi32, #tpu.memory_space<hbm>>
        %dma_wait3A_277 = arith.constant 0 : i32
        %dma_wait3A_278 = tpu.memref_slice %arg2[%dma_wait3A_277] : memref<160000xi32, #tpu.memory_space<hbm>> -> memref<128xi32, #tpu.memory_space<hbm>>
        tpu.wait_dma2 semaphore(%arg24 : memref<!tpu.dma_semaphore, #tpu.memory_space<semaphore_mem>>) src(%dma_wait3A_278 : memref<128xi32, #tpu.memory_space<hbm>>) dst(%arg15 : memref<128xi32, #tpu.memory_space<vmem>>)
      } else {
      }
      %ge3A_226 = arith.constant 4 : i32
      %ge3A_227 = arith.cmpi sge, %add3A_220, %ge3A_226 : i32
      %lt3A_228 = arith.constant 39 : i32
      %lt3A_229 = arith.cmpi slt, %add3A_220, %lt3A_228 : i32
      %and3A_230 = arith.andi %ge3A_227, %lt3A_229 : i1
      %convert_element_type3A_231 = arith.extui %and3A_230 : i1 to i32
      %cond3A_232 = arith.constant 0 : i32
      %cond3A_233 = arith.cmpi ne, %convert_element_type3A_231, %cond3A_232 : i32
      scf.if %cond3A_233 {
        %dma_wait3A_275 = arith.constant 0 : i32
        %dma_wait3A_276 = tpu.memref_slice %arg7[%dma_wait3A_275] : memref<10240xf32, #tpu.memory_space<vmem_shared>> -> memref<10240xf32, #tpu.memory_space<vmem_shared>>
        tpu.wait_indirect_dma semaphore(%arg28 : memref<!tpu.dma_semaphore, #tpu.memory_space<semaphore_mem>>) src(%arg8 : memref<128xf32, #tpu.memory_space<vmem>>) dst(%dma_wait3A_276 : memref<10240xf32, #tpu.memory_space<vmem_shared>>)
      } else {
      }
      %lt3A_234 = arith.constant 39 : i32
      %lt3A_235 = arith.cmpi slt, %add3A_220, %lt3A_234 : i32
      %convert_element_type3A_236 = arith.extui %lt3A_235 : i1 to i32
      %cond3A_237 = arith.constant 0 : i32
      %cond3A_238 = arith.cmpi ne, %convert_element_type3A_236, %cond3A_237 : i32
      scf.if %cond3A_238 {
        %dma_start3A_275 = arith.constant 0 : i32
        %dma_start3A_276 = tpu.memref_slice %arg7[%dma_start3A_275] : memref<10240xf32, #tpu.memory_space<vmem_shared>> -> memref<10240xf32, #tpu.memory_space<vmem_shared>>
        tpu.enqueue_indirect_dma source(%arg8 : memref<128xf32, #tpu.memory_space<vmem>>) target(%dma_start3A_276 : memref<10240xf32, #tpu.memory_space<vmem_shared>>) offsets(%arg15 : memref<128xi32, #tpu.memory_space<vmem>>) semaphore(%arg28 : memref<!tpu.dma_semaphore, #tpu.memory_space<semaphore_mem>>) {add = true}
      } else {
      }
      %add3A_239 = arith.constant 4 : i32
      %add3A_240 = arith.addi %add3A_220, %add3A_239 : i32
      %lt3A_241 = arith.constant 39 : i32
      %lt3A_242 = arith.cmpi slt, %add3A_240, %lt3A_241 : i32
      %convert_element_type3A_243 = arith.extui %lt3A_242 : i1 to i32
      %cond3A_244 = arith.constant 0 : i32
      %cond3A_245 = arith.cmpi ne, %convert_element_type3A_243, %cond3A_244 : i32
      scf.if %cond3A_245 {
        %add3A_275 = arith.constant 4 : i32
        %add3A_276 = arith.addi %add3A_220, %add3A_275 : i32
        %mul3A_277 = arith.constant 128 : i32
        %mul3A_278 = arith.muli %add3A_276, %mul3A_277 : i32
        %add3A_279 = arith.addi %add3A, %mul3A_278 : i32
        %multiple_of3A_280 = tpu.assume_multiple %add3A_279, 8 : i32
        %dma_start3A_281 = tpu.memref_slice %arg2[%multiple_of3A_280] : memref<160000xi32, #tpu.memory_space<hbm>> -> memref<128xi32, #tpu.memory_space<hbm>>
        %dma_start3A_282 = tpu.memref_slice %arg2[%multiple_of3A_280] : memref<160000xi32, #tpu.memory_space<hbm>> -> memref<128xi32, #tpu.memory_space<hbm>>
        tpu.enqueue_dma source(%dma_start3A_282 : memref<128xi32, #tpu.memory_space<hbm>>) target(%arg11 : memref<128xi32, #tpu.memory_space<vmem>>) target_semaphore(%arg20 : memref<!tpu.dma_semaphore, #tpu.memory_space<semaphore_mem>>)
      } else {
      }
      %mul3A_246 = arith.constant 8 : i32
      %mul3A_247 = arith.muli %mul3A_246, %scan3A_45 : i32
      %add3A_248 = arith.constant 7 : i32
      %add3A_249 = arith.addi %mul3A_247, %add3A_248 : i32
      %lt3A_250 = arith.constant 39 : i32
      %lt3A_251 = arith.cmpi slt, %add3A_249, %lt3A_250 : i32
      %convert_element_type3A_252 = arith.extui %lt3A_251 : i1 to i32
      %cond3A_253 = arith.constant 0 : i32
      %cond3A_254 = arith.cmpi ne, %convert_element_type3A_252, %cond3A_253 : i32
      scf.if %cond3A_254 {
        %dma_wait3A_275 = arith.constant 0 : i32
        %dma_wait3A_276 = tpu.memref_slice %arg2[%dma_wait3A_275] : memref<160000xi32, #tpu.memory_space<hbm>> -> memref<128xi32, #tpu.memory_space<hbm>>
        %dma_wait3A_277 = arith.constant 0 : i32
        %dma_wait3A_278 = tpu.memref_slice %arg2[%dma_wait3A_277] : memref<160000xi32, #tpu.memory_space<hbm>> -> memref<128xi32, #tpu.memory_space<hbm>>
        tpu.wait_dma2 semaphore(%arg25 : memref<!tpu.dma_semaphore, #tpu.memory_space<semaphore_mem>>) src(%dma_wait3A_278 : memref<128xi32, #tpu.memory_space<hbm>>) dst(%arg16 : memref<128xi32, #tpu.memory_space<vmem>>)
      } else {
      }
      %ge3A_255 = arith.constant 4 : i32
      %ge3A_256 = arith.cmpi sge, %add3A_249, %ge3A_255 : i32
      %lt3A_257 = arith.constant 39 : i32
      %lt3A_258 = arith.cmpi slt, %add3A_249, %lt3A_257 : i32
      %and3A_259 = arith.andi %ge3A_256, %lt3A_258 : i1
      %convert_element_type3A_260 = arith.extui %and3A_259 : i1 to i32
      %cond3A_261 = arith.constant 0 : i32
      %cond3A_262 = arith.cmpi ne, %convert_element_type3A_260, %cond3A_261 : i32
      scf.if %cond3A_262 {
        %dma_wait3A_275 = arith.constant 0 : i32
        %dma_wait3A_276 = tpu.memref_slice %arg7[%dma_wait3A_275] : memref<10240xf32, #tpu.memory_space<vmem_shared>> -> memref<10240xf32, #tpu.memory_space<vmem_shared>>
        tpu.wait_indirect_dma semaphore(%arg29 : memref<!tpu.dma_semaphore, #tpu.memory_space<semaphore_mem>>) src(%arg8 : memref<128xf32, #tpu.memory_space<vmem>>) dst(%dma_wait3A_276 : memref<10240xf32, #tpu.memory_space<vmem_shared>>)
      } else {
      }
      %lt3A_263 = arith.constant 39 : i32
      %lt3A_264 = arith.cmpi slt, %add3A_249, %lt3A_263 : i32
      %convert_element_type3A_265 = arith.extui %lt3A_264 : i1 to i32
      %cond3A_266 = arith.constant 0 : i32
      %cond3A_267 = arith.cmpi ne, %convert_element_type3A_265, %cond3A_266 : i32
      scf.if %cond3A_267 {
        %dma_start3A_275 = arith.constant 0 : i32
        %dma_start3A_276 = tpu.memref_slice %arg7[%dma_start3A_275] : memref<10240xf32, #tpu.memory_space<vmem_shared>> -> memref<10240xf32, #tpu.memory_space<vmem_shared>>
        tpu.enqueue_indirect_dma source(%arg8 : memref<128xf32, #tpu.memory_space<vmem>>) target(%dma_start3A_276 : memref<10240xf32, #tpu.memory_space<vmem_shared>>) offsets(%arg16 : memref<128xi32, #tpu.memory_space<vmem>>) semaphore(%arg29 : memref<!tpu.dma_semaphore, #tpu.memory_space<semaphore_mem>>) {add = true}
      } else {
      }
      %add3A_268 = arith.constant 4 : i32
      %add3A_269 = arith.addi %add3A_249, %add3A_268 : i32
      %lt3A_270 = arith.constant 39 : i32
      %lt3A_271 = arith.cmpi slt, %add3A_269, %lt3A_270 : i32
      %convert_element_type3A_272 = arith.extui %lt3A_271 : i1 to i32
      %cond3A_273 = arith.constant 0 : i32
      %cond3A_274 = arith.cmpi ne, %convert_element_type3A_272, %cond3A_273 : i32
      scf.if %cond3A_274 {
        %add3A_275 = arith.constant 4 : i32
        %add3A_276 = arith.addi %add3A_249, %add3A_275 : i32
        %mul3A_277 = arith.constant 128 : i32
        %mul3A_278 = arith.muli %add3A_276, %mul3A_277 : i32
        %add3A_279 = arith.addi %add3A, %mul3A_278 : i32
        %multiple_of3A_280 = tpu.assume_multiple %add3A_279, 8 : i32
        %dma_start3A_281 = tpu.memref_slice %arg2[%multiple_of3A_280] : memref<160000xi32, #tpu.memory_space<hbm>> -> memref<128xi32, #tpu.memory_space<hbm>>
        %dma_start3A_282 = tpu.memref_slice %arg2[%multiple_of3A_280] : memref<160000xi32, #tpu.memory_space<hbm>> -> memref<128xi32, #tpu.memory_space<hbm>>
        tpu.enqueue_dma source(%dma_start3A_282 : memref<128xi32, #tpu.memory_space<hbm>>) target(%arg12 : memref<128xi32, #tpu.memory_space<vmem>>) target_semaphore(%arg21 : memref<!tpu.dma_semaphore, #tpu.memory_space<semaphore_mem>>)
      } else {
      }
    }
    %scan3A_27 = arith.constant 5 : i32
    %dma_wait3A = arith.constant 0 : i32
    %dma_wait3A_28 = tpu.memref_slice %arg7[%dma_wait3A] : memref<10240xf32, #tpu.memory_space<vmem_shared>> -> memref<10240xf32, #tpu.memory_space<vmem_shared>>
    tpu.wait_indirect_dma semaphore(%arg26 : memref<!tpu.dma_semaphore, #tpu.memory_space<semaphore_mem>>) src(%arg8 : memref<128xf32, #tpu.memory_space<vmem>>) dst(%dma_wait3A_28 : memref<10240xf32, #tpu.memory_space<vmem_shared>>)
    %dma_wait3A_29 = arith.constant 0 : i32
    %dma_wait3A_30 = tpu.memref_slice %arg7[%dma_wait3A_29] : memref<10240xf32, #tpu.memory_space<vmem_shared>> -> memref<10240xf32, #tpu.memory_space<vmem_shared>>
    tpu.wait_indirect_dma semaphore(%arg27 : memref<!tpu.dma_semaphore, #tpu.memory_space<semaphore_mem>>) src(%arg8 : memref<128xf32, #tpu.memory_space<vmem>>) dst(%dma_wait3A_30 : memref<10240xf32, #tpu.memory_space<vmem_shared>>)
    %dma_wait3A_31 = arith.constant 0 : i32
    %dma_wait3A_32 = tpu.memref_slice %arg7[%dma_wait3A_31] : memref<10240xf32, #tpu.memory_space<vmem_shared>> -> memref<10240xf32, #tpu.memory_space<vmem_shared>>
    tpu.wait_indirect_dma semaphore(%arg28 : memref<!tpu.dma_semaphore, #tpu.memory_space<semaphore_mem>>) src(%arg8 : memref<128xf32, #tpu.memory_space<vmem>>) dst(%dma_wait3A_32 : memref<10240xf32, #tpu.memory_space<vmem_shared>>)
    %dma_wait3A_33 = arith.constant 0 : i32
    %dma_wait3A_34 = tpu.memref_slice %arg7[%dma_wait3A_33] : memref<10240xf32, #tpu.memory_space<vmem_shared>> -> memref<10240xf32, #tpu.memory_space<vmem_shared>>
    tpu.wait_indirect_dma semaphore(%arg29 : memref<!tpu.dma_semaphore, #tpu.memory_space<semaphore_mem>>) src(%arg8 : memref<128xf32, #tpu.memory_space<vmem>>) dst(%dma_wait3A_34 : memref<10240xf32, #tpu.memory_space<vmem_shared>>)
    %add3A_35 = arith.constant 4992 : i32
    %add3A_36 = arith.addi %add3A, %add3A_35 : i32
    "tpu.region"() ({
      %run_scoped3A = tpu.sem_alloc : memref<!tpu.dma_semaphore, #tpu.memory_space<semaphore_mem>>
      %dma_start3A_45 = tpu.memref_slice %arg2[%add3A_36] : memref<160000xi32, #tpu.memory_space<hbm>> -> memref<8xi32, #tpu.memory_space<hbm>>
      %dma_start3A_46 = tpu.memref_slice %arg2[%add3A_36] : memref<160000xi32, #tpu.memory_space<hbm>> -> memref<8xi32, #tpu.memory_space<hbm>>
      tpu.enqueue_dma source(%dma_start3A_46 : memref<8xi32, #tpu.memory_space<hbm>>) target(%arg17 : memref<8xi32, #tpu.memory_space<vmem>>) target_semaphore(%run_scoped3A : memref<!tpu.dma_semaphore, #tpu.memory_space<semaphore_mem>>)
      %dma_wait3A_47 = tpu.memref_slice %arg2[%add3A_36] : memref<160000xi32, #tpu.memory_space<hbm>> -> memref<8xi32, #tpu.memory_space<hbm>>
      %dma_wait3A_48 = tpu.memref_slice %arg2[%add3A_36] : memref<160000xi32, #tpu.memory_space<hbm>> -> memref<8xi32, #tpu.memory_space<hbm>>
      tpu.wait_dma2 semaphore(%run_scoped3A : memref<!tpu.dma_semaphore, #tpu.memory_space<semaphore_mem>>) src(%dma_wait3A_48 : memref<8xi32, #tpu.memory_space<hbm>>) dst(%arg17 : memref<8xi32, #tpu.memory_space<vmem>>)
      tpu.yield
    }) : () -> ()
    "tpu.region"() ({
      %run_scoped3A = tpu.sem_alloc : memref<!tpu.dma_semaphore, #tpu.memory_space<semaphore_mem>>
      %dma_start3A_45 = arith.constant 0 : i32
      %dma_start3A_46 = tpu.memref_slice %arg8[%dma_start3A_45] : memref<128xf32, #tpu.memory_space<vmem>> -> memref<8xf32, #tpu.memory_space<vmem>>
      %dma_start3A_47 = arith.constant 0 : i32
      %dma_start3A_48 = tpu.memref_slice %arg7[%dma_start3A_47] : memref<10240xf32, #tpu.memory_space<vmem_shared>> -> memref<10240xf32, #tpu.memory_space<vmem_shared>>
      tpu.enqueue_indirect_dma source(%dma_start3A_46 : memref<8xf32, #tpu.memory_space<vmem>>) target(%dma_start3A_48 : memref<10240xf32, #tpu.memory_space<vmem_shared>>) offsets(%arg17 : memref<8xi32, #tpu.memory_space<vmem>>) semaphore(%run_scoped3A : memref<!tpu.dma_semaphore, #tpu.memory_space<semaphore_mem>>) {add = true}
      %dma_wait3A_49 = arith.constant 0 : i32
      %dma_wait3A_50 = tpu.memref_slice %arg8[%dma_wait3A_49] : memref<128xf32, #tpu.memory_space<vmem>> -> memref<8xf32, #tpu.memory_space<vmem>>
      %dma_wait3A_51 = arith.constant 0 : i32
      %dma_wait3A_52 = tpu.memref_slice %arg7[%dma_wait3A_51] : memref<10240xf32, #tpu.memory_space<vmem_shared>> -> memref<10240xf32, #tpu.memory_space<vmem_shared>>
      tpu.wait_indirect_dma semaphore(%run_scoped3A : memref<!tpu.dma_semaphore, #tpu.memory_space<semaphore_mem>>) src(%dma_wait3A_50 : memref<8xf32, #tpu.memory_space<vmem>>) dst(%dma_wait3A_52 : memref<10240xf32, #tpu.memory_space<vmem_shared>>)
      tpu.yield
    }) : () -> ()
    %barrier3A_37 = arith.constant 0 : index
    tpu.barrier barrier_id(%barrier3A_37)
    %eq3A = arith.constant 0 : i32
    %eq3A_38 = arith.cmpi eq, %arg0, %eq3A : i32
    %convert_element_type3A = arith.extui %eq3A_38 : i1 to i32
    %cond3A = arith.constant 0 : i32
    %cond3A_39 = arith.cmpi ne, %convert_element_type3A, %cond3A : i32
    scf.if %cond3A_39 {
      "tpu.region"() ({
        %run_scoped3A = tpu.sem_alloc : memref<!tpu.dma_semaphore, #tpu.memory_space<semaphore_mem>>
        %dma_start3A_45 = tpu.memref_slice %arg5[%mul3A_0] : memref<10240xf32, #tpu.memory_space<hbm>> -> memref<640xf32, #tpu.memory_space<hbm>>
        %dma_start3A_46 = tpu.memref_slice %arg7[%mul3A_0] : memref<10240xf32, #tpu.memory_space<vmem_shared>> -> memref<640xf32, #tpu.memory_space<vmem_shared>>
        tpu.enqueue_dma source(%dma_start3A_46 : memref<640xf32, #tpu.memory_space<vmem_shared>>) target(%dma_start3A_45 : memref<640xf32, #tpu.memory_space<hbm>>) target_semaphore(%run_scoped3A : memref<!tpu.dma_semaphore, #tpu.memory_space<semaphore_mem>>)
        %dma_wait3A_47 = tpu.memref_slice %arg5[%mul3A_0] : memref<10240xf32, #tpu.memory_space<hbm>> -> memref<640xf32, #tpu.memory_space<hbm>>
        %dma_wait3A_48 = tpu.memref_slice %arg7[%mul3A_0] : memref<10240xf32, #tpu.memory_space<vmem_shared>> -> memref<640xf32, #tpu.memory_space<vmem_shared>>
        tpu.wait_dma2 semaphore(%run_scoped3A : memref<!tpu.dma_semaphore, #tpu.memory_space<semaphore_mem>>) src(%dma_wait3A_48 : memref<640xf32, #tpu.memory_space<vmem_shared>>) dst(%dma_wait3A_47 : memref<640xf32, #tpu.memory_space<hbm>>)
        tpu.yield
      }) : () -> ()
    } else {
    }
    %eq3A_40 = arith.constant 1 : i32
    %eq3A_41 = arith.cmpi eq, %arg0, %eq3A_40 : i32
    %convert_element_type3A_42 = arith.extui %eq3A_41 : i1 to i32
    %cond3A_43 = arith.constant 0 : i32
    %cond3A_44 = arith.cmpi ne, %convert_element_type3A_42, %cond3A_43 : i32
    scf.if %cond3A_44 {
      "tpu.region"() ({
        %run_scoped3A = tpu.sem_alloc : memref<!tpu.dma_semaphore, #tpu.memory_space<semaphore_mem>>
        %dma_start3A_45 = tpu.memref_slice %arg6[%mul3A_0] : memref<10240xf32, #tpu.memory_space<hbm>> -> memref<640xf32, #tpu.memory_space<hbm>>
        %dma_start3A_46 = tpu.memref_slice %arg7[%mul3A_0] : memref<10240xf32, #tpu.memory_space<vmem_shared>> -> memref<640xf32, #tpu.memory_space<vmem_shared>>
        tpu.enqueue_dma source(%dma_start3A_46 : memref<640xf32, #tpu.memory_space<vmem_shared>>) target(%dma_start3A_45 : memref<640xf32, #tpu.memory_space<hbm>>) target_semaphore(%run_scoped3A : memref<!tpu.dma_semaphore, #tpu.memory_space<semaphore_mem>>)
        %dma_wait3A_47 = tpu.memref_slice %arg6[%mul3A_0] : memref<10240xf32, #tpu.memory_space<hbm>> -> memref<640xf32, #tpu.memory_space<hbm>>
        %dma_wait3A_48 = tpu.memref_slice %arg7[%mul3A_0] : memref<10240xf32, #tpu.memory_space<vmem_shared>> -> memref<640xf32, #tpu.memory_space<vmem_shared>>
        tpu.wait_dma2 semaphore(%run_scoped3A : memref<!tpu.dma_semaphore, #tpu.memory_space<semaphore_mem>>) src(%dma_wait3A_48 : memref<640xf32, #tpu.memory_space<vmem_shared>>) dst(%dma_wait3A_47 : memref<640xf32, #tpu.memory_space<hbm>>)
        tpu.yield
      }) : () -> ()
    } else {
    }
    return
  }
}

#map = affine_map<(d0, d1) -> (0, 0)>
#map1 = affine_map<(d0, d1) -> (0)>
module attributes {stable_mosaic.version = 14 : i64} {
  func.func @_agg_body(%arg0: i32, %arg1: i32, %arg2: memref<10240x128xf32, #tpu.memory_space<hbm>>, %arg3: memref<10240x128xf32, #tpu.memory_space<hbm>>, %arg4: memref<160000xi32, #tpu.memory_space<hbm>>, %arg5: memref<160000xi32, #tpu.memory_space<hbm>>, %arg6: memref<10240x128xf32, #tpu.memory_space<hbm>>, %arg7: memref<10240x128xf32, #tpu.memory_space<hbm>>, %arg8: memref<10240x128xf32, #tpu.memory_space<vmem_shared>>, %arg9: memref<120xi32, #tpu.memory_space<vmem>>, %arg10: memref<120xi32, #tpu.memory_space<vmem>>, %arg11: memref<120xi32, #tpu.memory_space<vmem>>, %arg12: memref<120xi32, #tpu.memory_space<vmem>>, %arg13: memref<120xi32, #tpu.memory_space<vmem>>, %arg14: memref<120xi32, #tpu.memory_space<vmem>>, %arg15: memref<120x128xf32, #tpu.memory_space<vmem>>, %arg16: memref<120x128xf32, #tpu.memory_space<vmem>>, %arg17: memref<120x128xf32, #tpu.memory_space<vmem>>, %arg18: memref<40xi32, #tpu.memory_space<vmem>>, %arg19: memref<40xi32, #tpu.memory_space<vmem>>, %arg20: memref<!tpu.dma_semaphore, #tpu.memory_space<semaphore_mem>>, %arg21: memref<!tpu.dma_semaphore, #tpu.memory_space<semaphore_mem>>, %arg22: memref<!tpu.dma_semaphore, #tpu.memory_space<semaphore_mem>>, %arg23: memref<!tpu.dma_semaphore, #tpu.memory_space<semaphore_mem>>, %arg24: memref<!tpu.dma_semaphore, #tpu.memory_space<semaphore_mem>>, %arg25: memref<!tpu.dma_semaphore, #tpu.memory_space<semaphore_mem>>, %arg26: memref<!tpu.dma_semaphore, #tpu.memory_space<semaphore_mem>>, %arg27: memref<!tpu.dma_semaphore, #tpu.memory_space<semaphore_mem>>, %arg28: memref<!tpu.dma_semaphore, #tpu.memory_space<semaphore_mem>>, %arg29: memref<!tpu.dma_semaphore, #tpu.memory_space<semaphore_mem>>, %arg30: memref<!tpu.dma_semaphore, #tpu.memory_space<semaphore_mem>>, %arg31: memref<!tpu.dma_semaphore, #tpu.memory_space<semaphore_mem>>) attributes {dimension_semantics = [#tpu.dimension_semantics<core_parallel>, #tpu.dimension_semantics<subcore_parallel>], iteration_bounds = array<i64: 2, 16>, scalar_prefetch = 0 : i64, scratch_operands = 24 : i64, tpu.core_type = #tpu.core_type<sc_vector_subcore>, window_params = [{transform_indices = #map}, {transform_indices = #map}, {transform_indices = #map1}, {transform_indices = #map1}, {transform_indices = #map}, {transform_indices = #map}]} {
    %mul3A = arith.constant 640 : i32
    %mul3A_0 = arith.muli %arg1, %mul3A : i32
    %mul3A_1 = arith.constant 10000 : i32
    %mul3A_2 = arith.muli %arg1, %mul3A_1 : i32
    %add3A = arith.constant 0 : i32
    %add3A_3 = arith.addi %mul3A_2, %add3A : i32
    %multiple_of3A = tpu.assume_multiple %add3A_3, 8 : i32
    %dma_start3A = tpu.memref_slice %arg4[%multiple_of3A] : memref<160000xi32, #tpu.memory_space<hbm>> -> memref<120xi32, #tpu.memory_space<hbm>>
    %dma_start3A_4 = tpu.memref_slice %arg4[%multiple_of3A] : memref<160000xi32, #tpu.memory_space<hbm>> -> memref<120xi32, #tpu.memory_space<hbm>>
    tpu.enqueue_dma source(%dma_start3A_4 : memref<120xi32, #tpu.memory_space<hbm>>) target(%arg9 : memref<120xi32, #tpu.memory_space<vmem>>) target_semaphore(%arg20 : memref<!tpu.dma_semaphore, #tpu.memory_space<semaphore_mem>>)
    %add3A_5 = arith.constant 120 : i32
    %add3A_6 = arith.addi %mul3A_2, %add3A_5 : i32
    %multiple_of3A_7 = tpu.assume_multiple %add3A_6, 8 : i32
    %dma_start3A_8 = tpu.memref_slice %arg4[%multiple_of3A_7] : memref<160000xi32, #tpu.memory_space<hbm>> -> memref<120xi32, #tpu.memory_space<hbm>>
    %dma_start3A_9 = tpu.memref_slice %arg4[%multiple_of3A_7] : memref<160000xi32, #tpu.memory_space<hbm>> -> memref<120xi32, #tpu.memory_space<hbm>>
    tpu.enqueue_dma source(%dma_start3A_9 : memref<120xi32, #tpu.memory_space<hbm>>) target(%arg10 : memref<120xi32, #tpu.memory_space<vmem>>) target_semaphore(%arg21 : memref<!tpu.dma_semaphore, #tpu.memory_space<semaphore_mem>>)
    %add3A_10 = arith.constant 240 : i32
    %add3A_11 = arith.addi %mul3A_2, %add3A_10 : i32
    %multiple_of3A_12 = tpu.assume_multiple %add3A_11, 8 : i32
    %dma_start3A_13 = tpu.memref_slice %arg4[%multiple_of3A_12] : memref<160000xi32, #tpu.memory_space<hbm>> -> memref<120xi32, #tpu.memory_space<hbm>>
    %dma_start3A_14 = tpu.memref_slice %arg4[%multiple_of3A_12] : memref<160000xi32, #tpu.memory_space<hbm>> -> memref<120xi32, #tpu.memory_space<hbm>>
    tpu.enqueue_dma source(%dma_start3A_14 : memref<120xi32, #tpu.memory_space<hbm>>) target(%arg11 : memref<120xi32, #tpu.memory_space<vmem>>) target_semaphore(%arg22 : memref<!tpu.dma_semaphore, #tpu.memory_space<semaphore_mem>>)
    %add3A_15 = arith.constant 0 : i32
    %add3A_16 = arith.addi %mul3A_2, %add3A_15 : i32
    %multiple_of3A_17 = tpu.assume_multiple %add3A_16, 8 : i32
    %dma_start3A_18 = tpu.memref_slice %arg5[%multiple_of3A_17] : memref<160000xi32, #tpu.memory_space<hbm>> -> memref<120xi32, #tpu.memory_space<hbm>>
    %dma_start3A_19 = tpu.memref_slice %arg5[%multiple_of3A_17] : memref<160000xi32, #tpu.memory_space<hbm>> -> memref<120xi32, #tpu.memory_space<hbm>>
    tpu.enqueue_dma source(%dma_start3A_19 : memref<120xi32, #tpu.memory_space<hbm>>) target(%arg12 : memref<120xi32, #tpu.memory_space<vmem>>) target_semaphore(%arg23 : memref<!tpu.dma_semaphore, #tpu.memory_space<semaphore_mem>>)
    %add3A_20 = arith.constant 120 : i32
    %add3A_21 = arith.addi %mul3A_2, %add3A_20 : i32
    %multiple_of3A_22 = tpu.assume_multiple %add3A_21, 8 : i32
    %dma_start3A_23 = tpu.memref_slice %arg5[%multiple_of3A_22] : memref<160000xi32, #tpu.memory_space<hbm>> -> memref<120xi32, #tpu.memory_space<hbm>>
    %dma_start3A_24 = tpu.memref_slice %arg5[%multiple_of3A_22] : memref<160000xi32, #tpu.memory_space<hbm>> -> memref<120xi32, #tpu.memory_space<hbm>>
    tpu.enqueue_dma source(%dma_start3A_24 : memref<120xi32, #tpu.memory_space<hbm>>) target(%arg13 : memref<120xi32, #tpu.memory_space<vmem>>) target_semaphore(%arg24 : memref<!tpu.dma_semaphore, #tpu.memory_space<semaphore_mem>>)
    %dma_wait3A = arith.constant 0 : i32
    %dma_wait3A_25 = tpu.memref_slice %arg4[%dma_wait3A] : memref<160000xi32, #tpu.memory_space<hbm>> -> memref<120xi32, #tpu.memory_space<hbm>>
    %dma_wait3A_26 = arith.constant 0 : i32
    %dma_wait3A_27 = tpu.memref_slice %arg4[%dma_wait3A_26] : memref<160000xi32, #tpu.memory_space<hbm>> -> memref<120xi32, #tpu.memory_space<hbm>>
    tpu.wait_dma2 semaphore(%arg20 : memref<!tpu.dma_semaphore, #tpu.memory_space<semaphore_mem>>) src(%dma_wait3A_27 : memref<120xi32, #tpu.memory_space<hbm>>) dst(%arg9 : memref<120xi32, #tpu.memory_space<vmem>>)
    %eq3A = arith.constant 0 : i32
    %eq3A_28 = arith.cmpi eq, %arg0, %eq3A : i32
    %convert_element_type3A = arith.extui %eq3A_28 : i1 to i32
    %cond3A = arith.constant 0 : i32
    %cond3A_29 = arith.cmpi ne, %convert_element_type3A, %cond3A : i32
    scf.if %cond3A_29 {
      %dma_start3A_102 = arith.constant 0 : i32
      %dma_start3A_103 = arith.constant 0 : i32
      %dma_start3A_104 = tpu.memref_slice %arg2[%dma_start3A_102, %dma_start3A_103] : memref<10240x128xf32, #tpu.memory_space<hbm>> -> memref<10240x128xf32, #tpu.memory_space<hbm>>
      tpu.enqueue_indirect_dma source(%dma_start3A_104 : memref<10240x128xf32, #tpu.memory_space<hbm>>) target(%arg15 : memref<120x128xf32, #tpu.memory_space<vmem>>) offsets(%arg9 : memref<120xi32, #tpu.memory_space<vmem>>) semaphore(%arg26 : memref<!tpu.dma_semaphore, #tpu.memory_space<semaphore_mem>>)
    } else {
    }
    %eq3A_30 = arith.constant 1 : i32
    %eq3A_31 = arith.cmpi eq, %arg0, %eq3A_30 : i32
    %convert_element_type3A_32 = arith.extui %eq3A_31 : i1 to i32
    %cond3A_33 = arith.constant 0 : i32
    %cond3A_34 = arith.cmpi ne, %convert_element_type3A_32, %cond3A_33 : i32
    scf.if %cond3A_34 {
      %dma_start3A_102 = arith.constant 0 : i32
      %dma_start3A_103 = arith.constant 0 : i32
      %dma_start3A_104 = tpu.memref_slice %arg3[%dma_start3A_102, %dma_start3A_103] : memref<10240x128xf32, #tpu.memory_space<hbm>> -> memref<10240x128xf32, #tpu.memory_space<hbm>>
      tpu.enqueue_indirect_dma source(%dma_start3A_104 : memref<10240x128xf32, #tpu.memory_space<hbm>>) target(%arg15 : memref<120x128xf32, #tpu.memory_space<vmem>>) offsets(%arg9 : memref<120xi32, #tpu.memory_space<vmem>>) semaphore(%arg26 : memref<!tpu.dma_semaphore, #tpu.memory_space<semaphore_mem>>)
    } else {
    }
    %dma_wait3A_35 = arith.constant 0 : i32
    %dma_wait3A_36 = tpu.memref_slice %arg4[%dma_wait3A_35] : memref<160000xi32, #tpu.memory_space<hbm>> -> memref<120xi32, #tpu.memory_space<hbm>>
    %dma_wait3A_37 = arith.constant 0 : i32
    %dma_wait3A_38 = tpu.memref_slice %arg4[%dma_wait3A_37] : memref<160000xi32, #tpu.memory_space<hbm>> -> memref<120xi32, #tpu.memory_space<hbm>>
    tpu.wait_dma2 semaphore(%arg21 : memref<!tpu.dma_semaphore, #tpu.memory_space<semaphore_mem>>) src(%dma_wait3A_38 : memref<120xi32, #tpu.memory_space<hbm>>) dst(%arg10 : memref<120xi32, #tpu.memory_space<vmem>>)
    %eq3A_39 = arith.constant 0 : i32
    %eq3A_40 = arith.cmpi eq, %arg0, %eq3A_39 : i32
    %convert_element_type3A_41 = arith.extui %eq3A_40 : i1 to i32
    %cond3A_42 = arith.constant 0 : i32
    %cond3A_43 = arith.cmpi ne, %convert_element_type3A_41, %cond3A_42 : i32
    scf.if %cond3A_43 {
      %dma_start3A_102 = arith.constant 0 : i32
      %dma_start3A_103 = arith.constant 0 : i32
      %dma_start3A_104 = tpu.memref_slice %arg2[%dma_start3A_102, %dma_start3A_103] : memref<10240x128xf32, #tpu.memory_space<hbm>> -> memref<10240x128xf32, #tpu.memory_space<hbm>>
      tpu.enqueue_indirect_dma source(%dma_start3A_104 : memref<10240x128xf32, #tpu.memory_space<hbm>>) target(%arg16 : memref<120x128xf32, #tpu.memory_space<vmem>>) offsets(%arg10 : memref<120xi32, #tpu.memory_space<vmem>>) semaphore(%arg27 : memref<!tpu.dma_semaphore, #tpu.memory_space<semaphore_mem>>)
    } else {
    }
    %eq3A_44 = arith.constant 1 : i32
    %eq3A_45 = arith.cmpi eq, %arg0, %eq3A_44 : i32
    %convert_element_type3A_46 = arith.extui %eq3A_45 : i1 to i32
    %cond3A_47 = arith.constant 0 : i32
    %cond3A_48 = arith.cmpi ne, %convert_element_type3A_46, %cond3A_47 : i32
    scf.if %cond3A_48 {
      %dma_start3A_102 = arith.constant 0 : i32
      %dma_start3A_103 = arith.constant 0 : i32
      %dma_start3A_104 = tpu.memref_slice %arg3[%dma_start3A_102, %dma_start3A_103] : memref<10240x128xf32, #tpu.memory_space<hbm>> -> memref<10240x128xf32, #tpu.memory_space<hbm>>
      tpu.enqueue_indirect_dma source(%dma_start3A_104 : memref<10240x128xf32, #tpu.memory_space<hbm>>) target(%arg16 : memref<120x128xf32, #tpu.memory_space<vmem>>) offsets(%arg10 : memref<120xi32, #tpu.memory_space<vmem>>) semaphore(%arg27 : memref<!tpu.dma_semaphore, #tpu.memory_space<semaphore_mem>>)
    } else {
    }
    %eq3A_49 = arith.constant 0 : i32
    %eq3A_50 = arith.cmpi eq, %arg0, %eq3A_49 : i32
    %convert_element_type3A_51 = arith.extui %eq3A_50 : i1 to i32
    %cond3A_52 = arith.constant 0 : i32
    %cond3A_53 = arith.cmpi ne, %convert_element_type3A_51, %cond3A_52 : i32
    scf.if %cond3A_53 {
      "tpu.region"() ({
        %run_scoped3A = tpu.sem_alloc : memref<!tpu.dma_semaphore, #tpu.memory_space<semaphore_mem>>
        %dma_start3A_102 = arith.constant 0 : i32
        %dma_start3A_103 = tpu.memref_slice %arg8[%mul3A_0, %dma_start3A_102] : memref<10240x128xf32, #tpu.memory_space<vmem_shared>> -> memref<640x128xf32, #tpu.memory_space<vmem_shared>>
        %dma_start3A_104 = arith.constant 0 : i32
        %dma_start3A_105 = tpu.memref_slice %arg2[%mul3A_0, %dma_start3A_104] : memref<10240x128xf32, #tpu.memory_space<hbm>> -> memref<640x128xf32, #tpu.memory_space<hbm>>
        tpu.enqueue_dma source(%dma_start3A_105 : memref<640x128xf32, #tpu.memory_space<hbm>>) target(%dma_start3A_103 : memref<640x128xf32, #tpu.memory_space<vmem_shared>>) target_semaphore(%run_scoped3A : memref<!tpu.dma_semaphore, #tpu.memory_space<semaphore_mem>>)
        %dma_wait3A_106 = arith.constant 0 : i32
        %dma_wait3A_107 = tpu.memref_slice %arg8[%mul3A_0, %dma_wait3A_106] : memref<10240x128xf32, #tpu.memory_space<vmem_shared>> -> memref<640x128xf32, #tpu.memory_space<vmem_shared>>
        %dma_wait3A_108 = arith.constant 0 : i32
        %dma_wait3A_109 = tpu.memref_slice %arg2[%mul3A_0, %dma_wait3A_108] : memref<10240x128xf32, #tpu.memory_space<hbm>> -> memref<640x128xf32, #tpu.memory_space<hbm>>
        tpu.wait_dma2 semaphore(%run_scoped3A : memref<!tpu.dma_semaphore, #tpu.memory_space<semaphore_mem>>) src(%dma_wait3A_109 : memref<640x128xf32, #tpu.memory_space<hbm>>) dst(%dma_wait3A_107 : memref<640x128xf32, #tpu.memory_space<vmem_shared>>)
        tpu.yield
      }) : () -> ()
    } else {
    }
    %eq3A_54 = arith.constant 1 : i32
    %eq3A_55 = arith.cmpi eq, %arg0, %eq3A_54 : i32
    %convert_element_type3A_56 = arith.extui %eq3A_55 : i1 to i32
    %cond3A_57 = arith.constant 0 : i32
    %cond3A_58 = arith.cmpi ne, %convert_element_type3A_56, %cond3A_57 : i32
    scf.if %cond3A_58 {
      "tpu.region"() ({
        %run_scoped3A = tpu.sem_alloc : memref<!tpu.dma_semaphore, #tpu.memory_space<semaphore_mem>>
        %dma_start3A_102 = arith.constant 0 : i32
        %dma_start3A_103 = tpu.memref_slice %arg8[%mul3A_0, %dma_start3A_102] : memref<10240x128xf32, #tpu.memory_space<vmem_shared>> -> memref<640x128xf32, #tpu.memory_space<vmem_shared>>
        %dma_start3A_104 = arith.constant 0 : i32
        %dma_start3A_105 = tpu.memref_slice %arg3[%mul3A_0, %dma_start3A_104] : memref<10240x128xf32, #tpu.memory_space<hbm>> -> memref<640x128xf32, #tpu.memory_space<hbm>>
        tpu.enqueue_dma source(%dma_start3A_105 : memref<640x128xf32, #tpu.memory_space<hbm>>) target(%dma_start3A_103 : memref<640x128xf32, #tpu.memory_space<vmem_shared>>) target_semaphore(%run_scoped3A : memref<!tpu.dma_semaphore, #tpu.memory_space<semaphore_mem>>)
        %dma_wait3A_106 = arith.constant 0 : i32
        %dma_wait3A_107 = tpu.memref_slice %arg8[%mul3A_0, %dma_wait3A_106] : memref<10240x128xf32, #tpu.memory_space<vmem_shared>> -> memref<640x128xf32, #tpu.memory_space<vmem_shared>>
        %dma_wait3A_108 = arith.constant 0 : i32
        %dma_wait3A_109 = tpu.memref_slice %arg3[%mul3A_0, %dma_wait3A_108] : memref<10240x128xf32, #tpu.memory_space<hbm>> -> memref<640x128xf32, #tpu.memory_space<hbm>>
        tpu.wait_dma2 semaphore(%run_scoped3A : memref<!tpu.dma_semaphore, #tpu.memory_space<semaphore_mem>>) src(%dma_wait3A_109 : memref<640x128xf32, #tpu.memory_space<hbm>>) dst(%dma_wait3A_107 : memref<640x128xf32, #tpu.memory_space<vmem_shared>>)
        tpu.yield
      }) : () -> ()
    } else {
    }
    %barrier3A = arith.constant 0 : index
    tpu.barrier barrier_id(%barrier3A)
    %scan3A = arith.constant 0 : i32
    %scan3A_59 = arith.constant 0 : i32
    %scan3A_60 = arith.constant 28 : i32
    %scan3A_61 = arith.addi %scan3A_59, %scan3A_60 : i32
    %scan3A_62 = arith.constant 1 : i32
    scf.for %scan3A_102 = %scan3A_59 to %scan3A_61 step %scan3A_62  : i32 {
      %mul3A_103 = arith.constant 3 : i32
      %mul3A_104 = arith.muli %mul3A_103, %scan3A_102 : i32
      %add3A_105 = arith.constant 0 : i32
      %add3A_106 = arith.addi %mul3A_104, %add3A_105 : i32
      %lt3A = arith.constant 83 : i32
      %lt3A_107 = arith.cmpi slt, %add3A_106, %lt3A : i32
      %convert_element_type3A_108 = arith.extui %lt3A_107 : i1 to i32
      %cond3A_109 = arith.constant 0 : i32
      %cond3A_110 = arith.cmpi ne, %convert_element_type3A_108, %cond3A_109 : i32
      scf.if %cond3A_110 {
        %dma_wait3A_214 = arith.constant 0 : i32
        %dma_wait3A_215 = arith.constant 0 : i32
        %dma_wait3A_216 = tpu.memref_slice %arg2[%dma_wait3A_214, %dma_wait3A_215] : memref<10240x128xf32, #tpu.memory_space<hbm>> -> memref<10240x128xf32, #tpu.memory_space<hbm>>
        tpu.wait_indirect_dma semaphore(%arg26 : memref<!tpu.dma_semaphore, #tpu.memory_space<semaphore_mem>>) src(%dma_wait3A_216 : memref<10240x128xf32, #tpu.memory_space<hbm>>) dst(%arg15 : memref<120x128xf32, #tpu.memory_space<vmem>>)
      } else {
      }
      %ge3A = arith.constant 1 : i32
      %ge3A_111 = arith.cmpi sge, %add3A_106, %ge3A : i32
      %add3A_112 = arith.constant 2 : i32
      %add3A_113 = arith.addi %add3A_106, %add3A_112 : i32
      %lt3A_114 = arith.constant 83 : i32
      %lt3A_115 = arith.cmpi slt, %add3A_113, %lt3A_114 : i32
      %and3A = arith.andi %ge3A_111, %lt3A_115 : i1
      %convert_element_type3A_116 = arith.extui %and3A : i1 to i32
      %cond3A_117 = arith.constant 0 : i32
      %cond3A_118 = arith.cmpi ne, %convert_element_type3A_116, %cond3A_117 : i32
      scf.if %cond3A_118 {
        %dma_wait3A_214 = arith.constant 0 : i32
        %dma_wait3A_215 = arith.constant 0 : i32
        %dma_wait3A_216 = tpu.memref_slice %arg8[%dma_wait3A_214, %dma_wait3A_215] : memref<10240x128xf32, #tpu.memory_space<vmem_shared>> -> memref<10240x128xf32, #tpu.memory_space<vmem_shared>>
        tpu.wait_indirect_dma semaphore(%arg31 : memref<!tpu.dma_semaphore, #tpu.memory_space<semaphore_mem>>) src(%arg17 : memref<120x128xf32, #tpu.memory_space<vmem>>) dst(%dma_wait3A_216 : memref<10240x128xf32, #tpu.memory_space<vmem_shared>>)
      } else {
      }
      %add3A_119 = arith.constant 2 : i32
      %add3A_120 = arith.addi %add3A_106, %add3A_119 : i32
      %lt3A_121 = arith.constant 83 : i32
      %lt3A_122 = arith.cmpi slt, %add3A_120, %lt3A_121 : i32
      %convert_element_type3A_123 = arith.extui %lt3A_122 : i1 to i32
      %cond3A_124 = arith.constant 0 : i32
      %cond3A_125 = arith.cmpi ne, %convert_element_type3A_123, %cond3A_124 : i32
      scf.if %cond3A_125 {
        %add3A_214 = arith.constant 2 : i32
        %add3A_215 = arith.addi %add3A_106, %add3A_214 : i32
        %mul3A_216 = arith.constant 120 : i32
        %mul3A_217 = arith.muli %add3A_215, %mul3A_216 : i32
        %add3A_218 = arith.addi %mul3A_2, %mul3A_217 : i32
        %multiple_of3A_219 = tpu.assume_multiple %add3A_218, 8 : i32
        %dma_start3A_220 = tpu.memref_slice %arg5[%multiple_of3A_219] : memref<160000xi32, #tpu.memory_space<hbm>> -> memref<120xi32, #tpu.memory_space<hbm>>
        %dma_start3A_221 = tpu.memref_slice %arg5[%multiple_of3A_219] : memref<160000xi32, #tpu.memory_space<hbm>> -> memref<120xi32, #tpu.memory_space<hbm>>
        tpu.enqueue_dma source(%dma_start3A_221 : memref<120xi32, #tpu.memory_space<hbm>>) target(%arg14 : memref<120xi32, #tpu.memory_space<vmem>>) target_semaphore(%arg25 : memref<!tpu.dma_semaphore, #tpu.memory_space<semaphore_mem>>)
        %dma_wait3A_222 = arith.constant 0 : i32
        %dma_wait3A_223 = tpu.memref_slice %arg4[%dma_wait3A_222] : memref<160000xi32, #tpu.memory_space<hbm>> -> memref<120xi32, #tpu.memory_space<hbm>>
        %dma_wait3A_224 = arith.constant 0 : i32
        %dma_wait3A_225 = tpu.memref_slice %arg4[%dma_wait3A_224] : memref<160000xi32, #tpu.memory_space<hbm>> -> memref<120xi32, #tpu.memory_space<hbm>>
        tpu.wait_dma2 semaphore(%arg22 : memref<!tpu.dma_semaphore, #tpu.memory_space<semaphore_mem>>) src(%dma_wait3A_225 : memref<120xi32, #tpu.memory_space<hbm>>) dst(%arg11 : memref<120xi32, #tpu.memory_space<vmem>>)
        %eq3A_226 = arith.constant 0 : i32
        %eq3A_227 = arith.cmpi eq, %arg0, %eq3A_226 : i32
        %convert_element_type3A_228 = arith.extui %eq3A_227 : i1 to i32
        %cond3A_229 = arith.constant 0 : i32
        %cond3A_230 = arith.cmpi ne, %convert_element_type3A_228, %cond3A_229 : i32
        scf.if %cond3A_230 {
          %dma_start3A_236 = arith.constant 0 : i32
          %dma_start3A_237 = arith.constant 0 : i32
          %dma_start3A_238 = tpu.memref_slice %arg2[%dma_start3A_236, %dma_start3A_237] : memref<10240x128xf32, #tpu.memory_space<hbm>> -> memref<10240x128xf32, #tpu.memory_space<hbm>>
          tpu.enqueue_indirect_dma source(%dma_start3A_238 : memref<10240x128xf32, #tpu.memory_space<hbm>>) target(%arg17 : memref<120x128xf32, #tpu.memory_space<vmem>>) offsets(%arg11 : memref<120xi32, #tpu.memory_space<vmem>>) semaphore(%arg28 : memref<!tpu.dma_semaphore, #tpu.memory_space<semaphore_mem>>)
        } else {
        }
        %eq3A_231 = arith.constant 1 : i32
        %eq3A_232 = arith.cmpi eq, %arg0, %eq3A_231 : i32
        %convert_element_type3A_233 = arith.extui %eq3A_232 : i1 to i32
        %cond3A_234 = arith.constant 0 : i32
        %cond3A_235 = arith.cmpi ne, %convert_element_type3A_233, %cond3A_234 : i32
        scf.if %cond3A_235 {
          %dma_start3A_236 = arith.constant 0 : i32
          %dma_start3A_237 = arith.constant 0 : i32
          %dma_start3A_238 = tpu.memref_slice %arg3[%dma_start3A_236, %dma_start3A_237] : memref<10240x128xf32, #tpu.memory_space<hbm>> -> memref<10240x128xf32, #tpu.memory_space<hbm>>
          tpu.enqueue_indirect_dma source(%dma_start3A_238 : memref<10240x128xf32, #tpu.memory_space<hbm>>) target(%arg17 : memref<120x128xf32, #tpu.memory_space<vmem>>) offsets(%arg11 : memref<120xi32, #tpu.memory_space<vmem>>) semaphore(%arg28 : memref<!tpu.dma_semaphore, #tpu.memory_space<semaphore_mem>>)
        } else {
        }
      } else {
      }
      %add3A_126 = arith.constant 3 : i32
      %add3A_127 = arith.addi %add3A_106, %add3A_126 : i32
      %lt3A_128 = arith.constant 83 : i32
      %lt3A_129 = arith.cmpi slt, %add3A_127, %lt3A_128 : i32
      %convert_element_type3A_130 = arith.extui %lt3A_129 : i1 to i32
      %cond3A_131 = arith.constant 0 : i32
      %cond3A_132 = arith.cmpi ne, %convert_element_type3A_130, %cond3A_131 : i32
      scf.if %cond3A_132 {
        %add3A_214 = arith.constant 3 : i32
        %add3A_215 = arith.addi %add3A_106, %add3A_214 : i32
        %mul3A_216 = arith.constant 120 : i32
        %mul3A_217 = arith.muli %add3A_215, %mul3A_216 : i32
        %add3A_218 = arith.addi %mul3A_2, %mul3A_217 : i32
        %multiple_of3A_219 = tpu.assume_multiple %add3A_218, 8 : i32
        %dma_start3A_220 = tpu.memref_slice %arg4[%multiple_of3A_219] : memref<160000xi32, #tpu.memory_space<hbm>> -> memref<120xi32, #tpu.memory_space<hbm>>
        %dma_start3A_221 = tpu.memref_slice %arg4[%multiple_of3A_219] : memref<160000xi32, #tpu.memory_space<hbm>> -> memref<120xi32, #tpu.memory_space<hbm>>
        tpu.enqueue_dma source(%dma_start3A_221 : memref<120xi32, #tpu.memory_space<hbm>>) target(%arg9 : memref<120xi32, #tpu.memory_space<vmem>>) target_semaphore(%arg20 : memref<!tpu.dma_semaphore, #tpu.memory_space<semaphore_mem>>)
      } else {
      }
      %lt3A_133 = arith.constant 83 : i32
      %lt3A_134 = arith.cmpi slt, %add3A_106, %lt3A_133 : i32
      %convert_element_type3A_135 = arith.extui %lt3A_134 : i1 to i32
      %cond3A_136 = arith.constant 0 : i32
      %cond3A_137 = arith.cmpi ne, %convert_element_type3A_135, %cond3A_136 : i32
      scf.if %cond3A_137 {
        %dma_wait3A_214 = arith.constant 0 : i32
        %dma_wait3A_215 = tpu.memref_slice %arg5[%dma_wait3A_214] : memref<160000xi32, #tpu.memory_space<hbm>> -> memref<120xi32, #tpu.memory_space<hbm>>
        %dma_wait3A_216 = arith.constant 0 : i32
        %dma_wait3A_217 = tpu.memref_slice %arg5[%dma_wait3A_216] : memref<160000xi32, #tpu.memory_space<hbm>> -> memref<120xi32, #tpu.memory_space<hbm>>
        tpu.wait_dma2 semaphore(%arg23 : memref<!tpu.dma_semaphore, #tpu.memory_space<semaphore_mem>>) src(%dma_wait3A_217 : memref<120xi32, #tpu.memory_space<hbm>>) dst(%arg12 : memref<120xi32, #tpu.memory_space<vmem>>)
        %dma_start3A_218 = arith.constant 0 : i32
        %dma_start3A_219 = arith.constant 0 : i32
        %dma_start3A_220 = tpu.memref_slice %arg8[%dma_start3A_218, %dma_start3A_219] : memref<10240x128xf32, #tpu.memory_space<vmem_shared>> -> memref<10240x128xf32, #tpu.memory_space<vmem_shared>>
        tpu.enqueue_indirect_dma source(%arg15 : memref<120x128xf32, #tpu.memory_space<vmem>>) target(%dma_start3A_220 : memref<10240x128xf32, #tpu.memory_space<vmem_shared>>) offsets(%arg12 : memref<120xi32, #tpu.memory_space<vmem>>) semaphore(%arg29 : memref<!tpu.dma_semaphore, #tpu.memory_space<semaphore_mem>>) {add = true}
      } else {
      }
      %mul3A_138 = arith.constant 3 : i32
      %mul3A_139 = arith.muli %mul3A_138, %scan3A_102 : i32
      %add3A_140 = arith.constant 1 : i32
      %add3A_141 = arith.addi %mul3A_139, %add3A_140 : i32
      %lt3A_142 = arith.constant 83 : i32
      %lt3A_143 = arith.cmpi slt, %add3A_141, %lt3A_142 : i32
      %convert_element_type3A_144 = arith.extui %lt3A_143 : i1 to i32
      %cond3A_145 = arith.constant 0 : i32
      %cond3A_146 = arith.cmpi ne, %convert_element_type3A_144, %cond3A_145 : i32
      scf.if %cond3A_146 {
        %dma_wait3A_214 = arith.constant 0 : i32
        %dma_wait3A_215 = arith.constant 0 : i32
        %dma_wait3A_216 = tpu.memref_slice %arg2[%dma_wait3A_214, %dma_wait3A_215] : memref<10240x128xf32, #tpu.memory_space<hbm>> -> memref<10240x128xf32, #tpu.memory_space<hbm>>
        tpu.wait_indirect_dma semaphore(%arg27 : memref<!tpu.dma_semaphore, #tpu.memory_space<semaphore_mem>>) src(%dma_wait3A_216 : memref<10240x128xf32, #tpu.memory_space<hbm>>) dst(%arg16 : memref<120x128xf32, #tpu.memory_space<vmem>>)
      } else {
      }
      %ge3A_147 = arith.constant 1 : i32
      %ge3A_148 = arith.cmpi sge, %add3A_141, %ge3A_147 : i32
      %add3A_149 = arith.constant 2 : i32
      %add3A_150 = arith.addi %add3A_141, %add3A_149 : i32
      %lt3A_151 = arith.constant 83 : i32
      %lt3A_152 = arith.cmpi slt, %add3A_150, %lt3A_151 : i32
      %and3A_153 = arith.andi %ge3A_148, %lt3A_152 : i1
      %convert_element_type3A_154 = arith.extui %and3A_153 : i1 to i32
      %cond3A_155 = arith.constant 0 : i32
      %cond3A_156 = arith.cmpi ne, %convert_element_type3A_154, %cond3A_155 : i32
      scf.if %cond3A_156 {
        %dma_wait3A_214 = arith.constant 0 : i32
        %dma_wait3A_215 = arith.constant 0 : i32
        %dma_wait3A_216 = tpu.memref_slice %arg8[%dma_wait3A_214, %dma_wait3A_215] : memref<10240x128xf32, #tpu.memory_space<vmem_shared>> -> memref<10240x128xf32, #tpu.memory_space<vmem_shared>>
        tpu.wait_indirect_dma semaphore(%arg29 : memref<!tpu.dma_semaphore, #tpu.memory_space<semaphore_mem>>) src(%arg15 : memref<120x128xf32, #tpu.memory_space<vmem>>) dst(%dma_wait3A_216 : memref<10240x128xf32, #tpu.memory_space<vmem_shared>>)
      } else {
      }
      %add3A_157 = arith.constant 2 : i32
      %add3A_158 = arith.addi %add3A_141, %add3A_157 : i32
      %lt3A_159 = arith.constant 83 : i32
      %lt3A_160 = arith.cmpi slt, %add3A_158, %lt3A_159 : i32
      %convert_element_type3A_161 = arith.extui %lt3A_160 : i1 to i32
      %cond3A_162 = arith.constant 0 : i32
      %cond3A_163 = arith.cmpi ne, %convert_element_type3A_161, %cond3A_162 : i32
      scf.if %cond3A_163 {
        %add3A_214 = arith.constant 2 : i32
        %add3A_215 = arith.addi %add3A_141, %add3A_214 : i32
        %mul3A_216 = arith.constant 120 : i32
        %mul3A_217 = arith.muli %add3A_215, %mul3A_216 : i32
        %add3A_218 = arith.addi %mul3A_2, %mul3A_217 : i32
        %multiple_of3A_219 = tpu.assume_multiple %add3A_218, 8 : i32
        %dma_start3A_220 = tpu.memref_slice %arg5[%multiple_of3A_219] : memref<160000xi32, #tpu.memory_space<hbm>> -> memref<120xi32, #tpu.memory_space<hbm>>
        %dma_start3A_221 = tpu.memref_slice %arg5[%multiple_of3A_219] : memref<160000xi32, #tpu.memory_space<hbm>> -> memref<120xi32, #tpu.memory_space<hbm>>
        tpu.enqueue_dma source(%dma_start3A_221 : memref<120xi32, #tpu.memory_space<hbm>>) target(%arg12 : memref<120xi32, #tpu.memory_space<vmem>>) target_semaphore(%arg23 : memref<!tpu.dma_semaphore, #tpu.memory_space<semaphore_mem>>)
        %dma_wait3A_222 = arith.constant 0 : i32
        %dma_wait3A_223 = tpu.memref_slice %arg4[%dma_wait3A_222] : memref<160000xi32, #tpu.memory_space<hbm>> -> memref<120xi32, #tpu.memory_space<hbm>>
        %dma_wait3A_224 = arith.constant 0 : i32
        %dma_wait3A_225 = tpu.memref_slice %arg4[%dma_wait3A_224] : memref<160000xi32, #tpu.memory_space<hbm>> -> memref<120xi32, #tpu.memory_space<hbm>>
        tpu.wait_dma2 semaphore(%arg20 : memref<!tpu.dma_semaphore, #tpu.memory_space<semaphore_mem>>) src(%dma_wait3A_225 : memref<120xi32, #tpu.memory_space<hbm>>) dst(%arg9 : memref<120xi32, #tpu.memory_space<vmem>>)
        %eq3A_226 = arith.constant 0 : i32
        %eq3A_227 = arith.cmpi eq, %arg0, %eq3A_226 : i32
        %convert_element_type3A_228 = arith.extui %eq3A_227 : i1 to i32
        %cond3A_229 = arith.constant 0 : i32
        %cond3A_230 = arith.cmpi ne, %convert_element_type3A_228, %cond3A_229 : i32
        scf.if %cond3A_230 {
          %dma_start3A_236 = arith.constant 0 : i32
          %dma_start3A_237 = arith.constant 0 : i32
          %dma_start3A_238 = tpu.memref_slice %arg2[%dma_start3A_236, %dma_start3A_237] : memref<10240x128xf32, #tpu.memory_space<hbm>> -> memref<10240x128xf32, #tpu.memory_space<hbm>>
          tpu.enqueue_indirect_dma source(%dma_start3A_238 : memref<10240x128xf32, #tpu.memory_space<hbm>>) target(%arg15 : memref<120x128xf32, #tpu.memory_space<vmem>>) offsets(%arg9 : memref<120xi32, #tpu.memory_space<vmem>>) semaphore(%arg26 : memref<!tpu.dma_semaphore, #tpu.memory_space<semaphore_mem>>)
        } else {
        }
        %eq3A_231 = arith.constant 1 : i32
        %eq3A_232 = arith.cmpi eq, %arg0, %eq3A_231 : i32
        %convert_element_type3A_233 = arith.extui %eq3A_232 : i1 to i32
        %cond3A_234 = arith.constant 0 : i32
        %cond3A_235 = arith.cmpi ne, %convert_element_type3A_233, %cond3A_234 : i32
        scf.if %cond3A_235 {
          %dma_start3A_236 = arith.constant 0 : i32
          %dma_start3A_237 = arith.constant 0 : i32
          %dma_start3A_238 = tpu.memref_slice %arg3[%dma_start3A_236, %dma_start3A_237] : memref<10240x128xf32, #tpu.memory_space<hbm>> -> memref<10240x128xf32, #tpu.memory_space<hbm>>
          tpu.enqueue_indirect_dma source(%dma_start3A_238 : memref<10240x128xf32, #tpu.memory_space<hbm>>) target(%arg15 : memref<120x128xf32, #tpu.memory_space<vmem>>) offsets(%arg9 : memref<120xi32, #tpu.memory_space<vmem>>) semaphore(%arg26 : memref<!tpu.dma_semaphore, #tpu.memory_space<semaphore_mem>>)
        } else {
        }
      } else {
      }
      %add3A_164 = arith.constant 3 : i32
      %add3A_165 = arith.addi %add3A_141, %add3A_164 : i32
      %lt3A_166 = arith.constant 83 : i32
      %lt3A_167 = arith.cmpi slt, %add3A_165, %lt3A_166 : i32
      %convert_element_type3A_168 = arith.extui %lt3A_167 : i1 to i32
      %cond3A_169 = arith.constant 0 : i32
      %cond3A_170 = arith.cmpi ne, %convert_element_type3A_168, %cond3A_169 : i32
      scf.if %cond3A_170 {
        %add3A_214 = arith.constant 3 : i32
        %add3A_215 = arith.addi %add3A_141, %add3A_214 : i32
        %mul3A_216 = arith.constant 120 : i32
        %mul3A_217 = arith.muli %add3A_215, %mul3A_216 : i32
        %add3A_218 = arith.addi %mul3A_2, %mul3A_217 : i32
        %multiple_of3A_219 = tpu.assume_multiple %add3A_218, 8 : i32
        %dma_start3A_220 = tpu.memref_slice %arg4[%multiple_of3A_219] : memref<160000xi32, #tpu.memory_space<hbm>> -> memref<120xi32, #tpu.memory_space<hbm>>
        %dma_start3A_221 = tpu.memref_slice %arg4[%multiple_of3A_219] : memref<160000xi32, #tpu.memory_space<hbm>> -> memref<120xi32, #tpu.memory_space<hbm>>
        tpu.enqueue_dma source(%dma_start3A_221 : memref<120xi32, #tpu.memory_space<hbm>>) target(%arg10 : memref<120xi32, #tpu.memory_space<vmem>>) target_semaphore(%arg21 : memref<!tpu.dma_semaphore, #tpu.memory_space<semaphore_mem>>)
      } else {
      }
      %lt3A_171 = arith.constant 83 : i32
      %lt3A_172 = arith.cmpi slt, %add3A_141, %lt3A_171 : i32
      %convert_element_type3A_173 = arith.extui %lt3A_172 : i1 to i32
      %cond3A_174 = arith.constant 0 : i32
      %cond3A_175 = arith.cmpi ne, %convert_element_type3A_173, %cond3A_174 : i32
      scf.if %cond3A_175 {
        %dma_wait3A_214 = arith.constant 0 : i32
        %dma_wait3A_215 = tpu.memref_slice %arg5[%dma_wait3A_214] : memref<160000xi32, #tpu.memory_space<hbm>> -> memref<120xi32, #tpu.memory_space<hbm>>
        %dma_wait3A_216 = arith.constant 0 : i32
        %dma_wait3A_217 = tpu.memref_slice %arg5[%dma_wait3A_216] : memref<160000xi32, #tpu.memory_space<hbm>> -> memref<120xi32, #tpu.memory_space<hbm>>
        tpu.wait_dma2 semaphore(%arg24 : memref<!tpu.dma_semaphore, #tpu.memory_space<semaphore_mem>>) src(%dma_wait3A_217 : memref<120xi32, #tpu.memory_space<hbm>>) dst(%arg13 : memref<120xi32, #tpu.memory_space<vmem>>)
        %dma_start3A_218 = arith.constant 0 : i32
        %dma_start3A_219 = arith.constant 0 : i32
        %dma_start3A_220 = tpu.memref_slice %arg8[%dma_start3A_218, %dma_start3A_219] : memref<10240x128xf32, #tpu.memory_space<vmem_shared>> -> memref<10240x128xf32, #tpu.memory_space<vmem_shared>>
        tpu.enqueue_indirect_dma source(%arg16 : memref<120x128xf32, #tpu.memory_space<vmem>>) target(%dma_start3A_220 : memref<10240x128xf32, #tpu.memory_space<vmem_shared>>) offsets(%arg13 : memref<120xi32, #tpu.memory_space<vmem>>) semaphore(%arg30 : memref<!tpu.dma_semaphore, #tpu.memory_space<semaphore_mem>>) {add = true}
      } else {
      }
      %mul3A_176 = arith.constant 3 : i32
      %mul3A_177 = arith.muli %mul3A_176, %scan3A_102 : i32
      %add3A_178 = arith.constant 2 : i32
      %add3A_179 = arith.addi %mul3A_177, %add3A_178 : i32
      %lt3A_180 = arith.constant 83 : i32
      %lt3A_181 = arith.cmpi slt, %add3A_179, %lt3A_180 : i32
      %convert_element_type3A_182 = arith.extui %lt3A_181 : i1 to i32
      %cond3A_183 = arith.constant 0 : i32
      %cond3A_184 = arith.cmpi ne, %convert_element_type3A_182, %cond3A_183 : i32
      scf.if %cond3A_184 {
        %dma_wait3A_214 = arith.constant 0 : i32
        %dma_wait3A_215 = arith.constant 0 : i32
        %dma_wait3A_216 = tpu.memref_slice %arg2[%dma_wait3A_214, %dma_wait3A_215] : memref<10240x128xf32, #tpu.memory_space<hbm>> -> memref<10240x128xf32, #tpu.memory_space<hbm>>
        tpu.wait_indirect_dma semaphore(%arg28 : memref<!tpu.dma_semaphore, #tpu.memory_space<semaphore_mem>>) src(%dma_wait3A_216 : memref<10240x128xf32, #tpu.memory_space<hbm>>) dst(%arg17 : memref<120x128xf32, #tpu.memory_space<vmem>>)
      } else {
      }
      %ge3A_185 = arith.constant 1 : i32
      %ge3A_186 = arith.cmpi sge, %add3A_179, %ge3A_185 : i32
      %add3A_187 = arith.constant 2 : i32
      %add3A_188 = arith.addi %add3A_179, %add3A_187 : i32
      %lt3A_189 = arith.constant 83 : i32
      %lt3A_190 = arith.cmpi slt, %add3A_188, %lt3A_189 : i32
      %and3A_191 = arith.andi %ge3A_186, %lt3A_190 : i1
      %convert_element_type3A_192 = arith.extui %and3A_191 : i1 to i32
      %cond3A_193 = arith.constant 0 : i32
      %cond3A_194 = arith.cmpi ne, %convert_element_type3A_192, %cond3A_193 : i32
      scf.if %cond3A_194 {
        %dma_wait3A_214 = arith.constant 0 : i32
        %dma_wait3A_215 = arith.constant 0 : i32
        %dma_wait3A_216 = tpu.memref_slice %arg8[%dma_wait3A_214, %dma_wait3A_215] : memref<10240x128xf32, #tpu.memory_space<vmem_shared>> -> memref<10240x128xf32, #tpu.memory_space<vmem_shared>>
        tpu.wait_indirect_dma semaphore(%arg30 : memref<!tpu.dma_semaphore, #tpu.memory_space<semaphore_mem>>) src(%arg16 : memref<120x128xf32, #tpu.memory_space<vmem>>) dst(%dma_wait3A_216 : memref<10240x128xf32, #tpu.memory_space<vmem_shared>>)
      } else {
      }
      %add3A_195 = arith.constant 2 : i32
      %add3A_196 = arith.addi %add3A_179, %add3A_195 : i32
      %lt3A_197 = arith.constant 83 : i32
      %lt3A_198 = arith.cmpi slt, %add3A_196, %lt3A_197 : i32
      %convert_element_type3A_199 = arith.extui %lt3A_198 : i1 to i32
      %cond3A_200 = arith.constant 0 : i32
      %cond3A_201 = arith.cmpi ne, %convert_element_type3A_199, %cond3A_200 : i32
      scf.if %cond3A_201 {
        %add3A_214 = arith.constant 2 : i32
        %add3A_215 = arith.addi %add3A_179, %add3A_214 : i32
        %mul3A_216 = arith.constant 120 : i32
        %mul3A_217 = arith.muli %add3A_215, %mul3A_216 : i32
        %add3A_218 = arith.addi %mul3A_2, %mul3A_217 : i32
        %multiple_of3A_219 = tpu.assume_multiple %add3A_218, 8 : i32
        %dma_start3A_220 = tpu.memref_slice %arg5[%multiple_of3A_219] : memref<160000xi32, #tpu.memory_space<hbm>> -> memref<120xi32, #tpu.memory_space<hbm>>
        %dma_start3A_221 = tpu.memref_slice %arg5[%multiple_of3A_219] : memref<160000xi32, #tpu.memory_space<hbm>> -> memref<120xi32, #tpu.memory_space<hbm>>
        tpu.enqueue_dma source(%dma_start3A_221 : memref<120xi32, #tpu.memory_space<hbm>>) target(%arg13 : memref<120xi32, #tpu.memory_space<vmem>>) target_semaphore(%arg24 : memref<!tpu.dma_semaphore, #tpu.memory_space<semaphore_mem>>)
        %dma_wait3A_222 = arith.constant 0 : i32
        %dma_wait3A_223 = tpu.memref_slice %arg4[%dma_wait3A_222] : memref<160000xi32, #tpu.memory_space<hbm>> -> memref<120xi32, #tpu.memory_space<hbm>>
        %dma_wait3A_224 = arith.constant 0 : i32
        %dma_wait3A_225 = tpu.memref_slice %arg4[%dma_wait3A_224] : memref<160000xi32, #tpu.memory_space<hbm>> -> memref<120xi32, #tpu.memory_space<hbm>>
        tpu.wait_dma2 semaphore(%arg21 : memref<!tpu.dma_semaphore, #tpu.memory_space<semaphore_mem>>) src(%dma_wait3A_225 : memref<120xi32, #tpu.memory_space<hbm>>) dst(%arg10 : memref<120xi32, #tpu.memory_space<vmem>>)
        %eq3A_226 = arith.constant 0 : i32
        %eq3A_227 = arith.cmpi eq, %arg0, %eq3A_226 : i32
        %convert_element_type3A_228 = arith.extui %eq3A_227 : i1 to i32
        %cond3A_229 = arith.constant 0 : i32
        %cond3A_230 = arith.cmpi ne, %convert_element_type3A_228, %cond3A_229 : i32
        scf.if %cond3A_230 {
          %dma_start3A_236 = arith.constant 0 : i32
          %dma_start3A_237 = arith.constant 0 : i32
          %dma_start3A_238 = tpu.memref_slice %arg2[%dma_start3A_236, %dma_start3A_237] : memref<10240x128xf32, #tpu.memory_space<hbm>> -> memref<10240x128xf32, #tpu.memory_space<hbm>>
          tpu.enqueue_indirect_dma source(%dma_start3A_238 : memref<10240x128xf32, #tpu.memory_space<hbm>>) target(%arg16 : memref<120x128xf32, #tpu.memory_space<vmem>>) offsets(%arg10 : memref<120xi32, #tpu.memory_space<vmem>>) semaphore(%arg27 : memref<!tpu.dma_semaphore, #tpu.memory_space<semaphore_mem>>)
        } else {
        }
        %eq3A_231 = arith.constant 1 : i32
        %eq3A_232 = arith.cmpi eq, %arg0, %eq3A_231 : i32
        %convert_element_type3A_233 = arith.extui %eq3A_232 : i1 to i32
        %cond3A_234 = arith.constant 0 : i32
        %cond3A_235 = arith.cmpi ne, %convert_element_type3A_233, %cond3A_234 : i32
        scf.if %cond3A_235 {
          %dma_start3A_236 = arith.constant 0 : i32
          %dma_start3A_237 = arith.constant 0 : i32
          %dma_start3A_238 = tpu.memref_slice %arg3[%dma_start3A_236, %dma_start3A_237] : memref<10240x128xf32, #tpu.memory_space<hbm>> -> memref<10240x128xf32, #tpu.memory_space<hbm>>
          tpu.enqueue_indirect_dma source(%dma_start3A_238 : memref<10240x128xf32, #tpu.memory_space<hbm>>) target(%arg16 : memref<120x128xf32, #tpu.memory_space<vmem>>) offsets(%arg10 : memref<120xi32, #tpu.memory_space<vmem>>) semaphore(%arg27 : memref<!tpu.dma_semaphore, #tpu.memory_space<semaphore_mem>>)
        } else {
        }
      } else {
      }
      %add3A_202 = arith.constant 3 : i32
      %add3A_203 = arith.addi %add3A_179, %add3A_202 : i32
      %lt3A_204 = arith.constant 83 : i32
      %lt3A_205 = arith.cmpi slt, %add3A_203, %lt3A_204 : i32
      %convert_element_type3A_206 = arith.extui %lt3A_205 : i1 to i32
      %cond3A_207 = arith.constant 0 : i32
      %cond3A_208 = arith.cmpi ne, %convert_element_type3A_206, %cond3A_207 : i32
      scf.if %cond3A_208 {
        %add3A_214 = arith.constant 3 : i32
        %add3A_215 = arith.addi %add3A_179, %add3A_214 : i32
        %mul3A_216 = arith.constant 120 : i32
        %mul3A_217 = arith.muli %add3A_215, %mul3A_216 : i32
        %add3A_218 = arith.addi %mul3A_2, %mul3A_217 : i32
        %multiple_of3A_219 = tpu.assume_multiple %add3A_218, 8 : i32
        %dma_start3A_220 = tpu.memref_slice %arg4[%multiple_of3A_219] : memref<160000xi32, #tpu.memory_space<hbm>> -> memref<120xi32, #tpu.memory_space<hbm>>
        %dma_start3A_221 = tpu.memref_slice %arg4[%multiple_of3A_219] : memref<160000xi32, #tpu.memory_space<hbm>> -> memref<120xi32, #tpu.memory_space<hbm>>
        tpu.enqueue_dma source(%dma_start3A_221 : memref<120xi32, #tpu.memory_space<hbm>>) target(%arg11 : memref<120xi32, #tpu.memory_space<vmem>>) target_semaphore(%arg22 : memref<!tpu.dma_semaphore, #tpu.memory_space<semaphore_mem>>)
      } else {
      }
      %lt3A_209 = arith.constant 83 : i32
      %lt3A_210 = arith.cmpi slt, %add3A_179, %lt3A_209 : i32
      %convert_element_type3A_211 = arith.extui %lt3A_210 : i1 to i32
      %cond3A_212 = arith.constant 0 : i32
      %cond3A_213 = arith.cmpi ne, %convert_element_type3A_211, %cond3A_212 : i32
      scf.if %cond3A_213 {
        %dma_wait3A_214 = arith.constant 0 : i32
        %dma_wait3A_215 = tpu.memref_slice %arg5[%dma_wait3A_214] : memref<160000xi32, #tpu.memory_space<hbm>> -> memref<120xi32, #tpu.memory_space<hbm>>
        %dma_wait3A_216 = arith.constant 0 : i32
        %dma_wait3A_217 = tpu.memref_slice %arg5[%dma_wait3A_216] : memref<160000xi32, #tpu.memory_space<hbm>> -> memref<120xi32, #tpu.memory_space<hbm>>
        tpu.wait_dma2 semaphore(%arg25 : memref<!tpu.dma_semaphore, #tpu.memory_space<semaphore_mem>>) src(%dma_wait3A_217 : memref<120xi32, #tpu.memory_space<hbm>>) dst(%arg14 : memref<120xi32, #tpu.memory_space<vmem>>)
        %dma_start3A_218 = arith.constant 0 : i32
        %dma_start3A_219 = arith.constant 0 : i32
        %dma_start3A_220 = tpu.memref_slice %arg8[%dma_start3A_218, %dma_start3A_219] : memref<10240x128xf32, #tpu.memory_space<vmem_shared>> -> memref<10240x128xf32, #tpu.memory_space<vmem_shared>>
        tpu.enqueue_indirect_dma source(%arg17 : memref<120x128xf32, #tpu.memory_space<vmem>>) target(%dma_start3A_220 : memref<10240x128xf32, #tpu.memory_space<vmem_shared>>) offsets(%arg14 : memref<120xi32, #tpu.memory_space<vmem>>) semaphore(%arg31 : memref<!tpu.dma_semaphore, #tpu.memory_space<semaphore_mem>>) {add = true}
      } else {
      }
    }
    %scan3A_63 = arith.constant 28 : i32
    %dma_wait3A_64 = arith.constant 0 : i32
    %dma_wait3A_65 = arith.constant 0 : i32
    %dma_wait3A_66 = tpu.memref_slice %arg8[%dma_wait3A_64, %dma_wait3A_65] : memref<10240x128xf32, #tpu.memory_space<vmem_shared>> -> memref<10240x128xf32, #tpu.memory_space<vmem_shared>>
    tpu.wait_indirect_dma semaphore(%arg29 : memref<!tpu.dma_semaphore, #tpu.memory_space<semaphore_mem>>) src(%arg15 : memref<120x128xf32, #tpu.memory_space<vmem>>) dst(%dma_wait3A_66 : memref<10240x128xf32, #tpu.memory_space<vmem_shared>>)
    %dma_wait3A_67 = arith.constant 0 : i32
    %dma_wait3A_68 = arith.constant 0 : i32
    %dma_wait3A_69 = tpu.memref_slice %arg8[%dma_wait3A_67, %dma_wait3A_68] : memref<10240x128xf32, #tpu.memory_space<vmem_shared>> -> memref<10240x128xf32, #tpu.memory_space<vmem_shared>>
    tpu.wait_indirect_dma semaphore(%arg30 : memref<!tpu.dma_semaphore, #tpu.memory_space<semaphore_mem>>) src(%arg16 : memref<120x128xf32, #tpu.memory_space<vmem>>) dst(%dma_wait3A_69 : memref<10240x128xf32, #tpu.memory_space<vmem_shared>>)
    %dma_wait3A_70 = arith.constant 0 : i32
    %dma_wait3A_71 = arith.constant 0 : i32
    %dma_wait3A_72 = tpu.memref_slice %arg8[%dma_wait3A_70, %dma_wait3A_71] : memref<10240x128xf32, #tpu.memory_space<vmem_shared>> -> memref<10240x128xf32, #tpu.memory_space<vmem_shared>>
    tpu.wait_indirect_dma semaphore(%arg31 : memref<!tpu.dma_semaphore, #tpu.memory_space<semaphore_mem>>) src(%arg17 : memref<120x128xf32, #tpu.memory_space<vmem>>) dst(%dma_wait3A_72 : memref<10240x128xf32, #tpu.memory_space<vmem_shared>>)
    %add3A_73 = arith.constant 9960 : i32
    %add3A_74 = arith.addi %mul3A_2, %add3A_73 : i32
    "tpu.region"() ({
      %run_scoped3A = tpu.sem_alloc : memref<!tpu.dma_semaphore, #tpu.memory_space<semaphore_mem>>
      %dma_start3A_102 = tpu.memref_slice %arg4[%add3A_74] : memref<160000xi32, #tpu.memory_space<hbm>> -> memref<40xi32, #tpu.memory_space<hbm>>
      %dma_start3A_103 = tpu.memref_slice %arg4[%add3A_74] : memref<160000xi32, #tpu.memory_space<hbm>> -> memref<40xi32, #tpu.memory_space<hbm>>
      tpu.enqueue_dma source(%dma_start3A_103 : memref<40xi32, #tpu.memory_space<hbm>>) target(%arg18 : memref<40xi32, #tpu.memory_space<vmem>>) target_semaphore(%run_scoped3A : memref<!tpu.dma_semaphore, #tpu.memory_space<semaphore_mem>>)
      %dma_wait3A_104 = tpu.memref_slice %arg4[%add3A_74] : memref<160000xi32, #tpu.memory_space<hbm>> -> memref<40xi32, #tpu.memory_space<hbm>>
      %dma_wait3A_105 = tpu.memref_slice %arg4[%add3A_74] : memref<160000xi32, #tpu.memory_space<hbm>> -> memref<40xi32, #tpu.memory_space<hbm>>
      tpu.wait_dma2 semaphore(%run_scoped3A : memref<!tpu.dma_semaphore, #tpu.memory_space<semaphore_mem>>) src(%dma_wait3A_105 : memref<40xi32, #tpu.memory_space<hbm>>) dst(%arg18 : memref<40xi32, #tpu.memory_space<vmem>>)
      tpu.yield
    }) : () -> ()
    "tpu.region"() ({
      %run_scoped3A = tpu.sem_alloc : memref<!tpu.dma_semaphore, #tpu.memory_space<semaphore_mem>>
      %dma_start3A_102 = tpu.memref_slice %arg5[%add3A_74] : memref<160000xi32, #tpu.memory_space<hbm>> -> memref<40xi32, #tpu.memory_space<hbm>>
      %dma_start3A_103 = tpu.memref_slice %arg5[%add3A_74] : memref<160000xi32, #tpu.memory_space<hbm>> -> memref<40xi32, #tpu.memory_space<hbm>>
      tpu.enqueue_dma source(%dma_start3A_103 : memref<40xi32, #tpu.memory_space<hbm>>) target(%arg19 : memref<40xi32, #tpu.memory_space<vmem>>) target_semaphore(%run_scoped3A : memref<!tpu.dma_semaphore, #tpu.memory_space<semaphore_mem>>)
      %dma_wait3A_104 = tpu.memref_slice %arg5[%add3A_74] : memref<160000xi32, #tpu.memory_space<hbm>> -> memref<40xi32, #tpu.memory_space<hbm>>
      %dma_wait3A_105 = tpu.memref_slice %arg5[%add3A_74] : memref<160000xi32, #tpu.memory_space<hbm>> -> memref<40xi32, #tpu.memory_space<hbm>>
      tpu.wait_dma2 semaphore(%run_scoped3A : memref<!tpu.dma_semaphore, #tpu.memory_space<semaphore_mem>>) src(%dma_wait3A_105 : memref<40xi32, #tpu.memory_space<hbm>>) dst(%arg19 : memref<40xi32, #tpu.memory_space<vmem>>)
      tpu.yield
    }) : () -> ()
    %eq3A_75 = arith.constant 0 : i32
    %eq3A_76 = arith.cmpi eq, %arg0, %eq3A_75 : i32
    %convert_element_type3A_77 = arith.extui %eq3A_76 : i1 to i32
    %cond3A_78 = arith.constant 0 : i32
    %cond3A_79 = arith.cmpi ne, %convert_element_type3A_77, %cond3A_78 : i32
    scf.if %cond3A_79 {
      %dma_start3A_102 = arith.constant 0 : i32
      %dma_start3A_103 = arith.constant 0 : i32
      %dma_start3A_104 = tpu.memref_slice %arg15[%dma_start3A_102, %dma_start3A_103] : memref<120x128xf32, #tpu.memory_space<vmem>> -> memref<40x128xf32, #tpu.memory_space<vmem>>
      %dma_start3A_105 = arith.constant 0 : i32
      %dma_start3A_106 = arith.constant 0 : i32
      %dma_start3A_107 = tpu.memref_slice %arg2[%dma_start3A_105, %dma_start3A_106] : memref<10240x128xf32, #tpu.memory_space<hbm>> -> memref<10240x128xf32, #tpu.memory_space<hbm>>
      tpu.enqueue_indirect_dma source(%dma_start3A_107 : memref<10240x128xf32, #tpu.memory_space<hbm>>) target(%dma_start3A_104 : memref<40x128xf32, #tpu.memory_space<vmem>>) offsets(%arg18 : memref<40xi32, #tpu.memory_space<vmem>>) semaphore(%arg26 : memref<!tpu.dma_semaphore, #tpu.memory_space<semaphore_mem>>)
    } else {
    }
    %eq3A_80 = arith.constant 1 : i32
    %eq3A_81 = arith.cmpi eq, %arg0, %eq3A_80 : i32
    %convert_element_type3A_82 = arith.extui %eq3A_81 : i1 to i32
    %cond3A_83 = arith.constant 0 : i32
    %cond3A_84 = arith.cmpi ne, %convert_element_type3A_82, %cond3A_83 : i32
    scf.if %cond3A_84 {
      %dma_start3A_102 = arith.constant 0 : i32
      %dma_start3A_103 = arith.constant 0 : i32
      %dma_start3A_104 = tpu.memref_slice %arg15[%dma_start3A_102, %dma_start3A_103] : memref<120x128xf32, #tpu.memory_space<vmem>> -> memref<40x128xf32, #tpu.memory_space<vmem>>
      %dma_start3A_105 = arith.constant 0 : i32
      %dma_start3A_106 = arith.constant 0 : i32
      %dma_start3A_107 = tpu.memref_slice %arg3[%dma_start3A_105, %dma_start3A_106] : memref<10240x128xf32, #tpu.memory_space<hbm>> -> memref<10240x128xf32, #tpu.memory_space<hbm>>
      tpu.enqueue_indirect_dma source(%dma_start3A_107 : memref<10240x128xf32, #tpu.memory_space<hbm>>) target(%dma_start3A_104 : memref<40x128xf32, #tpu.memory_space<vmem>>) offsets(%arg18 : memref<40xi32, #tpu.memory_space<vmem>>) semaphore(%arg26 : memref<!tpu.dma_semaphore, #tpu.memory_space<semaphore_mem>>)
    } else {
    }
    %dma_wait3A_85 = arith.constant 0 : i32
    %dma_wait3A_86 = arith.constant 0 : i32
    %dma_wait3A_87 = tpu.memref_slice %arg15[%dma_wait3A_85, %dma_wait3A_86] : memref<120x128xf32, #tpu.memory_space<vmem>> -> memref<40x128xf32, #tpu.memory_space<vmem>>
    %dma_wait3A_88 = arith.constant 0 : i32
    %dma_wait3A_89 = arith.constant 0 : i32
    %dma_wait3A_90 = tpu.memref_slice %arg2[%dma_wait3A_88, %dma_wait3A_89] : memref<10240x128xf32, #tpu.memory_space<hbm>> -> memref<10240x128xf32, #tpu.memory_space<hbm>>
    tpu.wait_indirect_dma semaphore(%arg26 : memref<!tpu.dma_semaphore, #tpu.memory_space<semaphore_mem>>) src(%dma_wait3A_90 : memref<10240x128xf32, #tpu.memory_space<hbm>>) dst(%dma_wait3A_87 : memref<40x128xf32, #tpu.memory_space<vmem>>)
    "tpu.region"() ({
      %run_scoped3A = tpu.sem_alloc : memref<!tpu.dma_semaphore, #tpu.memory_space<semaphore_mem>>
      %dma_start3A_102 = arith.constant 0 : i32
      %dma_start3A_103 = arith.constant 0 : i32
      %dma_start3A_104 = tpu.memref_slice %arg15[%dma_start3A_102, %dma_start3A_103] : memref<120x128xf32, #tpu.memory_space<vmem>> -> memref<40x128xf32, #tpu.memory_space<vmem>>
      %dma_start3A_105 = arith.constant 0 : i32
      %dma_start3A_106 = arith.constant 0 : i32
      %dma_start3A_107 = tpu.memref_slice %arg8[%dma_start3A_105, %dma_start3A_106] : memref<10240x128xf32, #tpu.memory_space<vmem_shared>> -> memref<10240x128xf32, #tpu.memory_space<vmem_shared>>
      tpu.enqueue_indirect_dma source(%dma_start3A_104 : memref<40x128xf32, #tpu.memory_space<vmem>>) target(%dma_start3A_107 : memref<10240x128xf32, #tpu.memory_space<vmem_shared>>) offsets(%arg19 : memref<40xi32, #tpu.memory_space<vmem>>) semaphore(%run_scoped3A : memref<!tpu.dma_semaphore, #tpu.memory_space<semaphore_mem>>) {add = true}
      %dma_wait3A_108 = arith.constant 0 : i32
      %dma_wait3A_109 = arith.constant 0 : i32
      %dma_wait3A_110 = tpu.memref_slice %arg15[%dma_wait3A_108, %dma_wait3A_109] : memref<120x128xf32, #tpu.memory_space<vmem>> -> memref<40x128xf32, #tpu.memory_space<vmem>>
      %dma_wait3A_111 = arith.constant 0 : i32
      %dma_wait3A_112 = arith.constant 0 : i32
      %dma_wait3A_113 = tpu.memref_slice %arg8[%dma_wait3A_111, %dma_wait3A_112] : memref<10240x128xf32, #tpu.memory_space<vmem_shared>> -> memref<10240x128xf32, #tpu.memory_space<vmem_shared>>
      tpu.wait_indirect_dma semaphore(%run_scoped3A : memref<!tpu.dma_semaphore, #tpu.memory_space<semaphore_mem>>) src(%dma_wait3A_110 : memref<40x128xf32, #tpu.memory_space<vmem>>) dst(%dma_wait3A_113 : memref<10240x128xf32, #tpu.memory_space<vmem_shared>>)
      tpu.yield
    }) : () -> ()
    %barrier3A_91 = arith.constant 0 : index
    tpu.barrier barrier_id(%barrier3A_91)
    %eq3A_92 = arith.constant 0 : i32
    %eq3A_93 = arith.cmpi eq, %arg0, %eq3A_92 : i32
    %convert_element_type3A_94 = arith.extui %eq3A_93 : i1 to i32
    %cond3A_95 = arith.constant 0 : i32
    %cond3A_96 = arith.cmpi ne, %convert_element_type3A_94, %cond3A_95 : i32
    scf.if %cond3A_96 {
      "tpu.region"() ({
        %run_scoped3A = tpu.sem_alloc : memref<!tpu.dma_semaphore, #tpu.memory_space<semaphore_mem>>
        %dma_start3A_102 = arith.constant 0 : i32
        %dma_start3A_103 = tpu.memref_slice %arg6[%mul3A_0, %dma_start3A_102] : memref<10240x128xf32, #tpu.memory_space<hbm>> -> memref<640x128xf32, #tpu.memory_space<hbm>>
        %dma_start3A_104 = arith.constant 0 : i32
        %dma_start3A_105 = tpu.memref_slice %arg8[%mul3A_0, %dma_start3A_104] : memref<10240x128xf32, #tpu.memory_space<vmem_shared>> -> memref<640x128xf32, #tpu.memory_space<vmem_shared>>
        tpu.enqueue_dma source(%dma_start3A_105 : memref<640x128xf32, #tpu.memory_space<vmem_shared>>) target(%dma_start3A_103 : memref<640x128xf32, #tpu.memory_space<hbm>>) target_semaphore(%run_scoped3A : memref<!tpu.dma_semaphore, #tpu.memory_space<semaphore_mem>>)
        %dma_wait3A_106 = arith.constant 0 : i32
        %dma_wait3A_107 = tpu.memref_slice %arg6[%mul3A_0, %dma_wait3A_106] : memref<10240x128xf32, #tpu.memory_space<hbm>> -> memref<640x128xf32, #tpu.memory_space<hbm>>
        %dma_wait3A_108 = arith.constant 0 : i32
        %dma_wait3A_109 = tpu.memref_slice %arg8[%mul3A_0, %dma_wait3A_108] : memref<10240x128xf32, #tpu.memory_space<vmem_shared>> -> memref<640x128xf32, #tpu.memory_space<vmem_shared>>
        tpu.wait_dma2 semaphore(%run_scoped3A : memref<!tpu.dma_semaphore, #tpu.memory_space<semaphore_mem>>) src(%dma_wait3A_109 : memref<640x128xf32, #tpu.memory_space<vmem_shared>>) dst(%dma_wait3A_107 : memref<640x128xf32, #tpu.memory_space<hbm>>)
        tpu.yield
      }) : () -> ()
    } else {
    }
    %eq3A_97 = arith.constant 1 : i32
    %eq3A_98 = arith.cmpi eq, %arg0, %eq3A_97 : i32
    %convert_element_type3A_99 = arith.extui %eq3A_98 : i1 to i32
    %cond3A_100 = arith.constant 0 : i32
    %cond3A_101 = arith.cmpi ne, %convert_element_type3A_99, %cond3A_100 : i32
    scf.if %cond3A_101 {
      "tpu.region"() ({
        %run_scoped3A = tpu.sem_alloc : memref<!tpu.dma_semaphore, #tpu.memory_space<semaphore_mem>>
        %dma_start3A_102 = arith.constant 0 : i32
        %dma_start3A_103 = tpu.memref_slice %arg7[%mul3A_0, %dma_start3A_102] : memref<10240x128xf32, #tpu.memory_space<hbm>> -> memref<640x128xf32, #tpu.memory_space<hbm>>
        %dma_start3A_104 = arith.constant 0 : i32
        %dma_start3A_105 = tpu.memref_slice %arg8[%mul3A_0, %dma_start3A_104] : memref<10240x128xf32, #tpu.memory_space<vmem_shared>> -> memref<640x128xf32, #tpu.memory_space<vmem_shared>>
        tpu.enqueue_dma source(%dma_start3A_105 : memref<640x128xf32, #tpu.memory_space<vmem_shared>>) target(%dma_start3A_103 : memref<640x128xf32, #tpu.memory_space<hbm>>) target_semaphore(%run_scoped3A : memref<!tpu.dma_semaphore, #tpu.memory_space<semaphore_mem>>)
        %dma_wait3A_106 = arith.constant 0 : i32
        %dma_wait3A_107 = tpu.memref_slice %arg7[%mul3A_0, %dma_wait3A_106] : memref<10240x128xf32, #tpu.memory_space<hbm>> -> memref<640x128xf32, #tpu.memory_space<hbm>>
        %dma_wait3A_108 = arith.constant 0 : i32
        %dma_wait3A_109 = tpu.memref_slice %arg8[%mul3A_0, %dma_wait3A_108] : memref<10240x128xf32, #tpu.memory_space<vmem_shared>> -> memref<640x128xf32, #tpu.memory_space<vmem_shared>>
        tpu.wait_dma2 semaphore(%run_scoped3A : memref<!tpu.dma_semaphore, #tpu.memory_space<semaphore_mem>>) src(%dma_wait3A_109 : memref<640x128xf32, #tpu.memory_space<vmem_shared>>) dst(%dma_wait3A_107 : memref<640x128xf32, #tpu.memory_space<hbm>>)
        tpu.yield
      }) : () -> ()
    } else {
    }
    return
  }
}

#map = affine_map<(d0, d1) -> (0, 0)>
#map1 = affine_map<(d0, d1) -> (0)>
module attributes {stable_mosaic.version = 14 : i64} {
  func.func @_agg_body(%arg0: i32, %arg1: i32, %arg2: memref<10240x128xf32, #tpu.memory_space<hbm>>, %arg3: memref<10240x128xf32, #tpu.memory_space<hbm>>, %arg4: memref<160000xi32, #tpu.memory_space<hbm>>, %arg5: memref<160000xi32, #tpu.memory_space<hbm>>, %arg6: memref<10240x128xf32, #tpu.memory_space<hbm>>, %arg7: memref<10240x128xf32, #tpu.memory_space<hbm>>, %arg8: memref<10240x128xf32, #tpu.memory_space<vmem_shared>>, %arg9: memref<120xi32, #tpu.memory_space<vmem>>, %arg10: memref<120xi32, #tpu.memory_space<vmem>>, %arg11: memref<120xi32, #tpu.memory_space<vmem>>, %arg12: memref<120xi32, #tpu.memory_space<vmem>>, %arg13: memref<120xi32, #tpu.memory_space<vmem>>, %arg14: memref<120xi32, #tpu.memory_space<vmem>>, %arg15: memref<120x128xf32, #tpu.memory_space<vmem>>, %arg16: memref<120x128xf32, #tpu.memory_space<vmem>>, %arg17: memref<120x128xf32, #tpu.memory_space<vmem>>, %arg18: memref<40xi32, #tpu.memory_space<vmem>>, %arg19: memref<40xi32, #tpu.memory_space<vmem>>, %arg20: memref<!tpu.dma_semaphore, #tpu.memory_space<semaphore_mem>>, %arg21: memref<!tpu.dma_semaphore, #tpu.memory_space<semaphore_mem>>, %arg22: memref<!tpu.dma_semaphore, #tpu.memory_space<semaphore_mem>>, %arg23: memref<!tpu.dma_semaphore, #tpu.memory_space<semaphore_mem>>, %arg24: memref<!tpu.dma_semaphore, #tpu.memory_space<semaphore_mem>>, %arg25: memref<!tpu.dma_semaphore, #tpu.memory_space<semaphore_mem>>, %arg26: memref<!tpu.dma_semaphore, #tpu.memory_space<semaphore_mem>>, %arg27: memref<!tpu.dma_semaphore, #tpu.memory_space<semaphore_mem>>, %arg28: memref<!tpu.dma_semaphore, #tpu.memory_space<semaphore_mem>>, %arg29: memref<!tpu.dma_semaphore, #tpu.memory_space<semaphore_mem>>, %arg30: memref<!tpu.dma_semaphore, #tpu.memory_space<semaphore_mem>>, %arg31: memref<!tpu.dma_semaphore, #tpu.memory_space<semaphore_mem>>) attributes {dimension_semantics = [#tpu.dimension_semantics<core_parallel>, #tpu.dimension_semantics<subcore_parallel>], iteration_bounds = array<i64: 2, 16>, scalar_prefetch = 0 : i64, scratch_operands = 24 : i64, tpu.core_type = #tpu.core_type<sc_vector_subcore>, window_params = [{transform_indices = #map}, {transform_indices = #map}, {transform_indices = #map1}, {transform_indices = #map1}, {transform_indices = #map}, {transform_indices = #map}]} {
    %mul3A = arith.constant 640 : i32
    %mul3A_0 = arith.muli %arg1, %mul3A : i32
    %mul3A_1 = arith.constant 10000 : i32
    %mul3A_2 = arith.muli %arg1, %mul3A_1 : i32
    %add3A = arith.constant 0 : i32
    %add3A_3 = arith.addi %mul3A_2, %add3A : i32
    %multiple_of3A = tpu.assume_multiple %add3A_3, 8 : i32
    %dma_start3A = tpu.memref_slice %arg4[%multiple_of3A] : memref<160000xi32, #tpu.memory_space<hbm>> -> memref<120xi32, #tpu.memory_space<hbm>>
    %dma_start3A_4 = tpu.memref_slice %arg4[%multiple_of3A] : memref<160000xi32, #tpu.memory_space<hbm>> -> memref<120xi32, #tpu.memory_space<hbm>>
    tpu.enqueue_dma source(%dma_start3A_4 : memref<120xi32, #tpu.memory_space<hbm>>) target(%arg9 : memref<120xi32, #tpu.memory_space<vmem>>) target_semaphore(%arg20 : memref<!tpu.dma_semaphore, #tpu.memory_space<semaphore_mem>>)
    %add3A_5 = arith.constant 120 : i32
    %add3A_6 = arith.addi %mul3A_2, %add3A_5 : i32
    %multiple_of3A_7 = tpu.assume_multiple %add3A_6, 8 : i32
    %dma_start3A_8 = tpu.memref_slice %arg4[%multiple_of3A_7] : memref<160000xi32, #tpu.memory_space<hbm>> -> memref<120xi32, #tpu.memory_space<hbm>>
    %dma_start3A_9 = tpu.memref_slice %arg4[%multiple_of3A_7] : memref<160000xi32, #tpu.memory_space<hbm>> -> memref<120xi32, #tpu.memory_space<hbm>>
    tpu.enqueue_dma source(%dma_start3A_9 : memref<120xi32, #tpu.memory_space<hbm>>) target(%arg10 : memref<120xi32, #tpu.memory_space<vmem>>) target_semaphore(%arg21 : memref<!tpu.dma_semaphore, #tpu.memory_space<semaphore_mem>>)
    %add3A_10 = arith.constant 240 : i32
    %add3A_11 = arith.addi %mul3A_2, %add3A_10 : i32
    %multiple_of3A_12 = tpu.assume_multiple %add3A_11, 8 : i32
    %dma_start3A_13 = tpu.memref_slice %arg4[%multiple_of3A_12] : memref<160000xi32, #tpu.memory_space<hbm>> -> memref<120xi32, #tpu.memory_space<hbm>>
    %dma_start3A_14 = tpu.memref_slice %arg4[%multiple_of3A_12] : memref<160000xi32, #tpu.memory_space<hbm>> -> memref<120xi32, #tpu.memory_space<hbm>>
    tpu.enqueue_dma source(%dma_start3A_14 : memref<120xi32, #tpu.memory_space<hbm>>) target(%arg11 : memref<120xi32, #tpu.memory_space<vmem>>) target_semaphore(%arg22 : memref<!tpu.dma_semaphore, #tpu.memory_space<semaphore_mem>>)
    %add3A_15 = arith.constant 0 : i32
    %add3A_16 = arith.addi %mul3A_2, %add3A_15 : i32
    %multiple_of3A_17 = tpu.assume_multiple %add3A_16, 8 : i32
    %dma_start3A_18 = tpu.memref_slice %arg5[%multiple_of3A_17] : memref<160000xi32, #tpu.memory_space<hbm>> -> memref<120xi32, #tpu.memory_space<hbm>>
    %dma_start3A_19 = tpu.memref_slice %arg5[%multiple_of3A_17] : memref<160000xi32, #tpu.memory_space<hbm>> -> memref<120xi32, #tpu.memory_space<hbm>>
    tpu.enqueue_dma source(%dma_start3A_19 : memref<120xi32, #tpu.memory_space<hbm>>) target(%arg12 : memref<120xi32, #tpu.memory_space<vmem>>) target_semaphore(%arg23 : memref<!tpu.dma_semaphore, #tpu.memory_space<semaphore_mem>>)
    %add3A_20 = arith.constant 120 : i32
    %add3A_21 = arith.addi %mul3A_2, %add3A_20 : i32
    %multiple_of3A_22 = tpu.assume_multiple %add3A_21, 8 : i32
    %dma_start3A_23 = tpu.memref_slice %arg5[%multiple_of3A_22] : memref<160000xi32, #tpu.memory_space<hbm>> -> memref<120xi32, #tpu.memory_space<hbm>>
    %dma_start3A_24 = tpu.memref_slice %arg5[%multiple_of3A_22] : memref<160000xi32, #tpu.memory_space<hbm>> -> memref<120xi32, #tpu.memory_space<hbm>>
    tpu.enqueue_dma source(%dma_start3A_24 : memref<120xi32, #tpu.memory_space<hbm>>) target(%arg13 : memref<120xi32, #tpu.memory_space<vmem>>) target_semaphore(%arg24 : memref<!tpu.dma_semaphore, #tpu.memory_space<semaphore_mem>>)
    %dma_wait3A = arith.constant 0 : i32
    %dma_wait3A_25 = tpu.memref_slice %arg4[%dma_wait3A] : memref<160000xi32, #tpu.memory_space<hbm>> -> memref<120xi32, #tpu.memory_space<hbm>>
    %dma_wait3A_26 = arith.constant 0 : i32
    %dma_wait3A_27 = tpu.memref_slice %arg4[%dma_wait3A_26] : memref<160000xi32, #tpu.memory_space<hbm>> -> memref<120xi32, #tpu.memory_space<hbm>>
    tpu.wait_dma2 semaphore(%arg20 : memref<!tpu.dma_semaphore, #tpu.memory_space<semaphore_mem>>) src(%dma_wait3A_27 : memref<120xi32, #tpu.memory_space<hbm>>) dst(%arg9 : memref<120xi32, #tpu.memory_space<vmem>>)
    %eq3A = arith.constant 0 : i32
    %eq3A_28 = arith.cmpi eq, %arg0, %eq3A : i32
    %convert_element_type3A = arith.extui %eq3A_28 : i1 to i32
    %cond3A = arith.constant 0 : i32
    %cond3A_29 = arith.cmpi ne, %convert_element_type3A, %cond3A : i32
    scf.if %cond3A_29 {
      %dma_start3A_102 = arith.constant 0 : i32
      %dma_start3A_103 = arith.constant 0 : i32
      %dma_start3A_104 = tpu.memref_slice %arg2[%dma_start3A_102, %dma_start3A_103] : memref<10240x128xf32, #tpu.memory_space<hbm>> -> memref<10240x128xf32, #tpu.memory_space<hbm>>
      tpu.enqueue_indirect_dma source(%dma_start3A_104 : memref<10240x128xf32, #tpu.memory_space<hbm>>) target(%arg15 : memref<120x128xf32, #tpu.memory_space<vmem>>) offsets(%arg9 : memref<120xi32, #tpu.memory_space<vmem>>) semaphore(%arg26 : memref<!tpu.dma_semaphore, #tpu.memory_space<semaphore_mem>>)
    } else {
    }
    %eq3A_30 = arith.constant 1 : i32
    %eq3A_31 = arith.cmpi eq, %arg0, %eq3A_30 : i32
    %convert_element_type3A_32 = arith.extui %eq3A_31 : i1 to i32
    %cond3A_33 = arith.constant 0 : i32
    %cond3A_34 = arith.cmpi ne, %convert_element_type3A_32, %cond3A_33 : i32
    scf.if %cond3A_34 {
      %dma_start3A_102 = arith.constant 0 : i32
      %dma_start3A_103 = arith.constant 0 : i32
      %dma_start3A_104 = tpu.memref_slice %arg3[%dma_start3A_102, %dma_start3A_103] : memref<10240x128xf32, #tpu.memory_space<hbm>> -> memref<10240x128xf32, #tpu.memory_space<hbm>>
      tpu.enqueue_indirect_dma source(%dma_start3A_104 : memref<10240x128xf32, #tpu.memory_space<hbm>>) target(%arg15 : memref<120x128xf32, #tpu.memory_space<vmem>>) offsets(%arg9 : memref<120xi32, #tpu.memory_space<vmem>>) semaphore(%arg26 : memref<!tpu.dma_semaphore, #tpu.memory_space<semaphore_mem>>)
    } else {
    }
    %dma_wait3A_35 = arith.constant 0 : i32
    %dma_wait3A_36 = tpu.memref_slice %arg4[%dma_wait3A_35] : memref<160000xi32, #tpu.memory_space<hbm>> -> memref<120xi32, #tpu.memory_space<hbm>>
    %dma_wait3A_37 = arith.constant 0 : i32
    %dma_wait3A_38 = tpu.memref_slice %arg4[%dma_wait3A_37] : memref<160000xi32, #tpu.memory_space<hbm>> -> memref<120xi32, #tpu.memory_space<hbm>>
    tpu.wait_dma2 semaphore(%arg21 : memref<!tpu.dma_semaphore, #tpu.memory_space<semaphore_mem>>) src(%dma_wait3A_38 : memref<120xi32, #tpu.memory_space<hbm>>) dst(%arg10 : memref<120xi32, #tpu.memory_space<vmem>>)
    %eq3A_39 = arith.constant 0 : i32
    %eq3A_40 = arith.cmpi eq, %arg0, %eq3A_39 : i32
    %convert_element_type3A_41 = arith.extui %eq3A_40 : i1 to i32
    %cond3A_42 = arith.constant 0 : i32
    %cond3A_43 = arith.cmpi ne, %convert_element_type3A_41, %cond3A_42 : i32
    scf.if %cond3A_43 {
      %dma_start3A_102 = arith.constant 0 : i32
      %dma_start3A_103 = arith.constant 0 : i32
      %dma_start3A_104 = tpu.memref_slice %arg2[%dma_start3A_102, %dma_start3A_103] : memref<10240x128xf32, #tpu.memory_space<hbm>> -> memref<10240x128xf32, #tpu.memory_space<hbm>>
      tpu.enqueue_indirect_dma source(%dma_start3A_104 : memref<10240x128xf32, #tpu.memory_space<hbm>>) target(%arg16 : memref<120x128xf32, #tpu.memory_space<vmem>>) offsets(%arg10 : memref<120xi32, #tpu.memory_space<vmem>>) semaphore(%arg27 : memref<!tpu.dma_semaphore, #tpu.memory_space<semaphore_mem>>)
    } else {
    }
    %eq3A_44 = arith.constant 1 : i32
    %eq3A_45 = arith.cmpi eq, %arg0, %eq3A_44 : i32
    %convert_element_type3A_46 = arith.extui %eq3A_45 : i1 to i32
    %cond3A_47 = arith.constant 0 : i32
    %cond3A_48 = arith.cmpi ne, %convert_element_type3A_46, %cond3A_47 : i32
    scf.if %cond3A_48 {
      %dma_start3A_102 = arith.constant 0 : i32
      %dma_start3A_103 = arith.constant 0 : i32
      %dma_start3A_104 = tpu.memref_slice %arg3[%dma_start3A_102, %dma_start3A_103] : memref<10240x128xf32, #tpu.memory_space<hbm>> -> memref<10240x128xf32, #tpu.memory_space<hbm>>
      tpu.enqueue_indirect_dma source(%dma_start3A_104 : memref<10240x128xf32, #tpu.memory_space<hbm>>) target(%arg16 : memref<120x128xf32, #tpu.memory_space<vmem>>) offsets(%arg10 : memref<120xi32, #tpu.memory_space<vmem>>) semaphore(%arg27 : memref<!tpu.dma_semaphore, #tpu.memory_space<semaphore_mem>>)
    } else {
    }
    %eq3A_49 = arith.constant 0 : i32
    %eq3A_50 = arith.cmpi eq, %arg0, %eq3A_49 : i32
    %convert_element_type3A_51 = arith.extui %eq3A_50 : i1 to i32
    %cond3A_52 = arith.constant 0 : i32
    %cond3A_53 = arith.cmpi ne, %convert_element_type3A_51, %cond3A_52 : i32
    scf.if %cond3A_53 {
      "tpu.region"() ({
        %run_scoped3A = tpu.sem_alloc : memref<!tpu.dma_semaphore, #tpu.memory_space<semaphore_mem>>
        %dma_start3A_102 = arith.constant 0 : i32
        %dma_start3A_103 = tpu.memref_slice %arg8[%mul3A_0, %dma_start3A_102] : memref<10240x128xf32, #tpu.memory_space<vmem_shared>> -> memref<640x128xf32, #tpu.memory_space<vmem_shared>>
        %dma_start3A_104 = arith.constant 0 : i32
        %dma_start3A_105 = tpu.memref_slice %arg2[%mul3A_0, %dma_start3A_104] : memref<10240x128xf32, #tpu.memory_space<hbm>> -> memref<640x128xf32, #tpu.memory_space<hbm>>
        tpu.enqueue_dma source(%dma_start3A_105 : memref<640x128xf32, #tpu.memory_space<hbm>>) target(%dma_start3A_103 : memref<640x128xf32, #tpu.memory_space<vmem_shared>>) target_semaphore(%run_scoped3A : memref<!tpu.dma_semaphore, #tpu.memory_space<semaphore_mem>>)
        %dma_wait3A_106 = arith.constant 0 : i32
        %dma_wait3A_107 = tpu.memref_slice %arg8[%mul3A_0, %dma_wait3A_106] : memref<10240x128xf32, #tpu.memory_space<vmem_shared>> -> memref<640x128xf32, #tpu.memory_space<vmem_shared>>
        %dma_wait3A_108 = arith.constant 0 : i32
        %dma_wait3A_109 = tpu.memref_slice %arg2[%mul3A_0, %dma_wait3A_108] : memref<10240x128xf32, #tpu.memory_space<hbm>> -> memref<640x128xf32, #tpu.memory_space<hbm>>
        tpu.wait_dma2 semaphore(%run_scoped3A : memref<!tpu.dma_semaphore, #tpu.memory_space<semaphore_mem>>) src(%dma_wait3A_109 : memref<640x128xf32, #tpu.memory_space<hbm>>) dst(%dma_wait3A_107 : memref<640x128xf32, #tpu.memory_space<vmem_shared>>)
        tpu.yield
      }) : () -> ()
    } else {
    }
    %eq3A_54 = arith.constant 1 : i32
    %eq3A_55 = arith.cmpi eq, %arg0, %eq3A_54 : i32
    %convert_element_type3A_56 = arith.extui %eq3A_55 : i1 to i32
    %cond3A_57 = arith.constant 0 : i32
    %cond3A_58 = arith.cmpi ne, %convert_element_type3A_56, %cond3A_57 : i32
    scf.if %cond3A_58 {
      "tpu.region"() ({
        %run_scoped3A = tpu.sem_alloc : memref<!tpu.dma_semaphore, #tpu.memory_space<semaphore_mem>>
        %dma_start3A_102 = arith.constant 0 : i32
        %dma_start3A_103 = tpu.memref_slice %arg8[%mul3A_0, %dma_start3A_102] : memref<10240x128xf32, #tpu.memory_space<vmem_shared>> -> memref<640x128xf32, #tpu.memory_space<vmem_shared>>
        %dma_start3A_104 = arith.constant 0 : i32
        %dma_start3A_105 = tpu.memref_slice %arg3[%mul3A_0, %dma_start3A_104] : memref<10240x128xf32, #tpu.memory_space<hbm>> -> memref<640x128xf32, #tpu.memory_space<hbm>>
        tpu.enqueue_dma source(%dma_start3A_105 : memref<640x128xf32, #tpu.memory_space<hbm>>) target(%dma_start3A_103 : memref<640x128xf32, #tpu.memory_space<vmem_shared>>) target_semaphore(%run_scoped3A : memref<!tpu.dma_semaphore, #tpu.memory_space<semaphore_mem>>)
        %dma_wait3A_106 = arith.constant 0 : i32
        %dma_wait3A_107 = tpu.memref_slice %arg8[%mul3A_0, %dma_wait3A_106] : memref<10240x128xf32, #tpu.memory_space<vmem_shared>> -> memref<640x128xf32, #tpu.memory_space<vmem_shared>>
        %dma_wait3A_108 = arith.constant 0 : i32
        %dma_wait3A_109 = tpu.memref_slice %arg3[%mul3A_0, %dma_wait3A_108] : memref<10240x128xf32, #tpu.memory_space<hbm>> -> memref<640x128xf32, #tpu.memory_space<hbm>>
        tpu.wait_dma2 semaphore(%run_scoped3A : memref<!tpu.dma_semaphore, #tpu.memory_space<semaphore_mem>>) src(%dma_wait3A_109 : memref<640x128xf32, #tpu.memory_space<hbm>>) dst(%dma_wait3A_107 : memref<640x128xf32, #tpu.memory_space<vmem_shared>>)
        tpu.yield
      }) : () -> ()
    } else {
    }
    %barrier3A = arith.constant 0 : index
    tpu.barrier barrier_id(%barrier3A)
    %scan3A = arith.constant 0 : i32
    %scan3A_59 = arith.constant 0 : i32
    %scan3A_60 = arith.constant 28 : i32
    %scan3A_61 = arith.addi %scan3A_59, %scan3A_60 : i32
    %scan3A_62 = arith.constant 1 : i32
    scf.for %scan3A_102 = %scan3A_59 to %scan3A_61 step %scan3A_62  : i32 {
      %mul3A_103 = arith.constant 3 : i32
      %mul3A_104 = arith.muli %mul3A_103, %scan3A_102 : i32
      %add3A_105 = arith.constant 0 : i32
      %add3A_106 = arith.addi %mul3A_104, %add3A_105 : i32
      %lt3A = arith.constant 83 : i32
      %lt3A_107 = arith.cmpi slt, %add3A_106, %lt3A : i32
      %convert_element_type3A_108 = arith.extui %lt3A_107 : i1 to i32
      %cond3A_109 = arith.constant 0 : i32
      %cond3A_110 = arith.cmpi ne, %convert_element_type3A_108, %cond3A_109 : i32
      scf.if %cond3A_110 {
        %dma_wait3A_214 = arith.constant 0 : i32
        %dma_wait3A_215 = arith.constant 0 : i32
        %dma_wait3A_216 = tpu.memref_slice %arg2[%dma_wait3A_214, %dma_wait3A_215] : memref<10240x128xf32, #tpu.memory_space<hbm>> -> memref<10240x128xf32, #tpu.memory_space<hbm>>
        tpu.wait_indirect_dma semaphore(%arg26 : memref<!tpu.dma_semaphore, #tpu.memory_space<semaphore_mem>>) src(%dma_wait3A_216 : memref<10240x128xf32, #tpu.memory_space<hbm>>) dst(%arg15 : memref<120x128xf32, #tpu.memory_space<vmem>>)
      } else {
      }
      %ge3A = arith.constant 1 : i32
      %ge3A_111 = arith.cmpi sge, %add3A_106, %ge3A : i32
      %add3A_112 = arith.constant 2 : i32
      %add3A_113 = arith.addi %add3A_106, %add3A_112 : i32
      %lt3A_114 = arith.constant 83 : i32
      %lt3A_115 = arith.cmpi slt, %add3A_113, %lt3A_114 : i32
      %and3A = arith.andi %ge3A_111, %lt3A_115 : i1
      %convert_element_type3A_116 = arith.extui %and3A : i1 to i32
      %cond3A_117 = arith.constant 0 : i32
      %cond3A_118 = arith.cmpi ne, %convert_element_type3A_116, %cond3A_117 : i32
      scf.if %cond3A_118 {
        %dma_wait3A_214 = arith.constant 0 : i32
        %dma_wait3A_215 = arith.constant 0 : i32
        %dma_wait3A_216 = tpu.memref_slice %arg8[%dma_wait3A_214, %dma_wait3A_215] : memref<10240x128xf32, #tpu.memory_space<vmem_shared>> -> memref<10240x128xf32, #tpu.memory_space<vmem_shared>>
        tpu.wait_indirect_dma semaphore(%arg31 : memref<!tpu.dma_semaphore, #tpu.memory_space<semaphore_mem>>) src(%arg17 : memref<120x128xf32, #tpu.memory_space<vmem>>) dst(%dma_wait3A_216 : memref<10240x128xf32, #tpu.memory_space<vmem_shared>>)
      } else {
      }
      %add3A_119 = arith.constant 2 : i32
      %add3A_120 = arith.addi %add3A_106, %add3A_119 : i32
      %lt3A_121 = arith.constant 83 : i32
      %lt3A_122 = arith.cmpi slt, %add3A_120, %lt3A_121 : i32
      %convert_element_type3A_123 = arith.extui %lt3A_122 : i1 to i32
      %cond3A_124 = arith.constant 0 : i32
      %cond3A_125 = arith.cmpi ne, %convert_element_type3A_123, %cond3A_124 : i32
      scf.if %cond3A_125 {
        %add3A_214 = arith.constant 2 : i32
        %add3A_215 = arith.addi %add3A_106, %add3A_214 : i32
        %mul3A_216 = arith.constant 120 : i32
        %mul3A_217 = arith.muli %add3A_215, %mul3A_216 : i32
        %add3A_218 = arith.addi %mul3A_2, %mul3A_217 : i32
        %multiple_of3A_219 = tpu.assume_multiple %add3A_218, 8 : i32
        %dma_start3A_220 = tpu.memref_slice %arg5[%multiple_of3A_219] : memref<160000xi32, #tpu.memory_space<hbm>> -> memref<120xi32, #tpu.memory_space<hbm>>
        %dma_start3A_221 = tpu.memref_slice %arg5[%multiple_of3A_219] : memref<160000xi32, #tpu.memory_space<hbm>> -> memref<120xi32, #tpu.memory_space<hbm>>
        tpu.enqueue_dma source(%dma_start3A_221 : memref<120xi32, #tpu.memory_space<hbm>>) target(%arg14 : memref<120xi32, #tpu.memory_space<vmem>>) target_semaphore(%arg25 : memref<!tpu.dma_semaphore, #tpu.memory_space<semaphore_mem>>)
        %dma_wait3A_222 = arith.constant 0 : i32
        %dma_wait3A_223 = tpu.memref_slice %arg4[%dma_wait3A_222] : memref<160000xi32, #tpu.memory_space<hbm>> -> memref<120xi32, #tpu.memory_space<hbm>>
        %dma_wait3A_224 = arith.constant 0 : i32
        %dma_wait3A_225 = tpu.memref_slice %arg4[%dma_wait3A_224] : memref<160000xi32, #tpu.memory_space<hbm>> -> memref<120xi32, #tpu.memory_space<hbm>>
        tpu.wait_dma2 semaphore(%arg22 : memref<!tpu.dma_semaphore, #tpu.memory_space<semaphore_mem>>) src(%dma_wait3A_225 : memref<120xi32, #tpu.memory_space<hbm>>) dst(%arg11 : memref<120xi32, #tpu.memory_space<vmem>>)
        %eq3A_226 = arith.constant 0 : i32
        %eq3A_227 = arith.cmpi eq, %arg0, %eq3A_226 : i32
        %convert_element_type3A_228 = arith.extui %eq3A_227 : i1 to i32
        %cond3A_229 = arith.constant 0 : i32
        %cond3A_230 = arith.cmpi ne, %convert_element_type3A_228, %cond3A_229 : i32
        scf.if %cond3A_230 {
          %dma_start3A_236 = arith.constant 0 : i32
          %dma_start3A_237 = arith.constant 0 : i32
          %dma_start3A_238 = tpu.memref_slice %arg2[%dma_start3A_236, %dma_start3A_237] : memref<10240x128xf32, #tpu.memory_space<hbm>> -> memref<10240x128xf32, #tpu.memory_space<hbm>>
          tpu.enqueue_indirect_dma source(%dma_start3A_238 : memref<10240x128xf32, #tpu.memory_space<hbm>>) target(%arg17 : memref<120x128xf32, #tpu.memory_space<vmem>>) offsets(%arg11 : memref<120xi32, #tpu.memory_space<vmem>>) semaphore(%arg28 : memref<!tpu.dma_semaphore, #tpu.memory_space<semaphore_mem>>)
        } else {
        }
        %eq3A_231 = arith.constant 1 : i32
        %eq3A_232 = arith.cmpi eq, %arg0, %eq3A_231 : i32
        %convert_element_type3A_233 = arith.extui %eq3A_232 : i1 to i32
        %cond3A_234 = arith.constant 0 : i32
        %cond3A_235 = arith.cmpi ne, %convert_element_type3A_233, %cond3A_234 : i32
        scf.if %cond3A_235 {
          %dma_start3A_236 = arith.constant 0 : i32
          %dma_start3A_237 = arith.constant 0 : i32
          %dma_start3A_238 = tpu.memref_slice %arg3[%dma_start3A_236, %dma_start3A_237] : memref<10240x128xf32, #tpu.memory_space<hbm>> -> memref<10240x128xf32, #tpu.memory_space<hbm>>
          tpu.enqueue_indirect_dma source(%dma_start3A_238 : memref<10240x128xf32, #tpu.memory_space<hbm>>) target(%arg17 : memref<120x128xf32, #tpu.memory_space<vmem>>) offsets(%arg11 : memref<120xi32, #tpu.memory_space<vmem>>) semaphore(%arg28 : memref<!tpu.dma_semaphore, #tpu.memory_space<semaphore_mem>>)
        } else {
        }
      } else {
      }
      %add3A_126 = arith.constant 3 : i32
      %add3A_127 = arith.addi %add3A_106, %add3A_126 : i32
      %lt3A_128 = arith.constant 83 : i32
      %lt3A_129 = arith.cmpi slt, %add3A_127, %lt3A_128 : i32
      %convert_element_type3A_130 = arith.extui %lt3A_129 : i1 to i32
      %cond3A_131 = arith.constant 0 : i32
      %cond3A_132 = arith.cmpi ne, %convert_element_type3A_130, %cond3A_131 : i32
      scf.if %cond3A_132 {
        %add3A_214 = arith.constant 3 : i32
        %add3A_215 = arith.addi %add3A_106, %add3A_214 : i32
        %mul3A_216 = arith.constant 120 : i32
        %mul3A_217 = arith.muli %add3A_215, %mul3A_216 : i32
        %add3A_218 = arith.addi %mul3A_2, %mul3A_217 : i32
        %multiple_of3A_219 = tpu.assume_multiple %add3A_218, 8 : i32
        %dma_start3A_220 = tpu.memref_slice %arg4[%multiple_of3A_219] : memref<160000xi32, #tpu.memory_space<hbm>> -> memref<120xi32, #tpu.memory_space<hbm>>
        %dma_start3A_221 = tpu.memref_slice %arg4[%multiple_of3A_219] : memref<160000xi32, #tpu.memory_space<hbm>> -> memref<120xi32, #tpu.memory_space<hbm>>
        tpu.enqueue_dma source(%dma_start3A_221 : memref<120xi32, #tpu.memory_space<hbm>>) target(%arg9 : memref<120xi32, #tpu.memory_space<vmem>>) target_semaphore(%arg20 : memref<!tpu.dma_semaphore, #tpu.memory_space<semaphore_mem>>)
      } else {
      }
      %lt3A_133 = arith.constant 83 : i32
      %lt3A_134 = arith.cmpi slt, %add3A_106, %lt3A_133 : i32
      %convert_element_type3A_135 = arith.extui %lt3A_134 : i1 to i32
      %cond3A_136 = arith.constant 0 : i32
      %cond3A_137 = arith.cmpi ne, %convert_element_type3A_135, %cond3A_136 : i32
      scf.if %cond3A_137 {
        %dma_wait3A_214 = arith.constant 0 : i32
        %dma_wait3A_215 = tpu.memref_slice %arg5[%dma_wait3A_214] : memref<160000xi32, #tpu.memory_space<hbm>> -> memref<120xi32, #tpu.memory_space<hbm>>
        %dma_wait3A_216 = arith.constant 0 : i32
        %dma_wait3A_217 = tpu.memref_slice %arg5[%dma_wait3A_216] : memref<160000xi32, #tpu.memory_space<hbm>> -> memref<120xi32, #tpu.memory_space<hbm>>
        tpu.wait_dma2 semaphore(%arg23 : memref<!tpu.dma_semaphore, #tpu.memory_space<semaphore_mem>>) src(%dma_wait3A_217 : memref<120xi32, #tpu.memory_space<hbm>>) dst(%arg12 : memref<120xi32, #tpu.memory_space<vmem>>)
        %dma_start3A_218 = arith.constant 0 : i32
        %dma_start3A_219 = arith.constant 0 : i32
        %dma_start3A_220 = tpu.memref_slice %arg8[%dma_start3A_218, %dma_start3A_219] : memref<10240x128xf32, #tpu.memory_space<vmem_shared>> -> memref<10240x128xf32, #tpu.memory_space<vmem_shared>>
        tpu.enqueue_indirect_dma source(%arg15 : memref<120x128xf32, #tpu.memory_space<vmem>>) target(%dma_start3A_220 : memref<10240x128xf32, #tpu.memory_space<vmem_shared>>) offsets(%arg12 : memref<120xi32, #tpu.memory_space<vmem>>) semaphore(%arg29 : memref<!tpu.dma_semaphore, #tpu.memory_space<semaphore_mem>>) {add = true}
      } else {
      }
      %mul3A_138 = arith.constant 3 : i32
      %mul3A_139 = arith.muli %mul3A_138, %scan3A_102 : i32
      %add3A_140 = arith.constant 1 : i32
      %add3A_141 = arith.addi %mul3A_139, %add3A_140 : i32
      %lt3A_142 = arith.constant 83 : i32
      %lt3A_143 = arith.cmpi slt, %add3A_141, %lt3A_142 : i32
      %convert_element_type3A_144 = arith.extui %lt3A_143 : i1 to i32
      %cond3A_145 = arith.constant 0 : i32
      %cond3A_146 = arith.cmpi ne, %convert_element_type3A_144, %cond3A_145 : i32
      scf.if %cond3A_146 {
        %dma_wait3A_214 = arith.constant 0 : i32
        %dma_wait3A_215 = arith.constant 0 : i32
        %dma_wait3A_216 = tpu.memref_slice %arg2[%dma_wait3A_214, %dma_wait3A_215] : memref<10240x128xf32, #tpu.memory_space<hbm>> -> memref<10240x128xf32, #tpu.memory_space<hbm>>
        tpu.wait_indirect_dma semaphore(%arg27 : memref<!tpu.dma_semaphore, #tpu.memory_space<semaphore_mem>>) src(%dma_wait3A_216 : memref<10240x128xf32, #tpu.memory_space<hbm>>) dst(%arg16 : memref<120x128xf32, #tpu.memory_space<vmem>>)
      } else {
      }
      %ge3A_147 = arith.constant 1 : i32
      %ge3A_148 = arith.cmpi sge, %add3A_141, %ge3A_147 : i32
      %add3A_149 = arith.constant 2 : i32
      %add3A_150 = arith.addi %add3A_141, %add3A_149 : i32
      %lt3A_151 = arith.constant 83 : i32
      %lt3A_152 = arith.cmpi slt, %add3A_150, %lt3A_151 : i32
      %and3A_153 = arith.andi %ge3A_148, %lt3A_152 : i1
      %convert_element_type3A_154 = arith.extui %and3A_153 : i1 to i32
      %cond3A_155 = arith.constant 0 : i32
      %cond3A_156 = arith.cmpi ne, %convert_element_type3A_154, %cond3A_155 : i32
      scf.if %cond3A_156 {
        %dma_wait3A_214 = arith.constant 0 : i32
        %dma_wait3A_215 = arith.constant 0 : i32
        %dma_wait3A_216 = tpu.memref_slice %arg8[%dma_wait3A_214, %dma_wait3A_215] : memref<10240x128xf32, #tpu.memory_space<vmem_shared>> -> memref<10240x128xf32, #tpu.memory_space<vmem_shared>>
        tpu.wait_indirect_dma semaphore(%arg29 : memref<!tpu.dma_semaphore, #tpu.memory_space<semaphore_mem>>) src(%arg15 : memref<120x128xf32, #tpu.memory_space<vmem>>) dst(%dma_wait3A_216 : memref<10240x128xf32, #tpu.memory_space<vmem_shared>>)
      } else {
      }
      %add3A_157 = arith.constant 2 : i32
      %add3A_158 = arith.addi %add3A_141, %add3A_157 : i32
      %lt3A_159 = arith.constant 83 : i32
      %lt3A_160 = arith.cmpi slt, %add3A_158, %lt3A_159 : i32
      %convert_element_type3A_161 = arith.extui %lt3A_160 : i1 to i32
      %cond3A_162 = arith.constant 0 : i32
      %cond3A_163 = arith.cmpi ne, %convert_element_type3A_161, %cond3A_162 : i32
      scf.if %cond3A_163 {
        %add3A_214 = arith.constant 2 : i32
        %add3A_215 = arith.addi %add3A_141, %add3A_214 : i32
        %mul3A_216 = arith.constant 120 : i32
        %mul3A_217 = arith.muli %add3A_215, %mul3A_216 : i32
        %add3A_218 = arith.addi %mul3A_2, %mul3A_217 : i32
        %multiple_of3A_219 = tpu.assume_multiple %add3A_218, 8 : i32
        %dma_start3A_220 = tpu.memref_slice %arg5[%multiple_of3A_219] : memref<160000xi32, #tpu.memory_space<hbm>> -> memref<120xi32, #tpu.memory_space<hbm>>
        %dma_start3A_221 = tpu.memref_slice %arg5[%multiple_of3A_219] : memref<160000xi32, #tpu.memory_space<hbm>> -> memref<120xi32, #tpu.memory_space<hbm>>
        tpu.enqueue_dma source(%dma_start3A_221 : memref<120xi32, #tpu.memory_space<hbm>>) target(%arg12 : memref<120xi32, #tpu.memory_space<vmem>>) target_semaphore(%arg23 : memref<!tpu.dma_semaphore, #tpu.memory_space<semaphore_mem>>)
        %dma_wait3A_222 = arith.constant 0 : i32
        %dma_wait3A_223 = tpu.memref_slice %arg4[%dma_wait3A_222] : memref<160000xi32, #tpu.memory_space<hbm>> -> memref<120xi32, #tpu.memory_space<hbm>>
        %dma_wait3A_224 = arith.constant 0 : i32
        %dma_wait3A_225 = tpu.memref_slice %arg4[%dma_wait3A_224] : memref<160000xi32, #tpu.memory_space<hbm>> -> memref<120xi32, #tpu.memory_space<hbm>>
        tpu.wait_dma2 semaphore(%arg20 : memref<!tpu.dma_semaphore, #tpu.memory_space<semaphore_mem>>) src(%dma_wait3A_225 : memref<120xi32, #tpu.memory_space<hbm>>) dst(%arg9 : memref<120xi32, #tpu.memory_space<vmem>>)
        %eq3A_226 = arith.constant 0 : i32
        %eq3A_227 = arith.cmpi eq, %arg0, %eq3A_226 : i32
        %convert_element_type3A_228 = arith.extui %eq3A_227 : i1 to i32
        %cond3A_229 = arith.constant 0 : i32
        %cond3A_230 = arith.cmpi ne, %convert_element_type3A_228, %cond3A_229 : i32
        scf.if %cond3A_230 {
          %dma_start3A_236 = arith.constant 0 : i32
          %dma_start3A_237 = arith.constant 0 : i32
          %dma_start3A_238 = tpu.memref_slice %arg2[%dma_start3A_236, %dma_start3A_237] : memref<10240x128xf32, #tpu.memory_space<hbm>> -> memref<10240x128xf32, #tpu.memory_space<hbm>>
          tpu.enqueue_indirect_dma source(%dma_start3A_238 : memref<10240x128xf32, #tpu.memory_space<hbm>>) target(%arg15 : memref<120x128xf32, #tpu.memory_space<vmem>>) offsets(%arg9 : memref<120xi32, #tpu.memory_space<vmem>>) semaphore(%arg26 : memref<!tpu.dma_semaphore, #tpu.memory_space<semaphore_mem>>)
        } else {
        }
        %eq3A_231 = arith.constant 1 : i32
        %eq3A_232 = arith.cmpi eq, %arg0, %eq3A_231 : i32
        %convert_element_type3A_233 = arith.extui %eq3A_232 : i1 to i32
        %cond3A_234 = arith.constant 0 : i32
        %cond3A_235 = arith.cmpi ne, %convert_element_type3A_233, %cond3A_234 : i32
        scf.if %cond3A_235 {
          %dma_start3A_236 = arith.constant 0 : i32
          %dma_start3A_237 = arith.constant 0 : i32
          %dma_start3A_238 = tpu.memref_slice %arg3[%dma_start3A_236, %dma_start3A_237] : memref<10240x128xf32, #tpu.memory_space<hbm>> -> memref<10240x128xf32, #tpu.memory_space<hbm>>
          tpu.enqueue_indirect_dma source(%dma_start3A_238 : memref<10240x128xf32, #tpu.memory_space<hbm>>) target(%arg15 : memref<120x128xf32, #tpu.memory_space<vmem>>) offsets(%arg9 : memref<120xi32, #tpu.memory_space<vmem>>) semaphore(%arg26 : memref<!tpu.dma_semaphore, #tpu.memory_space<semaphore_mem>>)
        } else {
        }
      } else {
      }
      %add3A_164 = arith.constant 3 : i32
      %add3A_165 = arith.addi %add3A_141, %add3A_164 : i32
      %lt3A_166 = arith.constant 83 : i32
      %lt3A_167 = arith.cmpi slt, %add3A_165, %lt3A_166 : i32
      %convert_element_type3A_168 = arith.extui %lt3A_167 : i1 to i32
      %cond3A_169 = arith.constant 0 : i32
      %cond3A_170 = arith.cmpi ne, %convert_element_type3A_168, %cond3A_169 : i32
      scf.if %cond3A_170 {
        %add3A_214 = arith.constant 3 : i32
        %add3A_215 = arith.addi %add3A_141, %add3A_214 : i32
        %mul3A_216 = arith.constant 120 : i32
        %mul3A_217 = arith.muli %add3A_215, %mul3A_216 : i32
        %add3A_218 = arith.addi %mul3A_2, %mul3A_217 : i32
        %multiple_of3A_219 = tpu.assume_multiple %add3A_218, 8 : i32
        %dma_start3A_220 = tpu.memref_slice %arg4[%multiple_of3A_219] : memref<160000xi32, #tpu.memory_space<hbm>> -> memref<120xi32, #tpu.memory_space<hbm>>
        %dma_start3A_221 = tpu.memref_slice %arg4[%multiple_of3A_219] : memref<160000xi32, #tpu.memory_space<hbm>> -> memref<120xi32, #tpu.memory_space<hbm>>
        tpu.enqueue_dma source(%dma_start3A_221 : memref<120xi32, #tpu.memory_space<hbm>>) target(%arg10 : memref<120xi32, #tpu.memory_space<vmem>>) target_semaphore(%arg21 : memref<!tpu.dma_semaphore, #tpu.memory_space<semaphore_mem>>)
      } else {
      }
      %lt3A_171 = arith.constant 83 : i32
      %lt3A_172 = arith.cmpi slt, %add3A_141, %lt3A_171 : i32
      %convert_element_type3A_173 = arith.extui %lt3A_172 : i1 to i32
      %cond3A_174 = arith.constant 0 : i32
      %cond3A_175 = arith.cmpi ne, %convert_element_type3A_173, %cond3A_174 : i32
      scf.if %cond3A_175 {
        %dma_wait3A_214 = arith.constant 0 : i32
        %dma_wait3A_215 = tpu.memref_slice %arg5[%dma_wait3A_214] : memref<160000xi32, #tpu.memory_space<hbm>> -> memref<120xi32, #tpu.memory_space<hbm>>
        %dma_wait3A_216 = arith.constant 0 : i32
        %dma_wait3A_217 = tpu.memref_slice %arg5[%dma_wait3A_216] : memref<160000xi32, #tpu.memory_space<hbm>> -> memref<120xi32, #tpu.memory_space<hbm>>
        tpu.wait_dma2 semaphore(%arg24 : memref<!tpu.dma_semaphore, #tpu.memory_space<semaphore_mem>>) src(%dma_wait3A_217 : memref<120xi32, #tpu.memory_space<hbm>>) dst(%arg13 : memref<120xi32, #tpu.memory_space<vmem>>)
        %dma_start3A_218 = arith.constant 0 : i32
        %dma_start3A_219 = arith.constant 0 : i32
        %dma_start3A_220 = tpu.memref_slice %arg8[%dma_start3A_218, %dma_start3A_219] : memref<10240x128xf32, #tpu.memory_space<vmem_shared>> -> memref<10240x128xf32, #tpu.memory_space<vmem_shared>>
        tpu.enqueue_indirect_dma source(%arg16 : memref<120x128xf32, #tpu.memory_space<vmem>>) target(%dma_start3A_220 : memref<10240x128xf32, #tpu.memory_space<vmem_shared>>) offsets(%arg13 : memref<120xi32, #tpu.memory_space<vmem>>) semaphore(%arg30 : memref<!tpu.dma_semaphore, #tpu.memory_space<semaphore_mem>>) {add = true}
      } else {
      }
      %mul3A_176 = arith.constant 3 : i32
      %mul3A_177 = arith.muli %mul3A_176, %scan3A_102 : i32
      %add3A_178 = arith.constant 2 : i32
      %add3A_179 = arith.addi %mul3A_177, %add3A_178 : i32
      %lt3A_180 = arith.constant 83 : i32
      %lt3A_181 = arith.cmpi slt, %add3A_179, %lt3A_180 : i32
      %convert_element_type3A_182 = arith.extui %lt3A_181 : i1 to i32
      %cond3A_183 = arith.constant 0 : i32
      %cond3A_184 = arith.cmpi ne, %convert_element_type3A_182, %cond3A_183 : i32
      scf.if %cond3A_184 {
        %dma_wait3A_214 = arith.constant 0 : i32
        %dma_wait3A_215 = arith.constant 0 : i32
        %dma_wait3A_216 = tpu.memref_slice %arg2[%dma_wait3A_214, %dma_wait3A_215] : memref<10240x128xf32, #tpu.memory_space<hbm>> -> memref<10240x128xf32, #tpu.memory_space<hbm>>
        tpu.wait_indirect_dma semaphore(%arg28 : memref<!tpu.dma_semaphore, #tpu.memory_space<semaphore_mem>>) src(%dma_wait3A_216 : memref<10240x128xf32, #tpu.memory_space<hbm>>) dst(%arg17 : memref<120x128xf32, #tpu.memory_space<vmem>>)
      } else {
      }
      %ge3A_185 = arith.constant 1 : i32
      %ge3A_186 = arith.cmpi sge, %add3A_179, %ge3A_185 : i32
      %add3A_187 = arith.constant 2 : i32
      %add3A_188 = arith.addi %add3A_179, %add3A_187 : i32
      %lt3A_189 = arith.constant 83 : i32
      %lt3A_190 = arith.cmpi slt, %add3A_188, %lt3A_189 : i32
      %and3A_191 = arith.andi %ge3A_186, %lt3A_190 : i1
      %convert_element_type3A_192 = arith.extui %and3A_191 : i1 to i32
      %cond3A_193 = arith.constant 0 : i32
      %cond3A_194 = arith.cmpi ne, %convert_element_type3A_192, %cond3A_193 : i32
      scf.if %cond3A_194 {
        %dma_wait3A_214 = arith.constant 0 : i32
        %dma_wait3A_215 = arith.constant 0 : i32
        %dma_wait3A_216 = tpu.memref_slice %arg8[%dma_wait3A_214, %dma_wait3A_215] : memref<10240x128xf32, #tpu.memory_space<vmem_shared>> -> memref<10240x128xf32, #tpu.memory_space<vmem_shared>>
        tpu.wait_indirect_dma semaphore(%arg30 : memref<!tpu.dma_semaphore, #tpu.memory_space<semaphore_mem>>) src(%arg16 : memref<120x128xf32, #tpu.memory_space<vmem>>) dst(%dma_wait3A_216 : memref<10240x128xf32, #tpu.memory_space<vmem_shared>>)
      } else {
      }
      %add3A_195 = arith.constant 2 : i32
      %add3A_196 = arith.addi %add3A_179, %add3A_195 : i32
      %lt3A_197 = arith.constant 83 : i32
      %lt3A_198 = arith.cmpi slt, %add3A_196, %lt3A_197 : i32
      %convert_element_type3A_199 = arith.extui %lt3A_198 : i1 to i32
      %cond3A_200 = arith.constant 0 : i32
      %cond3A_201 = arith.cmpi ne, %convert_element_type3A_199, %cond3A_200 : i32
      scf.if %cond3A_201 {
        %add3A_214 = arith.constant 2 : i32
        %add3A_215 = arith.addi %add3A_179, %add3A_214 : i32
        %mul3A_216 = arith.constant 120 : i32
        %mul3A_217 = arith.muli %add3A_215, %mul3A_216 : i32
        %add3A_218 = arith.addi %mul3A_2, %mul3A_217 : i32
        %multiple_of3A_219 = tpu.assume_multiple %add3A_218, 8 : i32
        %dma_start3A_220 = tpu.memref_slice %arg5[%multiple_of3A_219] : memref<160000xi32, #tpu.memory_space<hbm>> -> memref<120xi32, #tpu.memory_space<hbm>>
        %dma_start3A_221 = tpu.memref_slice %arg5[%multiple_of3A_219] : memref<160000xi32, #tpu.memory_space<hbm>> -> memref<120xi32, #tpu.memory_space<hbm>>
        tpu.enqueue_dma source(%dma_start3A_221 : memref<120xi32, #tpu.memory_space<hbm>>) target(%arg13 : memref<120xi32, #tpu.memory_space<vmem>>) target_semaphore(%arg24 : memref<!tpu.dma_semaphore, #tpu.memory_space<semaphore_mem>>)
        %dma_wait3A_222 = arith.constant 0 : i32
        %dma_wait3A_223 = tpu.memref_slice %arg4[%dma_wait3A_222] : memref<160000xi32, #tpu.memory_space<hbm>> -> memref<120xi32, #tpu.memory_space<hbm>>
        %dma_wait3A_224 = arith.constant 0 : i32
        %dma_wait3A_225 = tpu.memref_slice %arg4[%dma_wait3A_224] : memref<160000xi32, #tpu.memory_space<hbm>> -> memref<120xi32, #tpu.memory_space<hbm>>
        tpu.wait_dma2 semaphore(%arg21 : memref<!tpu.dma_semaphore, #tpu.memory_space<semaphore_mem>>) src(%dma_wait3A_225 : memref<120xi32, #tpu.memory_space<hbm>>) dst(%arg10 : memref<120xi32, #tpu.memory_space<vmem>>)
        %eq3A_226 = arith.constant 0 : i32
        %eq3A_227 = arith.cmpi eq, %arg0, %eq3A_226 : i32
        %convert_element_type3A_228 = arith.extui %eq3A_227 : i1 to i32
        %cond3A_229 = arith.constant 0 : i32
        %cond3A_230 = arith.cmpi ne, %convert_element_type3A_228, %cond3A_229 : i32
        scf.if %cond3A_230 {
          %dma_start3A_236 = arith.constant 0 : i32
          %dma_start3A_237 = arith.constant 0 : i32
          %dma_start3A_238 = tpu.memref_slice %arg2[%dma_start3A_236, %dma_start3A_237] : memref<10240x128xf32, #tpu.memory_space<hbm>> -> memref<10240x128xf32, #tpu.memory_space<hbm>>
          tpu.enqueue_indirect_dma source(%dma_start3A_238 : memref<10240x128xf32, #tpu.memory_space<hbm>>) target(%arg16 : memref<120x128xf32, #tpu.memory_space<vmem>>) offsets(%arg10 : memref<120xi32, #tpu.memory_space<vmem>>) semaphore(%arg27 : memref<!tpu.dma_semaphore, #tpu.memory_space<semaphore_mem>>)
        } else {
        }
        %eq3A_231 = arith.constant 1 : i32
        %eq3A_232 = arith.cmpi eq, %arg0, %eq3A_231 : i32
        %convert_element_type3A_233 = arith.extui %eq3A_232 : i1 to i32
        %cond3A_234 = arith.constant 0 : i32
        %cond3A_235 = arith.cmpi ne, %convert_element_type3A_233, %cond3A_234 : i32
        scf.if %cond3A_235 {
          %dma_start3A_236 = arith.constant 0 : i32
          %dma_start3A_237 = arith.constant 0 : i32
          %dma_start3A_238 = tpu.memref_slice %arg3[%dma_start3A_236, %dma_start3A_237] : memref<10240x128xf32, #tpu.memory_space<hbm>> -> memref<10240x128xf32, #tpu.memory_space<hbm>>
          tpu.enqueue_indirect_dma source(%dma_start3A_238 : memref<10240x128xf32, #tpu.memory_space<hbm>>) target(%arg16 : memref<120x128xf32, #tpu.memory_space<vmem>>) offsets(%arg10 : memref<120xi32, #tpu.memory_space<vmem>>) semaphore(%arg27 : memref<!tpu.dma_semaphore, #tpu.memory_space<semaphore_mem>>)
        } else {
        }
      } else {
      }
      %add3A_202 = arith.constant 3 : i32
      %add3A_203 = arith.addi %add3A_179, %add3A_202 : i32
      %lt3A_204 = arith.constant 83 : i32
      %lt3A_205 = arith.cmpi slt, %add3A_203, %lt3A_204 : i32
      %convert_element_type3A_206 = arith.extui %lt3A_205 : i1 to i32
      %cond3A_207 = arith.constant 0 : i32
      %cond3A_208 = arith.cmpi ne, %convert_element_type3A_206, %cond3A_207 : i32
      scf.if %cond3A_208 {
        %add3A_214 = arith.constant 3 : i32
        %add3A_215 = arith.addi %add3A_179, %add3A_214 : i32
        %mul3A_216 = arith.constant 120 : i32
        %mul3A_217 = arith.muli %add3A_215, %mul3A_216 : i32
        %add3A_218 = arith.addi %mul3A_2, %mul3A_217 : i32
        %multiple_of3A_219 = tpu.assume_multiple %add3A_218, 8 : i32
        %dma_start3A_220 = tpu.memref_slice %arg4[%multiple_of3A_219] : memref<160000xi32, #tpu.memory_space<hbm>> -> memref<120xi32, #tpu.memory_space<hbm>>
        %dma_start3A_221 = tpu.memref_slice %arg4[%multiple_of3A_219] : memref<160000xi32, #tpu.memory_space<hbm>> -> memref<120xi32, #tpu.memory_space<hbm>>
        tpu.enqueue_dma source(%dma_start3A_221 : memref<120xi32, #tpu.memory_space<hbm>>) target(%arg11 : memref<120xi32, #tpu.memory_space<vmem>>) target_semaphore(%arg22 : memref<!tpu.dma_semaphore, #tpu.memory_space<semaphore_mem>>)
      } else {
      }
      %lt3A_209 = arith.constant 83 : i32
      %lt3A_210 = arith.cmpi slt, %add3A_179, %lt3A_209 : i32
      %convert_element_type3A_211 = arith.extui %lt3A_210 : i1 to i32
      %cond3A_212 = arith.constant 0 : i32
      %cond3A_213 = arith.cmpi ne, %convert_element_type3A_211, %cond3A_212 : i32
      scf.if %cond3A_213 {
        %dma_wait3A_214 = arith.constant 0 : i32
        %dma_wait3A_215 = tpu.memref_slice %arg5[%dma_wait3A_214] : memref<160000xi32, #tpu.memory_space<hbm>> -> memref<120xi32, #tpu.memory_space<hbm>>
        %dma_wait3A_216 = arith.constant 0 : i32
        %dma_wait3A_217 = tpu.memref_slice %arg5[%dma_wait3A_216] : memref<160000xi32, #tpu.memory_space<hbm>> -> memref<120xi32, #tpu.memory_space<hbm>>
        tpu.wait_dma2 semaphore(%arg25 : memref<!tpu.dma_semaphore, #tpu.memory_space<semaphore_mem>>) src(%dma_wait3A_217 : memref<120xi32, #tpu.memory_space<hbm>>) dst(%arg14 : memref<120xi32, #tpu.memory_space<vmem>>)
        %dma_start3A_218 = arith.constant 0 : i32
        %dma_start3A_219 = arith.constant 0 : i32
        %dma_start3A_220 = tpu.memref_slice %arg8[%dma_start3A_218, %dma_start3A_219] : memref<10240x128xf32, #tpu.memory_space<vmem_shared>> -> memref<10240x128xf32, #tpu.memory_space<vmem_shared>>
        tpu.enqueue_indirect_dma source(%arg17 : memref<120x128xf32, #tpu.memory_space<vmem>>) target(%dma_start3A_220 : memref<10240x128xf32, #tpu.memory_space<vmem_shared>>) offsets(%arg14 : memref<120xi32, #tpu.memory_space<vmem>>) semaphore(%arg31 : memref<!tpu.dma_semaphore, #tpu.memory_space<semaphore_mem>>) {add = true}
      } else {
      }
    }
    %scan3A_63 = arith.constant 28 : i32
    %dma_wait3A_64 = arith.constant 0 : i32
    %dma_wait3A_65 = arith.constant 0 : i32
    %dma_wait3A_66 = tpu.memref_slice %arg8[%dma_wait3A_64, %dma_wait3A_65] : memref<10240x128xf32, #tpu.memory_space<vmem_shared>> -> memref<10240x128xf32, #tpu.memory_space<vmem_shared>>
    tpu.wait_indirect_dma semaphore(%arg29 : memref<!tpu.dma_semaphore, #tpu.memory_space<semaphore_mem>>) src(%arg15 : memref<120x128xf32, #tpu.memory_space<vmem>>) dst(%dma_wait3A_66 : memref<10240x128xf32, #tpu.memory_space<vmem_shared>>)
    %dma_wait3A_67 = arith.constant 0 : i32
    %dma_wait3A_68 = arith.constant 0 : i32
    %dma_wait3A_69 = tpu.memref_slice %arg8[%dma_wait3A_67, %dma_wait3A_68] : memref<10240x128xf32, #tpu.memory_space<vmem_shared>> -> memref<10240x128xf32, #tpu.memory_space<vmem_shared>>
    tpu.wait_indirect_dma semaphore(%arg30 : memref<!tpu.dma_semaphore, #tpu.memory_space<semaphore_mem>>) src(%arg16 : memref<120x128xf32, #tpu.memory_space<vmem>>) dst(%dma_wait3A_69 : memref<10240x128xf32, #tpu.memory_space<vmem_shared>>)
    %dma_wait3A_70 = arith.constant 0 : i32
    %dma_wait3A_71 = arith.constant 0 : i32
    %dma_wait3A_72 = tpu.memref_slice %arg8[%dma_wait3A_70, %dma_wait3A_71] : memref<10240x128xf32, #tpu.memory_space<vmem_shared>> -> memref<10240x128xf32, #tpu.memory_space<vmem_shared>>
    tpu.wait_indirect_dma semaphore(%arg31 : memref<!tpu.dma_semaphore, #tpu.memory_space<semaphore_mem>>) src(%arg17 : memref<120x128xf32, #tpu.memory_space<vmem>>) dst(%dma_wait3A_72 : memref<10240x128xf32, #tpu.memory_space<vmem_shared>>)
    %add3A_73 = arith.constant 9960 : i32
    %add3A_74 = arith.addi %mul3A_2, %add3A_73 : i32
    "tpu.region"() ({
      %run_scoped3A = tpu.sem_alloc : memref<!tpu.dma_semaphore, #tpu.memory_space<semaphore_mem>>
      %dma_start3A_102 = tpu.memref_slice %arg4[%add3A_74] : memref<160000xi32, #tpu.memory_space<hbm>> -> memref<40xi32, #tpu.memory_space<hbm>>
      %dma_start3A_103 = tpu.memref_slice %arg4[%add3A_74] : memref<160000xi32, #tpu.memory_space<hbm>> -> memref<40xi32, #tpu.memory_space<hbm>>
      tpu.enqueue_dma source(%dma_start3A_103 : memref<40xi32, #tpu.memory_space<hbm>>) target(%arg18 : memref<40xi32, #tpu.memory_space<vmem>>) target_semaphore(%run_scoped3A : memref<!tpu.dma_semaphore, #tpu.memory_space<semaphore_mem>>)
      %dma_wait3A_104 = tpu.memref_slice %arg4[%add3A_74] : memref<160000xi32, #tpu.memory_space<hbm>> -> memref<40xi32, #tpu.memory_space<hbm>>
      %dma_wait3A_105 = tpu.memref_slice %arg4[%add3A_74] : memref<160000xi32, #tpu.memory_space<hbm>> -> memref<40xi32, #tpu.memory_space<hbm>>
      tpu.wait_dma2 semaphore(%run_scoped3A : memref<!tpu.dma_semaphore, #tpu.memory_space<semaphore_mem>>) src(%dma_wait3A_105 : memref<40xi32, #tpu.memory_space<hbm>>) dst(%arg18 : memref<40xi32, #tpu.memory_space<vmem>>)
      tpu.yield
    }) : () -> ()
    "tpu.region"() ({
      %run_scoped3A = tpu.sem_alloc : memref<!tpu.dma_semaphore, #tpu.memory_space<semaphore_mem>>
      %dma_start3A_102 = tpu.memref_slice %arg5[%add3A_74] : memref<160000xi32, #tpu.memory_space<hbm>> -> memref<40xi32, #tpu.memory_space<hbm>>
      %dma_start3A_103 = tpu.memref_slice %arg5[%add3A_74] : memref<160000xi32, #tpu.memory_space<hbm>> -> memref<40xi32, #tpu.memory_space<hbm>>
      tpu.enqueue_dma source(%dma_start3A_103 : memref<40xi32, #tpu.memory_space<hbm>>) target(%arg19 : memref<40xi32, #tpu.memory_space<vmem>>) target_semaphore(%run_scoped3A : memref<!tpu.dma_semaphore, #tpu.memory_space<semaphore_mem>>)
      %dma_wait3A_104 = tpu.memref_slice %arg5[%add3A_74] : memref<160000xi32, #tpu.memory_space<hbm>> -> memref<40xi32, #tpu.memory_space<hbm>>
      %dma_wait3A_105 = tpu.memref_slice %arg5[%add3A_74] : memref<160000xi32, #tpu.memory_space<hbm>> -> memref<40xi32, #tpu.memory_space<hbm>>
      tpu.wait_dma2 semaphore(%run_scoped3A : memref<!tpu.dma_semaphore, #tpu.memory_space<semaphore_mem>>) src(%dma_wait3A_105 : memref<40xi32, #tpu.memory_space<hbm>>) dst(%arg19 : memref<40xi32, #tpu.memory_space<vmem>>)
      tpu.yield
    }) : () -> ()
    %eq3A_75 = arith.constant 0 : i32
    %eq3A_76 = arith.cmpi eq, %arg0, %eq3A_75 : i32
    %convert_element_type3A_77 = arith.extui %eq3A_76 : i1 to i32
    %cond3A_78 = arith.constant 0 : i32
    %cond3A_79 = arith.cmpi ne, %convert_element_type3A_77, %cond3A_78 : i32
    scf.if %cond3A_79 {
      %dma_start3A_102 = arith.constant 0 : i32
      %dma_start3A_103 = arith.constant 0 : i32
      %dma_start3A_104 = tpu.memref_slice %arg15[%dma_start3A_102, %dma_start3A_103] : memref<120x128xf32, #tpu.memory_space<vmem>> -> memref<40x128xf32, #tpu.memory_space<vmem>>
      %dma_start3A_105 = arith.constant 0 : i32
      %dma_start3A_106 = arith.constant 0 : i32
      %dma_start3A_107 = tpu.memref_slice %arg2[%dma_start3A_105, %dma_start3A_106] : memref<10240x128xf32, #tpu.memory_space<hbm>> -> memref<10240x128xf32, #tpu.memory_space<hbm>>
      tpu.enqueue_indirect_dma source(%dma_start3A_107 : memref<10240x128xf32, #tpu.memory_space<hbm>>) target(%dma_start3A_104 : memref<40x128xf32, #tpu.memory_space<vmem>>) offsets(%arg18 : memref<40xi32, #tpu.memory_space<vmem>>) semaphore(%arg26 : memref<!tpu.dma_semaphore, #tpu.memory_space<semaphore_mem>>)
    } else {
    }
    %eq3A_80 = arith.constant 1 : i32
    %eq3A_81 = arith.cmpi eq, %arg0, %eq3A_80 : i32
    %convert_element_type3A_82 = arith.extui %eq3A_81 : i1 to i32
    %cond3A_83 = arith.constant 0 : i32
    %cond3A_84 = arith.cmpi ne, %convert_element_type3A_82, %cond3A_83 : i32
    scf.if %cond3A_84 {
      %dma_start3A_102 = arith.constant 0 : i32
      %dma_start3A_103 = arith.constant 0 : i32
      %dma_start3A_104 = tpu.memref_slice %arg15[%dma_start3A_102, %dma_start3A_103] : memref<120x128xf32, #tpu.memory_space<vmem>> -> memref<40x128xf32, #tpu.memory_space<vmem>>
      %dma_start3A_105 = arith.constant 0 : i32
      %dma_start3A_106 = arith.constant 0 : i32
      %dma_start3A_107 = tpu.memref_slice %arg3[%dma_start3A_105, %dma_start3A_106] : memref<10240x128xf32, #tpu.memory_space<hbm>> -> memref<10240x128xf32, #tpu.memory_space<hbm>>
      tpu.enqueue_indirect_dma source(%dma_start3A_107 : memref<10240x128xf32, #tpu.memory_space<hbm>>) target(%dma_start3A_104 : memref<40x128xf32, #tpu.memory_space<vmem>>) offsets(%arg18 : memref<40xi32, #tpu.memory_space<vmem>>) semaphore(%arg26 : memref<!tpu.dma_semaphore, #tpu.memory_space<semaphore_mem>>)
    } else {
    }
    %dma_wait3A_85 = arith.constant 0 : i32
    %dma_wait3A_86 = arith.constant 0 : i32
    %dma_wait3A_87 = tpu.memref_slice %arg15[%dma_wait3A_85, %dma_wait3A_86] : memref<120x128xf32, #tpu.memory_space<vmem>> -> memref<40x128xf32, #tpu.memory_space<vmem>>
    %dma_wait3A_88 = arith.constant 0 : i32
    %dma_wait3A_89 = arith.constant 0 : i32
    %dma_wait3A_90 = tpu.memref_slice %arg2[%dma_wait3A_88, %dma_wait3A_89] : memref<10240x128xf32, #tpu.memory_space<hbm>> -> memref<10240x128xf32, #tpu.memory_space<hbm>>
    tpu.wait_indirect_dma semaphore(%arg26 : memref<!tpu.dma_semaphore, #tpu.memory_space<semaphore_mem>>) src(%dma_wait3A_90 : memref<10240x128xf32, #tpu.memory_space<hbm>>) dst(%dma_wait3A_87 : memref<40x128xf32, #tpu.memory_space<vmem>>)
    "tpu.region"() ({
      %run_scoped3A = tpu.sem_alloc : memref<!tpu.dma_semaphore, #tpu.memory_space<semaphore_mem>>
      %dma_start3A_102 = arith.constant 0 : i32
      %dma_start3A_103 = arith.constant 0 : i32
      %dma_start3A_104 = tpu.memref_slice %arg15[%dma_start3A_102, %dma_start3A_103] : memref<120x128xf32, #tpu.memory_space<vmem>> -> memref<40x128xf32, #tpu.memory_space<vmem>>
      %dma_start3A_105 = arith.constant 0 : i32
      %dma_start3A_106 = arith.constant 0 : i32
      %dma_start3A_107 = tpu.memref_slice %arg8[%dma_start3A_105, %dma_start3A_106] : memref<10240x128xf32, #tpu.memory_space<vmem_shared>> -> memref<10240x128xf32, #tpu.memory_space<vmem_shared>>
      tpu.enqueue_indirect_dma source(%dma_start3A_104 : memref<40x128xf32, #tpu.memory_space<vmem>>) target(%dma_start3A_107 : memref<10240x128xf32, #tpu.memory_space<vmem_shared>>) offsets(%arg19 : memref<40xi32, #tpu.memory_space<vmem>>) semaphore(%run_scoped3A : memref<!tpu.dma_semaphore, #tpu.memory_space<semaphore_mem>>) {add = true}
      %dma_wait3A_108 = arith.constant 0 : i32
      %dma_wait3A_109 = arith.constant 0 : i32
      %dma_wait3A_110 = tpu.memref_slice %arg15[%dma_wait3A_108, %dma_wait3A_109] : memref<120x128xf32, #tpu.memory_space<vmem>> -> memref<40x128xf32, #tpu.memory_space<vmem>>
      %dma_wait3A_111 = arith.constant 0 : i32
      %dma_wait3A_112 = arith.constant 0 : i32
      %dma_wait3A_113 = tpu.memref_slice %arg8[%dma_wait3A_111, %dma_wait3A_112] : memref<10240x128xf32, #tpu.memory_space<vmem_shared>> -> memref<10240x128xf32, #tpu.memory_space<vmem_shared>>
      tpu.wait_indirect_dma semaphore(%run_scoped3A : memref<!tpu.dma_semaphore, #tpu.memory_space<semaphore_mem>>) src(%dma_wait3A_110 : memref<40x128xf32, #tpu.memory_space<vmem>>) dst(%dma_wait3A_113 : memref<10240x128xf32, #tpu.memory_space<vmem_shared>>)
      tpu.yield
    }) : () -> ()
    %barrier3A_91 = arith.constant 0 : index
    tpu.barrier barrier_id(%barrier3A_91)
    %eq3A_92 = arith.constant 0 : i32
    %eq3A_93 = arith.cmpi eq, %arg0, %eq3A_92 : i32
    %convert_element_type3A_94 = arith.extui %eq3A_93 : i1 to i32
    %cond3A_95 = arith.constant 0 : i32
    %cond3A_96 = arith.cmpi ne, %convert_element_type3A_94, %cond3A_95 : i32
    scf.if %cond3A_96 {
      "tpu.region"() ({
        %run_scoped3A = tpu.sem_alloc : memref<!tpu.dma_semaphore, #tpu.memory_space<semaphore_mem>>
        %dma_start3A_102 = arith.constant 0 : i32
        %dma_start3A_103 = tpu.memref_slice %arg6[%mul3A_0, %dma_start3A_102] : memref<10240x128xf32, #tpu.memory_space<hbm>> -> memref<640x128xf32, #tpu.memory_space<hbm>>
        %dma_start3A_104 = arith.constant 0 : i32
        %dma_start3A_105 = tpu.memref_slice %arg8[%mul3A_0, %dma_start3A_104] : memref<10240x128xf32, #tpu.memory_space<vmem_shared>> -> memref<640x128xf32, #tpu.memory_space<vmem_shared>>
        tpu.enqueue_dma source(%dma_start3A_105 : memref<640x128xf32, #tpu.memory_space<vmem_shared>>) target(%dma_start3A_103 : memref<640x128xf32, #tpu.memory_space<hbm>>) target_semaphore(%run_scoped3A : memref<!tpu.dma_semaphore, #tpu.memory_space<semaphore_mem>>)
        %dma_wait3A_106 = arith.constant 0 : i32
        %dma_wait3A_107 = tpu.memref_slice %arg6[%mul3A_0, %dma_wait3A_106] : memref<10240x128xf32, #tpu.memory_space<hbm>> -> memref<640x128xf32, #tpu.memory_space<hbm>>
        %dma_wait3A_108 = arith.constant 0 : i32
        %dma_wait3A_109 = tpu.memref_slice %arg8[%mul3A_0, %dma_wait3A_108] : memref<10240x128xf32, #tpu.memory_space<vmem_shared>> -> memref<640x128xf32, #tpu.memory_space<vmem_shared>>
        tpu.wait_dma2 semaphore(%run_scoped3A : memref<!tpu.dma_semaphore, #tpu.memory_space<semaphore_mem>>) src(%dma_wait3A_109 : memref<640x128xf32, #tpu.memory_space<vmem_shared>>) dst(%dma_wait3A_107 : memref<640x128xf32, #tpu.memory_space<hbm>>)
        tpu.yield
      }) : () -> ()
    } else {
    }
    %eq3A_97 = arith.constant 1 : i32
    %eq3A_98 = arith.cmpi eq, %arg0, %eq3A_97 : i32
    %convert_element_type3A_99 = arith.extui %eq3A_98 : i1 to i32
    %cond3A_100 = arith.constant 0 : i32
    %cond3A_101 = arith.cmpi ne, %convert_element_type3A_99, %cond3A_100 : i32
    scf.if %cond3A_101 {
      "tpu.region"() ({
        %run_scoped3A = tpu.sem_alloc : memref<!tpu.dma_semaphore, #tpu.memory_space<semaphore_mem>>
        %dma_start3A_102 = arith.constant 0 : i32
        %dma_start3A_103 = tpu.memref_slice %arg7[%mul3A_0, %dma_start3A_102] : memref<10240x128xf32, #tpu.memory_space<hbm>> -> memref<640x128xf32, #tpu.memory_space<hbm>>
        %dma_start3A_104 = arith.constant 0 : i32
        %dma_start3A_105 = tpu.memref_slice %arg8[%mul3A_0, %dma_start3A_104] : memref<10240x128xf32, #tpu.memory_space<vmem_shared>> -> memref<640x128xf32, #tpu.memory_space<vmem_shared>>
        tpu.enqueue_dma source(%dma_start3A_105 : memref<640x128xf32, #tpu.memory_space<vmem_shared>>) target(%dma_start3A_103 : memref<640x128xf32, #tpu.memory_space<hbm>>) target_semaphore(%run_scoped3A : memref<!tpu.dma_semaphore, #tpu.memory_space<semaphore_mem>>)
        %dma_wait3A_106 = arith.constant 0 : i32
        %dma_wait3A_107 = tpu.memref_slice %arg7[%mul3A_0, %dma_wait3A_106] : memref<10240x128xf32, #tpu.memory_space<hbm>> -> memref<640x128xf32, #tpu.memory_space<hbm>>
        %dma_wait3A_108 = arith.constant 0 : i32
        %dma_wait3A_109 = tpu.memref_slice %arg8[%mul3A_0, %dma_wait3A_108] : memref<10240x128xf32, #tpu.memory_space<vmem_shared>> -> memref<640x128xf32, #tpu.memory_space<vmem_shared>>
        tpu.wait_dma2 semaphore(%run_scoped3A : memref<!tpu.dma_semaphore, #tpu.memory_space<semaphore_mem>>) src(%dma_wait3A_109 : memref<640x128xf32, #tpu.memory_space<vmem_shared>>) dst(%dma_wait3A_107 : memref<640x128xf32, #tpu.memory_space<hbm>>)
        tpu.yield
      }) : () -> ()
    } else {
    }
    return
  }
}

#map = affine_map<(d0, d1) -> (0, 0)>
#map1 = affine_map<(d0, d1) -> (0)>
module attributes {stable_mosaic.version = 14 : i64} {
  func.func @_agg_body(%arg0: i32, %arg1: i32, %arg2: memref<10240x128xf32, #tpu.memory_space<hbm>>, %arg3: memref<10240x128xf32, #tpu.memory_space<hbm>>, %arg4: memref<160000xi32, #tpu.memory_space<hbm>>, %arg5: memref<160000xi32, #tpu.memory_space<hbm>>, %arg6: memref<10240x128xf32, #tpu.memory_space<hbm>>, %arg7: memref<10240x128xf32, #tpu.memory_space<hbm>>, %arg8: memref<10240x128xf32, #tpu.memory_space<vmem_shared>>, %arg9: memref<120xi32, #tpu.memory_space<vmem>>, %arg10: memref<120xi32, #tpu.memory_space<vmem>>, %arg11: memref<120xi32, #tpu.memory_space<vmem>>, %arg12: memref<120xi32, #tpu.memory_space<vmem>>, %arg13: memref<120xi32, #tpu.memory_space<vmem>>, %arg14: memref<120xi32, #tpu.memory_space<vmem>>, %arg15: memref<120x128xf32, #tpu.memory_space<vmem>>, %arg16: memref<120x128xf32, #tpu.memory_space<vmem>>, %arg17: memref<120x128xf32, #tpu.memory_space<vmem>>, %arg18: memref<40xi32, #tpu.memory_space<vmem>>, %arg19: memref<40xi32, #tpu.memory_space<vmem>>, %arg20: memref<!tpu.dma_semaphore, #tpu.memory_space<semaphore_mem>>, %arg21: memref<!tpu.dma_semaphore, #tpu.memory_space<semaphore_mem>>, %arg22: memref<!tpu.dma_semaphore, #tpu.memory_space<semaphore_mem>>, %arg23: memref<!tpu.dma_semaphore, #tpu.memory_space<semaphore_mem>>, %arg24: memref<!tpu.dma_semaphore, #tpu.memory_space<semaphore_mem>>, %arg25: memref<!tpu.dma_semaphore, #tpu.memory_space<semaphore_mem>>, %arg26: memref<!tpu.dma_semaphore, #tpu.memory_space<semaphore_mem>>, %arg27: memref<!tpu.dma_semaphore, #tpu.memory_space<semaphore_mem>>, %arg28: memref<!tpu.dma_semaphore, #tpu.memory_space<semaphore_mem>>, %arg29: memref<!tpu.dma_semaphore, #tpu.memory_space<semaphore_mem>>, %arg30: memref<!tpu.dma_semaphore, #tpu.memory_space<semaphore_mem>>, %arg31: memref<!tpu.dma_semaphore, #tpu.memory_space<semaphore_mem>>) attributes {dimension_semantics = [#tpu.dimension_semantics<core_parallel>, #tpu.dimension_semantics<subcore_parallel>], iteration_bounds = array<i64: 2, 16>, scalar_prefetch = 0 : i64, scratch_operands = 24 : i64, tpu.core_type = #tpu.core_type<sc_vector_subcore>, window_params = [{transform_indices = #map}, {transform_indices = #map}, {transform_indices = #map1}, {transform_indices = #map1}, {transform_indices = #map}, {transform_indices = #map}]} {
    %mul3A = arith.constant 640 : i32
    %mul3A_0 = arith.muli %arg1, %mul3A : i32
    %mul3A_1 = arith.constant 10000 : i32
    %mul3A_2 = arith.muli %arg1, %mul3A_1 : i32
    %add3A = arith.constant 0 : i32
    %add3A_3 = arith.addi %mul3A_2, %add3A : i32
    %multiple_of3A = tpu.assume_multiple %add3A_3, 8 : i32
    %dma_start3A = tpu.memref_slice %arg4[%multiple_of3A] : memref<160000xi32, #tpu.memory_space<hbm>> -> memref<120xi32, #tpu.memory_space<hbm>>
    %dma_start3A_4 = tpu.memref_slice %arg4[%multiple_of3A] : memref<160000xi32, #tpu.memory_space<hbm>> -> memref<120xi32, #tpu.memory_space<hbm>>
    tpu.enqueue_dma source(%dma_start3A_4 : memref<120xi32, #tpu.memory_space<hbm>>) target(%arg9 : memref<120xi32, #tpu.memory_space<vmem>>) target_semaphore(%arg20 : memref<!tpu.dma_semaphore, #tpu.memory_space<semaphore_mem>>)
    %add3A_5 = arith.constant 120 : i32
    %add3A_6 = arith.addi %mul3A_2, %add3A_5 : i32
    %multiple_of3A_7 = tpu.assume_multiple %add3A_6, 8 : i32
    %dma_start3A_8 = tpu.memref_slice %arg4[%multiple_of3A_7] : memref<160000xi32, #tpu.memory_space<hbm>> -> memref<120xi32, #tpu.memory_space<hbm>>
    %dma_start3A_9 = tpu.memref_slice %arg4[%multiple_of3A_7] : memref<160000xi32, #tpu.memory_space<hbm>> -> memref<120xi32, #tpu.memory_space<hbm>>
    tpu.enqueue_dma source(%dma_start3A_9 : memref<120xi32, #tpu.memory_space<hbm>>) target(%arg10 : memref<120xi32, #tpu.memory_space<vmem>>) target_semaphore(%arg21 : memref<!tpu.dma_semaphore, #tpu.memory_space<semaphore_mem>>)
    %add3A_10 = arith.constant 240 : i32
    %add3A_11 = arith.addi %mul3A_2, %add3A_10 : i32
    %multiple_of3A_12 = tpu.assume_multiple %add3A_11, 8 : i32
    %dma_start3A_13 = tpu.memref_slice %arg4[%multiple_of3A_12] : memref<160000xi32, #tpu.memory_space<hbm>> -> memref<120xi32, #tpu.memory_space<hbm>>
    %dma_start3A_14 = tpu.memref_slice %arg4[%multiple_of3A_12] : memref<160000xi32, #tpu.memory_space<hbm>> -> memref<120xi32, #tpu.memory_space<hbm>>
    tpu.enqueue_dma source(%dma_start3A_14 : memref<120xi32, #tpu.memory_space<hbm>>) target(%arg11 : memref<120xi32, #tpu.memory_space<vmem>>) target_semaphore(%arg22 : memref<!tpu.dma_semaphore, #tpu.memory_space<semaphore_mem>>)
    %add3A_15 = arith.constant 0 : i32
    %add3A_16 = arith.addi %mul3A_2, %add3A_15 : i32
    %multiple_of3A_17 = tpu.assume_multiple %add3A_16, 8 : i32
    %dma_start3A_18 = tpu.memref_slice %arg5[%multiple_of3A_17] : memref<160000xi32, #tpu.memory_space<hbm>> -> memref<120xi32, #tpu.memory_space<hbm>>
    %dma_start3A_19 = tpu.memref_slice %arg5[%multiple_of3A_17] : memref<160000xi32, #tpu.memory_space<hbm>> -> memref<120xi32, #tpu.memory_space<hbm>>
    tpu.enqueue_dma source(%dma_start3A_19 : memref<120xi32, #tpu.memory_space<hbm>>) target(%arg12 : memref<120xi32, #tpu.memory_space<vmem>>) target_semaphore(%arg23 : memref<!tpu.dma_semaphore, #tpu.memory_space<semaphore_mem>>)
    %add3A_20 = arith.constant 120 : i32
    %add3A_21 = arith.addi %mul3A_2, %add3A_20 : i32
    %multiple_of3A_22 = tpu.assume_multiple %add3A_21, 8 : i32
    %dma_start3A_23 = tpu.memref_slice %arg5[%multiple_of3A_22] : memref<160000xi32, #tpu.memory_space<hbm>> -> memref<120xi32, #tpu.memory_space<hbm>>
    %dma_start3A_24 = tpu.memref_slice %arg5[%multiple_of3A_22] : memref<160000xi32, #tpu.memory_space<hbm>> -> memref<120xi32, #tpu.memory_space<hbm>>
    tpu.enqueue_dma source(%dma_start3A_24 : memref<120xi32, #tpu.memory_space<hbm>>) target(%arg13 : memref<120xi32, #tpu.memory_space<vmem>>) target_semaphore(%arg24 : memref<!tpu.dma_semaphore, #tpu.memory_space<semaphore_mem>>)
    %dma_wait3A = arith.constant 0 : i32
    %dma_wait3A_25 = tpu.memref_slice %arg4[%dma_wait3A] : memref<160000xi32, #tpu.memory_space<hbm>> -> memref<120xi32, #tpu.memory_space<hbm>>
    %dma_wait3A_26 = arith.constant 0 : i32
    %dma_wait3A_27 = tpu.memref_slice %arg4[%dma_wait3A_26] : memref<160000xi32, #tpu.memory_space<hbm>> -> memref<120xi32, #tpu.memory_space<hbm>>
    tpu.wait_dma2 semaphore(%arg20 : memref<!tpu.dma_semaphore, #tpu.memory_space<semaphore_mem>>) src(%dma_wait3A_27 : memref<120xi32, #tpu.memory_space<hbm>>) dst(%arg9 : memref<120xi32, #tpu.memory_space<vmem>>)
    %eq3A = arith.constant 0 : i32
    %eq3A_28 = arith.cmpi eq, %arg0, %eq3A : i32
    %convert_element_type3A = arith.extui %eq3A_28 : i1 to i32
    %cond3A = arith.constant 0 : i32
    %cond3A_29 = arith.cmpi ne, %convert_element_type3A, %cond3A : i32
    scf.if %cond3A_29 {
      %dma_start3A_102 = arith.constant 0 : i32
      %dma_start3A_103 = arith.constant 0 : i32
      %dma_start3A_104 = tpu.memref_slice %arg2[%dma_start3A_102, %dma_start3A_103] : memref<10240x128xf32, #tpu.memory_space<hbm>> -> memref<10240x128xf32, #tpu.memory_space<hbm>>
      tpu.enqueue_indirect_dma source(%dma_start3A_104 : memref<10240x128xf32, #tpu.memory_space<hbm>>) target(%arg15 : memref<120x128xf32, #tpu.memory_space<vmem>>) offsets(%arg9 : memref<120xi32, #tpu.memory_space<vmem>>) semaphore(%arg26 : memref<!tpu.dma_semaphore, #tpu.memory_space<semaphore_mem>>)
    } else {
    }
    %eq3A_30 = arith.constant 1 : i32
    %eq3A_31 = arith.cmpi eq, %arg0, %eq3A_30 : i32
    %convert_element_type3A_32 = arith.extui %eq3A_31 : i1 to i32
    %cond3A_33 = arith.constant 0 : i32
    %cond3A_34 = arith.cmpi ne, %convert_element_type3A_32, %cond3A_33 : i32
    scf.if %cond3A_34 {
      %dma_start3A_102 = arith.constant 0 : i32
      %dma_start3A_103 = arith.constant 0 : i32
      %dma_start3A_104 = tpu.memref_slice %arg3[%dma_start3A_102, %dma_start3A_103] : memref<10240x128xf32, #tpu.memory_space<hbm>> -> memref<10240x128xf32, #tpu.memory_space<hbm>>
      tpu.enqueue_indirect_dma source(%dma_start3A_104 : memref<10240x128xf32, #tpu.memory_space<hbm>>) target(%arg15 : memref<120x128xf32, #tpu.memory_space<vmem>>) offsets(%arg9 : memref<120xi32, #tpu.memory_space<vmem>>) semaphore(%arg26 : memref<!tpu.dma_semaphore, #tpu.memory_space<semaphore_mem>>)
    } else {
    }
    %dma_wait3A_35 = arith.constant 0 : i32
    %dma_wait3A_36 = tpu.memref_slice %arg4[%dma_wait3A_35] : memref<160000xi32, #tpu.memory_space<hbm>> -> memref<120xi32, #tpu.memory_space<hbm>>
    %dma_wait3A_37 = arith.constant 0 : i32
    %dma_wait3A_38 = tpu.memref_slice %arg4[%dma_wait3A_37] : memref<160000xi32, #tpu.memory_space<hbm>> -> memref<120xi32, #tpu.memory_space<hbm>>
    tpu.wait_dma2 semaphore(%arg21 : memref<!tpu.dma_semaphore, #tpu.memory_space<semaphore_mem>>) src(%dma_wait3A_38 : memref<120xi32, #tpu.memory_space<hbm>>) dst(%arg10 : memref<120xi32, #tpu.memory_space<vmem>>)
    %eq3A_39 = arith.constant 0 : i32
    %eq3A_40 = arith.cmpi eq, %arg0, %eq3A_39 : i32
    %convert_element_type3A_41 = arith.extui %eq3A_40 : i1 to i32
    %cond3A_42 = arith.constant 0 : i32
    %cond3A_43 = arith.cmpi ne, %convert_element_type3A_41, %cond3A_42 : i32
    scf.if %cond3A_43 {
      %dma_start3A_102 = arith.constant 0 : i32
      %dma_start3A_103 = arith.constant 0 : i32
      %dma_start3A_104 = tpu.memref_slice %arg2[%dma_start3A_102, %dma_start3A_103] : memref<10240x128xf32, #tpu.memory_space<hbm>> -> memref<10240x128xf32, #tpu.memory_space<hbm>>
      tpu.enqueue_indirect_dma source(%dma_start3A_104 : memref<10240x128xf32, #tpu.memory_space<hbm>>) target(%arg16 : memref<120x128xf32, #tpu.memory_space<vmem>>) offsets(%arg10 : memref<120xi32, #tpu.memory_space<vmem>>) semaphore(%arg27 : memref<!tpu.dma_semaphore, #tpu.memory_space<semaphore_mem>>)
    } else {
    }
    %eq3A_44 = arith.constant 1 : i32
    %eq3A_45 = arith.cmpi eq, %arg0, %eq3A_44 : i32
    %convert_element_type3A_46 = arith.extui %eq3A_45 : i1 to i32
    %cond3A_47 = arith.constant 0 : i32
    %cond3A_48 = arith.cmpi ne, %convert_element_type3A_46, %cond3A_47 : i32
    scf.if %cond3A_48 {
      %dma_start3A_102 = arith.constant 0 : i32
      %dma_start3A_103 = arith.constant 0 : i32
      %dma_start3A_104 = tpu.memref_slice %arg3[%dma_start3A_102, %dma_start3A_103] : memref<10240x128xf32, #tpu.memory_space<hbm>> -> memref<10240x128xf32, #tpu.memory_space<hbm>>
      tpu.enqueue_indirect_dma source(%dma_start3A_104 : memref<10240x128xf32, #tpu.memory_space<hbm>>) target(%arg16 : memref<120x128xf32, #tpu.memory_space<vmem>>) offsets(%arg10 : memref<120xi32, #tpu.memory_space<vmem>>) semaphore(%arg27 : memref<!tpu.dma_semaphore, #tpu.memory_space<semaphore_mem>>)
    } else {
    }
    %eq3A_49 = arith.constant 0 : i32
    %eq3A_50 = arith.cmpi eq, %arg0, %eq3A_49 : i32
    %convert_element_type3A_51 = arith.extui %eq3A_50 : i1 to i32
    %cond3A_52 = arith.constant 0 : i32
    %cond3A_53 = arith.cmpi ne, %convert_element_type3A_51, %cond3A_52 : i32
    scf.if %cond3A_53 {
      "tpu.region"() ({
        %run_scoped3A = tpu.sem_alloc : memref<!tpu.dma_semaphore, #tpu.memory_space<semaphore_mem>>
        %dma_start3A_102 = arith.constant 0 : i32
        %dma_start3A_103 = tpu.memref_slice %arg8[%mul3A_0, %dma_start3A_102] : memref<10240x128xf32, #tpu.memory_space<vmem_shared>> -> memref<640x128xf32, #tpu.memory_space<vmem_shared>>
        %dma_start3A_104 = arith.constant 0 : i32
        %dma_start3A_105 = tpu.memref_slice %arg2[%mul3A_0, %dma_start3A_104] : memref<10240x128xf32, #tpu.memory_space<hbm>> -> memref<640x128xf32, #tpu.memory_space<hbm>>
        tpu.enqueue_dma source(%dma_start3A_105 : memref<640x128xf32, #tpu.memory_space<hbm>>) target(%dma_start3A_103 : memref<640x128xf32, #tpu.memory_space<vmem_shared>>) target_semaphore(%run_scoped3A : memref<!tpu.dma_semaphore, #tpu.memory_space<semaphore_mem>>)
        %dma_wait3A_106 = arith.constant 0 : i32
        %dma_wait3A_107 = tpu.memref_slice %arg8[%mul3A_0, %dma_wait3A_106] : memref<10240x128xf32, #tpu.memory_space<vmem_shared>> -> memref<640x128xf32, #tpu.memory_space<vmem_shared>>
        %dma_wait3A_108 = arith.constant 0 : i32
        %dma_wait3A_109 = tpu.memref_slice %arg2[%mul3A_0, %dma_wait3A_108] : memref<10240x128xf32, #tpu.memory_space<hbm>> -> memref<640x128xf32, #tpu.memory_space<hbm>>
        tpu.wait_dma2 semaphore(%run_scoped3A : memref<!tpu.dma_semaphore, #tpu.memory_space<semaphore_mem>>) src(%dma_wait3A_109 : memref<640x128xf32, #tpu.memory_space<hbm>>) dst(%dma_wait3A_107 : memref<640x128xf32, #tpu.memory_space<vmem_shared>>)
        tpu.yield
      }) : () -> ()
    } else {
    }
    %eq3A_54 = arith.constant 1 : i32
    %eq3A_55 = arith.cmpi eq, %arg0, %eq3A_54 : i32
    %convert_element_type3A_56 = arith.extui %eq3A_55 : i1 to i32
    %cond3A_57 = arith.constant 0 : i32
    %cond3A_58 = arith.cmpi ne, %convert_element_type3A_56, %cond3A_57 : i32
    scf.if %cond3A_58 {
      "tpu.region"() ({
        %run_scoped3A = tpu.sem_alloc : memref<!tpu.dma_semaphore, #tpu.memory_space<semaphore_mem>>
        %dma_start3A_102 = arith.constant 0 : i32
        %dma_start3A_103 = tpu.memref_slice %arg8[%mul3A_0, %dma_start3A_102] : memref<10240x128xf32, #tpu.memory_space<vmem_shared>> -> memref<640x128xf32, #tpu.memory_space<vmem_shared>>
        %dma_start3A_104 = arith.constant 0 : i32
        %dma_start3A_105 = tpu.memref_slice %arg3[%mul3A_0, %dma_start3A_104] : memref<10240x128xf32, #tpu.memory_space<hbm>> -> memref<640x128xf32, #tpu.memory_space<hbm>>
        tpu.enqueue_dma source(%dma_start3A_105 : memref<640x128xf32, #tpu.memory_space<hbm>>) target(%dma_start3A_103 : memref<640x128xf32, #tpu.memory_space<vmem_shared>>) target_semaphore(%run_scoped3A : memref<!tpu.dma_semaphore, #tpu.memory_space<semaphore_mem>>)
        %dma_wait3A_106 = arith.constant 0 : i32
        %dma_wait3A_107 = tpu.memref_slice %arg8[%mul3A_0, %dma_wait3A_106] : memref<10240x128xf32, #tpu.memory_space<vmem_shared>> -> memref<640x128xf32, #tpu.memory_space<vmem_shared>>
        %dma_wait3A_108 = arith.constant 0 : i32
        %dma_wait3A_109 = tpu.memref_slice %arg3[%mul3A_0, %dma_wait3A_108] : memref<10240x128xf32, #tpu.memory_space<hbm>> -> memref<640x128xf32, #tpu.memory_space<hbm>>
        tpu.wait_dma2 semaphore(%run_scoped3A : memref<!tpu.dma_semaphore, #tpu.memory_space<semaphore_mem>>) src(%dma_wait3A_109 : memref<640x128xf32, #tpu.memory_space<hbm>>) dst(%dma_wait3A_107 : memref<640x128xf32, #tpu.memory_space<vmem_shared>>)
        tpu.yield
      }) : () -> ()
    } else {
    }
    %barrier3A = arith.constant 0 : index
    tpu.barrier barrier_id(%barrier3A)
    %scan3A = arith.constant 0 : i32
    %scan3A_59 = arith.constant 0 : i32
    %scan3A_60 = arith.constant 28 : i32
    %scan3A_61 = arith.addi %scan3A_59, %scan3A_60 : i32
    %scan3A_62 = arith.constant 1 : i32
    scf.for %scan3A_102 = %scan3A_59 to %scan3A_61 step %scan3A_62  : i32 {
      %mul3A_103 = arith.constant 3 : i32
      %mul3A_104 = arith.muli %mul3A_103, %scan3A_102 : i32
      %add3A_105 = arith.constant 0 : i32
      %add3A_106 = arith.addi %mul3A_104, %add3A_105 : i32
      %lt3A = arith.constant 83 : i32
      %lt3A_107 = arith.cmpi slt, %add3A_106, %lt3A : i32
      %convert_element_type3A_108 = arith.extui %lt3A_107 : i1 to i32
      %cond3A_109 = arith.constant 0 : i32
      %cond3A_110 = arith.cmpi ne, %convert_element_type3A_108, %cond3A_109 : i32
      scf.if %cond3A_110 {
        %dma_wait3A_214 = arith.constant 0 : i32
        %dma_wait3A_215 = arith.constant 0 : i32
        %dma_wait3A_216 = tpu.memref_slice %arg2[%dma_wait3A_214, %dma_wait3A_215] : memref<10240x128xf32, #tpu.memory_space<hbm>> -> memref<10240x128xf32, #tpu.memory_space<hbm>>
        tpu.wait_indirect_dma semaphore(%arg26 : memref<!tpu.dma_semaphore, #tpu.memory_space<semaphore_mem>>) src(%dma_wait3A_216 : memref<10240x128xf32, #tpu.memory_space<hbm>>) dst(%arg15 : memref<120x128xf32, #tpu.memory_space<vmem>>)
      } else {
      }
      %ge3A = arith.constant 1 : i32
      %ge3A_111 = arith.cmpi sge, %add3A_106, %ge3A : i32
      %add3A_112 = arith.constant 2 : i32
      %add3A_113 = arith.addi %add3A_106, %add3A_112 : i32
      %lt3A_114 = arith.constant 83 : i32
      %lt3A_115 = arith.cmpi slt, %add3A_113, %lt3A_114 : i32
      %and3A = arith.andi %ge3A_111, %lt3A_115 : i1
      %convert_element_type3A_116 = arith.extui %and3A : i1 to i32
      %cond3A_117 = arith.constant 0 : i32
      %cond3A_118 = arith.cmpi ne, %convert_element_type3A_116, %cond3A_117 : i32
      scf.if %cond3A_118 {
        %dma_wait3A_214 = arith.constant 0 : i32
        %dma_wait3A_215 = arith.constant 0 : i32
        %dma_wait3A_216 = tpu.memref_slice %arg8[%dma_wait3A_214, %dma_wait3A_215] : memref<10240x128xf32, #tpu.memory_space<vmem_shared>> -> memref<10240x128xf32, #tpu.memory_space<vmem_shared>>
        tpu.wait_indirect_dma semaphore(%arg31 : memref<!tpu.dma_semaphore, #tpu.memory_space<semaphore_mem>>) src(%arg17 : memref<120x128xf32, #tpu.memory_space<vmem>>) dst(%dma_wait3A_216 : memref<10240x128xf32, #tpu.memory_space<vmem_shared>>)
      } else {
      }
      %add3A_119 = arith.constant 2 : i32
      %add3A_120 = arith.addi %add3A_106, %add3A_119 : i32
      %lt3A_121 = arith.constant 83 : i32
      %lt3A_122 = arith.cmpi slt, %add3A_120, %lt3A_121 : i32
      %convert_element_type3A_123 = arith.extui %lt3A_122 : i1 to i32
      %cond3A_124 = arith.constant 0 : i32
      %cond3A_125 = arith.cmpi ne, %convert_element_type3A_123, %cond3A_124 : i32
      scf.if %cond3A_125 {
        %add3A_214 = arith.constant 2 : i32
        %add3A_215 = arith.addi %add3A_106, %add3A_214 : i32
        %mul3A_216 = arith.constant 120 : i32
        %mul3A_217 = arith.muli %add3A_215, %mul3A_216 : i32
        %add3A_218 = arith.addi %mul3A_2, %mul3A_217 : i32
        %multiple_of3A_219 = tpu.assume_multiple %add3A_218, 8 : i32
        %dma_start3A_220 = tpu.memref_slice %arg5[%multiple_of3A_219] : memref<160000xi32, #tpu.memory_space<hbm>> -> memref<120xi32, #tpu.memory_space<hbm>>
        %dma_start3A_221 = tpu.memref_slice %arg5[%multiple_of3A_219] : memref<160000xi32, #tpu.memory_space<hbm>> -> memref<120xi32, #tpu.memory_space<hbm>>
        tpu.enqueue_dma source(%dma_start3A_221 : memref<120xi32, #tpu.memory_space<hbm>>) target(%arg14 : memref<120xi32, #tpu.memory_space<vmem>>) target_semaphore(%arg25 : memref<!tpu.dma_semaphore, #tpu.memory_space<semaphore_mem>>)
        %dma_wait3A_222 = arith.constant 0 : i32
        %dma_wait3A_223 = tpu.memref_slice %arg4[%dma_wait3A_222] : memref<160000xi32, #tpu.memory_space<hbm>> -> memref<120xi32, #tpu.memory_space<hbm>>
        %dma_wait3A_224 = arith.constant 0 : i32
        %dma_wait3A_225 = tpu.memref_slice %arg4[%dma_wait3A_224] : memref<160000xi32, #tpu.memory_space<hbm>> -> memref<120xi32, #tpu.memory_space<hbm>>
        tpu.wait_dma2 semaphore(%arg22 : memref<!tpu.dma_semaphore, #tpu.memory_space<semaphore_mem>>) src(%dma_wait3A_225 : memref<120xi32, #tpu.memory_space<hbm>>) dst(%arg11 : memref<120xi32, #tpu.memory_space<vmem>>)
        %eq3A_226 = arith.constant 0 : i32
        %eq3A_227 = arith.cmpi eq, %arg0, %eq3A_226 : i32
        %convert_element_type3A_228 = arith.extui %eq3A_227 : i1 to i32
        %cond3A_229 = arith.constant 0 : i32
        %cond3A_230 = arith.cmpi ne, %convert_element_type3A_228, %cond3A_229 : i32
        scf.if %cond3A_230 {
          %dma_start3A_236 = arith.constant 0 : i32
          %dma_start3A_237 = arith.constant 0 : i32
          %dma_start3A_238 = tpu.memref_slice %arg2[%dma_start3A_236, %dma_start3A_237] : memref<10240x128xf32, #tpu.memory_space<hbm>> -> memref<10240x128xf32, #tpu.memory_space<hbm>>
          tpu.enqueue_indirect_dma source(%dma_start3A_238 : memref<10240x128xf32, #tpu.memory_space<hbm>>) target(%arg17 : memref<120x128xf32, #tpu.memory_space<vmem>>) offsets(%arg11 : memref<120xi32, #tpu.memory_space<vmem>>) semaphore(%arg28 : memref<!tpu.dma_semaphore, #tpu.memory_space<semaphore_mem>>)
        } else {
        }
        %eq3A_231 = arith.constant 1 : i32
        %eq3A_232 = arith.cmpi eq, %arg0, %eq3A_231 : i32
        %convert_element_type3A_233 = arith.extui %eq3A_232 : i1 to i32
        %cond3A_234 = arith.constant 0 : i32
        %cond3A_235 = arith.cmpi ne, %convert_element_type3A_233, %cond3A_234 : i32
        scf.if %cond3A_235 {
          %dma_start3A_236 = arith.constant 0 : i32
          %dma_start3A_237 = arith.constant 0 : i32
          %dma_start3A_238 = tpu.memref_slice %arg3[%dma_start3A_236, %dma_start3A_237] : memref<10240x128xf32, #tpu.memory_space<hbm>> -> memref<10240x128xf32, #tpu.memory_space<hbm>>
          tpu.enqueue_indirect_dma source(%dma_start3A_238 : memref<10240x128xf32, #tpu.memory_space<hbm>>) target(%arg17 : memref<120x128xf32, #tpu.memory_space<vmem>>) offsets(%arg11 : memref<120xi32, #tpu.memory_space<vmem>>) semaphore(%arg28 : memref<!tpu.dma_semaphore, #tpu.memory_space<semaphore_mem>>)
        } else {
        }
      } else {
      }
      %add3A_126 = arith.constant 3 : i32
      %add3A_127 = arith.addi %add3A_106, %add3A_126 : i32
      %lt3A_128 = arith.constant 83 : i32
      %lt3A_129 = arith.cmpi slt, %add3A_127, %lt3A_128 : i32
      %convert_element_type3A_130 = arith.extui %lt3A_129 : i1 to i32
      %cond3A_131 = arith.constant 0 : i32
      %cond3A_132 = arith.cmpi ne, %convert_element_type3A_130, %cond3A_131 : i32
      scf.if %cond3A_132 {
        %add3A_214 = arith.constant 3 : i32
        %add3A_215 = arith.addi %add3A_106, %add3A_214 : i32
        %mul3A_216 = arith.constant 120 : i32
        %mul3A_217 = arith.muli %add3A_215, %mul3A_216 : i32
        %add3A_218 = arith.addi %mul3A_2, %mul3A_217 : i32
        %multiple_of3A_219 = tpu.assume_multiple %add3A_218, 8 : i32
        %dma_start3A_220 = tpu.memref_slice %arg4[%multiple_of3A_219] : memref<160000xi32, #tpu.memory_space<hbm>> -> memref<120xi32, #tpu.memory_space<hbm>>
        %dma_start3A_221 = tpu.memref_slice %arg4[%multiple_of3A_219] : memref<160000xi32, #tpu.memory_space<hbm>> -> memref<120xi32, #tpu.memory_space<hbm>>
        tpu.enqueue_dma source(%dma_start3A_221 : memref<120xi32, #tpu.memory_space<hbm>>) target(%arg9 : memref<120xi32, #tpu.memory_space<vmem>>) target_semaphore(%arg20 : memref<!tpu.dma_semaphore, #tpu.memory_space<semaphore_mem>>)
      } else {
      }
      %lt3A_133 = arith.constant 83 : i32
      %lt3A_134 = arith.cmpi slt, %add3A_106, %lt3A_133 : i32
      %convert_element_type3A_135 = arith.extui %lt3A_134 : i1 to i32
      %cond3A_136 = arith.constant 0 : i32
      %cond3A_137 = arith.cmpi ne, %convert_element_type3A_135, %cond3A_136 : i32
      scf.if %cond3A_137 {
        %dma_wait3A_214 = arith.constant 0 : i32
        %dma_wait3A_215 = tpu.memref_slice %arg5[%dma_wait3A_214] : memref<160000xi32, #tpu.memory_space<hbm>> -> memref<120xi32, #tpu.memory_space<hbm>>
        %dma_wait3A_216 = arith.constant 0 : i32
        %dma_wait3A_217 = tpu.memref_slice %arg5[%dma_wait3A_216] : memref<160000xi32, #tpu.memory_space<hbm>> -> memref<120xi32, #tpu.memory_space<hbm>>
        tpu.wait_dma2 semaphore(%arg23 : memref<!tpu.dma_semaphore, #tpu.memory_space<semaphore_mem>>) src(%dma_wait3A_217 : memref<120xi32, #tpu.memory_space<hbm>>) dst(%arg12 : memref<120xi32, #tpu.memory_space<vmem>>)
        %dma_start3A_218 = arith.constant 0 : i32
        %dma_start3A_219 = arith.constant 0 : i32
        %dma_start3A_220 = tpu.memref_slice %arg8[%dma_start3A_218, %dma_start3A_219] : memref<10240x128xf32, #tpu.memory_space<vmem_shared>> -> memref<10240x128xf32, #tpu.memory_space<vmem_shared>>
        tpu.enqueue_indirect_dma source(%arg15 : memref<120x128xf32, #tpu.memory_space<vmem>>) target(%dma_start3A_220 : memref<10240x128xf32, #tpu.memory_space<vmem_shared>>) offsets(%arg12 : memref<120xi32, #tpu.memory_space<vmem>>) semaphore(%arg29 : memref<!tpu.dma_semaphore, #tpu.memory_space<semaphore_mem>>) {add = true}
      } else {
      }
      %mul3A_138 = arith.constant 3 : i32
      %mul3A_139 = arith.muli %mul3A_138, %scan3A_102 : i32
      %add3A_140 = arith.constant 1 : i32
      %add3A_141 = arith.addi %mul3A_139, %add3A_140 : i32
      %lt3A_142 = arith.constant 83 : i32
      %lt3A_143 = arith.cmpi slt, %add3A_141, %lt3A_142 : i32
      %convert_element_type3A_144 = arith.extui %lt3A_143 : i1 to i32
      %cond3A_145 = arith.constant 0 : i32
      %cond3A_146 = arith.cmpi ne, %convert_element_type3A_144, %cond3A_145 : i32
      scf.if %cond3A_146 {
        %dma_wait3A_214 = arith.constant 0 : i32
        %dma_wait3A_215 = arith.constant 0 : i32
        %dma_wait3A_216 = tpu.memref_slice %arg2[%dma_wait3A_214, %dma_wait3A_215] : memref<10240x128xf32, #tpu.memory_space<hbm>> -> memref<10240x128xf32, #tpu.memory_space<hbm>>
        tpu.wait_indirect_dma semaphore(%arg27 : memref<!tpu.dma_semaphore, #tpu.memory_space<semaphore_mem>>) src(%dma_wait3A_216 : memref<10240x128xf32, #tpu.memory_space<hbm>>) dst(%arg16 : memref<120x128xf32, #tpu.memory_space<vmem>>)
      } else {
      }
      %ge3A_147 = arith.constant 1 : i32
      %ge3A_148 = arith.cmpi sge, %add3A_141, %ge3A_147 : i32
      %add3A_149 = arith.constant 2 : i32
      %add3A_150 = arith.addi %add3A_141, %add3A_149 : i32
      %lt3A_151 = arith.constant 83 : i32
      %lt3A_152 = arith.cmpi slt, %add3A_150, %lt3A_151 : i32
      %and3A_153 = arith.andi %ge3A_148, %lt3A_152 : i1
      %convert_element_type3A_154 = arith.extui %and3A_153 : i1 to i32
      %cond3A_155 = arith.constant 0 : i32
      %cond3A_156 = arith.cmpi ne, %convert_element_type3A_154, %cond3A_155 : i32
      scf.if %cond3A_156 {
        %dma_wait3A_214 = arith.constant 0 : i32
        %dma_wait3A_215 = arith.constant 0 : i32
        %dma_wait3A_216 = tpu.memref_slice %arg8[%dma_wait3A_214, %dma_wait3A_215] : memref<10240x128xf32, #tpu.memory_space<vmem_shared>> -> memref<10240x128xf32, #tpu.memory_space<vmem_shared>>
        tpu.wait_indirect_dma semaphore(%arg29 : memref<!tpu.dma_semaphore, #tpu.memory_space<semaphore_mem>>) src(%arg15 : memref<120x128xf32, #tpu.memory_space<vmem>>) dst(%dma_wait3A_216 : memref<10240x128xf32, #tpu.memory_space<vmem_shared>>)
      } else {
      }
      %add3A_157 = arith.constant 2 : i32
      %add3A_158 = arith.addi %add3A_141, %add3A_157 : i32
      %lt3A_159 = arith.constant 83 : i32
      %lt3A_160 = arith.cmpi slt, %add3A_158, %lt3A_159 : i32
      %convert_element_type3A_161 = arith.extui %lt3A_160 : i1 to i32
      %cond3A_162 = arith.constant 0 : i32
      %cond3A_163 = arith.cmpi ne, %convert_element_type3A_161, %cond3A_162 : i32
      scf.if %cond3A_163 {
        %add3A_214 = arith.constant 2 : i32
        %add3A_215 = arith.addi %add3A_141, %add3A_214 : i32
        %mul3A_216 = arith.constant 120 : i32
        %mul3A_217 = arith.muli %add3A_215, %mul3A_216 : i32
        %add3A_218 = arith.addi %mul3A_2, %mul3A_217 : i32
        %multiple_of3A_219 = tpu.assume_multiple %add3A_218, 8 : i32
        %dma_start3A_220 = tpu.memref_slice %arg5[%multiple_of3A_219] : memref<160000xi32, #tpu.memory_space<hbm>> -> memref<120xi32, #tpu.memory_space<hbm>>
        %dma_start3A_221 = tpu.memref_slice %arg5[%multiple_of3A_219] : memref<160000xi32, #tpu.memory_space<hbm>> -> memref<120xi32, #tpu.memory_space<hbm>>
        tpu.enqueue_dma source(%dma_start3A_221 : memref<120xi32, #tpu.memory_space<hbm>>) target(%arg12 : memref<120xi32, #tpu.memory_space<vmem>>) target_semaphore(%arg23 : memref<!tpu.dma_semaphore, #tpu.memory_space<semaphore_mem>>)
        %dma_wait3A_222 = arith.constant 0 : i32
        %dma_wait3A_223 = tpu.memref_slice %arg4[%dma_wait3A_222] : memref<160000xi32, #tpu.memory_space<hbm>> -> memref<120xi32, #tpu.memory_space<hbm>>
        %dma_wait3A_224 = arith.constant 0 : i32
        %dma_wait3A_225 = tpu.memref_slice %arg4[%dma_wait3A_224] : memref<160000xi32, #tpu.memory_space<hbm>> -> memref<120xi32, #tpu.memory_space<hbm>>
        tpu.wait_dma2 semaphore(%arg20 : memref<!tpu.dma_semaphore, #tpu.memory_space<semaphore_mem>>) src(%dma_wait3A_225 : memref<120xi32, #tpu.memory_space<hbm>>) dst(%arg9 : memref<120xi32, #tpu.memory_space<vmem>>)
        %eq3A_226 = arith.constant 0 : i32
        %eq3A_227 = arith.cmpi eq, %arg0, %eq3A_226 : i32
        %convert_element_type3A_228 = arith.extui %eq3A_227 : i1 to i32
        %cond3A_229 = arith.constant 0 : i32
        %cond3A_230 = arith.cmpi ne, %convert_element_type3A_228, %cond3A_229 : i32
        scf.if %cond3A_230 {
          %dma_start3A_236 = arith.constant 0 : i32
          %dma_start3A_237 = arith.constant 0 : i32
          %dma_start3A_238 = tpu.memref_slice %arg2[%dma_start3A_236, %dma_start3A_237] : memref<10240x128xf32, #tpu.memory_space<hbm>> -> memref<10240x128xf32, #tpu.memory_space<hbm>>
          tpu.enqueue_indirect_dma source(%dma_start3A_238 : memref<10240x128xf32, #tpu.memory_space<hbm>>) target(%arg15 : memref<120x128xf32, #tpu.memory_space<vmem>>) offsets(%arg9 : memref<120xi32, #tpu.memory_space<vmem>>) semaphore(%arg26 : memref<!tpu.dma_semaphore, #tpu.memory_space<semaphore_mem>>)
        } else {
        }
        %eq3A_231 = arith.constant 1 : i32
        %eq3A_232 = arith.cmpi eq, %arg0, %eq3A_231 : i32
        %convert_element_type3A_233 = arith.extui %eq3A_232 : i1 to i32
        %cond3A_234 = arith.constant 0 : i32
        %cond3A_235 = arith.cmpi ne, %convert_element_type3A_233, %cond3A_234 : i32
        scf.if %cond3A_235 {
          %dma_start3A_236 = arith.constant 0 : i32
          %dma_start3A_237 = arith.constant 0 : i32
          %dma_start3A_238 = tpu.memref_slice %arg3[%dma_start3A_236, %dma_start3A_237] : memref<10240x128xf32, #tpu.memory_space<hbm>> -> memref<10240x128xf32, #tpu.memory_space<hbm>>
          tpu.enqueue_indirect_dma source(%dma_start3A_238 : memref<10240x128xf32, #tpu.memory_space<hbm>>) target(%arg15 : memref<120x128xf32, #tpu.memory_space<vmem>>) offsets(%arg9 : memref<120xi32, #tpu.memory_space<vmem>>) semaphore(%arg26 : memref<!tpu.dma_semaphore, #tpu.memory_space<semaphore_mem>>)
        } else {
        }
      } else {
      }
      %add3A_164 = arith.constant 3 : i32
      %add3A_165 = arith.addi %add3A_141, %add3A_164 : i32
      %lt3A_166 = arith.constant 83 : i32
      %lt3A_167 = arith.cmpi slt, %add3A_165, %lt3A_166 : i32
      %convert_element_type3A_168 = arith.extui %lt3A_167 : i1 to i32
      %cond3A_169 = arith.constant 0 : i32
      %cond3A_170 = arith.cmpi ne, %convert_element_type3A_168, %cond3A_169 : i32
      scf.if %cond3A_170 {
        %add3A_214 = arith.constant 3 : i32
        %add3A_215 = arith.addi %add3A_141, %add3A_214 : i32
        %mul3A_216 = arith.constant 120 : i32
        %mul3A_217 = arith.muli %add3A_215, %mul3A_216 : i32
        %add3A_218 = arith.addi %mul3A_2, %mul3A_217 : i32
        %multiple_of3A_219 = tpu.assume_multiple %add3A_218, 8 : i32
        %dma_start3A_220 = tpu.memref_slice %arg4[%multiple_of3A_219] : memref<160000xi32, #tpu.memory_space<hbm>> -> memref<120xi32, #tpu.memory_space<hbm>>
        %dma_start3A_221 = tpu.memref_slice %arg4[%multiple_of3A_219] : memref<160000xi32, #tpu.memory_space<hbm>> -> memref<120xi32, #tpu.memory_space<hbm>>
        tpu.enqueue_dma source(%dma_start3A_221 : memref<120xi32, #tpu.memory_space<hbm>>) target(%arg10 : memref<120xi32, #tpu.memory_space<vmem>>) target_semaphore(%arg21 : memref<!tpu.dma_semaphore, #tpu.memory_space<semaphore_mem>>)
      } else {
      }
      %lt3A_171 = arith.constant 83 : i32
      %lt3A_172 = arith.cmpi slt, %add3A_141, %lt3A_171 : i32
      %convert_element_type3A_173 = arith.extui %lt3A_172 : i1 to i32
      %cond3A_174 = arith.constant 0 : i32
      %cond3A_175 = arith.cmpi ne, %convert_element_type3A_173, %cond3A_174 : i32
      scf.if %cond3A_175 {
        %dma_wait3A_214 = arith.constant 0 : i32
        %dma_wait3A_215 = tpu.memref_slice %arg5[%dma_wait3A_214] : memref<160000xi32, #tpu.memory_space<hbm>> -> memref<120xi32, #tpu.memory_space<hbm>>
        %dma_wait3A_216 = arith.constant 0 : i32
        %dma_wait3A_217 = tpu.memref_slice %arg5[%dma_wait3A_216] : memref<160000xi32, #tpu.memory_space<hbm>> -> memref<120xi32, #tpu.memory_space<hbm>>
        tpu.wait_dma2 semaphore(%arg24 : memref<!tpu.dma_semaphore, #tpu.memory_space<semaphore_mem>>) src(%dma_wait3A_217 : memref<120xi32, #tpu.memory_space<hbm>>) dst(%arg13 : memref<120xi32, #tpu.memory_space<vmem>>)
        %dma_start3A_218 = arith.constant 0 : i32
        %dma_start3A_219 = arith.constant 0 : i32
        %dma_start3A_220 = tpu.memref_slice %arg8[%dma_start3A_218, %dma_start3A_219] : memref<10240x128xf32, #tpu.memory_space<vmem_shared>> -> memref<10240x128xf32, #tpu.memory_space<vmem_shared>>
        tpu.enqueue_indirect_dma source(%arg16 : memref<120x128xf32, #tpu.memory_space<vmem>>) target(%dma_start3A_220 : memref<10240x128xf32, #tpu.memory_space<vmem_shared>>) offsets(%arg13 : memref<120xi32, #tpu.memory_space<vmem>>) semaphore(%arg30 : memref<!tpu.dma_semaphore, #tpu.memory_space<semaphore_mem>>) {add = true}
      } else {
      }
      %mul3A_176 = arith.constant 3 : i32
      %mul3A_177 = arith.muli %mul3A_176, %scan3A_102 : i32
      %add3A_178 = arith.constant 2 : i32
      %add3A_179 = arith.addi %mul3A_177, %add3A_178 : i32
      %lt3A_180 = arith.constant 83 : i32
      %lt3A_181 = arith.cmpi slt, %add3A_179, %lt3A_180 : i32
      %convert_element_type3A_182 = arith.extui %lt3A_181 : i1 to i32
      %cond3A_183 = arith.constant 0 : i32
      %cond3A_184 = arith.cmpi ne, %convert_element_type3A_182, %cond3A_183 : i32
      scf.if %cond3A_184 {
        %dma_wait3A_214 = arith.constant 0 : i32
        %dma_wait3A_215 = arith.constant 0 : i32
        %dma_wait3A_216 = tpu.memref_slice %arg2[%dma_wait3A_214, %dma_wait3A_215] : memref<10240x128xf32, #tpu.memory_space<hbm>> -> memref<10240x128xf32, #tpu.memory_space<hbm>>
        tpu.wait_indirect_dma semaphore(%arg28 : memref<!tpu.dma_semaphore, #tpu.memory_space<semaphore_mem>>) src(%dma_wait3A_216 : memref<10240x128xf32, #tpu.memory_space<hbm>>) dst(%arg17 : memref<120x128xf32, #tpu.memory_space<vmem>>)
      } else {
      }
      %ge3A_185 = arith.constant 1 : i32
      %ge3A_186 = arith.cmpi sge, %add3A_179, %ge3A_185 : i32
      %add3A_187 = arith.constant 2 : i32
      %add3A_188 = arith.addi %add3A_179, %add3A_187 : i32
      %lt3A_189 = arith.constant 83 : i32
      %lt3A_190 = arith.cmpi slt, %add3A_188, %lt3A_189 : i32
      %and3A_191 = arith.andi %ge3A_186, %lt3A_190 : i1
      %convert_element_type3A_192 = arith.extui %and3A_191 : i1 to i32
      %cond3A_193 = arith.constant 0 : i32
      %cond3A_194 = arith.cmpi ne, %convert_element_type3A_192, %cond3A_193 : i32
      scf.if %cond3A_194 {
        %dma_wait3A_214 = arith.constant 0 : i32
        %dma_wait3A_215 = arith.constant 0 : i32
        %dma_wait3A_216 = tpu.memref_slice %arg8[%dma_wait3A_214, %dma_wait3A_215] : memref<10240x128xf32, #tpu.memory_space<vmem_shared>> -> memref<10240x128xf32, #tpu.memory_space<vmem_shared>>
        tpu.wait_indirect_dma semaphore(%arg30 : memref<!tpu.dma_semaphore, #tpu.memory_space<semaphore_mem>>) src(%arg16 : memref<120x128xf32, #tpu.memory_space<vmem>>) dst(%dma_wait3A_216 : memref<10240x128xf32, #tpu.memory_space<vmem_shared>>)
      } else {
      }
      %add3A_195 = arith.constant 2 : i32
      %add3A_196 = arith.addi %add3A_179, %add3A_195 : i32
      %lt3A_197 = arith.constant 83 : i32
      %lt3A_198 = arith.cmpi slt, %add3A_196, %lt3A_197 : i32
      %convert_element_type3A_199 = arith.extui %lt3A_198 : i1 to i32
      %cond3A_200 = arith.constant 0 : i32
      %cond3A_201 = arith.cmpi ne, %convert_element_type3A_199, %cond3A_200 : i32
      scf.if %cond3A_201 {
        %add3A_214 = arith.constant 2 : i32
        %add3A_215 = arith.addi %add3A_179, %add3A_214 : i32
        %mul3A_216 = arith.constant 120 : i32
        %mul3A_217 = arith.muli %add3A_215, %mul3A_216 : i32
        %add3A_218 = arith.addi %mul3A_2, %mul3A_217 : i32
        %multiple_of3A_219 = tpu.assume_multiple %add3A_218, 8 : i32
        %dma_start3A_220 = tpu.memref_slice %arg5[%multiple_of3A_219] : memref<160000xi32, #tpu.memory_space<hbm>> -> memref<120xi32, #tpu.memory_space<hbm>>
        %dma_start3A_221 = tpu.memref_slice %arg5[%multiple_of3A_219] : memref<160000xi32, #tpu.memory_space<hbm>> -> memref<120xi32, #tpu.memory_space<hbm>>
        tpu.enqueue_dma source(%dma_start3A_221 : memref<120xi32, #tpu.memory_space<hbm>>) target(%arg13 : memref<120xi32, #tpu.memory_space<vmem>>) target_semaphore(%arg24 : memref<!tpu.dma_semaphore, #tpu.memory_space<semaphore_mem>>)
        %dma_wait3A_222 = arith.constant 0 : i32
        %dma_wait3A_223 = tpu.memref_slice %arg4[%dma_wait3A_222] : memref<160000xi32, #tpu.memory_space<hbm>> -> memref<120xi32, #tpu.memory_space<hbm>>
        %dma_wait3A_224 = arith.constant 0 : i32
        %dma_wait3A_225 = tpu.memref_slice %arg4[%dma_wait3A_224] : memref<160000xi32, #tpu.memory_space<hbm>> -> memref<120xi32, #tpu.memory_space<hbm>>
        tpu.wait_dma2 semaphore(%arg21 : memref<!tpu.dma_semaphore, #tpu.memory_space<semaphore_mem>>) src(%dma_wait3A_225 : memref<120xi32, #tpu.memory_space<hbm>>) dst(%arg10 : memref<120xi32, #tpu.memory_space<vmem>>)
        %eq3A_226 = arith.constant 0 : i32
        %eq3A_227 = arith.cmpi eq, %arg0, %eq3A_226 : i32
        %convert_element_type3A_228 = arith.extui %eq3A_227 : i1 to i32
        %cond3A_229 = arith.constant 0 : i32
        %cond3A_230 = arith.cmpi ne, %convert_element_type3A_228, %cond3A_229 : i32
        scf.if %cond3A_230 {
          %dma_start3A_236 = arith.constant 0 : i32
          %dma_start3A_237 = arith.constant 0 : i32
          %dma_start3A_238 = tpu.memref_slice %arg2[%dma_start3A_236, %dma_start3A_237] : memref<10240x128xf32, #tpu.memory_space<hbm>> -> memref<10240x128xf32, #tpu.memory_space<hbm>>
          tpu.enqueue_indirect_dma source(%dma_start3A_238 : memref<10240x128xf32, #tpu.memory_space<hbm>>) target(%arg16 : memref<120x128xf32, #tpu.memory_space<vmem>>) offsets(%arg10 : memref<120xi32, #tpu.memory_space<vmem>>) semaphore(%arg27 : memref<!tpu.dma_semaphore, #tpu.memory_space<semaphore_mem>>)
        } else {
        }
        %eq3A_231 = arith.constant 1 : i32
        %eq3A_232 = arith.cmpi eq, %arg0, %eq3A_231 : i32
        %convert_element_type3A_233 = arith.extui %eq3A_232 : i1 to i32
        %cond3A_234 = arith.constant 0 : i32
        %cond3A_235 = arith.cmpi ne, %convert_element_type3A_233, %cond3A_234 : i32
        scf.if %cond3A_235 {
          %dma_start3A_236 = arith.constant 0 : i32
          %dma_start3A_237 = arith.constant 0 : i32
          %dma_start3A_238 = tpu.memref_slice %arg3[%dma_start3A_236, %dma_start3A_237] : memref<10240x128xf32, #tpu.memory_space<hbm>> -> memref<10240x128xf32, #tpu.memory_space<hbm>>
          tpu.enqueue_indirect_dma source(%dma_start3A_238 : memref<10240x128xf32, #tpu.memory_space<hbm>>) target(%arg16 : memref<120x128xf32, #tpu.memory_space<vmem>>) offsets(%arg10 : memref<120xi32, #tpu.memory_space<vmem>>) semaphore(%arg27 : memref<!tpu.dma_semaphore, #tpu.memory_space<semaphore_mem>>)
        } else {
        }
      } else {
      }
      %add3A_202 = arith.constant 3 : i32
      %add3A_203 = arith.addi %add3A_179, %add3A_202 : i32
      %lt3A_204 = arith.constant 83 : i32
      %lt3A_205 = arith.cmpi slt, %add3A_203, %lt3A_204 : i32
      %convert_element_type3A_206 = arith.extui %lt3A_205 : i1 to i32
      %cond3A_207 = arith.constant 0 : i32
      %cond3A_208 = arith.cmpi ne, %convert_element_type3A_206, %cond3A_207 : i32
      scf.if %cond3A_208 {
        %add3A_214 = arith.constant 3 : i32
        %add3A_215 = arith.addi %add3A_179, %add3A_214 : i32
        %mul3A_216 = arith.constant 120 : i32
        %mul3A_217 = arith.muli %add3A_215, %mul3A_216 : i32
        %add3A_218 = arith.addi %mul3A_2, %mul3A_217 : i32
        %multiple_of3A_219 = tpu.assume_multiple %add3A_218, 8 : i32
        %dma_start3A_220 = tpu.memref_slice %arg4[%multiple_of3A_219] : memref<160000xi32, #tpu.memory_space<hbm>> -> memref<120xi32, #tpu.memory_space<hbm>>
        %dma_start3A_221 = tpu.memref_slice %arg4[%multiple_of3A_219] : memref<160000xi32, #tpu.memory_space<hbm>> -> memref<120xi32, #tpu.memory_space<hbm>>
        tpu.enqueue_dma source(%dma_start3A_221 : memref<120xi32, #tpu.memory_space<hbm>>) target(%arg11 : memref<120xi32, #tpu.memory_space<vmem>>) target_semaphore(%arg22 : memref<!tpu.dma_semaphore, #tpu.memory_space<semaphore_mem>>)
      } else {
      }
      %lt3A_209 = arith.constant 83 : i32
      %lt3A_210 = arith.cmpi slt, %add3A_179, %lt3A_209 : i32
      %convert_element_type3A_211 = arith.extui %lt3A_210 : i1 to i32
      %cond3A_212 = arith.constant 0 : i32
      %cond3A_213 = arith.cmpi ne, %convert_element_type3A_211, %cond3A_212 : i32
      scf.if %cond3A_213 {
        %dma_wait3A_214 = arith.constant 0 : i32
        %dma_wait3A_215 = tpu.memref_slice %arg5[%dma_wait3A_214] : memref<160000xi32, #tpu.memory_space<hbm>> -> memref<120xi32, #tpu.memory_space<hbm>>
        %dma_wait3A_216 = arith.constant 0 : i32
        %dma_wait3A_217 = tpu.memref_slice %arg5[%dma_wait3A_216] : memref<160000xi32, #tpu.memory_space<hbm>> -> memref<120xi32, #tpu.memory_space<hbm>>
        tpu.wait_dma2 semaphore(%arg25 : memref<!tpu.dma_semaphore, #tpu.memory_space<semaphore_mem>>) src(%dma_wait3A_217 : memref<120xi32, #tpu.memory_space<hbm>>) dst(%arg14 : memref<120xi32, #tpu.memory_space<vmem>>)
        %dma_start3A_218 = arith.constant 0 : i32
        %dma_start3A_219 = arith.constant 0 : i32
        %dma_start3A_220 = tpu.memref_slice %arg8[%dma_start3A_218, %dma_start3A_219] : memref<10240x128xf32, #tpu.memory_space<vmem_shared>> -> memref<10240x128xf32, #tpu.memory_space<vmem_shared>>
        tpu.enqueue_indirect_dma source(%arg17 : memref<120x128xf32, #tpu.memory_space<vmem>>) target(%dma_start3A_220 : memref<10240x128xf32, #tpu.memory_space<vmem_shared>>) offsets(%arg14 : memref<120xi32, #tpu.memory_space<vmem>>) semaphore(%arg31 : memref<!tpu.dma_semaphore, #tpu.memory_space<semaphore_mem>>) {add = true}
      } else {
      }
    }
    %scan3A_63 = arith.constant 28 : i32
    %dma_wait3A_64 = arith.constant 0 : i32
    %dma_wait3A_65 = arith.constant 0 : i32
    %dma_wait3A_66 = tpu.memref_slice %arg8[%dma_wait3A_64, %dma_wait3A_65] : memref<10240x128xf32, #tpu.memory_space<vmem_shared>> -> memref<10240x128xf32, #tpu.memory_space<vmem_shared>>
    tpu.wait_indirect_dma semaphore(%arg29 : memref<!tpu.dma_semaphore, #tpu.memory_space<semaphore_mem>>) src(%arg15 : memref<120x128xf32, #tpu.memory_space<vmem>>) dst(%dma_wait3A_66 : memref<10240x128xf32, #tpu.memory_space<vmem_shared>>)
    %dma_wait3A_67 = arith.constant 0 : i32
    %dma_wait3A_68 = arith.constant 0 : i32
    %dma_wait3A_69 = tpu.memref_slice %arg8[%dma_wait3A_67, %dma_wait3A_68] : memref<10240x128xf32, #tpu.memory_space<vmem_shared>> -> memref<10240x128xf32, #tpu.memory_space<vmem_shared>>
    tpu.wait_indirect_dma semaphore(%arg30 : memref<!tpu.dma_semaphore, #tpu.memory_space<semaphore_mem>>) src(%arg16 : memref<120x128xf32, #tpu.memory_space<vmem>>) dst(%dma_wait3A_69 : memref<10240x128xf32, #tpu.memory_space<vmem_shared>>)
    %dma_wait3A_70 = arith.constant 0 : i32
    %dma_wait3A_71 = arith.constant 0 : i32
    %dma_wait3A_72 = tpu.memref_slice %arg8[%dma_wait3A_70, %dma_wait3A_71] : memref<10240x128xf32, #tpu.memory_space<vmem_shared>> -> memref<10240x128xf32, #tpu.memory_space<vmem_shared>>
    tpu.wait_indirect_dma semaphore(%arg31 : memref<!tpu.dma_semaphore, #tpu.memory_space<semaphore_mem>>) src(%arg17 : memref<120x128xf32, #tpu.memory_space<vmem>>) dst(%dma_wait3A_72 : memref<10240x128xf32, #tpu.memory_space<vmem_shared>>)
    %add3A_73 = arith.constant 9960 : i32
    %add3A_74 = arith.addi %mul3A_2, %add3A_73 : i32
    "tpu.region"() ({
      %run_scoped3A = tpu.sem_alloc : memref<!tpu.dma_semaphore, #tpu.memory_space<semaphore_mem>>
      %dma_start3A_102 = tpu.memref_slice %arg4[%add3A_74] : memref<160000xi32, #tpu.memory_space<hbm>> -> memref<40xi32, #tpu.memory_space<hbm>>
      %dma_start3A_103 = tpu.memref_slice %arg4[%add3A_74] : memref<160000xi32, #tpu.memory_space<hbm>> -> memref<40xi32, #tpu.memory_space<hbm>>
      tpu.enqueue_dma source(%dma_start3A_103 : memref<40xi32, #tpu.memory_space<hbm>>) target(%arg18 : memref<40xi32, #tpu.memory_space<vmem>>) target_semaphore(%run_scoped3A : memref<!tpu.dma_semaphore, #tpu.memory_space<semaphore_mem>>)
      %dma_wait3A_104 = tpu.memref_slice %arg4[%add3A_74] : memref<160000xi32, #tpu.memory_space<hbm>> -> memref<40xi32, #tpu.memory_space<hbm>>
      %dma_wait3A_105 = tpu.memref_slice %arg4[%add3A_74] : memref<160000xi32, #tpu.memory_space<hbm>> -> memref<40xi32, #tpu.memory_space<hbm>>
      tpu.wait_dma2 semaphore(%run_scoped3A : memref<!tpu.dma_semaphore, #tpu.memory_space<semaphore_mem>>) src(%dma_wait3A_105 : memref<40xi32, #tpu.memory_space<hbm>>) dst(%arg18 : memref<40xi32, #tpu.memory_space<vmem>>)
      tpu.yield
    }) : () -> ()
    "tpu.region"() ({
      %run_scoped3A = tpu.sem_alloc : memref<!tpu.dma_semaphore, #tpu.memory_space<semaphore_mem>>
      %dma_start3A_102 = tpu.memref_slice %arg5[%add3A_74] : memref<160000xi32, #tpu.memory_space<hbm>> -> memref<40xi32, #tpu.memory_space<hbm>>
      %dma_start3A_103 = tpu.memref_slice %arg5[%add3A_74] : memref<160000xi32, #tpu.memory_space<hbm>> -> memref<40xi32, #tpu.memory_space<hbm>>
      tpu.enqueue_dma source(%dma_start3A_103 : memref<40xi32, #tpu.memory_space<hbm>>) target(%arg19 : memref<40xi32, #tpu.memory_space<vmem>>) target_semaphore(%run_scoped3A : memref<!tpu.dma_semaphore, #tpu.memory_space<semaphore_mem>>)
      %dma_wait3A_104 = tpu.memref_slice %arg5[%add3A_74] : memref<160000xi32, #tpu.memory_space<hbm>> -> memref<40xi32, #tpu.memory_space<hbm>>
      %dma_wait3A_105 = tpu.memref_slice %arg5[%add3A_74] : memref<160000xi32, #tpu.memory_space<hbm>> -> memref<40xi32, #tpu.memory_space<hbm>>
      tpu.wait_dma2 semaphore(%run_scoped3A : memref<!tpu.dma_semaphore, #tpu.memory_space<semaphore_mem>>) src(%dma_wait3A_105 : memref<40xi32, #tpu.memory_space<hbm>>) dst(%arg19 : memref<40xi32, #tpu.memory_space<vmem>>)
      tpu.yield
    }) : () -> ()
    %eq3A_75 = arith.constant 0 : i32
    %eq3A_76 = arith.cmpi eq, %arg0, %eq3A_75 : i32
    %convert_element_type3A_77 = arith.extui %eq3A_76 : i1 to i32
    %cond3A_78 = arith.constant 0 : i32
    %cond3A_79 = arith.cmpi ne, %convert_element_type3A_77, %cond3A_78 : i32
    scf.if %cond3A_79 {
      %dma_start3A_102 = arith.constant 0 : i32
      %dma_start3A_103 = arith.constant 0 : i32
      %dma_start3A_104 = tpu.memref_slice %arg15[%dma_start3A_102, %dma_start3A_103] : memref<120x128xf32, #tpu.memory_space<vmem>> -> memref<40x128xf32, #tpu.memory_space<vmem>>
      %dma_start3A_105 = arith.constant 0 : i32
      %dma_start3A_106 = arith.constant 0 : i32
      %dma_start3A_107 = tpu.memref_slice %arg2[%dma_start3A_105, %dma_start3A_106] : memref<10240x128xf32, #tpu.memory_space<hbm>> -> memref<10240x128xf32, #tpu.memory_space<hbm>>
      tpu.enqueue_indirect_dma source(%dma_start3A_107 : memref<10240x128xf32, #tpu.memory_space<hbm>>) target(%dma_start3A_104 : memref<40x128xf32, #tpu.memory_space<vmem>>) offsets(%arg18 : memref<40xi32, #tpu.memory_space<vmem>>) semaphore(%arg26 : memref<!tpu.dma_semaphore, #tpu.memory_space<semaphore_mem>>)
    } else {
    }
    %eq3A_80 = arith.constant 1 : i32
    %eq3A_81 = arith.cmpi eq, %arg0, %eq3A_80 : i32
    %convert_element_type3A_82 = arith.extui %eq3A_81 : i1 to i32
    %cond3A_83 = arith.constant 0 : i32
    %cond3A_84 = arith.cmpi ne, %convert_element_type3A_82, %cond3A_83 : i32
    scf.if %cond3A_84 {
      %dma_start3A_102 = arith.constant 0 : i32
      %dma_start3A_103 = arith.constant 0 : i32
      %dma_start3A_104 = tpu.memref_slice %arg15[%dma_start3A_102, %dma_start3A_103] : memref<120x128xf32, #tpu.memory_space<vmem>> -> memref<40x128xf32, #tpu.memory_space<vmem>>
      %dma_start3A_105 = arith.constant 0 : i32
      %dma_start3A_106 = arith.constant 0 : i32
      %dma_start3A_107 = tpu.memref_slice %arg3[%dma_start3A_105, %dma_start3A_106] : memref<10240x128xf32, #tpu.memory_space<hbm>> -> memref<10240x128xf32, #tpu.memory_space<hbm>>
      tpu.enqueue_indirect_dma source(%dma_start3A_107 : memref<10240x128xf32, #tpu.memory_space<hbm>>) target(%dma_start3A_104 : memref<40x128xf32, #tpu.memory_space<vmem>>) offsets(%arg18 : memref<40xi32, #tpu.memory_space<vmem>>) semaphore(%arg26 : memref<!tpu.dma_semaphore, #tpu.memory_space<semaphore_mem>>)
    } else {
    }
    %dma_wait3A_85 = arith.constant 0 : i32
    %dma_wait3A_86 = arith.constant 0 : i32
    %dma_wait3A_87 = tpu.memref_slice %arg15[%dma_wait3A_85, %dma_wait3A_86] : memref<120x128xf32, #tpu.memory_space<vmem>> -> memref<40x128xf32, #tpu.memory_space<vmem>>
    %dma_wait3A_88 = arith.constant 0 : i32
    %dma_wait3A_89 = arith.constant 0 : i32
    %dma_wait3A_90 = tpu.memref_slice %arg2[%dma_wait3A_88, %dma_wait3A_89] : memref<10240x128xf32, #tpu.memory_space<hbm>> -> memref<10240x128xf32, #tpu.memory_space<hbm>>
    tpu.wait_indirect_dma semaphore(%arg26 : memref<!tpu.dma_semaphore, #tpu.memory_space<semaphore_mem>>) src(%dma_wait3A_90 : memref<10240x128xf32, #tpu.memory_space<hbm>>) dst(%dma_wait3A_87 : memref<40x128xf32, #tpu.memory_space<vmem>>)
    "tpu.region"() ({
      %run_scoped3A = tpu.sem_alloc : memref<!tpu.dma_semaphore, #tpu.memory_space<semaphore_mem>>
      %dma_start3A_102 = arith.constant 0 : i32
      %dma_start3A_103 = arith.constant 0 : i32
      %dma_start3A_104 = tpu.memref_slice %arg15[%dma_start3A_102, %dma_start3A_103] : memref<120x128xf32, #tpu.memory_space<vmem>> -> memref<40x128xf32, #tpu.memory_space<vmem>>
      %dma_start3A_105 = arith.constant 0 : i32
      %dma_start3A_106 = arith.constant 0 : i32
      %dma_start3A_107 = tpu.memref_slice %arg8[%dma_start3A_105, %dma_start3A_106] : memref<10240x128xf32, #tpu.memory_space<vmem_shared>> -> memref<10240x128xf32, #tpu.memory_space<vmem_shared>>
      tpu.enqueue_indirect_dma source(%dma_start3A_104 : memref<40x128xf32, #tpu.memory_space<vmem>>) target(%dma_start3A_107 : memref<10240x128xf32, #tpu.memory_space<vmem_shared>>) offsets(%arg19 : memref<40xi32, #tpu.memory_space<vmem>>) semaphore(%run_scoped3A : memref<!tpu.dma_semaphore, #tpu.memory_space<semaphore_mem>>) {add = true}
      %dma_wait3A_108 = arith.constant 0 : i32
      %dma_wait3A_109 = arith.constant 0 : i32
      %dma_wait3A_110 = tpu.memref_slice %arg15[%dma_wait3A_108, %dma_wait3A_109] : memref<120x128xf32, #tpu.memory_space<vmem>> -> memref<40x128xf32, #tpu.memory_space<vmem>>
      %dma_wait3A_111 = arith.constant 0 : i32
      %dma_wait3A_112 = arith.constant 0 : i32
      %dma_wait3A_113 = tpu.memref_slice %arg8[%dma_wait3A_111, %dma_wait3A_112] : memref<10240x128xf32, #tpu.memory_space<vmem_shared>> -> memref<10240x128xf32, #tpu.memory_space<vmem_shared>>
      tpu.wait_indirect_dma semaphore(%run_scoped3A : memref<!tpu.dma_semaphore, #tpu.memory_space<semaphore_mem>>) src(%dma_wait3A_110 : memref<40x128xf32, #tpu.memory_space<vmem>>) dst(%dma_wait3A_113 : memref<10240x128xf32, #tpu.memory_space<vmem_shared>>)
      tpu.yield
    }) : () -> ()
    %barrier3A_91 = arith.constant 0 : index
    tpu.barrier barrier_id(%barrier3A_91)
    %eq3A_92 = arith.constant 0 : i32
    %eq3A_93 = arith.cmpi eq, %arg0, %eq3A_92 : i32
    %convert_element_type3A_94 = arith.extui %eq3A_93 : i1 to i32
    %cond3A_95 = arith.constant 0 : i32
    %cond3A_96 = arith.cmpi ne, %convert_element_type3A_94, %cond3A_95 : i32
    scf.if %cond3A_96 {
      "tpu.region"() ({
        %run_scoped3A = tpu.sem_alloc : memref<!tpu.dma_semaphore, #tpu.memory_space<semaphore_mem>>
        %dma_start3A_102 = arith.constant 0 : i32
        %dma_start3A_103 = tpu.memref_slice %arg6[%mul3A_0, %dma_start3A_102] : memref<10240x128xf32, #tpu.memory_space<hbm>> -> memref<640x128xf32, #tpu.memory_space<hbm>>
        %dma_start3A_104 = arith.constant 0 : i32
        %dma_start3A_105 = tpu.memref_slice %arg8[%mul3A_0, %dma_start3A_104] : memref<10240x128xf32, #tpu.memory_space<vmem_shared>> -> memref<640x128xf32, #tpu.memory_space<vmem_shared>>
        tpu.enqueue_dma source(%dma_start3A_105 : memref<640x128xf32, #tpu.memory_space<vmem_shared>>) target(%dma_start3A_103 : memref<640x128xf32, #tpu.memory_space<hbm>>) target_semaphore(%run_scoped3A : memref<!tpu.dma_semaphore, #tpu.memory_space<semaphore_mem>>)
        %dma_wait3A_106 = arith.constant 0 : i32
        %dma_wait3A_107 = tpu.memref_slice %arg6[%mul3A_0, %dma_wait3A_106] : memref<10240x128xf32, #tpu.memory_space<hbm>> -> memref<640x128xf32, #tpu.memory_space<hbm>>
        %dma_wait3A_108 = arith.constant 0 : i32
        %dma_wait3A_109 = tpu.memref_slice %arg8[%mul3A_0, %dma_wait3A_108] : memref<10240x128xf32, #tpu.memory_space<vmem_shared>> -> memref<640x128xf32, #tpu.memory_space<vmem_shared>>
        tpu.wait_dma2 semaphore(%run_scoped3A : memref<!tpu.dma_semaphore, #tpu.memory_space<semaphore_mem>>) src(%dma_wait3A_109 : memref<640x128xf32, #tpu.memory_space<vmem_shared>>) dst(%dma_wait3A_107 : memref<640x128xf32, #tpu.memory_space<hbm>>)
        tpu.yield
      }) : () -> ()
    } else {
    }
    %eq3A_97 = arith.constant 1 : i32
    %eq3A_98 = arith.cmpi eq, %arg0, %eq3A_97 : i32
    %convert_element_type3A_99 = arith.extui %eq3A_98 : i1 to i32
    %cond3A_100 = arith.constant 0 : i32
    %cond3A_101 = arith.cmpi ne, %convert_element_type3A_99, %cond3A_100 : i32
    scf.if %cond3A_101 {
      "tpu.region"() ({
        %run_scoped3A = tpu.sem_alloc : memref<!tpu.dma_semaphore, #tpu.memory_space<semaphore_mem>>
        %dma_start3A_102 = arith.constant 0 : i32
        %dma_start3A_103 = tpu.memref_slice %arg7[%mul3A_0, %dma_start3A_102] : memref<10240x128xf32, #tpu.memory_space<hbm>> -> memref<640x128xf32, #tpu.memory_space<hbm>>
        %dma_start3A_104 = arith.constant 0 : i32
        %dma_start3A_105 = tpu.memref_slice %arg8[%mul3A_0, %dma_start3A_104] : memref<10240x128xf32, #tpu.memory_space<vmem_shared>> -> memref<640x128xf32, #tpu.memory_space<vmem_shared>>
        tpu.enqueue_dma source(%dma_start3A_105 : memref<640x128xf32, #tpu.memory_space<vmem_shared>>) target(%dma_start3A_103 : memref<640x128xf32, #tpu.memory_space<hbm>>) target_semaphore(%run_scoped3A : memref<!tpu.dma_semaphore, #tpu.memory_space<semaphore_mem>>)
        %dma_wait3A_106 = arith.constant 0 : i32
        %dma_wait3A_107 = tpu.memref_slice %arg7[%mul3A_0, %dma_wait3A_106] : memref<10240x128xf32, #tpu.memory_space<hbm>> -> memref<640x128xf32, #tpu.memory_space<hbm>>
        %dma_wait3A_108 = arith.constant 0 : i32
        %dma_wait3A_109 = tpu.memref_slice %arg8[%mul3A_0, %dma_wait3A_108] : memref<10240x128xf32, #tpu.memory_space<vmem_shared>> -> memref<640x128xf32, #tpu.memory_space<vmem_shared>>
        tpu.wait_dma2 semaphore(%run_scoped3A : memref<!tpu.dma_semaphore, #tpu.memory_space<semaphore_mem>>) src(%dma_wait3A_109 : memref<640x128xf32, #tpu.memory_space<vmem_shared>>) dst(%dma_wait3A_107 : memref<640x128xf32, #tpu.memory_space<hbm>>)
        tpu.yield
      }) : () -> ()
    } else {
    }
    return
  }
}

module attributes {stable_mosaic.version = 14 : i64} {
  func.func @_pre_body(%arg0: i32, %arg1: memref<1024x256xf32, #tpu.memory_space<vmem>>, %arg2: memref<256x256xf32, #tpu.memory_space<vmem>>, %arg3: memref<10240xf32, #tpu.memory_space<vmem>>, %arg4: memref<10240xf32, #tpu.memory_space<vmem>>, %arg5: memref<1024x128xf32, #tpu.memory_space<vmem>>, %arg6: memref<1024x128xf32, #tpu.memory_space<vmem>>, %arg7: memref<1024x1xf32, #tpu.memory_space<vmem>>) attributes {dimension_semantics = [#tpu.dimension_semantics<arbitrary>], iteration_bounds = array<i64: 10>, scalar_prefetch = 0 : i64, scratch_operands = 0 : i64, tpu.core_type = #tpu.core_type<tc>, window_params = [{transform_indices = @transform_0, window_bounds = array<i64: 1024, 256>}, {pipeline_mode = #tpu.pipeline_mode<synchronous>, transform_indices = @transform_1, window_bounds = array<i64: 256, 256>}, {pipeline_mode = #tpu.pipeline_mode<synchronous>, transform_indices = @transform_2, window_bounds = array<i64: 10240>}, {pipeline_mode = #tpu.pipeline_mode<synchronous>, transform_indices = @transform_3, window_bounds = array<i64: 10240>}, {transform_indices = @transform_4, window_bounds = array<i64: 1024, 128>}, {transform_indices = @transform_5, window_bounds = array<i64: 1024, 128>}, {transform_indices = @transform_6, window_bounds = array<i64: 1024, 1>}]} {
    %mul3A = arith.constant 1024 : i32
    %mul3A_0 = arith.muli %arg0, %mul3A : i32
    %get3A = arith.index_cast %mul3A_0 : i32 to index
    %get3A_1 = vector.load %arg3[%get3A] : memref<10240xf32, #tpu.memory_space<vmem>>, vector<1024xf32>
    %mul3A_2 = arith.constant 1024 : i32
    %mul3A_3 = arith.muli %arg0, %mul3A_2 : i32
    %get3A_4 = arith.index_cast %mul3A_3 : i32 to index
    %get3A_5 = vector.load %arg4[%get3A_4] : memref<10240xf32, #tpu.memory_space<vmem>>, vector<1024xf32>
    %add3A = arith.addf %get3A_1, %get3A_5 : vector<1024xf32>
    %add3A_6 = arith.constant 1.000000e+00 : f32
    %add3A_7 = vector.broadcast %add3A_6 : f32 to vector<1024xf32>
    %add3A_8 = arith.addf %add3A, %add3A_7 : vector<1024xf32>
    %rsqrt3A = math.rsqrt %add3A_8 : vector<1024xf32>
    %reshape3A = vector.shape_cast %rsqrt3A : vector<1024xf32> to vector<1024x1xf32>
    %get3A_9 = arith.constant 0 : index
    %get3A_10 = arith.constant 0 : index
    %get3A_11 = vector.load %arg1[%get3A_9, %get3A_10] : memref<1024x256xf32, #tpu.memory_space<vmem>>, vector<1024x256xf32>
    %get3A_12 = arith.constant 0 : index
    %get3A_13 = arith.constant 0 : index
    %get3A_14 = vector.load %arg2[%get3A_12, %get3A_13] : memref<256x256xf32, #tpu.memory_space<vmem>>, vector<256x256xf32>
    %dot_general3A = arith.constant dense<0.000000e+00> : vector<1024x256xf32>
    %dot_general3A_15 = tpu.matmul %get3A_11, %get3A_14, %dot_general3A {dimension_numbers = #tpu.dot_dimension_numbers<[1], [0], [0], [1], [0, 0, 1, 1], [], []>, transpose_lhs_hint = false} : vector<1024x256xf32>, vector<256x256xf32>, vector<1024x256xf32> -> vector<1024x256xf32>
    %mul3A_16 = vector.broadcast %reshape3A : vector<1024x1xf32> to vector<1024x256xf32>
    %mul3A_17 = arith.mulf %dot_general3A_15, %mul3A_16 : vector<1024x256xf32>
    %slice3A = vector.extract_strided_slice %mul3A_17 {offsets = [0, 0], sizes = [1024, 128], strides = [1, 1]} : vector<1024x256xf32> to vector<1024x128xf32>
    %swap3A = arith.constant 0 : index
    %swap3A_18 = arith.constant 0 : index
    %swap3A_19 = vector.load %arg5[%swap3A, %swap3A_18] : memref<1024x128xf32, #tpu.memory_space<vmem>>, vector<1024x128xf32>
    tpu.vector_store %arg5[%swap3A, %swap3A_18], %slice3A {strides = array<i32>} : memref<1024x128xf32, #tpu.memory_space<vmem>>, vector<1024x128xf32>,
    %slice3A_20 = vector.extract_strided_slice %mul3A_17 {offsets = [0, 128], sizes = [1024, 128], strides = [1, 1]} : vector<1024x256xf32> to vector<1024x128xf32>
    %swap3A_21 = arith.constant 0 : index
    %swap3A_22 = arith.constant 0 : index
    %swap3A_23 = vector.load %arg6[%swap3A_21, %swap3A_22] : memref<1024x128xf32, #tpu.memory_space<vmem>>, vector<1024x128xf32>
    tpu.vector_store %arg6[%swap3A_21, %swap3A_22], %slice3A_20 {strides = array<i32>} : memref<1024x128xf32, #tpu.memory_space<vmem>>, vector<1024x128xf32>,
    %swap3A_24 = arith.constant 0 : index
    %swap3A_25 = arith.constant 0 : index
    %swap3A_26 = vector.load %arg7[%swap3A_24, %swap3A_25] : memref<1024x1xf32, #tpu.memory_space<vmem>>, vector<1024x1xf32>
    tpu.vector_store %arg7[%swap3A_24, %swap3A_25], %reshape3A {strides = array<i32>} : memref<1024x1xf32, #tpu.memory_space<vmem>>, vector<1024x1xf32>,
    return
  }
  func.func @transform_0(%arg0: i32) -> (i32, i32) {
    %c0_i32 = arith.constant 0 : i32
    %c0_i32_0 = arith.constant 0 : i32
    return %arg0, %c0_i32 : i32, i32
  }
  func.func @transform_1(%arg0: i32) -> (i32, i32) {
    %c0_i32 = arith.constant 0 : i32
    %c0_i32_0 = arith.constant 0 : i32
    %c0_i32_1 = arith.constant 0 : i32
    return %c0_i32, %c0_i32_0 : i32, i32
  }
  func.func @transform_2(%arg0: i32) -> i32 {
    %c0_i32 = arith.constant 0 : i32
    %c0_i32_0 = arith.constant 0 : i32
    return %c0_i32 : i32
  }
  func.func @transform_3(%arg0: i32) -> i32 {
    %c0_i32 = arith.constant 0 : i32
    %c0_i32_0 = arith.constant 0 : i32
    return %c0_i32 : i32
  }
  func.func @transform_4(%arg0: i32) -> (i32, i32) {
    %c0_i32 = arith.constant 0 : i32
    %c0_i32_0 = arith.constant 0 : i32
    return %arg0, %c0_i32 : i32, i32
  }
  func.func @transform_5(%arg0: i32) -> (i32, i32) {
    %c0_i32 = arith.constant 0 : i32
    %c0_i32_0 = arith.constant 0 : i32
    return %arg0, %c0_i32 : i32, i32
  }
  func.func @transform_6(%arg0: i32) -> (i32, i32) {
    %c0_i32 = arith.constant 0 : i32
    %c0_i32_0 = arith.constant 0 : i32
    return %arg0, %c0_i32 : i32, i32
  }
}

module attributes {stable_mosaic.version = 14 : i64} {
  func.func @_stage_body(%arg0: i32, %arg1: memref<1000x128xf32, #tpu.memory_space<vmem>>, %arg2: memref<1000x128xf32, #tpu.memory_space<vmem>>, %arg3: memref<1000x1xf32, #tpu.memory_space<vmem>>, %arg4: memref<1x256xf32, #tpu.memory_space<vmem>>, %arg5: memref<1x256xf32, #tpu.memory_space<vmem>>, %arg6: memref<1x256xf32, #tpu.memory_space<vmem>>, %arg7: memref<256x256xf32, #tpu.memory_space<vmem>>, %arg8: memref<1000x128xf32, #tpu.memory_space<vmem>>, %arg9: memref<1000x128xf32, #tpu.memory_space<vmem>>) attributes {dimension_semantics = [#tpu.dimension_semantics<arbitrary>], iteration_bounds = array<i64: 10>, scalar_prefetch = 0 : i64, scratch_operands = 0 : i64, tpu.core_type = #tpu.core_type<tc>, window_params = [{transform_indices = @transform_0, window_bounds = array<i64: 1000, 128>}, {transform_indices = @transform_1, window_bounds = array<i64: 1000, 128>}, {transform_indices = @transform_2, window_bounds = array<i64: 1000, 1>}, {pipeline_mode = #tpu.pipeline_mode<synchronous>, transform_indices = @transform_3, window_bounds = array<i64: 1, 256>}, {pipeline_mode = #tpu.pipeline_mode<synchronous>, transform_indices = @transform_4, window_bounds = array<i64: 1, 256>}, {pipeline_mode = #tpu.pipeline_mode<synchronous>, transform_indices = @transform_5, window_bounds = array<i64: 1, 256>}, {pipeline_mode = #tpu.pipeline_mode<synchronous>, transform_indices = @transform_6, window_bounds = array<i64: 256, 256>}, {transform_indices = @transform_7, window_bounds = array<i64: 1000, 128>}, {transform_indices = @transform_8, window_bounds = array<i64: 1000, 128>}]} {
    %get3A = arith.constant 0 : index
    %get3A_0 = arith.constant 0 : index
    %get3A_1 = vector.load %arg3[%get3A, %get3A_0] : memref<1000x1xf32, #tpu.memory_space<vmem>>, vector<1000x1xf32>
    %get3A_2 = arith.constant 0 : index
    %get3A_3 = arith.constant 0 : index
    %get3A_4 = vector.load %arg1[%get3A_2, %get3A_3] : memref<1000x128xf32, #tpu.memory_space<vmem>>, vector<1000x128xf32>
    %get3A_5 = arith.constant 0 : index
    %get3A_6 = arith.constant 0 : index
    %get3A_7 = vector.load %arg2[%get3A_5, %get3A_6] : memref<1000x128xf32, #tpu.memory_space<vmem>>, vector<1000x128xf32>
    %get3A_8 = arith.constant 0 : index
    %get3A_9 = arith.constant 0 : index
    %get3A_10 = vector.load %arg4[%get3A_8, %get3A_9] : memref<1x256xf32, #tpu.memory_space<vmem>>, vector<1x256xf32>
    %get3A_11 = arith.constant 0 : index
    %get3A_12 = arith.constant 0 : index
    %get3A_13 = vector.load %arg5[%get3A_11, %get3A_12] : memref<1x256xf32, #tpu.memory_space<vmem>>, vector<1x256xf32>
    %get3A_14 = arith.constant 0 : index
    %get3A_15 = arith.constant 0 : index
    %get3A_16 = vector.load %arg6[%get3A_14, %get3A_15] : memref<1x256xf32, #tpu.memory_space<vmem>>, vector<1x256xf32>
    %concatenate3A = tpu.concatenate %get3A_4, %get3A_7 in 1 : vector<1000x128xf32>, vector<1000x128xf32> -> vector<1000x256xf32>
    %mul3A = vector.broadcast %get3A_1 : vector<1000x1xf32> to vector<1000x256xf32>
    %mul3A_17 = arith.mulf %concatenate3A, %mul3A : vector<1000x256xf32>
    %add3A = vector.broadcast %get3A_10 : vector<1x256xf32> to vector<1000x256xf32>
    %add3A_18 = arith.addf %mul3A_17, %add3A : vector<1000x256xf32>
    %reduce_sum3A = arith.constant dense<0.000000e+00> : vector<1000xf32>
    %reduce_sum3A_19 = vector.multi_reduction <add>, %add3A_18, %reduce_sum3A [1] : vector<1000x256xf32> to vector<1000xf32>
    %broadcast_in_dim3A = vector.shape_cast %reduce_sum3A_19 : vector<1000xf32> to vector<1000x1xf32>
    %div3A = arith.constant 2.560000e+02 : f32
    %div3A_20 = vector.broadcast %div3A : f32 to vector<1000x1xf32>
    %div3A_21 = arith.divf %broadcast_in_dim3A, %div3A_20 : vector<1000x1xf32>
    %sub3A = vector.broadcast %div3A_21 : vector<1000x1xf32> to vector<1000x256xf32>
    %sub3A_22 = arith.subf %add3A_18, %sub3A : vector<1000x256xf32>
    %integer_pow3A = arith.mulf %sub3A_22, %sub3A_22 : vector<1000x256xf32>
    %reduce_sum3A_23 = arith.constant dense<0.000000e+00> : vector<1000xf32>
    %reduce_sum3A_24 = vector.multi_reduction <add>, %integer_pow3A, %reduce_sum3A_23 [1] : vector<1000x256xf32> to vector<1000xf32>
    %broadcast_in_dim3A_25 = vector.shape_cast %reduce_sum3A_24 : vector<1000xf32> to vector<1000x1xf32>
    %div3A_26 = arith.constant 2.560000e+02 : f32
    %div3A_27 = vector.broadcast %div3A_26 : f32 to vector<1000x1xf32>
    %div3A_28 = arith.divf %broadcast_in_dim3A_25, %div3A_27 : vector<1000x1xf32>
    %sub3A_29 = vector.broadcast %div3A_21 : vector<1000x1xf32> to vector<1000x256xf32>
    %sub3A_30 = arith.subf %add3A_18, %sub3A_29 : vector<1000x256xf32>
    %add3A_31 = arith.constant 9.99999974E-6 : f32
    %add3A_32 = vector.broadcast %add3A_31 : f32 to vector<1000x1xf32>
    %add3A_33 = arith.addf %div3A_28, %add3A_32 : vector<1000x1xf32>
    %rsqrt3A = math.rsqrt %add3A_33 : vector<1000x1xf32>
    %mul3A_34 = vector.broadcast %rsqrt3A : vector<1000x1xf32> to vector<1000x256xf32>
    %mul3A_35 = arith.mulf %sub3A_30, %mul3A_34 : vector<1000x256xf32>
    %mul3A_36 = vector.broadcast %get3A_13 : vector<1x256xf32> to vector<1000x256xf32>
    %mul3A_37 = arith.mulf %mul3A_35, %mul3A_36 : vector<1000x256xf32>
    %add3A_38 = vector.broadcast %get3A_16 : vector<1x256xf32> to vector<1000x256xf32>
    %add3A_39 = arith.addf %mul3A_37, %add3A_38 : vector<1000x256xf32>
    %max3A = arith.constant 0.000000e+00 : f32
    %max3A_40 = vector.broadcast %max3A : f32 to vector<1000x256xf32>
    %max3A_41 = arith.maximumf %add3A_39, %max3A_40 : vector<1000x256xf32>
    %get3A_42 = arith.constant 0 : index
    %get3A_43 = arith.constant 0 : index
    %get3A_44 = vector.load %arg7[%get3A_42, %get3A_43] : memref<256x256xf32, #tpu.memory_space<vmem>>, vector<256x256xf32>
    %dot_general3A = arith.constant dense<0.000000e+00> : vector<1000x256xf32>
    %dot_general3A_45 = tpu.matmul %max3A_41, %get3A_44, %dot_general3A {dimension_numbers = #tpu.dot_dimension_numbers<[1], [0], [0], [1], [0, 0, 1, 1], [], []>, transpose_lhs_hint = false} : vector<1000x256xf32>, vector<256x256xf32>, vector<1000x256xf32> -> vector<1000x256xf32>
    %mul3A_46 = vector.broadcast %get3A_1 : vector<1000x1xf32> to vector<1000x256xf32>
    %mul3A_47 = arith.mulf %dot_general3A_45, %mul3A_46 : vector<1000x256xf32>
    %slice3A = vector.extract_strided_slice %mul3A_47 {offsets = [0, 0], sizes = [1000, 128], strides = [1, 1]} : vector<1000x256xf32> to vector<1000x128xf32>
    %swap3A = arith.constant 0 : index
    %swap3A_48 = arith.constant 0 : index
    %swap3A_49 = vector.load %arg8[%swap3A, %swap3A_48] : memref<1000x128xf32, #tpu.memory_space<vmem>>, vector<1000x128xf32>
    tpu.vector_store %arg8[%swap3A, %swap3A_48], %slice3A {strides = array<i32>} : memref<1000x128xf32, #tpu.memory_space<vmem>>, vector<1000x128xf32>,
    %slice3A_50 = vector.extract_strided_slice %mul3A_47 {offsets = [0, 128], sizes = [1000, 128], strides = [1, 1]} : vector<1000x256xf32> to vector<1000x128xf32>
    %swap3A_51 = arith.constant 0 : index
    %swap3A_52 = arith.constant 0 : index
    %swap3A_53 = vector.load %arg9[%swap3A_51, %swap3A_52] : memref<1000x128xf32, #tpu.memory_space<vmem>>, vector<1000x128xf32>
    tpu.vector_store %arg9[%swap3A_51, %swap3A_52], %slice3A_50 {strides = array<i32>} : memref<1000x128xf32, #tpu.memory_space<vmem>>, vector<1000x128xf32>,
    return
  }
  func.func @transform_0(%arg0: i32) -> (i32, i32) {
    %c0_i32 = arith.constant 0 : i32
    %c0_i32_0 = arith.constant 0 : i32
    return %arg0, %c0_i32 : i32, i32
  }
  func.func @transform_1(%arg0: i32) -> (i32, i32) {
    %c0_i32 = arith.constant 0 : i32
    %c0_i32_0 = arith.constant 0 : i32
    return %arg0, %c0_i32 : i32, i32
  }
  func.func @transform_2(%arg0: i32) -> (i32, i32) {
    %c0_i32 = arith.constant 0 : i32
    %c0_i32_0 = arith.constant 0 : i32
    return %arg0, %c0_i32 : i32, i32
  }
  func.func @transform_3(%arg0: i32) -> (i32, i32) {
    %c0_i32 = arith.constant 0 : i32
    %c0_i32_0 = arith.constant 0 : i32
    %c0_i32_1 = arith.constant 0 : i32
    return %c0_i32, %c0_i32_0 : i32, i32
  }
  func.func @transform_4(%arg0: i32) -> (i32, i32) {
    %c0_i32 = arith.constant 0 : i32
    %c0_i32_0 = arith.constant 0 : i32
    %c0_i32_1 = arith.constant 0 : i32
    return %c0_i32, %c0_i32_0 : i32, i32
  }
  func.func @transform_5(%arg0: i32) -> (i32, i32) {
    %c0_i32 = arith.constant 0 : i32
    %c0_i32_0 = arith.constant 0 : i32
    %c0_i32_1 = arith.constant 0 : i32
    return %c0_i32, %c0_i32_0 : i32, i32
  }
  func.func @transform_6(%arg0: i32) -> (i32, i32) {
    %c0_i32 = arith.constant 0 : i32
    %c0_i32_0 = arith.constant 0 : i32
    %c0_i32_1 = arith.constant 0 : i32
    return %c0_i32, %c0_i32_0 : i32, i32
  }
  func.func @transform_7(%arg0: i32) -> (i32, i32) {
    %c0_i32 = arith.constant 0 : i32
    %c0_i32_0 = arith.constant 0 : i32
    return %arg0, %c0_i32 : i32, i32
  }
  func.func @transform_8(%arg0: i32) -> (i32, i32) {
    %c0_i32 = arith.constant 0 : i32
    %c0_i32_0 = arith.constant 0 : i32
    return %arg0, %c0_i32 : i32, i32
  }
}

module attributes {stable_mosaic.version = 14 : i64} {
  func.func @_final_body(%arg0: i32, %arg1: memref<1000x128xf32, #tpu.memory_space<vmem>>, %arg2: memref<1000x128xf32, #tpu.memory_space<vmem>>, %arg3: memref<1000x1xf32, #tpu.memory_space<vmem>>, %arg4: memref<1x256xf32, #tpu.memory_space<vmem>>, %arg5: memref<1x256xf32, #tpu.memory_space<vmem>>, %arg6: memref<1x256xf32, #tpu.memory_space<vmem>>, %arg7: memref<1000x256xf32, #tpu.memory_space<vmem>>) attributes {dimension_semantics = [#tpu.dimension_semantics<arbitrary>], iteration_bounds = array<i64: 10>, scalar_prefetch = 0 : i64, scratch_operands = 0 : i64, tpu.core_type = #tpu.core_type<tc>, window_params = [{transform_indices = @transform_0, window_bounds = array<i64: 1000, 128>}, {transform_indices = @transform_1, window_bounds = array<i64: 1000, 128>}, {transform_indices = @transform_2, window_bounds = array<i64: 1000, 1>}, {pipeline_mode = #tpu.pipeline_mode<synchronous>, transform_indices = @transform_3, window_bounds = array<i64: 1, 256>}, {pipeline_mode = #tpu.pipeline_mode<synchronous>, transform_indices = @transform_4, window_bounds = array<i64: 1, 256>}, {pipeline_mode = #tpu.pipeline_mode<synchronous>, transform_indices = @transform_5, window_bounds = array<i64: 1, 256>}, {transform_indices = @transform_6, window_bounds = array<i64: 1000, 256>}]} {
    %get3A = arith.constant 0 : index
    %get3A_0 = arith.constant 0 : index
    %get3A_1 = vector.load %arg1[%get3A, %get3A_0] : memref<1000x128xf32, #tpu.memory_space<vmem>>, vector<1000x128xf32>
    %get3A_2 = arith.constant 0 : index
    %get3A_3 = arith.constant 0 : index
    %get3A_4 = vector.load %arg2[%get3A_2, %get3A_3] : memref<1000x128xf32, #tpu.memory_space<vmem>>, vector<1000x128xf32>
    %get3A_5 = arith.constant 0 : index
    %get3A_6 = arith.constant 0 : index
    %get3A_7 = vector.load %arg3[%get3A_5, %get3A_6] : memref<1000x1xf32, #tpu.memory_space<vmem>>, vector<1000x1xf32>
    %get3A_8 = arith.constant 0 : index
    %get3A_9 = arith.constant 0 : index
    %get3A_10 = vector.load %arg4[%get3A_8, %get3A_9] : memref<1x256xf32, #tpu.memory_space<vmem>>, vector<1x256xf32>
    %get3A_11 = arith.constant 0 : index
    %get3A_12 = arith.constant 0 : index
    %get3A_13 = vector.load %arg5[%get3A_11, %get3A_12] : memref<1x256xf32, #tpu.memory_space<vmem>>, vector<1x256xf32>
    %get3A_14 = arith.constant 0 : index
    %get3A_15 = arith.constant 0 : index
    %get3A_16 = vector.load %arg6[%get3A_14, %get3A_15] : memref<1x256xf32, #tpu.memory_space<vmem>>, vector<1x256xf32>
    %concatenate3A = tpu.concatenate %get3A_1, %get3A_4 in 1 : vector<1000x128xf32>, vector<1000x128xf32> -> vector<1000x256xf32>
    %mul3A = vector.broadcast %get3A_7 : vector<1000x1xf32> to vector<1000x256xf32>
    %mul3A_17 = arith.mulf %concatenate3A, %mul3A : vector<1000x256xf32>
    %add3A = vector.broadcast %get3A_10 : vector<1x256xf32> to vector<1000x256xf32>
    %add3A_18 = arith.addf %mul3A_17, %add3A : vector<1000x256xf32>
    %reduce_sum3A = arith.constant dense<0.000000e+00> : vector<1000xf32>
    %reduce_sum3A_19 = vector.multi_reduction <add>, %add3A_18, %reduce_sum3A [1] : vector<1000x256xf32> to vector<1000xf32>
    %broadcast_in_dim3A = vector.shape_cast %reduce_sum3A_19 : vector<1000xf32> to vector<1000x1xf32>
    %div3A = arith.constant 2.560000e+02 : f32
    %div3A_20 = vector.broadcast %div3A : f32 to vector<1000x1xf32>
    %div3A_21 = arith.divf %broadcast_in_dim3A, %div3A_20 : vector<1000x1xf32>
    %sub3A = vector.broadcast %div3A_21 : vector<1000x1xf32> to vector<1000x256xf32>
    %sub3A_22 = arith.subf %add3A_18, %sub3A : vector<1000x256xf32>
    %integer_pow3A = arith.mulf %sub3A_22, %sub3A_22 : vector<1000x256xf32>
    %reduce_sum3A_23 = arith.constant dense<0.000000e+00> : vector<1000xf32>
    %reduce_sum3A_24 = vector.multi_reduction <add>, %integer_pow3A, %reduce_sum3A_23 [1] : vector<1000x256xf32> to vector<1000xf32>
    %broadcast_in_dim3A_25 = vector.shape_cast %reduce_sum3A_24 : vector<1000xf32> to vector<1000x1xf32>
    %div3A_26 = arith.constant 2.560000e+02 : f32
    %div3A_27 = vector.broadcast %div3A_26 : f32 to vector<1000x1xf32>
    %div3A_28 = arith.divf %broadcast_in_dim3A_25, %div3A_27 : vector<1000x1xf32>
    %sub3A_29 = vector.broadcast %div3A_21 : vector<1000x1xf32> to vector<1000x256xf32>
    %sub3A_30 = arith.subf %add3A_18, %sub3A_29 : vector<1000x256xf32>
    %add3A_31 = arith.constant 9.99999974E-6 : f32
    %add3A_32 = vector.broadcast %add3A_31 : f32 to vector<1000x1xf32>
    %add3A_33 = arith.addf %div3A_28, %add3A_32 : vector<1000x1xf32>
    %rsqrt3A = math.rsqrt %add3A_33 : vector<1000x1xf32>
    %mul3A_34 = vector.broadcast %rsqrt3A : vector<1000x1xf32> to vector<1000x256xf32>
    %mul3A_35 = arith.mulf %sub3A_30, %mul3A_34 : vector<1000x256xf32>
    %mul3A_36 = vector.broadcast %get3A_13 : vector<1x256xf32> to vector<1000x256xf32>
    %mul3A_37 = arith.mulf %mul3A_35, %mul3A_36 : vector<1000x256xf32>
    %add3A_38 = vector.broadcast %get3A_16 : vector<1x256xf32> to vector<1000x256xf32>
    %add3A_39 = arith.addf %mul3A_37, %add3A_38 : vector<1000x256xf32>
    %max3A = arith.constant 0.000000e+00 : f32
    %max3A_40 = vector.broadcast %max3A : f32 to vector<1000x256xf32>
    %max3A_41 = arith.maximumf %add3A_39, %max3A_40 : vector<1000x256xf32>
    %swap3A = arith.constant 0 : index
    %swap3A_42 = arith.constant 0 : index
    %swap3A_43 = vector.load %arg7[%swap3A, %swap3A_42] : memref<1000x256xf32, #tpu.memory_space<vmem>>, vector<1000x256xf32>
    tpu.vector_store %arg7[%swap3A, %swap3A_42], %max3A_41 {strides = array<i32>} : memref<1000x256xf32, #tpu.memory_space<vmem>>, vector<1000x256xf32>,
    return
  }
  func.func @transform_0(%arg0: i32) -> (i32, i32) {
    %c0_i32 = arith.constant 0 : i32
    %c0_i32_0 = arith.constant 0 : i32
    return %arg0, %c0_i32 : i32, i32
  }
  func.func @transform_1(%arg0: i32) -> (i32, i32) {
    %c0_i32 = arith.constant 0 : i32
    %c0_i32_0 = arith.constant 0 : i32
    return %arg0, %c0_i32 : i32, i32
  }
  func.func @transform_2(%arg0: i32) -> (i32, i32) {
    %c0_i32 = arith.constant 0 : i32
    %c0_i32_0 = arith.constant 0 : i32
    return %arg0, %c0_i32 : i32, i32
  }
  func.func @transform_3(%arg0: i32) -> (i32, i32) {
    %c0_i32 = arith.constant 0 : i32
    %c0_i32_0 = arith.constant 0 : i32
    %c0_i32_1 = arith.constant 0 : i32
    return %c0_i32, %c0_i32_0 : i32, i32
  }
  func.func @transform_4(%arg0: i32) -> (i32, i32) {
    %c0_i32 = arith.constant 0 : i32
    %c0_i32_0 = arith.constant 0 : i32
    %c0_i32_1 = arith.constant 0 : i32
    return %c0_i32, %c0_i32_0 : i32, i32
  }
  func.func @transform_5(%arg0: i32) -> (i32, i32) {
    %c0_i32 = arith.constant 0 : i32
    %c0_i32_0 = arith.constant 0 : i32
    %c0_i32_1 = arith.constant 0 : i32
    return %c0_i32, %c0_i32_0 : i32, i32
  }
  func.func @transform_6(%arg0: i32) -> (i32, i32) {
    %c0_i32 = arith.constant 0 : i32
    %c0_i32_0 = arith.constant 0 : i32
    return %arg0, %c0_i32 : i32, i32
  }
}

</mosaic_0001>

<sc_bundles>
// kernel: kernel.10.cloned.1.call-start
scs
__scs_entry_jumppad:
0x0: {  	(pc) =	sbr.rel $0x88, $3  }
0x1: {  	(tag) =	ssettag $0x0;
	lr =	simm.s32 $0x1  }
0x2: {  	[smem:$0x3F93] =	sst lr;
	_ =	strace $0xD0000000  }
0x3: {  	_ = 	snop  }
0x4: {  	_ = 	snop  }
0x5: {  	_ = 	snop  }
0x6: {  	_ = 	snop  }
0x7: {  	_ = 	snop  }
__scs_overlays_trampoline_lowered:
0x8: {  	[smem:$0x3FA2] =	sst s0  }
0x9: {  	[smem:$0x3FA3] =	sst s1  }
0xa: {  	[smem:$0x3FA4] =	sst s2  }
0xb: {  	[smem:$0x3FA5] =	sst s3  }
0xc: {  	[smem:$0x3FA6] =	sst s4  }
0xd: {  	[smem:$0x3FA7] =	sst s5  }
0xe: {  	[smem:$0x3FA8] =	sst s6  }
0xf: {  	[smem:$0x3FA9] =	sst s7  }
0x10: {  	[smem:$0x3FAA] =	sst s8  }
0x11: {  	[smem:$0x3FAB] =	sst s9;
	s0 =	simm.s32 @!p0 $0x0  }
0x12: {  	s1 =	sld [smem:$0x3F91];
	s0 =	simm.s32 @p0 $0x1  }
0x13: {  	[smem:$0x3FAC] =	sst s0;
	s0 =	simm.s32 @!p1 $0x0  }
0x14: {  	s2 =	sld [smem:$0x3F90];
	s0 =	simm.s32 @p1 $0x1  }
0x15: {  	[smem:$0x3FAD] =	sst s0;
	s0 =	simm.s32 @!p2 $0x0  }
0x16: {  	s3 =	sld [smem:$0x3FDB];
	s0 =	simm.s32 @p2 $0x1  }
0x17: {  	s4 =	simm.s32 $0x1BF5;
	[smem:$0x3FAF] =	sst s0  }
0x18: {  	s0 =	sld [smem:$0x3F92];
	_ =	swait.ge [sflag:s4], $0x0  }
0x19: {  	s7 =	sld [smem:$0x3F93]  }
0x1a: {  	s8 =	sadd.s32 $0xFFFFE003, lr  }
0x1b: {  	s9 =	sadd.s32 $0xFFFFFEF7, lr;
	s5 =	simm.s32 $0xFFFFFFFF;
	p2 =	slt.u32 s8, $0xFFFFF086  }
0x1c: {  	p1 =	slt.u32 s9, $0xF7A;
	s5 =	simm.s32 @!p2 $0x0  }
0x1d: {  	s5 =	simm.s32 @p1 $0x1;
	p0 =	seq.s32 s7, s2  }
0x1e: {  	s7 =	smul.u32 @!p0 $0xF7A, s2;
	p2 =	seq.s32 @!p0 s5, $0x0  }
0x1f: {  	s9 =	smul.u32 $0xF7A, s1;
	s8 =	simm.s32 @!p0 $0x1BF5;
	p2 =	por !p2, p0  }
0x20: {  	[sflag:s8] =	ssyncset.s32 @!p0 $0xFFFFF086;
	s6 =	sadd.s32 @!p0 s3, s7;
	s7 =	simm.s32 @!p0 $0x108  }
0x21: {  	s3 =	sadd.s32 s3, s9;
	s6 =	sadd.s32 @!p0 $0x88, s6;
	s7 =	simm.s32 @p2 $0x1082  }
0x22: {  	[simem:s7], [sflag:s8] =	dma.local @!p0 [hbm:s6], $0xF7A  }
0x23: {  	s9 =	sor.u32 $0xD0000000, s2;
	s6 =	simm.s32 $0x108;
	_ =	swait.ge @!p0 [sflag:s8], $0x0  }
0x24: {  	s3 =	sadd.s32 $0x88, s3;
	s6 =	simm.s32 @!p1 $0x1082;
	[sflag:s4] =	ssyncset.s32 $0xFFFFF086  }
0x25: {  	[simem:s6], [sflag:s4] =	dma.local [hbm:s3], $0xF7A  }
0x26: {  	[smem:$0x3F93] =	sst s1;
	(tag) =	ssettag s2;
	_ =	strace s9  }
0x27: {  	s1 =	sld [smem:$0x3FA3]  }
0x28: {  	s2 =	sld [smem:$0x3FA4]  }
0x29: {  	s4 =	sld [smem:$0x3FA6]  }
0x2a: {  	p0 =	seq.s32 s5, $0x0;
	s5 =	sld [smem:$0x3FA7]  }
0x2b: {  	s6 =	sld [smem:$0x3FA8]  }
0x2c: {  	s7 =	sld [smem:$0x3FA9]  }
0x2d: {  	s3 =	simm.s32 $0x108;
	s8 =	sld [smem:$0x3FAA]  }
0x2e: {  	s3 =	simm.s32 @!p0 $0x1082;
	s9 =	sld [smem:$0x3FAB]  }
0x2f: {  	lr =	sadd.s32 s0, s3;
	s0 =	sld [smem:$0x3FA2]  }
0x30: {  	s3 =	sld [smem:$0x3FA5]  }
0x31: {  	[smem:$0x3FAE] =	sst s10  }
0x32: {  	s10 =	sld [smem:$0x3FAC];
	_ =	sdelay $0x3  }
0x33: {  	p0 =	seq.s32 s10, $0x1;
	s10 =	sld [smem:$0x3FAE];
	_ =	sdelay $0x3  }
0x34: {  	[smem:$0x3FAE] =	sst s10  }
0x35: {  	s10 =	sld [smem:$0x3FAD];
	_ =	sdelay $0x3  }
0x36: {  	p1 =	seq.s32 s10, $0x1;
	s10 =	sld [smem:$0x3FAE];
	_ =	sdelay $0x3  }
0x37: {  	[smem:$0x3FAE] =	sst s10  }
0x38: {  	s10 =	sld [smem:$0x3FAF]  }
0x39: {  	_ = 	snop;
	(pc) =	sbr.ind lr, $3  }
0x3a: {  	_ = 	snop  }
0x3b: {  	_ = 	snop  }
0x3c: {  	p2 =	seq.s32 s10, $0x1;
	s10 =	sld [smem:$0x3FAE]  }
0x3d: {  	_ =	shalt  }
0x3e: {  	_ =	shalt  }
0x3f: {  	_ =	shalt  }
0x40: {  	_ =	shalt  }
0x41: {  	_ =	shalt  }
0x42: {  	_ =	shalt  }
0x43: {  	_ =	shalt  }
0x44: {  	_ =	shalt  }
0x45: {  	_ =	shalt  }
0x46: {  	_ =	shalt  }
0x47: {  	_ =	shalt  }
0x48: {  	_ =	shalt  }
0x49: {  	_ =	shalt  }
0x4a: {  	_ =	shalt  }
0x4b: {  	_ =	shalt  }
0x4c: {  	_ =	shalt  }
0x4d: {  	_ =	shalt  }
0x4e: {  	_ =	shalt  }
0x4f: {  	_ =	shalt  }
0x50: {  	_ =	shalt  }
0x51: {  	_ =	shalt  }
0x52: {  	_ =	shalt  }
0x53: {  	_ =	shalt  }
0x54: {  	_ =	shalt  }
0x55: {  	_ =	shalt  }
0x56: {  	_ =	shalt  }
0x57: {  	_ =	shalt  }
0x58: {  	_ =	shalt  }
0x59: {  	_ =	shalt  }
0x5a: {  	_ =	shalt  }
0x5b: {  	_ =	shalt  }
0x5c: {  	_ =	shalt  }
0x5d: {  	_ =	shalt  }
0x5e: {  	_ =	shalt  }
0x5f: {  	_ =	shalt  }
0x60: {  	_ =	shalt  }
0x61: {  	_ =	shalt  }
0x62: {  	_ =	shalt  }
0x63: {  	_ =	shalt  }
0x64: {  	_ =	shalt  }
0x65: {  	_ =	shalt  }
0x66: {  	_ =	shalt  }
0x67: {  	_ =	shalt  }
0x68: {  	_ =	shalt  }
0x69: {  	_ =	shalt  }
0x6a: {  	_ =	shalt  }
0x6b: {  	_ =	shalt  }
0x6c: {  	_ =	shalt  }
0x6d: {  	_ =	shalt  }
0x6e: {  	_ =	shalt  }
0x6f: {  	_ =	shalt  }
0x70: {  	_ =	shalt  }
0x71: {  	_ =	shalt  }
0x72: {  	_ =	shalt  }
0x73: {  	_ =	shalt  }
0x74: {  	_ =	shalt  }
0x75: {  	_ =	shalt  }
0x76: {  	_ =	shalt  }
0x77: {  	_ =	shalt  }
0x78: {  	_ =	shalt  }
0x79: {  	_ =	shalt  }
0x7a: {  	_ =	shalt  }
0x7b: {  	_ =	shalt  }
0x7c: {  	_ =	shalt  }
0x7d: {  	_ =	shalt  }
0x7e: {  	_ =	shalt  }
0x7f: {  	_ =	shalt  }
0x80: {  	_ =	shalt  }
0x81: {  	_ =	shalt  }
0x82: {  	_ =	shalt  }
0x83: {  	_ =	shalt  }
0x84: {  	_ =	shalt  }
0x85: {  	_ =	shalt  }
0x86: {  	_ =	shalt  }
0x87: {  	_ =	shalt  }
.Lfunc_end0:
.L_simem_size_0:
called_computation_lowered:
.L_overlay_start_0:
0x88: {  	s2 =	sld [smem:$0x3FD9]  }
0x89: {  	s3 =	sld [smem:$0x3FFE];
	_ =	sdelay $0x1  }
0x8a: {  	s1 =	srdreg.scid  }
0x8b: {  	s0 =	sand.u32 $0x1, s1  }
0x8c: {  	s17 =	sshll.u32 s0, $0xA;
	s2 =	sadd.s32 s3, s2  }
0x8d: {  	s2 =	sadd.s32 s2, s17  }
0x8e: {  	[smem:$0x3FBA] =	sst s2  }
0x8f: {  	_ = 	snop  }
0x90: {  	s2 =	sld [smem:$0x3FD0];
	(tm) =	ssettm $0x1  }
0x91: {  	s18 =	sld [smem:$0x3FFB];
	_ =	sdelay $0x3  }
0x92: {  	_ =	strace s18  }
0x93: {  	s3 =	sld [smem:$0x3FFC];
	_ =	sdelay $0x3  }
0x94: {  	_ =	strace s3  }
0x95: {  	s3 =	sld [smem:$0x3FFD];
	_ =	sdelay $0x3  }
0x96: {  	_ =	strace s3  }
0x97: {  	_ =	strace $0x8FFFFFFF  }
0x98: {  	s19 =	sld [smem:$0x3FDB];
	_ =	sdelay $0x1  }
0x99: {  	s4 =	simm.s32 $_scs_section_size  }
0x9a: {  	s5 =	simm.s32 $_size__tile_overlayer_lowered;
	s6 =	simm.s32 $_tile_overlayer_lowered  }
0x9b: {  	s22 =	simm.s32 $0x1BFF;
	s21 =	sshll.u32 s6, $0x1;
	s3 =	sadd.s32 s4, s19  }
0x9c: {  	s7 =	simm.s32 $0x0;
	s20 =	sshll.u32 s5, $0x1;
	s5 =	sadd.s32 s21, s3  }
0x9d: {  	[timem:s7], [sflag:s22] =	dma.local [hbm:s5], s20  }
0x9e: {  	_ =	swait.ge [sflag:s22], s20  }
0x9f: {  	s4 =	ssub.s32 $0x0, s20;
	[sflag:s22] =	ssyncset.done $0x0  }
0xa0: {  	[sflag:s22] =	ssyncadd.s32 s4;
	_ =	sdelay $0x1  }
0xa1: {  	s23 =	simm.s32 $0x1B8B  }
0xa2: {  	_ =	swait.ge [sflag:s23], $0x1  }
0xa3: {  	[sflag:s23] =	ssyncset.done $0x0  }
0xa4: {  	s25 =	simm.s32 $0x1B8E;
	s24 =	sld [smem:$0x3FFE];
	[sflag:s23] =	ssyncadd.s32 $0xFFFFFFFF  }
0xa5: {  	s26 =	simm.s32 $execute0_lowered;
	[smem:$0x3FD2] =	sst s25  }
0xa6: {  	s5 =	sshll.u32 s26, $0x1;
	_ =	strace $0x80000046;
	[dreg:$0x1] =	wrdreg $0xFFFFFFFF  }
0xa7: {  	s28 =	simm.s32 $_size_execute0_lowered;
	s3 =	sadd.s32 s3, s5;
	[dreg:$0x0] =	wrdreg $0x0  }
0xa8: {  	s5 =	sshll.u32 s28, $0x1;
	[dreg:$0x2] =	wrdreg s3  }
0xa9: {  	[dreg:$0x3] =	wrdreg s5  }
0xaa: {  	[dreg:$0x4] =	wrdreg $0xC0  }
0xab: {  	_ =	task [dreg:s7], $0x5FFFF  }
0xac: {  	[dreg:$0x1] =	wrdreg $0xFFFFFFFF  }
0xad: {  	[dreg:$0x0] =	wrdreg $0x60  }
0xae: {  	[dreg:$0x2] =	wrdreg s24  }
0xaf: {  	[dreg:$0x3] =	wrdreg s2  }
0xb0: {  	[dreg:$0x4] =	wrdreg $0x0  }
0xb1: {  	[dreg:$0x5] =	wrdreg $0x9  }
0xb2: {  	_ =	task.clear_ibuf [dreg:s7], $0x6FFFF;
	_ =	strace $0x90000046  }
0xb3: {  	s29 =	simm.s32 $0x9;
	_ =	strace $0x80000048  }
0xb4: {  	_ =	swait.ge [sflag:s29], $0x1  }
0xb5: {  	[sflag:s29] =	ssyncadd.s32 $0xFFFFFFFF  }
0xb6: {  	_ =	strace $0x90000048  }
0xb7: {  	_ =	sfence  }
0xb8: {  	s30 =	sld [smem:$0x0];
	_ =	sdelay $0x2  }
0xb9: {  	s31 =	sshll.u32 s1, $0xD;
	s1 =	sshrl.u32 s1, $0x2  }
0xba: {  	s3 =	sand.u32 $0x4000, s31;
	s1 =	sadd.s32 s1, s30  }
0xbb: {  	s0 =	sor.u32 s3, s0;
	s1 =	sshll.u32 s1, $0x11  }
0xbc: {  	s0 =	sor.u32 s1, s0  }
0xbd: {  	s0 =	sadd.s32 $0x8F2B, s0  }
0xbe: {  	[sflag:s0] =	ssyncadd.remote.s32 $0x1  }
0xbf: {  	_ =	sfence.sel $0xFFFF  }
0xc0: {  	[dreg:$0x0] =	wrdreg $0xFFFFFFFF;
	(pc) =	sbr.abs _section_cstart, $3  }
0xc1: {  	[dreg:$0x1] =	wrdreg $0xFFFFFFFF  }
0xc2: {  	_ =	task.clear_ibuf [dreg:s7], $0x2FFFF;
	_ =	strace $0x9FFFFFFF  }
0xc3: {  	(tm) =	ssettm $0x7FFFFFFF  }
tec
execute0_lowered:
.L_overlay_start_1:
0x0: {  	(tag) =	ssettag $0x1  }
0x1: {  	s0 =	rddreg [dreg:$0x0]  }
0x2: {  	s1 =	rddreg [dreg:$0x1];
	s3 =	srdreg.scid  }
0x3: {  	s2 =	rddreg [dreg:$0x2];
	s10 =	stileid.u32  }
0x4: {  	s28 =	simm.s32 $0x280;
	s30 =	simm.s32 $0x1;
	s31 =	simm.s32 $0x80  }
0x5: {  	s6 =	sand.u32 $0x1, s3;
	s3 =	simm.s32 $0x0;
	s5 =	smul.u32 $0x1388, s10  }
0x6: {  	s11 =	sadd.s32 $0xFC00, s0;
	s12 =	smul.u32 $0x280, s10;
	s10 =	simm.s32 $0x4  }
0x7: {  	s4 =	smul.u32 $0x13880, s6;
	[smem:$0x7FF] =	sst s3;
	s7 =	ssub.s32 $0x2, s6  }
0x8: {  	p0 =	seq.s32 s6, $0x1;
	s6 =	simm.s32 $0x10400;
	_ =	strace $0x80000047  }
0x9: {  	s8 =	sshrl.u32 s7, $0x1;
	[dreg:$0x4] =	wrdreg s11;
	s16 =	sadd.s32 s12, s2  }
0xa: {  	s6 =	simm.s32 @!p0 $0xFE00;
	s11 =	simm.s32 $0x0;
	s4 =	sadd.s32 s5, s4  }
0xb: {  	s5 =	sadd.s32 $0xAC00, s0;
	s7 =	ssub.s32 s7, s8;
	[dreg:$0x9] =	wrdreg s16  }
0xc: {  	s8 =	sshrl.u32 s12, $0x3;
	s0 =	sadd.s32 s6, s0;
	s12 =	simm.s32 $0x5  }
0xd: {  	s9 =	sshrl.u32 s4, $0x3;
	s1 =	sadd.s32 s1, s8;
	s18 =	smax.u32 s7, $0x1  }
0xe: {  	s0 =	sadd.s32 s0, s8;
	s19 =	sadd.s32 $0x580, s4;
	s20 =	sadd.s32 $0x500, s4  }
0xf: {  	s21 =	sadd.s32 $0x480, s4;
	s24 =	sadd.s32 $0x400, s4;
	s25 =	sadd.s32 $0x300, s4  }
0x10: {  	s26 =	sadd.s32 $0x280, s4;
	s29 =	sadd.s32 $0x200, s4;
	[dreg:$0xa] =	wrdreg s1  }
0x11: {  	s8 =	simm.s32 $0x3;
	s7 =	simm.s32 $0xC;
	[dreg:$0xc] =	wrdreg s18  }
0x12: {  	s9 =	sadd.s32 s5, s9;
	[dreg:$0xd] =	wrdreg s0;
	s0 =	sshrl.u32 s19, $0x3  }
0x13: {  	s22 =	sshrl.u32 s20, $0x3;
	s23 =	sshrl.u32 s21, $0x3;
	[dreg:$0xe] =	wrdreg s24  }
0x14: {  	s1 =	sshrl.u32 s26, $0x3;
	s6 =	sshrl.u32 s29, $0x3;
	s26 =	simm.s32 $0x480  }
0x15: {  	s19 =	simm.s32 $0xD;
	s13 =	sadd.s32 $0x10, s9;
	s14 =	sadd.s32 $0x20, s9  }
0x16: {  	s15 =	sadd.s32 $0x30, s9;
	[dreg:$0x5] =	wrdreg s9;
	s17 =	sadd.s32 $0x270, s9  }
0x17: {  	s16 =	sadd.s32 s0, s5;
	s18 =	sadd.s32 s23, s5;
	[dreg:$0x6] =	wrdreg s13  }
.Ltmp0:
0x18: {  	s0 =	sshrl.u32 s25, $0x3;
	[dreg:$0x7] =	wrdreg s14;
	(pc) =	sbr.rel .LBB2_1-.Ltmp0, $4  }
0x19: {  	s21 =	sadd.s32 s1, s5;
	s1 =	simm.s32 $0x2;
	[dreg:$0x8] =	wrdreg s15  }
0x1a: {  	s9 =	simm.s32 $0x600;
	[dreg:$0xb] =	wrdreg s17;
	s17 =	sadd.s32 s22, s5  }
0x1b: {  	s20 =	sadd.s32 s0, s5;
	s22 =	sadd.s32 s6, s5;
	s0 =	simm.s32 $0x500  }
0x1c: {  	s13 =	simm.s32 $0x9;
	s14 =	simm.s32 $0x7;
	s15 =	simm.s32 $0xB  }
.LBB2_8:
0x1d: {  	_ =	swait.ge [sflag:s13], $0x80  }
0x1e: {  	[sflag:s13] =	ssyncset.done $0x0  }
0x1f: {  	s6 =	simm.s32 $0xA;
	[sflag:s13] =	ssyncadd.s32 $0xFFFFFF80  }
0x20: {  	_ =	swait.ge [sflag:s6], $0x80  }
0x21: {  	[sflag:s6] =	ssyncset.done $0x0  }
0x22: {  	[sflag:s6] =	ssyncadd.s32 $0xFFFFFF80  }
0x23: {  	_ =	swait.ge [sflag:s15], $0x80  }
0x24: {  	[sflag:s15] =	ssyncset.done $0x0  }
0x25: {  	[sflag:s15] =	ssyncadd.s32 $0xFFFFFF80  }
0x26: {  	_ =	swait.ge [sflag:s7], $0x80  }
0x27: {  	s11 =	simm.s32 $0x700;
	[sflag:s7] =	ssyncset.done $0x0  }
0x28: {  	s19 =	simm.s32 $0xD;
	s25 =	rddreg [dreg:$0xb];
	[sflag:s7] =	ssyncadd.s32 $0xFFFFFF80  }
0x29: {  	[tilespmem:s11], [sflag:$0xD] =	stream.linear.gather [hbm4b:s25+s3], $0x8, $0x38;
	[tilespmem:$0x780] =	vst v63  }
0x2a: {  	_ =	swait.ge [sflag:s19], $0x8  }
0x2b: {  	[sflag:s19] =	ssyncset.done $0x0  }
0x2c: {  	s29 =	simm.s32 $0x8;
	[sflag:s19] =	ssyncadd.s32 $0xFFFFFFF8  }
0x2d: {  	[spmem:s2] =	stream.indirect.scatter.add.f32 [tilespmem:s28], [sflag:$0xD], $0x1, s11, s29, $0xb8;
	[tilespmem:$0x780] =	vst v63  }
0x2e: {  	_ =	swait.ge [sflag:s19], $0x8  }
0x2f: {  	[sflag:s19] =	ssyncset.done $0x0  }
0x30: {  	[sflag:s19] =	ssyncadd.s32 $0xFFFFFFF8  }
0x31: {  	[bflag:$0x0] =	sbarrier.arrive $0xFFFF  }
0x32: {  	s11 =	rddreg [dreg:$0xd]  }
0x33: {  	s24 =	rddreg [dreg:$0x10]  }
0x34: {  	s23 =	rddreg [dreg:$0x11]  }
0x35: {  	[hbm:s11], [sflag:s24] =	dma.local [spmem:s23], $0x50  }
0x36: {  	_ =	swait.ge [sflag:s19], $0x50  }
0x37: {  	s25 =	rddreg [dreg:$0xf]  }
0x38: {  	s29 =	rddreg [dreg:$0xc];
	s11 =	sadd.s32 $0x1, s25  }
0x39: {  	p0 =	sne.s32 s11, s29  }
.Ltmp1:
0x3a: {  	_ = 	snop;
	(pc) =	sbr.rel @!p0 .LBB2_9-.Ltmp1, $3  }
0x3b: {  	_ =	sdelay $0x1  }
0x3c: {  	[sflag:s19] =	ssyncset.done $0x0  }
0x3d: {  	[sflag:s19] =	ssyncadd.s32 $0xFFFFFFB0  }
.LBB2_1:
0x3e: {  	[dreg:$0xf] =	wrdreg s11  }
0x3f: {  	s6 =	rddreg [dreg:$0x5];
	s29 =	simm.s32 $0x300  }
0x40: {  	[tilespmem:s29], [sflag:$0x1] =	stream.linear.gather [hbm4b:s6+s3], $0x80, $0x38;
	[tilespmem:$0x780] =	vst v63  }
0x41: {  	s11 =	rddreg [dreg:$0x6];
	s23 =	simm.s32 $0x380  }
0x42: {  	[tilespmem:s23], [sflag:$0x2] =	stream.linear.gather [hbm4b:s11+s3], $0x80, $0x38;
	[tilespmem:$0x780] =	vst v63  }
0x43: {  	s24 =	rddreg [dreg:$0x7];
	s25 =	simm.s32 $0x400  }
0x44: {  	[tilespmem:s25], [sflag:$0x3] =	stream.linear.gather [hbm4b:s24+s3], $0x80, $0x38;
	[tilespmem:$0x780] =	vst v63  }
0x45: {  	s29 =	rddreg [dreg:$0x8];
	s23 =	stileid.u32  }
0x46: {  	[tilespmem:s26], [sflag:$0x4] =	stream.linear.gather [hbm4b:s29+s3], $0x80, $0x38;
	[tilespmem:$0x780] =	vst v63  }
0x47: {  	s11 =	rddreg [dreg:$0x4];
	s24 =	sshll.u32 s23, $0x6  }
0x48: {  	[tilespmem:s28], [sflag:$0xD] =	stream.linear.gather [hbm4b:s11+s3], $0x80, $0x38;
	[tilespmem:$0x780] =	vst v63  }
0x49: {  	s11 =	sor.u32 $0x1C0D, s24  }
0x4a: {  	_ =	swait.ge [sflag:s19], $0x80;
	[dreg:$0x10] =	wrdreg s11  }
0x4b: {  	s25 =	rddreg [dreg:$0x9]  }
0x4c: {  	[sflag:s19] =	ssyncset.done $0x0;
	s29 =	rddreg [dreg:$0xa];
	s23 =	sshrl.u32 s25, $0x3  }
0x4d: {  	[sflag:s19] =	ssyncadd.s32 $0xFFFFFF80;
	[dreg:$0x11] =	wrdreg s23  }
0x4e: {  	[spmem:s23], [sflag:s11] =	dma.local [hbm:s29], $0x50  }
0x4f: {  	_ =	swait.ge [sflag:s19], $0x50  }
0x50: {  	[sflag:s19] =	ssyncset.done $0x0  }
0x51: {  	[sflag:s19] =	ssyncadd.s32 $0xFFFFFFB0  }
0x52: {  	[bflag:$0x0] =	sbarrier.arrive $0xFFFF  }
0x53: {  	s23 =	simm.s32 $0x7;
	s11 =	simm.s32 $0x0;
	s19 =	rddreg [dreg:$0xe]  }
.LBB2_2:
0x54: {  	_ =	swait.ge [sflag:s30], $0x80;
	s29 =	sadd.s32 $0xFFFFFFF5, s23  }
0x55: {  	[sflag:s30] =	ssyncset.done $0x0;
	p0 =	sgt.u32 s29, $0x22  }
0x56: {  	[sflag:s30] =	ssyncadd.s32 $0xFFFFFF80;
	s29 =	simm.s32 @!p0 $0x9  }
0x57: {  	_ =	swait.ge @!p0 [sflag:s29], $0x80  }
0x58: {  	[sflag:s29] =	ssyncset.done @!p0 $0x0  }
0x59: {  	s6 =	simm.s32 $0x300;
	[sflag:s29] =	ssyncadd.s32 @!p0 $0xFFFFFF80  }
0x5a: {  	[spmem:s2] =	stream.indirect.scatter.add.f32 [tilespmem:s28], [sflag:$0x9], $0x1, s6, s31, $0xb8;
	[tilespmem:$0x780] =	vst v63  }
0x5b: {  	s25 =	sadd.s32 s11, s22  }
0x5c: {  	[tilespmem:s0], [sflag:$0x5] =	stream.linear.gather [hbm4b:s25+s3], $0x80, $0x38;
	[tilespmem:$0x780] =	vst v63  }
0x5d: {  	_ =	swait.ge [sflag:s1], $0x80  }
0x5e: {  	p0 =	seq.s32 s11, $0x0;
	[sflag:s1] =	ssyncset.done $0x0  }
0x5f: {  	s29 =	simm.s32 @!p0 $0xA;
	[sflag:s1] =	ssyncadd.s32 $0xFFFFFF80  }
0x60: {  	_ =	swait.ge @!p0 [sflag:s29], $0x80  }
0x61: {  	[sflag:s29] =	ssyncset.done @!p0 $0x0  }
0x62: {  	[sflag:s29] =	ssyncadd.s32 @!p0 $0xFFFFFF80;
	s29 =	simm.s32 $0x380  }
0x63: {  	[spmem:s2] =	stream.indirect.scatter.add.f32 [tilespmem:s28], [sflag:$0xA], $0x1, s29, s31, $0xb8;
	[tilespmem:$0x780] =	vst v63  }
0x64: {  	s24 =	sadd.s32 s11, s21;
	s25 =	simm.s32 $0x580  }
0x65: {  	[tilespmem:s25], [sflag:$0x6] =	stream.linear.gather [hbm4b:s24+s3], $0x80, $0x38;
	[tilespmem:$0x780] =	vst v63  }
0x66: {  	s6 =	sadd.s32 $0xFFFFFFF7, s23;
	_ =	swait.ge [sflag:s8], $0x80  }
0x67: {  	p0 =	sgt.u32 s6, $0x22;
	[sflag:s8] =	ssyncset.done $0x0  }
0x68: {  	s29 =	simm.s32 @!p0 $0xB;
	[sflag:s8] =	ssyncadd.s32 $0xFFFFFF80  }
0x69: {  	_ =	swait.ge @!p0 [sflag:s29], $0x80  }
0x6a: {  	[sflag:s29] =	ssyncset.done @!p0 $0x0  }
0x6b: {  	s24 =	simm.s32 $0x400;
	[sflag:s29] =	ssyncadd.s32 @!p0 $0xFFFFFF80;
	p0 =	sne.s32 s11, $0x0  }
0x6c: {  	[spmem:s2] =	stream.indirect.scatter.add.f32 [tilespmem:s28], [sflag:$0xB], $0x1, s24, s31, $0xb8;
	[tilespmem:$0x780] =	vst v63  }
.Ltmp2:
0x6d: {  	s25 =	sadd.s32 s11, s20;
	(pc) =	sbr.rel @!p0 .LBB2_3-.Ltmp2, $4  }
0x6e: {  	[tilespmem:s9], [sflag:$0x7] =	stream.linear.gather [hbm4b:s25+s3], $0x80, $0x38;
	[tilespmem:$0x780] =	vst v63  }
0x6f: {  	_ =	swait.ge [sflag:s10], $0x80  }
0x70: {  	[sflag:s10] =	ssyncset.done $0x0  }
0x71: {  	[sflag:s10] =	ssyncadd.s32 $0xFFFFFF80  }
0x72: {  	p1 =	sgt.u32 s23, $0x26  }
.Ltmp3:
0x73: {  	_ = 	snop;
	(pc) =	sbr.rel @p1 .LBB2_6-.Ltmp3, $4  }
.Ltmp4:
0x74: {  	_ =	swait.ge [sflag:s7], $0x80;
	(pc) =	sbr.rel @!p1 .LBB2_5-.Ltmp4, $4  }
0x75: {  	[sflag:s7] =	ssyncset.done $0x0  }
0x76: {  	p0 =	por $0x0, $0x0;
	s29 =	smov.u32 s23;
	[sflag:s7] =	ssyncadd.s32 $0xFFFFFF80  }
0x77: {  	[spmem:s2] =	stream.indirect.scatter.add.f32 [tilespmem:s28], [sflag:$0xC], $0x1, s26, s31, $0xb8;
	[tilespmem:$0x780] =	vst v63  }
0x78: {  	_ = 	snop  }
.LBB2_3:
0x79: {  	[spmem:s2] =	stream.indirect.scatter.add.f32 [tilespmem:s28], [sflag:$0xC], $0x1, s26, s31, $0xb8;
	[tilespmem:$0x780] =	vst v63  }
0x7a: {  	s29 =	simm.s32 $0x7  }
.LBB2_5:
0x7b: {  	s29 =	sshll.u32 s29, $0x7  }
0x7c: {  	s29 =	sadd.s32 s4, s29  }
0x7d: {  	s29 =	sshrl.u32 s29, $0x3  }
0x7e: {  	s6 =	simm.s32 $0x680;
	p0 =	por $0x1, $0x1;
	s29 =	sadd.s32 s5, s29  }
0x7f: {  	[tilespmem:s6], [sflag:$0x8] =	stream.linear.gather [hbm4b:s29+s3], $0x80, $0x38;
	[tilespmem:$0x780] =	vst v63  }
.LBB2_6:
0x80: {  	_ =	swait.ge [sflag:s12], $0x80  }
0x81: {  	[sflag:s12] =	ssyncset.done $0x0  }
0x82: {  	[sflag:s12] =	ssyncadd.s32 $0xFFFFFF80  }
0x83: {  	_ =	swait.ge [sflag:s13], $0x80  }
0x84: {  	p1 =	seq.s32 s11, $0x200;
	[sflag:s13] =	ssyncset.done $0x0  }
0x85: {  	s29 =	simm.s32 @p1 $0x6;
	[sflag:s13] =	ssyncadd.s32 $0xFFFFFF80  }
0x86: {  	[spmem:s2] =	stream.indirect.scatter.add.f32 [tilespmem:s28], [sflag:$0x9], $0x1, s0, s31, $0xb8;
	[tilespmem:$0x780] =	vst v63  }
0x87: {  	_ =	swait.ge @p1 [sflag:s29], $0x80  }
0x88: {  	[sflag:s29] =	ssyncset.done @p1 $0x0  }
0x89: {  	[sflag:s29] =	ssyncadd.s32 @p1 $0xFFFFFF80;
	s29 =	simm.s32 @p1 $0xA  }
0x8a: {  	_ =	swait.ge @p1 [sflag:s29], $0x80  }
0x8b: {  	s24 =	simm.s32 @p1 $0x580;
	[sflag:s29] =	ssyncset.done @p1 $0x0  }
0x8c: {  	s25 =	simm.s32 @p1 $0x280;
	[sflag:s29] =	ssyncadd.s32 @p1 $0xFFFFFF80;
	s29 =	simm.s32 @p1 $0x80  }
0x8d: {  	[spmem:s2] =	stream.indirect.scatter.add.f32 @p1 [tilespmem:s25], [sflag:$0xA], $0x1, s24, s29, $0xb8;
	[tilespmem:$0x780] =	vst v63  }
0x8e: {  	s24 =	sshrl.u32 @!p1 s19, $0x3  }
0x8f: {  	s25 =	simm.s32 @!p1 $0x0;
	s29 =	simm.s32 @!p1 $0x300;
	s24 =	sadd.s32 @!p1 s5, s24  }
0x90: {  	[tilespmem:s29], [sflag:$0x1] =	stream.linear.gather @!p1 [hbm4b:s24+s25], $0x80, $0x38;
	[tilespmem:$0x780] =	vst v63  }
0x91: {  	s24 =	simm.s32 @!p1 $0x6  }
0x92: {  	_ =	swait.ge @!p1 [sflag:s24], $0x80  }
0x93: {  	[sflag:s24] =	ssyncset.done @!p1 $0x0  }
0x94: {  	[sflag:s24] =	ssyncadd.s32 @!p1 $0xFFFFFF80;
	s24 =	simm.s32 @!p1 $0xA  }
0x95: {  	_ =	swait.ge @!p1 [sflag:s24], $0x80  }
0x96: {  	s6 =	simm.s32 @!p1 $0x280;
	[sflag:s24] =	ssyncset.done @!p1 $0x0  }
0x97: {  	s29 =	simm.s32 @!p1 $0x580;
	[sflag:s24] =	ssyncadd.s32 @!p1 $0xFFFFFF80;
	s24 =	simm.s32 @!p1 $0x80  }
0x98: {  	[spmem:s2] =	stream.indirect.scatter.add.f32 @!p1 [tilespmem:s6], [sflag:$0xA], $0x1, s29, s24, $0xb8;
	[tilespmem:$0x780] =	vst v63  }
0x99: {  	s6 =	sadd.s32 @!p1 s11, s18;
	s24 =	simm.s32 @!p1 $0x380  }
0x9a: {  	[tilespmem:s24], [sflag:$0x2] =	stream.linear.gather @!p1 [hbm4b:s6+s25], $0x80, $0x38;
	[tilespmem:$0x780] =	vst v63  }
0x9b: {  	_ =	swait.ge [sflag:s14], $0x80  }
0x9c: {  	[sflag:s14] =	ssyncset.done $0x0  }
0x9d: {  	[sflag:s14] =	ssyncadd.s32 $0xFFFFFF80  }
0x9e: {  	_ =	swait.ge [sflag:s15], $0x80  }
0x9f: {  	[sflag:s15] =	ssyncset.done $0x0  }
0xa0: {  	[sflag:s15] =	ssyncadd.s32 $0xFFFFFF80  }
0xa1: {  	[spmem:s2] =	stream.indirect.scatter.add.f32 [tilespmem:s28], [sflag:$0xB], $0x1, s9, s31, $0xb8;
	[tilespmem:$0x780] =	vst v63  }
0xa2: {  	s6 =	sadd.s32 @!p1 s11, s17;
	s24 =	simm.s32 @!p1 $0x400  }
0xa3: {  	[tilespmem:s24], [sflag:$0x3] =	stream.linear.gather @!p1 [hbm4b:s6+s25], $0x80, $0x38;
	[tilespmem:$0x780] =	vst v63  }
0xa4: {  	s6 =	simm.s32 @p0 $0x8  }
0xa5: {  	_ =	swait.ge @p0 [sflag:s6], $0x80  }
0xa6: {  	[sflag:s6] =	ssyncset.done @p0 $0x0  }
.Ltmp5:
0xa7: {  	[sflag:s6] =	ssyncadd.s32 @p0 $0xFFFFFF80;
	s6 =	simm.s32 @p0 $0xC;
	(pc) =	sbr.rel @p1 .LBB2_8-.Ltmp5, $4  }
0xa8: {  	_ =	swait.ge @p0 [sflag:s6], $0x80  }
0xa9: {  	s24 =	simm.s32 @p0 $0x680;
	[sflag:s6] =	ssyncset.done @p0 $0x0  }
0xaa: {  	s25 =	simm.s32 @p0 $0x280;
	[sflag:s6] =	ssyncadd.s32 @p0 $0xFFFFFF80;
	s6 =	simm.s32 @p0 $0x80  }
0xab: {  	[spmem:s2] =	stream.indirect.scatter.add.f32 @p0 [tilespmem:s25], [sflag:$0xC], $0x1, s24, s6, $0xb8;
	[tilespmem:$0x780] =	vst v63  }
.Ltmp6:
0xac: {  	(pc) =	sbr.rel .LBB2_2-.Ltmp6, $4  }
0xad: {  	_ = 	snop  }
0xae: {  	s6 =	sadd.s32 s11, s16  }
0xaf: {  	s11 =	sadd.s32 $0x80, s11;
	s19 =	sadd.s32 $0x400, s19;
	s23 =	sadd.s32 $0x8, s23  }
0xb0: {  	[tilespmem:s26], [sflag:$0x4] =	stream.linear.gather [hbm4b:s6+s3], $0x80, $0x38;
	[tilespmem:$0x780] =	vst v63  }
.LBB2_9:
0xb1: {  	_ =	sfence.sel $0x180000  }
0xb2: {  	[bflag:$0x0] =	sbarrier.arrive $0xFFFF  }
0xb3: {  	_ =	strace $0x90000047  }
0xb4: {  	s0 =	stileid.u32;
	[bflag:$0x2] =	sbarrier.arrive $0xFFFF  }
0xb5: {  	p0 =	sne.s32 s0, $0x0;
	s0 =	rddreg [dreg:$0x3]  }
0xb6: {  	s0 =	sadd.s32 @!p0 $0x100000, s0  }
0xb7: {  	[sflag:s0] =	ssyncadd.tile.s32 @!p0 $0x1;
	_ =	shalt  }
.Lfunc_end2:
_tile_overlayer_lowered:
.L_overlay_start_2:
0xb8: {  	(tag) =	ssettag $0x2  }
0xb9: {  	s0 =	rddreg [dreg:$0x0];
	s2 =	stileid.u32  }
0xba: {  	s1 =	rddreg [dreg:$0x1];
	p0 =	sne.s32 s2, $0x0  }
0xbb: {  	s3 =	rddreg [dreg:$0x2];
	[bflag:$0x3] =	sbarrier.arrive $0xFFFF;
	s2 =	simm.s32 @!p0 $0x1C0D  }
0xbc: {  	[timem:s3], [sflag:s2] =	dma.local @!p0 [hbm:s0], s1  }
0xbd: {  	s0 =	simm.s32 @!p0 $0xD  }
0xbe: {  	_ =	swait.ge @!p0 [sflag:s0], s1  }
0xbf: {  	s1 =	ssub.s32 @!p0 $0x0, s1;
	[sflag:s0] =	ssyncset.done @!p0 $0x0  }
0xc0: {  	[sflag:s0] =	ssyncadd.s32 @!p0 s1  }
0xc1: {  	[bflag:$0x3] =	sbarrier.arrive $0xFFFF  }
0xc2: {  	_ =	shalt  }

// kernel: kernel.13.cloned.1.call-start
scs
__scs_entry_jumppad:
0x0: {  	(pc) =	sbr.rel $0x88, $3  }
0x1: {  	(tag) =	ssettag $0x0;
	lr =	simm.s32 $0x1  }
0x2: {  	[smem:$0x3F93] =	sst lr;
	_ =	strace $0xD0000000  }
0x3: {  	_ = 	snop  }
0x4: {  	_ = 	snop  }
0x5: {  	_ = 	snop  }
0x6: {  	_ = 	snop  }
0x7: {  	_ = 	snop  }
__scs_overlays_trampoline_lowered:
0x8: {  	[smem:$0x3FA2] =	sst s0  }
0x9: {  	[smem:$0x3FA3] =	sst s1  }
0xa: {  	[smem:$0x3FA4] =	sst s2  }
0xb: {  	[smem:$0x3FA5] =	sst s3  }
0xc: {  	[smem:$0x3FA6] =	sst s4  }
0xd: {  	[smem:$0x3FA7] =	sst s5  }
0xe: {  	[smem:$0x3FA8] =	sst s6  }
0xf: {  	[smem:$0x3FA9] =	sst s7  }
0x10: {  	[smem:$0x3FAA] =	sst s8  }
0x11: {  	[smem:$0x3FAB] =	sst s9;
	s0 =	simm.s32 @!p0 $0x0  }
0x12: {  	s1 =	sld [smem:$0x3F91];
	s0 =	simm.s32 @p0 $0x1  }
0x13: {  	[smem:$0x3FAC] =	sst s0;
	s0 =	simm.s32 @!p1 $0x0  }
0x14: {  	s2 =	sld [smem:$0x3F90];
	s0 =	simm.s32 @p1 $0x1  }
0x15: {  	[smem:$0x3FAD] =	sst s0;
	s0 =	simm.s32 @!p2 $0x0  }
0x16: {  	s3 =	sld [smem:$0x3FDB];
	s0 =	simm.s32 @p2 $0x1  }
0x17: {  	s4 =	simm.s32 $0x1BF5;
	[smem:$0x3FAF] =	sst s0  }
0x18: {  	s0 =	sld [smem:$0x3F92];
	_ =	swait.ge [sflag:s4], $0x0  }
0x19: {  	s7 =	sld [smem:$0x3F93]  }
0x1a: {  	s8 =	sadd.s32 $0xFFFFE003, lr  }
0x1b: {  	s9 =	sadd.s32 $0xFFFFFEF7, lr;
	s5 =	simm.s32 $0xFFFFFFFF;
	p2 =	slt.u32 s8, $0xFFFFF086  }
0x1c: {  	p1 =	slt.u32 s9, $0xF7A;
	s5 =	simm.s32 @!p2 $0x0  }
0x1d: {  	s5 =	simm.s32 @p1 $0x1;
	p0 =	seq.s32 s7, s2  }
0x1e: {  	s7 =	smul.u32 @!p0 $0xF7A, s2;
	p2 =	seq.s32 @!p0 s5, $0x0  }
0x1f: {  	s9 =	smul.u32 $0xF7A, s1;
	s8 =	simm.s32 @!p0 $0x1BF5;
	p2 =	por !p2, p0  }
0x20: {  	[sflag:s8] =	ssyncset.s32 @!p0 $0xFFFFF086;
	s6 =	sadd.s32 @!p0 s3, s7;
	s7 =	simm.s32 @!p0 $0x108  }
0x21: {  	s3 =	sadd.s32 s3, s9;
	s6 =	sadd.s32 @!p0 $0x88, s6;
	s7 =	simm.s32 @p2 $0x1082  }
0x22: {  	[simem:s7], [sflag:s8] =	dma.local @!p0 [hbm:s6], $0xF7A  }
0x23: {  	s9 =	sor.u32 $0xD0000000, s2;
	s6 =	simm.s32 $0x108;
	_ =	swait.ge @!p0 [sflag:s8], $0x0  }
0x24: {  	s3 =	sadd.s32 $0x88, s3;
	s6 =	simm.s32 @!p1 $0x1082;
	[sflag:s4] =	ssyncset.s32 $0xFFFFF086  }
0x25: {  	[simem:s6], [sflag:s4] =	dma.local [hbm:s3], $0xF7A  }
0x26: {  	[smem:$0x3F93] =	sst s1;
	(tag) =	ssettag s2;
	_ =	strace s9  }
0x27: {  	s1 =	sld [smem:$0x3FA3]  }
0x28: {  	s2 =	sld [smem:$0x3FA4]  }
0x29: {  	s4 =	sld [smem:$0x3FA6]  }
0x2a: {  	p0 =	seq.s32 s5, $0x0;
	s5 =	sld [smem:$0x3FA7]  }
0x2b: {  	s6 =	sld [smem:$0x3FA8]  }
0x2c: {  	s7 =	sld [smem:$0x3FA9]  }
0x2d: {  	s3 =	simm.s32 $0x108;
	s8 =	sld [smem:$0x3FAA]  }
0x2e: {  	s3 =	simm.s32 @!p0 $0x1082;
	s9 =	sld [smem:$0x3FAB]  }
0x2f: {  	lr =	sadd.s32 s0, s3;
	s0 =	sld [smem:$0x3FA2]  }
0x30: {  	s3 =	sld [smem:$0x3FA5]  }
0x31: {  	[smem:$0x3FAE] =	sst s10  }
0x32: {  	s10 =	sld [smem:$0x3FAC];
	_ =	sdelay $0x3  }
0x33: {  	p0 =	seq.s32 s10, $0x1;
	s10 =	sld [smem:$0x3FAE];
	_ =	sdelay $0x3  }
0x34: {  	[smem:$0x3FAE] =	sst s10  }
0x35: {  	s10 =	sld [smem:$0x3FAD];
	_ =	sdelay $0x3  }
0x36: {  	p1 =	seq.s32 s10, $0x1;
	s10 =	sld [smem:$0x3FAE];
	_ =	sdelay $0x3  }
0x37: {  	[smem:$0x3FAE] =	sst s10  }
0x38: {  	s10 =	sld [smem:$0x3FAF]  }
0x39: {  	_ = 	snop;
	(pc) =	sbr.ind lr, $3  }
0x3a: {  	_ = 	snop  }
0x3b: {  	_ = 	snop  }
0x3c: {  	p2 =	seq.s32 s10, $0x1;
	s10 =	sld [smem:$0x3FAE]  }
0x3d: {  	_ =	shalt  }
0x3e: {  	_ =	shalt  }
0x3f: {  	_ =	shalt  }
0x40: {  	_ =	shalt  }
0x41: {  	_ =	shalt  }
0x42: {  	_ =	shalt  }
0x43: {  	_ =	shalt  }
0x44: {  	_ =	shalt  }
0x45: {  	_ =	shalt  }
0x46: {  	_ =	shalt  }
0x47: {  	_ =	shalt  }
0x48: {  	_ =	shalt  }
0x49: {  	_ =	shalt  }
0x4a: {  	_ =	shalt  }
0x4b: {  	_ =	shalt  }
0x4c: {  	_ =	shalt  }
0x4d: {  	_ =	shalt  }
0x4e: {  	_ =	shalt  }
0x4f: {  	_ =	shalt  }
0x50: {  	_ =	shalt  }
0x51: {  	_ =	shalt  }
0x52: {  	_ =	shalt  }
0x53: {  	_ =	shalt  }
0x54: {  	_ =	shalt  }
0x55: {  	_ =	shalt  }
0x56: {  	_ =	shalt  }
0x57: {  	_ =	shalt  }
0x58: {  	_ =	shalt  }
0x59: {  	_ =	shalt  }
0x5a: {  	_ =	shalt  }
0x5b: {  	_ =	shalt  }
0x5c: {  	_ =	shalt  }
0x5d: {  	_ =	shalt  }
0x5e: {  	_ =	shalt  }
0x5f: {  	_ =	shalt  }
0x60: {  	_ =	shalt  }
0x61: {  	_ =	shalt  }
0x62: {  	_ =	shalt  }
0x63: {  	_ =	shalt  }
0x64: {  	_ =	shalt  }
0x65: {  	_ =	shalt  }
0x66: {  	_ =	shalt  }
0x67: {  	_ =	shalt  }
0x68: {  	_ =	shalt  }
0x69: {  	_ =	shalt  }
0x6a: {  	_ =	shalt  }
0x6b: {  	_ =	shalt  }
0x6c: {  	_ =	shalt  }
0x6d: {  	_ =	shalt  }
0x6e: {  	_ =	shalt  }
0x6f: {  	_ =	shalt  }
0x70: {  	_ =	shalt  }
0x71: {  	_ =	shalt  }
0x72: {  	_ =	shalt  }
0x73: {  	_ =	shalt  }
0x74: {  	_ =	shalt  }
0x75: {  	_ =	shalt  }
0x76: {  	_ =	shalt  }
0x77: {  	_ =	shalt  }
0x78: {  	_ =	shalt  }
0x79: {  	_ =	shalt  }
0x7a: {  	_ =	shalt  }
0x7b: {  	_ =	shalt  }
0x7c: {  	_ =	shalt  }
0x7d: {  	_ =	shalt  }
0x7e: {  	_ =	shalt  }
0x7f: {  	_ =	shalt  }
0x80: {  	_ =	shalt  }
0x81: {  	_ =	shalt  }
0x82: {  	_ =	shalt  }
0x83: {  	_ =	shalt  }
0x84: {  	_ =	shalt  }
0x85: {  	_ =	shalt  }
0x86: {  	_ =	shalt  }
0x87: {  	_ =	shalt  }
.Lfunc_end0:
.L_simem_size_0:
called_computation.1_lowered:
.L_overlay_start_0:
0x88: {  	s2 =	sld [smem:$0x3FD9]  }
0x89: {  	s3 =	sld [smem:$0x3FFE];
	_ =	sdelay $0x1  }
0x8a: {  	s1 =	srdreg.scid  }
0x8b: {  	s0 =	sand.u32 $0x1, s1  }
0x8c: {  	s17 =	sshll.u32 s0, $0xA;
	s2 =	sadd.s32 s3, s2  }
0x8d: {  	s2 =	sadd.s32 s2, s17  }
0x8e: {  	[smem:$0x3FBA] =	sst s2  }
0x8f: {  	_ = 	snop  }
0x90: {  	s2 =	sld [smem:$0x3FD0];
	(tm) =	ssettm $0x1  }
0x91: {  	s18 =	sld [smem:$0x3FFB];
	_ =	sdelay $0x3  }
0x92: {  	_ =	strace s18  }
0x93: {  	s3 =	sld [smem:$0x3FFC];
	_ =	sdelay $0x3  }
0x94: {  	_ =	strace s3  }
0x95: {  	s3 =	sld [smem:$0x3FFD];
	_ =	sdelay $0x3  }
0x96: {  	_ =	strace s3  }
0x97: {  	_ =	strace $0x8FFFFFFF  }
0x98: {  	s19 =	sld [smem:$0x3FDB];
	_ =	sdelay $0x1  }
0x99: {  	s4 =	simm.s32 $_scs_section_size  }
0x9a: {  	s5 =	simm.s32 $_size__tile_overlayer_lowered;
	s6 =	simm.s32 $_tile_overlayer_lowered  }
0x9b: {  	s22 =	simm.s32 $0x1BFF;
	s21 =	sshll.u32 s6, $0x1;
	s3 =	sadd.s32 s4, s19  }
0x9c: {  	s7 =	simm.s32 $0x0;
	s20 =	sshll.u32 s5, $0x1;
	s5 =	sadd.s32 s21, s3  }
0x9d: {  	[timem:s7], [sflag:s22] =	dma.local [hbm:s5], s20  }
0x9e: {  	_ =	swait.ge [sflag:s22], s20  }
0x9f: {  	s4 =	ssub.s32 $0x0, s20;
	[sflag:s22] =	ssyncset.done $0x0  }
0xa0: {  	[sflag:s22] =	ssyncadd.s32 s4;
	_ =	sdelay $0x1  }
0xa1: {  	s23 =	simm.s32 $0x1B8B  }
0xa2: {  	_ =	swait.ge [sflag:s23], $0x1  }
0xa3: {  	[sflag:s23] =	ssyncset.done $0x0  }
0xa4: {  	s25 =	simm.s32 $0x1B8E;
	s24 =	sld [smem:$0x3FFE];
	[sflag:s23] =	ssyncadd.s32 $0xFFFFFFFF  }
0xa5: {  	s26 =	simm.s32 $execute0_lowered;
	[smem:$0x3FD2] =	sst s25  }
0xa6: {  	s5 =	sshll.u32 s26, $0x1;
	_ =	strace $0x80000049;
	[dreg:$0x1] =	wrdreg $0xFFFFFFFF  }
0xa7: {  	s28 =	simm.s32 $_size_execute0_lowered;
	s3 =	sadd.s32 s3, s5;
	[dreg:$0x0] =	wrdreg $0x0  }
0xa8: {  	s5 =	sshll.u32 s28, $0x1;
	[dreg:$0x2] =	wrdreg s3  }
0xa9: {  	[dreg:$0x3] =	wrdreg s5  }
0xaa: {  	[dreg:$0x4] =	wrdreg $0xC0  }
0xab: {  	_ =	task [dreg:s7], $0x5FFFF  }
0xac: {  	[dreg:$0x1] =	wrdreg $0xFFFFFFFF  }
0xad: {  	[dreg:$0x0] =	wrdreg $0x60  }
0xae: {  	[dreg:$0x2] =	wrdreg s2  }
0xaf: {  	[dreg:$0x3] =	wrdreg s24  }
0xb0: {  	[dreg:$0x4] =	wrdreg $0x0  }
0xb1: {  	[dreg:$0x5] =	wrdreg $0x9  }
0xb2: {  	_ =	task.clear_ibuf [dreg:s7], $0x6FFFF;
	_ =	strace $0x90000049  }
0xb3: {  	s29 =	simm.s32 $0x9;
	_ =	strace $0x8000004B  }
0xb4: {  	_ =	swait.ge [sflag:s29], $0x1  }
0xb5: {  	[sflag:s29] =	ssyncadd.s32 $0xFFFFFFFF  }
0xb6: {  	_ =	strace $0x9000004B  }
0xb7: {  	_ =	sfence  }
0xb8: {  	s30 =	sld [smem:$0x0];
	_ =	sdelay $0x2  }
0xb9: {  	s31 =	sshll.u32 s1, $0xD;
	s1 =	sshrl.u32 s1, $0x2  }
0xba: {  	s3 =	sand.u32 $0x4000, s31;
	s1 =	sadd.s32 s1, s30  }
0xbb: {  	s0 =	sor.u32 s3, s0;
	s1 =	sshll.u32 s1, $0x11  }
0xbc: {  	s0 =	sor.u32 s1, s0  }
0xbd: {  	s0 =	sadd.s32 $0x8F2B, s0  }
0xbe: {  	[sflag:s0] =	ssyncadd.remote.s32 $0x1  }
0xbf: {  	_ =	sfence.sel $0xFFFF  }
0xc0: {  	[dreg:$0x0] =	wrdreg $0xFFFFFFFF;
	(pc) =	sbr.abs _section_cstart, $3  }
0xc1: {  	[dreg:$0x1] =	wrdreg $0xFFFFFFFF  }
0xc2: {  	_ =	task.clear_ibuf [dreg:s7], $0x2FFFF;
	_ =	strace $0x9FFFFFFF  }
0xc3: {  	(tm) =	ssettm $0x7FFFFFFF  }
tec
execute0_lowered:
.L_overlay_start_1:
0x0: {  	(tag) =	ssettag $0x1  }
0x1: {  	s0 =	rddreg [dreg:$0x0]  }
0x2: {  	s3 =	rddreg [dreg:$0x1]  }
0x3: {  	s1 =	rddreg [dreg:$0x2];
	s2 =	simm.s32 $0x0  }
0x4: {  	s5 =	srdreg.scid;
	s14 =	stileid.u32;
	s30 =	simm.s32 $0x17F00  }
0x5: {  	s31 =	simm.s32 $0xD;
	s8 =	sand.u32 $0x1, s5;
	s5 =	smul.u32 $0x2710, s14  }
0x6: {  	[smem:$0x7FF] =	sst s2;
	s4 =	sadd.s32 $0xFC00, s3;
	s21 =	smul.u32 $0x50000, s14  }
0x7: {  	s7 =	sadd.s32 $0x5C00, s3;
	s6 =	sadd.s32 $0xAC00, s3;
	s25 =	smul.u32 $0x2800, s14  }
0x8: {  	s9 =	sadd.s32 $0x5FC00, s3;
	s3 =	sadd.s32 $0x87C00, s3;
	s28 =	smul.u32 $0x4E2, s14  }
0x9: {  	s14 =	simm.s32 $0x14300;
	_ =	strace $0x8000004A;
	s10 =	ssub.s32 $0x2, s8  }
0xa: {  	p0 =	seq.s32 s8, $0x0;
	s11 =	sshrl.u32 s10, $0x1;
	s12 =	sadd.s32 $0x78, s5  }
0xb: {  	s20 =	sshrl.u32 s5, $0x3;
	s23 =	sshrl.u32 s21, $0x2;
	s24 =	sadd.s32 $0x26E8, s5  }
0xc: {  	s4 =	smov.u32 @p0 s0;
	s3 =	smov.u32 @p0 s9;
	s15 =	sadd.s32 s7, s20  }
0xd: {  	s10 =	ssub.s32 s10, s11;
	s11 =	sadd.s32 s6, s20;
	[dreg:$0x4] =	wrdreg s15  }
0xe: {  	s18 =	sadd.s32 s28, s7;
	s8 =	sadd.s32 s23, s1;
	[dreg:$0x7] =	wrdreg s11  }
0xf: {  	s19 =	sadd.s32 s28, s6;
	s0 =	sadd.s32 s4, s25;
	[dreg:$0x9] =	wrdreg s8  }
0x10: {  	s12 =	sshrl.u32 s12, $0x3;
	s29 =	sadd.s32 s3, s25;
	[dreg:$0xd] =	wrdreg s0  }
0x11: {  	s3 =	simm.s32 $0x5;
	s13 =	sadd.s32 s7, s12;
	[dreg:$0xe] =	wrdreg s29  }
0x12: {  	s23 =	simm.s32 $0xB;
	s15 =	sadd.s32 $0x1E, s15;
	[dreg:$0x5] =	wrdreg s13  }
0x13: {  	s22 =	sadd.s32 s6, s12;
	s11 =	sshrl.u32 s24, $0x3;
	[dreg:$0x6] =	wrdreg s15  }
0x14: {  	s10 =	smax.u32 s10, $0x1;
	s24 =	simm.s32 $0x14200;
	[dreg:$0x8] =	wrdreg s22  }
0x15: {  	s0 =	simm.s32 $0x7;
	s26 =	sadd.s32 s7, s11;
	[dreg:$0xc] =	wrdreg s10  }
0x16: {  	s8 =	simm.s32 $0xC;
	s11 =	sadd.s32 s6, s11;
	[dreg:$0xa] =	wrdreg s26  }
0x17: {  	s7 =	simm.s32 $0x0;
	[dreg:$0xb] =	wrdreg s11;
	s26 =	simm.s32 $0x78  }
.LBB2_1:
0x18: {  	s9 =	rddreg [dreg:$0x4];
	s10 =	simm.s32 $0x14000  }
0x19: {  	[tilespmem:s10], [sflag:$0x1] =	stream.linear.gather [hbm4b:s9+s2], $0x78, $0x38;
	[tilespmem:$0x1F800] =	vst v63  }
0x1a: {  	s12 =	rddreg [dreg:$0x5];
	s11 =	simm.s32 $0x14080  }
0x1b: {  	[tilespmem:s11], [sflag:$0x2] =	stream.linear.gather [hbm4b:s12+s2], $0x78, $0x38;
	[tilespmem:$0x1F800] =	vst v63  }
0x1c: {  	s13 =	rddreg [dreg:$0x6];
	s12 =	simm.s32 $0x14100  }
0x1d: {  	[tilespmem:s12], [sflag:$0x3] =	stream.linear.gather [hbm4b:s13+s2], $0x78, $0x38;
	[tilespmem:$0x1F800] =	vst v63  }
0x1e: {  	s15 =	rddreg [dreg:$0x7];
	s16 =	simm.s32 $0x14180  }
0x1f: {  	[tilespmem:s16], [sflag:$0x4] =	stream.linear.gather [hbm4b:s15+s2], $0x78, $0x38;
	[tilespmem:$0x1F800] =	vst v63  }
0x20: {  	s17 =	rddreg [dreg:$0x8];
	s20 =	simm.s32 $0x1  }
0x21: {  	[tilespmem:s24], [sflag:$0x5] =	stream.linear.gather [hbm4b:s17+s2], $0x78, $0x38;
	[tilespmem:$0x1F800] =	vst v63  }
0x22: {  	_ =	swait.ge [sflag:s20], $0x78  }
0x23: {  	[sflag:s20] =	ssyncset.done $0x0  }
0x24: {  	s21 =	simm.s32 $0x2;
	s22 =	stileid.u32;
	[sflag:s20] =	ssyncadd.s32 $0xFFFFFF88  }
0x25: {  	[tilespmem:s14], [sflag:$0x7] =	stream.indirect.gather [hbm4b:s4+s26], $0x80, s10, s26, $0xb8;
	[tilespmem:$0x1F800] =	vst v63  }
0x26: {  	s25 =	sshll.u32 s22, $0x6;
	_ =	swait.ge [sflag:s21], $0x78  }
0x27: {  	s12 =	sor.u32 $0x1C0D, s25;
	[sflag:s21] =	ssyncset.done $0x0;
	s28 =	rddreg [dreg:$0x9]  }
0x28: {  	s29 =	rddreg [dreg:$0xd];
	[sflag:s21] =	ssyncadd.s32 $0xFFFFFF88;
	s13 =	sshrl.u32 s28, $0x3  }
0x29: {  	[tilespmem:s30], [sflag:$0x8] =	stream.indirect.gather [hbm4b:s4+s26], $0x80, s11, s26, $0xb8;
	[tilespmem:$0x1F800] =	vst v63  }
0x2a: {  	[spmem:s13], [sflag:s12] =	dma.local [hbm:s29], $0x2800  }
0x2b: {  	_ =	swait.ge [sflag:s31], $0x2800  }
0x2c: {  	[sflag:s31] =	ssyncset.done $0x0  }
0x2d: {  	s15 =	simm.s32 $0x0;
	[sflag:s31] =	ssyncadd.s32 $0xFFFFD800  }
0x2e: {  	s16 =	simm.s32 $0x0;
	s14 =	simm.s32 $0x1E0;
	[bflag:$0x0] =	sbarrier.arrive $0xFFFF  }
.LBB2_2:
0x2f: {  	p0 =	seq.s32 s16, $0x0  }
0x30: {  	_ =	swait.ge [sflag:s0], $0x3C00;
	p1 =	seq.s32 @!p0 s16, $0x1B  }
0x31: {  	[sflag:s0] =	ssyncset.done $0x0;
	p1 =	por p1, p0  }
0x32: {  	[sflag:s0] =	ssyncadd.s32 $0xFFFFC400;
	s17 =	simm.s32 @!p1 $0xC  }
0x33: {  	_ =	swait.ge @!p1 [sflag:s17], $0x3C00  }
0x34: {  	p0 =	seq.s32 s15, $0x4BF;
	[sflag:s17] =	ssyncset.done @!p1 $0x0  }
0x35: {  	[sflag:s17] =	ssyncadd.s32 @!p1 $0xFFFFC400;
	s17 =	simm.s32 @p0 $0x4  }
0x36: {  	_ =	swait.ge @p0 [sflag:s17], $0x78  }
0x37: {  	s20 =	simm.s32 @p0 $0x14180;
	[sflag:s17] =	ssyncset.done @p0 $0x0  }
0x38: {  	s21 =	simm.s32 @p0 $0x14300;
	[sflag:s17] =	ssyncadd.s32 @p0 $0xFFFFFF88;
	s17 =	simm.s32 @p0 $0x78  }
0x39: {  	[spmem:s1] =	stream.indirect.scatter.add.f32 @p0 [tilespmem:s21], [sflag:$0xA], $0x80, s20, s17, $0xb8;
	[tilespmem:$0x1F800] =	vst v63  }
0x3a: {  	s17 =	simm.s32 @p0 $0x8  }
0x3b: {  	_ =	swait.ge @p0 [sflag:s17], $0x3C00  }
0x3c: {  	s9 =	sadd.s32 @!p0 s15, s19;
	s10 =	simm.s32 @!p0 $0x0;
	[sflag:s17] =	ssyncset.done @p0 $0x0  }
0x3d: {  	s20 =	simm.s32 @!p0 $0x14280;
	[sflag:s17] =	ssyncadd.s32 @p0 $0xFFFFC400;
	s17 =	sadd.s32 @!p0 $0x1E, s9  }
0x3e: {  	[tilespmem:s20], [sflag:$0x6] =	stream.linear.gather @!p0 [hbm4b:s17+s10], $0x78, $0x38;
	[tilespmem:$0x1F800] =	vst v63  }
0x3f: {  	s17 =	simm.s32 @!p0 $0x3  }
0x40: {  	_ =	swait.ge @!p0 [sflag:s17], $0x78  }
0x41: {  	s11 =	simm.s32 @!p0 $0x14100;
	[sflag:s17] =	ssyncset.done @!p0 $0x0  }
0x42: {  	s21 =	simm.s32 @!p0 $0x1BB00;
	[sflag:s17] =	ssyncadd.s32 @!p0 $0xFFFFFF88;
	s17 =	simm.s32 @!p0 $0x78  }
0x43: {  	[tilespmem:s21], [sflag:$0x9] =	stream.indirect.gather @!p0 [hbm4b:s4+s17], $0x80, s11, s17, $0xb8;
	[tilespmem:$0x1F800] =	vst v63  }
0x44: {  	s11 =	sadd.s32 @!p0 s15, s18  }
0x45: {  	s28 =	simm.s32 @!p0 $0x14000;
	s25 =	sadd.s32 @!p0 $0x2D, s11  }
0x46: {  	[tilespmem:s28], [sflag:$0x1] =	stream.linear.gather @!p0 [hbm4b:s25+s10], $0x78, $0x38;
	[tilespmem:$0x1F800] =	vst v63  }
0x47: {  	s25 =	simm.s32 @!p0 $0x4  }
0x48: {  	_ =	swait.ge @!p0 [sflag:s25], $0x78  }
0x49: {  	s29 =	simm.s32 @!p0 $0x14300;
	[sflag:s25] =	ssyncset.done @!p0 $0x0  }
0x4a: {  	s22 =	simm.s32 @!p0 $0x8;
	[sflag:s25] =	ssyncadd.s32 @!p0 $0xFFFFFF88;
	s25 =	simm.s32 @!p0 $0x14180  }
0x4b: {  	[spmem:s1] =	stream.indirect.scatter.add.f32 @!p0 [tilespmem:s29], [sflag:$0xA], $0x80, s25, s17, $0xb8;
	[tilespmem:$0x1F800] =	vst v63  }
0x4c: {  	_ =	swait.ge @!p0 [sflag:s22], $0x3C00  }
0x4d: {  	[sflag:s22] =	ssyncset.done @!p0 $0x0  }
0x4e: {  	[sflag:s22] =	ssyncadd.s32 @!p0 $0xFFFFC400;
	s22 =	simm.s32 @!p0 $0xA  }
0x4f: {  	_ =	swait.ge @!p0 [sflag:s22], $0x3C00  }
0x50: {  	[sflag:s22] =	ssyncset.done @!p0 $0x0  }
0x51: {  	s9 =	sadd.s32 @!p0 $0x2D, s9;
	[sflag:s22] =	ssyncadd.s32 @!p0 $0xFFFFC400  }
0x52: {  	[tilespmem:s25], [sflag:$0x4] =	stream.linear.gather @!p0 [hbm4b:s9+s10], $0x78, $0x38;
	[tilespmem:$0x1F800] =	vst v63  }
0x53: {  	s9 =	simm.s32 @!p0 $0x1  }
0x54: {  	_ =	swait.ge @!p0 [sflag:s9], $0x78  }
0x55: {  	[sflag:s9] =	ssyncset.done @!p0 $0x0  }
0x56: {  	[sflag:s9] =	ssyncadd.s32 @!p0 $0xFFFFFF88  }
0x57: {  	[tilespmem:s29], [sflag:$0x7] =	stream.indirect.gather @!p0 [hbm4b:s4+s17], $0x80, s28, s17, $0xb8;
	[tilespmem:$0x1F800] =	vst v63  }
0x58: {  	s9 =	sadd.s32 @!p0 $0x3C, s11;
	s11 =	simm.s32 @!p0 $0x14080  }
0x59: {  	[tilespmem:s11], [sflag:$0x2] =	stream.linear.gather @!p0 [hbm4b:s9+s10], $0x78, $0x38;
	[tilespmem:$0x1F800] =	vst v63  }
0x5a: {  	_ =	swait.ge [sflag:s3], $0x78  }
0x5b: {  	[sflag:s3] =	ssyncset.done $0x0  }
0x5c: {  	s9 =	simm.s32 @!p0 $0x9;
	[sflag:s3] =	ssyncadd.s32 $0xFFFFFF88  }
0x5d: {  	[spmem:s1] =	stream.indirect.scatter.add.f32 [tilespmem:s30], [sflag:$0xB], $0x80, s24, s26, $0xb8;
	[tilespmem:$0x1F800] =	vst v63  }
0x5e: {  	_ =	swait.ge @!p0 [sflag:s9], $0x3C00  }
0x5f: {  	s22 =	smov.u32 s14;
	[sflag:s9] =	ssyncset.done @!p0 $0x0  }
0x60: {  	s22 =	simm.s32 @p0 $0x27D8;
	[sflag:s9] =	ssyncadd.s32 @!p0 $0xFFFFC400;
	s9 =	simm.s32 @!p0 $0xB  }
0x61: {  	s22 =	sadd.s32 @!p0 s5, s22;
	_ =	swait.ge @!p0 [sflag:s9], $0x3C00  }
0x62: {  	s22 =	sshrl.u32 @!p0 s22, $0x3;
	[sflag:s9] =	ssyncset.done @!p0 $0x0  }
0x63: {  	[sflag:s9] =	ssyncadd.s32 @!p0 $0xFFFFC400;
	s9 =	sadd.s32 @!p0 s6, s22;
	s22 =	simm.s32 @!p0 $0x14200  }
0x64: {  	[tilespmem:s22], [sflag:$0x5] =	stream.linear.gather @!p0 [hbm4b:s9+s10], $0x78, $0x38;
	[tilespmem:$0x1F800] =	vst v63  }
0x65: {  	s9 =	simm.s32 @!p0 $0x2  }
0x66: {  	_ =	swait.ge @!p0 [sflag:s9], $0x78  }
0x67: {  	p1 =	sgt.u32 @!p0 s16, $0x19;
	[sflag:s9] =	ssyncset.done @!p0 $0x0  }
0x68: {  	p1 =	por p1, p0;
	[sflag:s9] =	ssyncadd.s32 @!p0 $0xFFFFFF88;
	s9 =	simm.s32 @!p0 $0x17F00  }
0x69: {  	[tilespmem:s9], [sflag:$0x8] =	stream.indirect.gather @!p0 [hbm4b:s4+s17], $0x80, s11, s17, $0xb8;
	[tilespmem:$0x1F800] =	vst v63  }
0x6a: {  	s10 =	simm.s32 @!p1 $0x0;
	s9 =	sadd.s32 @!p1 s15, s18  }
0x6b: {  	s11 =	simm.s32 @!p1 $0x14100;
	s15 =	sadd.s32 @!p0 $0x2D, s15;
	s9 =	sadd.s32 @!p1 $0x4B, s9  }
0x6c: {  	[tilespmem:s11], [sflag:$0x3] =	stream.linear.gather @!p1 [hbm4b:s9+s10], $0x78, $0x38;
	[tilespmem:$0x1F800] =	vst v63  }
0x6d: {  	p1 =	sne.s32 @!p0 s15, $0x4EC  }
0x6e: {  	p1 =	por p0, !p1  }
.Ltmp0:
0x6f: {  	s9 =	simm.s32 @!p0 $0x6;
	(pc) =	sbr.rel @!p1 .LBB2_2-.Ltmp0, $4  }
0x70: {  	_ =	swait.ge @!p0 [sflag:s9], $0x78  }
0x71: {  	[sflag:s9] =	ssyncset.done @!p0 $0x0  }
0x72: {  	s16 =	sadd.s32 @!p0 $0x1, s16;
	s14 =	sadd.s32 @!p0 $0x168, s14;
	[sflag:s9] =	ssyncadd.s32 @!p0 $0xFFFFFF88  }
0x73: {  	[spmem:s1] =	stream.indirect.scatter.add.f32 @!p0 [tilespmem:s21], [sflag:$0xC], $0x80, s20, s17, $0xb8;
	[tilespmem:$0x1F800] =	vst v63  }
0x74: {  	s9 =	simm.s32 $0xA  }
0x75: {  	_ =	swait.ge [sflag:s9], $0x3C00  }
0x76: {  	[sflag:s9] =	ssyncset.done $0x0  }
0x77: {  	[sflag:s9] =	ssyncadd.s32 $0xFFFFC400  }
0x78: {  	_ =	swait.ge [sflag:s23], $0x3C00  }
0x79: {  	[sflag:s23] =	ssyncset.done $0x0  }
0x7a: {  	[sflag:s23] =	ssyncadd.s32 $0xFFFFC400  }
0x7b: {  	_ =	swait.ge [sflag:s8], $0x3C00  }
0x7c: {  	[sflag:s8] =	ssyncset.done $0x0  }
0x7d: {  	s10 =	simm.s32 $0x1F700;
	s21 =	rddreg [dreg:$0xa];
	[sflag:s8] =	ssyncadd.s32 $0xFFFFC400  }
0x7e: {  	[tilespmem:s10], [sflag:$0xD] =	stream.linear.gather [hbm4b:s21+s2], $0x28, $0x38;
	[tilespmem:$0x1F800] =	vst v63  }
0x7f: {  	_ =	swait.ge [sflag:s31], $0x28  }
0x80: {  	[sflag:s31] =	ssyncset.done $0x0  }
0x81: {  	s11 =	simm.s32 $0x1F780;
	s22 =	rddreg [dreg:$0xb];
	[sflag:s31] =	ssyncadd.s32 $0xFFFFFFD8  }
0x82: {  	[tilespmem:s11], [sflag:$0xD] =	stream.linear.gather [hbm4b:s22+s2], $0x28, $0x38;
	[tilespmem:$0x1F800] =	vst v63  }
0x83: {  	_ =	swait.ge [sflag:s31], $0x28  }
0x84: {  	[sflag:s31] =	ssyncset.done $0x0  }
0x85: {  	s14 =	simm.s32 $0x14300;
	s25 =	simm.s32 $0x28;
	[sflag:s31] =	ssyncadd.s32 $0xFFFFFFD8  }
0x86: {  	[tilespmem:s14], [sflag:$0x7] =	stream.indirect.gather [hbm4b:s4+s25], $0x80, s10, s25, $0xb8;
	[tilespmem:$0x1F800] =	vst v63  }
0x87: {  	_ =	swait.ge [sflag:s0], $0x1400  }
0x88: {  	[sflag:s0] =	ssyncset.done $0x0  }
0x89: {  	[sflag:s0] =	ssyncadd.s32 $0xFFFFEC00  }
0x8a: {  	[spmem:s1] =	stream.indirect.scatter.add.f32 [tilespmem:s14], [sflag:$0xD], $0x80, s11, s25, $0xb8;
	[tilespmem:$0x1F800] =	vst v63  }
0x8b: {  	_ =	swait.ge [sflag:s31], $0x1400  }
0x8c: {  	[sflag:s31] =	ssyncset.done $0x0  }
0x8d: {  	[sflag:s31] =	ssyncadd.s32 $0xFFFFEC00  }
0x8e: {  	[bflag:$0x0] =	sbarrier.arrive $0xFFFF  }
0x8f: {  	s28 =	rddreg [dreg:$0xe]  }
0x90: {  	[hbm:s28], [sflag:s12] =	dma.local [spmem:s13], $0x2800  }
0x91: {  	_ =	swait.ge [sflag:s31], $0x2800  }
0x92: {  	s7 =	sadd.s32 $0x1, s7;
	s29 =	rddreg [dreg:$0xc]  }
0x93: {  	p0 =	sne.s32 s7, s29  }
.Ltmp1:
0x94: {  	_ = 	snop;
	(pc) =	sbr.rel @p0 .LBB2_1-.Ltmp1, $3  }
0x95: {  	_ =	sdelay $0x1  }
0x96: {  	[sflag:s31] =	ssyncset.done $0x0  }
0x97: {  	[sflag:s31] =	ssyncadd.s32 $0xFFFFD800  }
0x98: {  	_ =	sfence.sel $0x180000  }
0x99: {  	[bflag:$0x0] =	sbarrier.arrive $0xFFFF  }
0x9a: {  	_ =	strace $0x9000004A  }
0x9b: {  	s0 =	stileid.u32;
	[bflag:$0x2] =	sbarrier.arrive $0xFFFF  }
0x9c: {  	p0 =	sne.s32 s0, $0x0;
	s0 =	rddreg [dreg:$0x3]  }
0x9d: {  	s0 =	sadd.s32 @!p0 $0x100000, s0  }
0x9e: {  	[sflag:s0] =	ssyncadd.tile.s32 @!p0 $0x1;
	_ =	shalt  }
.Lfunc_end2:
_tile_overlayer_lowered:
.L_overlay_start_2:
0x9f: {  	(tag) =	ssettag $0x2  }
0xa0: {  	s0 =	rddreg [dreg:$0x0];
	s2 =	stileid.u32  }
0xa1: {  	s1 =	rddreg [dreg:$0x1];
	p0 =	sne.s32 s2, $0x0  }
0xa2: {  	s3 =	rddreg [dreg:$0x2];
	[bflag:$0x3] =	sbarrier.arrive $0xFFFF;
	s2 =	simm.s32 @!p0 $0x1C0D  }
0xa3: {  	[timem:s3], [sflag:s2] =	dma.local @!p0 [hbm:s0], s1  }
0xa4: {  	s0 =	simm.s32 @!p0 $0xD  }
0xa5: {  	_ =	swait.ge @!p0 [sflag:s0], s1  }
0xa6: {  	s1 =	ssub.s32 @!p0 $0x0, s1;
	[sflag:s0] =	ssyncset.done @!p0 $0x0  }
0xa7: {  	[sflag:s0] =	ssyncadd.s32 @!p0 s1  }
0xa8: {  	[bflag:$0x3] =	sbarrier.arrive $0xFFFF  }
0xa9: {  	_ =	shalt  }

// kernel: kernel.16.cloned.1.call-start
scs
__scs_entry_jumppad:
0x0: {  	(pc) =	sbr.rel $0x88, $3  }
0x1: {  	(tag) =	ssettag $0x0;
	lr =	simm.s32 $0x1  }
0x2: {  	[smem:$0x3F93] =	sst lr;
	_ =	strace $0xD0000000  }
0x3: {  	_ = 	snop  }
0x4: {  	_ = 	snop  }
0x5: {  	_ = 	snop  }
0x6: {  	_ = 	snop  }
0x7: {  	_ = 	snop  }
__scs_overlays_trampoline_lowered:
0x8: {  	[smem:$0x3FA2] =	sst s0  }
0x9: {  	[smem:$0x3FA3] =	sst s1  }
0xa: {  	[smem:$0x3FA4] =	sst s2  }
0xb: {  	[smem:$0x3FA5] =	sst s3  }
0xc: {  	[smem:$0x3FA6] =	sst s4  }
0xd: {  	[smem:$0x3FA7] =	sst s5  }
0xe: {  	[smem:$0x3FA8] =	sst s6  }
0xf: {  	[smem:$0x3FA9] =	sst s7  }
0x10: {  	[smem:$0x3FAA] =	sst s8  }
0x11: {  	[smem:$0x3FAB] =	sst s9;
	s0 =	simm.s32 @!p0 $0x0  }
0x12: {  	s1 =	sld [smem:$0x3F91];
	s0 =	simm.s32 @p0 $0x1  }
0x13: {  	[smem:$0x3FAC] =	sst s0;
	s0 =	simm.s32 @!p1 $0x0  }
0x14: {  	s2 =	sld [smem:$0x3F90];
	s0 =	simm.s32 @p1 $0x1  }
0x15: {  	[smem:$0x3FAD] =	sst s0;
	s0 =	simm.s32 @!p2 $0x0  }
0x16: {  	s3 =	sld [smem:$0x3FDB];
	s0 =	simm.s32 @p2 $0x1  }
0x17: {  	s4 =	simm.s32 $0x1BF5;
	[smem:$0x3FAF] =	sst s0  }
0x18: {  	s0 =	sld [smem:$0x3F92];
	_ =	swait.ge [sflag:s4], $0x0  }
0x19: {  	s7 =	sld [smem:$0x3F93]  }
0x1a: {  	s8 =	sadd.s32 $0xFFFFE003, lr  }
0x1b: {  	s9 =	sadd.s32 $0xFFFFFEF7, lr;
	s5 =	simm.s32 $0xFFFFFFFF;
	p2 =	slt.u32 s8, $0xFFFFF086  }
0x1c: {  	p1 =	slt.u32 s9, $0xF7A;
	s5 =	simm.s32 @!p2 $0x0  }
0x1d: {  	s5 =	simm.s32 @p1 $0x1;
	p0 =	seq.s32 s7, s2  }
0x1e: {  	s7 =	smul.u32 @!p0 $0xF7A, s2;
	p2 =	seq.s32 @!p0 s5, $0x0  }
0x1f: {  	s9 =	smul.u32 $0xF7A, s1;
	s8 =	simm.s32 @!p0 $0x1BF5;
	p2 =	por !p2, p0  }
0x20: {  	[sflag:s8] =	ssyncset.s32 @!p0 $0xFFFFF086;
	s6 =	sadd.s32 @!p0 s3, s7;
	s7 =	simm.s32 @!p0 $0x108  }
0x21: {  	s3 =	sadd.s32 s3, s9;
	s6 =	sadd.s32 @!p0 $0x88, s6;
	s7 =	simm.s32 @p2 $0x1082  }
0x22: {  	[simem:s7], [sflag:s8] =	dma.local @!p0 [hbm:s6], $0xF7A  }
0x23: {  	s9 =	sor.u32 $0xD0000000, s2;
	s6 =	simm.s32 $0x108;
	_ =	swait.ge @!p0 [sflag:s8], $0x0  }
0x24: {  	s3 =	sadd.s32 $0x88, s3;
	s6 =	simm.s32 @!p1 $0x1082;
	[sflag:s4] =	ssyncset.s32 $0xFFFFF086  }
0x25: {  	[simem:s6], [sflag:s4] =	dma.local [hbm:s3], $0xF7A  }
0x26: {  	[smem:$0x3F93] =	sst s1;
	(tag) =	ssettag s2;
	_ =	strace s9  }
0x27: {  	s1 =	sld [smem:$0x3FA3]  }
0x28: {  	s2 =	sld [smem:$0x3FA4]  }
0x29: {  	s4 =	sld [smem:$0x3FA6]  }
0x2a: {  	p0 =	seq.s32 s5, $0x0;
	s5 =	sld [smem:$0x3FA7]  }
0x2b: {  	s6 =	sld [smem:$0x3FA8]  }
0x2c: {  	s7 =	sld [smem:$0x3FA9]  }
0x2d: {  	s3 =	simm.s32 $0x108;
	s8 =	sld [smem:$0x3FAA]  }
0x2e: {  	s3 =	simm.s32 @!p0 $0x1082;
	s9 =	sld [smem:$0x3FAB]  }
0x2f: {  	lr =	sadd.s32 s0, s3;
	s0 =	sld [smem:$0x3FA2]  }
0x30: {  	s3 =	sld [smem:$0x3FA5]  }
0x31: {  	[smem:$0x3FAE] =	sst s10  }
0x32: {  	s10 =	sld [smem:$0x3FAC];
	_ =	sdelay $0x3  }
0x33: {  	p0 =	seq.s32 s10, $0x1;
	s10 =	sld [smem:$0x3FAE];
	_ =	sdelay $0x3  }
0x34: {  	[smem:$0x3FAE] =	sst s10  }
0x35: {  	s10 =	sld [smem:$0x3FAD];
	_ =	sdelay $0x3  }
0x36: {  	p1 =	seq.s32 s10, $0x1;
	s10 =	sld [smem:$0x3FAE];
	_ =	sdelay $0x3  }
0x37: {  	[smem:$0x3FAE] =	sst s10  }
0x38: {  	s10 =	sld [smem:$0x3FAF]  }
0x39: {  	_ = 	snop;
	(pc) =	sbr.ind lr, $3  }
0x3a: {  	_ = 	snop  }
0x3b: {  	_ = 	snop  }
0x3c: {  	p2 =	seq.s32 s10, $0x1;
	s10 =	sld [smem:$0x3FAE]  }
0x3d: {  	_ =	shalt  }
0x3e: {  	_ =	shalt  }
0x3f: {  	_ =	shalt  }
0x40: {  	_ =	shalt  }
0x41: {  	_ =	shalt  }
0x42: {  	_ =	shalt  }
0x43: {  	_ =	shalt  }
0x44: {  	_ =	shalt  }
0x45: {  	_ =	shalt  }
0x46: {  	_ =	shalt  }
0x47: {  	_ =	shalt  }
0x48: {  	_ =	shalt  }
0x49: {  	_ =	shalt  }
0x4a: {  	_ =	shalt  }
0x4b: {  	_ =	shalt  }
0x4c: {  	_ =	shalt  }
0x4d: {  	_ =	shalt  }
0x4e: {  	_ =	shalt  }
0x4f: {  	_ =	shalt  }
0x50: {  	_ =	shalt  }
0x51: {  	_ =	shalt  }
0x52: {  	_ =	shalt  }
0x53: {  	_ =	shalt  }
0x54: {  	_ =	shalt  }
0x55: {  	_ =	shalt  }
0x56: {  	_ =	shalt  }
0x57: {  	_ =	shalt  }
0x58: {  	_ =	shalt  }
0x59: {  	_ =	shalt  }
0x5a: {  	_ =	shalt  }
0x5b: {  	_ =	shalt  }
0x5c: {  	_ =	shalt  }
0x5d: {  	_ =	shalt  }
0x5e: {  	_ =	shalt  }
0x5f: {  	_ =	shalt  }
0x60: {  	_ =	shalt  }
0x61: {  	_ =	shalt  }
0x62: {  	_ =	shalt  }
0x63: {  	_ =	shalt  }
0x64: {  	_ =	shalt  }
0x65: {  	_ =	shalt  }
0x66: {  	_ =	shalt  }
0x67: {  	_ =	shalt  }
0x68: {  	_ =	shalt  }
0x69: {  	_ =	shalt  }
0x6a: {  	_ =	shalt  }
0x6b: {  	_ =	shalt  }
0x6c: {  	_ =	shalt  }
0x6d: {  	_ =	shalt  }
0x6e: {  	_ =	shalt  }
0x6f: {  	_ =	shalt  }
0x70: {  	_ =	shalt  }
0x71: {  	_ =	shalt  }
0x72: {  	_ =	shalt  }
0x73: {  	_ =	shalt  }
0x74: {  	_ =	shalt  }
0x75: {  	_ =	shalt  }
0x76: {  	_ =	shalt  }
0x77: {  	_ =	shalt  }
0x78: {  	_ =	shalt  }
0x79: {  	_ =	shalt  }
0x7a: {  	_ =	shalt  }
0x7b: {  	_ =	shalt  }
0x7c: {  	_ =	shalt  }
0x7d: {  	_ =	shalt  }
0x7e: {  	_ =	shalt  }
0x7f: {  	_ =	shalt  }
0x80: {  	_ =	shalt  }
0x81: {  	_ =	shalt  }
0x82: {  	_ =	shalt  }
0x83: {  	_ =	shalt  }
0x84: {  	_ =	shalt  }
0x85: {  	_ =	shalt  }
0x86: {  	_ =	shalt  }
0x87: {  	_ =	shalt  }
.Lfunc_end0:
.L_simem_size_0:
called_computation.2_lowered:
.L_overlay_start_0:
0x88: {  	s2 =	sld [smem:$0x3FD9]  }
0x89: {  	s3 =	sld [smem:$0x3FFE];
	_ =	sdelay $0x1  }
0x8a: {  	s1 =	srdreg.scid  }
0x8b: {  	s0 =	sand.u32 $0x1, s1  }
0x8c: {  	s17 =	sshll.u32 s0, $0xA;
	s2 =	sadd.s32 s3, s2  }
0x8d: {  	s2 =	sadd.s32 s2, s17  }
0x8e: {  	[smem:$0x3FBA] =	sst s2  }
0x8f: {  	_ = 	snop  }
0x90: {  	s2 =	sld [smem:$0x3FD0];
	(tm) =	ssettm $0x1  }
0x91: {  	s18 =	sld [smem:$0x3FFB];
	_ =	sdelay $0x3  }
0x92: {  	_ =	strace s18  }
0x93: {  	s3 =	sld [smem:$0x3FFC];
	_ =	sdelay $0x3  }
0x94: {  	_ =	strace s3  }
0x95: {  	s3 =	sld [smem:$0x3FFD];
	_ =	sdelay $0x3  }
0x96: {  	_ =	strace s3  }
0x97: {  	_ =	strace $0x8FFFFFFF  }
0x98: {  	s19 =	sld [smem:$0x3FDB];
	_ =	sdelay $0x1  }
0x99: {  	s4 =	simm.s32 $_scs_section_size  }
0x9a: {  	s5 =	simm.s32 $_size__tile_overlayer_lowered;
	s6 =	simm.s32 $_tile_overlayer_lowered  }
0x9b: {  	s22 =	simm.s32 $0x1BFF;
	s21 =	sshll.u32 s6, $0x1;
	s3 =	sadd.s32 s4, s19  }
0x9c: {  	s7 =	simm.s32 $0x0;
	s20 =	sshll.u32 s5, $0x1;
	s5 =	sadd.s32 s21, s3  }
0x9d: {  	[timem:s7], [sflag:s22] =	dma.local [hbm:s5], s20  }
0x9e: {  	_ =	swait.ge [sflag:s22], s20  }
0x9f: {  	s4 =	ssub.s32 $0x0, s20;
	[sflag:s22] =	ssyncset.done $0x0  }
0xa0: {  	[sflag:s22] =	ssyncadd.s32 s4;
	_ =	sdelay $0x1  }
0xa1: {  	s23 =	simm.s32 $0x1B8B  }
0xa2: {  	_ =	swait.ge [sflag:s23], $0x1  }
0xa3: {  	[sflag:s23] =	ssyncset.done $0x0  }
0xa4: {  	s25 =	simm.s32 $0x1B8E;
	s24 =	sld [smem:$0x3FFE];
	[sflag:s23] =	ssyncadd.s32 $0xFFFFFFFF  }
0xa5: {  	s26 =	simm.s32 $execute0_lowered;
	[smem:$0x3FD2] =	sst s25  }
0xa6: {  	s5 =	sshll.u32 s26, $0x1;
	_ =	strace $0x8000004C;
	[dreg:$0x1] =	wrdreg $0xFFFFFFFF  }
0xa7: {  	s28 =	simm.s32 $_size_execute0_lowered;
	s3 =	sadd.s32 s3, s5;
	[dreg:$0x0] =	wrdreg $0x0  }
0xa8: {  	s5 =	sshll.u32 s28, $0x1;
	[dreg:$0x2] =	wrdreg s3  }
0xa9: {  	[dreg:$0x3] =	wrdreg s5  }
0xaa: {  	[dreg:$0x4] =	wrdreg $0xC0  }
0xab: {  	_ =	task [dreg:s7], $0x5FFFF  }
0xac: {  	[dreg:$0x1] =	wrdreg $0xFFFFFFFF  }
0xad: {  	[dreg:$0x0] =	wrdreg $0x60  }
0xae: {  	[dreg:$0x2] =	wrdreg s2  }
0xaf: {  	[dreg:$0x3] =	wrdreg s24  }
0xb0: {  	[dreg:$0x4] =	wrdreg $0x0  }
0xb1: {  	[dreg:$0x5] =	wrdreg $0x9  }
0xb2: {  	_ =	task.clear_ibuf [dreg:s7], $0x6FFFF;
	_ =	strace $0x9000004C  }
0xb3: {  	s29 =	simm.s32 $0x9;
	_ =	strace $0x8000004E  }
0xb4: {  	_ =	swait.ge [sflag:s29], $0x1  }
0xb5: {  	[sflag:s29] =	ssyncadd.s32 $0xFFFFFFFF  }
0xb6: {  	_ =	strace $0x9000004E  }
0xb7: {  	_ =	sfence  }
0xb8: {  	s30 =	sld [smem:$0x0];
	_ =	sdelay $0x2  }
0xb9: {  	s31 =	sshll.u32 s1, $0xD;
	s1 =	sshrl.u32 s1, $0x2  }
0xba: {  	s3 =	sand.u32 $0x4000, s31;
	s1 =	sadd.s32 s1, s30  }
0xbb: {  	s0 =	sor.u32 s3, s0;
	s1 =	sshll.u32 s1, $0x11  }
0xbc: {  	s0 =	sor.u32 s1, s0  }
0xbd: {  	s0 =	sadd.s32 $0x8F2B, s0  }
0xbe: {  	[sflag:s0] =	ssyncadd.remote.s32 $0x1  }
0xbf: {  	_ =	sfence.sel $0xFFFF  }
0xc0: {  	[dreg:$0x0] =	wrdreg $0xFFFFFFFF;
	(pc) =	sbr.abs _section_cstart, $3  }
0xc1: {  	[dreg:$0x1] =	wrdreg $0xFFFFFFFF  }
0xc2: {  	_ =	task.clear_ibuf [dreg:s7], $0x2FFFF;
	_ =	strace $0x9FFFFFFF  }
0xc3: {  	(tm) =	ssettm $0x7FFFFFFF  }
tec
execute0_lowered:
.L_overlay_start_1:
0x0: {  	(tag) =	ssettag $0x1  }
0x1: {  	s0 =	rddreg [dreg:$0x0]  }
0x2: {  	s3 =	rddreg [dreg:$0x1]  }
0x3: {  	s1 =	rddreg [dreg:$0x2];
	s2 =	simm.s32 $0x0  }
0x4: {  	s5 =	srdreg.scid;
	s14 =	stileid.u32;
	s30 =	simm.s32 $0x17F00  }
0x5: {  	s31 =	simm.s32 $0xD;
	s8 =	sand.u32 $0x1, s5;
	s5 =	smul.u32 $0x2710, s14  }
0x6: {  	[smem:$0x7FF] =	sst s2;
	s4 =	sadd.s32 $0xFC00, s3;
	s21 =	smul.u32 $0x50000, s14  }
0x7: {  	s7 =	sadd.s32 $0x5C00, s3;
	s6 =	sadd.s32 $0xAC00, s3;
	s25 =	smul.u32 $0x2800, s14  }
0x8: {  	s9 =	sadd.s32 $0x5FC00, s3;
	s3 =	sadd.s32 $0x87C00, s3;
	s28 =	smul.u32 $0x4E2, s14  }
0x9: {  	s14 =	simm.s32 $0x14300;
	_ =	strace $0x8000004D;
	s10 =	ssub.s32 $0x2, s8  }
0xa: {  	p0 =	seq.s32 s8, $0x0;
	s11 =	sshrl.u32 s10, $0x1;
	s12 =	sadd.s32 $0x78, s5  }
0xb: {  	s20 =	sshrl.u32 s5, $0x3;
	s23 =	sshrl.u32 s21, $0x2;
	s24 =	sadd.s32 $0x26E8, s5  }
0xc: {  	s4 =	smov.u32 @p0 s0;
	s3 =	smov.u32 @p0 s9;
	s15 =	sadd.s32 s7, s20  }
0xd: {  	s10 =	ssub.s32 s10, s11;
	s11 =	sadd.s32 s6, s20;
	[dreg:$0x4] =	wrdreg s15  }
0xe: {  	s18 =	sadd.s32 s28, s7;
	s8 =	sadd.s32 s23, s1;
	[dreg:$0x7] =	wrdreg s11  }
0xf: {  	s19 =	sadd.s32 s28, s6;
	s0 =	sadd.s32 s4, s25;
	[dreg:$0x9] =	wrdreg s8  }
0x10: {  	s12 =	sshrl.u32 s12, $0x3;
	s29 =	sadd.s32 s3, s25;
	[dreg:$0xd] =	wrdreg s0  }
0x11: {  	s3 =	simm.s32 $0x5;
	s13 =	sadd.s32 s7, s12;
	[dreg:$0xe] =	wrdreg s29  }
0x12: {  	s23 =	simm.s32 $0xB;
	s15 =	sadd.s32 $0x1E, s15;
	[dreg:$0x5] =	wrdreg s13  }
0x13: {  	s22 =	sadd.s32 s6, s12;
	s11 =	sshrl.u32 s24, $0x3;
	[dreg:$0x6] =	wrdreg s15  }
0x14: {  	s10 =	smax.u32 s10, $0x1;
	s24 =	simm.s32 $0x14200;
	[dreg:$0x8] =	wrdreg s22  }
0x15: {  	s0 =	simm.s32 $0x7;
	s26 =	sadd.s32 s7, s11;
	[dreg:$0xc] =	wrdreg s10  }
0x16: {  	s8 =	simm.s32 $0xC;
	s11 =	sadd.s32 s6, s11;
	[dreg:$0xa] =	wrdreg s26  }
0x17: {  	s7 =	simm.s32 $0x0;
	[dreg:$0xb] =	wrdreg s11;
	s26 =	simm.s32 $0x78  }
.LBB2_1:
0x18: {  	s9 =	rddreg [dreg:$0x4];
	s10 =	simm.s32 $0x14000  }
0x19: {  	[tilespmem:s10], [sflag:$0x1] =	stream.linear.gather [hbm4b:s9+s2], $0x78, $0x38;
	[tilespmem:$0x1F800] =	vst v63  }
0x1a: {  	s12 =	rddreg [dreg:$0x5];
	s11 =	simm.s32 $0x14080  }
0x1b: {  	[tilespmem:s11], [sflag:$0x2] =	stream.linear.gather [hbm4b:s12+s2], $0x78, $0x38;
	[tilespmem:$0x1F800] =	vst v63  }
0x1c: {  	s13 =	rddreg [dreg:$0x6];
	s12 =	simm.s32 $0x14100  }
0x1d: {  	[tilespmem:s12], [sflag:$0x3] =	stream.linear.gather [hbm4b:s13+s2], $0x78, $0x38;
	[tilespmem:$0x1F800] =	vst v63  }
0x1e: {  	s15 =	rddreg [dreg:$0x7];
	s16 =	simm.s32 $0x14180  }
0x1f: {  	[tilespmem:s16], [sflag:$0x4] =	stream.linear.gather [hbm4b:s15+s2], $0x78, $0x38;
	[tilespmem:$0x1F800] =	vst v63  }
0x20: {  	s17 =	rddreg [dreg:$0x8];
	s20 =	simm.s32 $0x1  }
0x21: {  	[tilespmem:s24], [sflag:$0x5] =	stream.linear.gather [hbm4b:s17+s2], $0x78, $0x38;
	[tilespmem:$0x1F800] =	vst v63  }
0x22: {  	_ =	swait.ge [sflag:s20], $0x78  }
0x23: {  	[sflag:s20] =	ssyncset.done $0x0  }
0x24: {  	s21 =	simm.s32 $0x2;
	s22 =	stileid.u32;
	[sflag:s20] =	ssyncadd.s32 $0xFFFFFF88  }
0x25: {  	[tilespmem:s14], [sflag:$0x7] =	stream.indirect.gather [hbm4b:s4+s26], $0x80, s10, s26, $0xb8;
	[tilespmem:$0x1F800] =	vst v63  }
0x26: {  	s25 =	sshll.u32 s22, $0x6;
	_ =	swait.ge [sflag:s21], $0x78  }
0x27: {  	s12 =	sor.u32 $0x1C0D, s25;
	[sflag:s21] =	ssyncset.done $0x0;
	s28 =	rddreg [dreg:$0x9]  }
0x28: {  	s29 =	rddreg [dreg:$0xd];
	[sflag:s21] =	ssyncadd.s32 $0xFFFFFF88;
	s13 =	sshrl.u32 s28, $0x3  }
0x29: {  	[tilespmem:s30], [sflag:$0x8] =	stream.indirect.gather [hbm4b:s4+s26], $0x80, s11, s26, $0xb8;
	[tilespmem:$0x1F800] =	vst v63  }
0x2a: {  	[spmem:s13], [sflag:s12] =	dma.local [hbm:s29], $0x2800  }
0x2b: {  	_ =	swait.ge [sflag:s31], $0x2800  }
0x2c: {  	[sflag:s31] =	ssyncset.done $0x0  }
0x2d: {  	s15 =	simm.s32 $0x0;
	[sflag:s31] =	ssyncadd.s32 $0xFFFFD800  }
0x2e: {  	s16 =	simm.s32 $0x0;
	s14 =	simm.s32 $0x1E0;
	[bflag:$0x0] =	sbarrier.arrive $0xFFFF  }
.LBB2_2:
0x2f: {  	p0 =	seq.s32 s16, $0x0  }
0x30: {  	_ =	swait.ge [sflag:s0], $0x3C00;
	p1 =	seq.s32 @!p0 s16, $0x1B  }
0x31: {  	[sflag:s0] =	ssyncset.done $0x0;
	p1 =	por p1, p0  }
0x32: {  	[sflag:s0] =	ssyncadd.s32 $0xFFFFC400;
	s17 =	simm.s32 @!p1 $0xC  }
0x33: {  	_ =	swait.ge @!p1 [sflag:s17], $0x3C00  }
0x34: {  	p0 =	seq.s32 s15, $0x4BF;
	[sflag:s17] =	ssyncset.done @!p1 $0x0  }
0x35: {  	[sflag:s17] =	ssyncadd.s32 @!p1 $0xFFFFC400;
	s17 =	simm.s32 @p0 $0x4  }
0x36: {  	_ =	swait.ge @p0 [sflag:s17], $0x78  }
0x37: {  	s20 =	simm.s32 @p0 $0x14180;
	[sflag:s17] =	ssyncset.done @p0 $0x0  }
0x38: {  	s21 =	simm.s32 @p0 $0x14300;
	[sflag:s17] =	ssyncadd.s32 @p0 $0xFFFFFF88;
	s17 =	simm.s32 @p0 $0x78  }
0x39: {  	[spmem:s1] =	stream.indirect.scatter.add.f32 @p0 [tilespmem:s21], [sflag:$0xA], $0x80, s20, s17, $0xb8;
	[tilespmem:$0x1F800] =	vst v63  }
0x3a: {  	s17 =	simm.s32 @p0 $0x8  }
0x3b: {  	_ =	swait.ge @p0 [sflag:s17], $0x3C00  }
0x3c: {  	s9 =	sadd.s32 @!p0 s15, s19;
	s10 =	simm.s32 @!p0 $0x0;
	[sflag:s17] =	ssyncset.done @p0 $0x0  }
0x3d: {  	s20 =	simm.s32 @!p0 $0x14280;
	[sflag:s17] =	ssyncadd.s32 @p0 $0xFFFFC400;
	s17 =	sadd.s32 @!p0 $0x1E, s9  }
0x3e: {  	[tilespmem:s20], [sflag:$0x6] =	stream.linear.gather @!p0 [hbm4b:s17+s10], $0x78, $0x38;
	[tilespmem:$0x1F800] =	vst v63  }
0x3f: {  	s17 =	simm.s32 @!p0 $0x3  }
0x40: {  	_ =	swait.ge @!p0 [sflag:s17], $0x78  }
0x41: {  	s11 =	simm.s32 @!p0 $0x14100;
	[sflag:s17] =	ssyncset.done @!p0 $0x0  }
0x42: {  	s21 =	simm.s32 @!p0 $0x1BB00;
	[sflag:s17] =	ssyncadd.s32 @!p0 $0xFFFFFF88;
	s17 =	simm.s32 @!p0 $0x78  }
0x43: {  	[tilespmem:s21], [sflag:$0x9] =	stream.indirect.gather @!p0 [hbm4b:s4+s17], $0x80, s11, s17, $0xb8;
	[tilespmem:$0x1F800] =	vst v63  }
0x44: {  	s11 =	sadd.s32 @!p0 s15, s18  }
0x45: {  	s28 =	simm.s32 @!p0 $0x14000;
	s25 =	sadd.s32 @!p0 $0x2D, s11  }
0x46: {  	[tilespmem:s28], [sflag:$0x1] =	stream.linear.gather @!p0 [hbm4b:s25+s10], $0x78, $0x38;
	[tilespmem:$0x1F800] =	vst v63  }
0x47: {  	s25 =	simm.s32 @!p0 $0x4  }
0x48: {  	_ =	swait.ge @!p0 [sflag:s25], $0x78  }
0x49: {  	s29 =	simm.s32 @!p0 $0x14300;
	[sflag:s25] =	ssyncset.done @!p0 $0x0  }
0x4a: {  	s22 =	simm.s32 @!p0 $0x8;
	[sflag:s25] =	ssyncadd.s32 @!p0 $0xFFFFFF88;
	s25 =	simm.s32 @!p0 $0x14180  }
0x4b: {  	[spmem:s1] =	stream.indirect.scatter.add.f32 @!p0 [tilespmem:s29], [sflag:$0xA], $0x80, s25, s17, $0xb8;
	[tilespmem:$0x1F800] =	vst v63  }
0x4c: {  	_ =	swait.ge @!p0 [sflag:s22], $0x3C00  }
0x4d: {  	[sflag:s22] =	ssyncset.done @!p0 $0x0  }
0x4e: {  	[sflag:s22] =	ssyncadd.s32 @!p0 $0xFFFFC400;
	s22 =	simm.s32 @!p0 $0xA  }
0x4f: {  	_ =	swait.ge @!p0 [sflag:s22], $0x3C00  }
0x50: {  	[sflag:s22] =	ssyncset.done @!p0 $0x0  }
0x51: {  	s9 =	sadd.s32 @!p0 $0x2D, s9;
	[sflag:s22] =	ssyncadd.s32 @!p0 $0xFFFFC400  }
0x52: {  	[tilespmem:s25], [sflag:$0x4] =	stream.linear.gather @!p0 [hbm4b:s9+s10], $0x78, $0x38;
	[tilespmem:$0x1F800] =	vst v63  }
0x53: {  	s9 =	simm.s32 @!p0 $0x1  }
0x54: {  	_ =	swait.ge @!p0 [sflag:s9], $0x78  }
0x55: {  	[sflag:s9] =	ssyncset.done @!p0 $0x0  }
0x56: {  	[sflag:s9] =	ssyncadd.s32 @!p0 $0xFFFFFF88  }
0x57: {  	[tilespmem:s29], [sflag:$0x7] =	stream.indirect.gather @!p0 [hbm4b:s4+s17], $0x80, s28, s17, $0xb8;
	[tilespmem:$0x1F800] =	vst v63  }
0x58: {  	s9 =	sadd.s32 @!p0 $0x3C, s11;
	s11 =	simm.s32 @!p0 $0x14080  }
0x59: {  	[tilespmem:s11], [sflag:$0x2] =	stream.linear.gather @!p0 [hbm4b:s9+s10], $0x78, $0x38;
	[tilespmem:$0x1F800] =	vst v63  }
0x5a: {  	_ =	swait.ge [sflag:s3], $0x78  }
0x5b: {  	[sflag:s3] =	ssyncset.done $0x0  }
0x5c: {  	s9 =	simm.s32 @!p0 $0x9;
	[sflag:s3] =	ssyncadd.s32 $0xFFFFFF88  }
0x5d: {  	[spmem:s1] =	stream.indirect.scatter.add.f32 [tilespmem:s30], [sflag:$0xB], $0x80, s24, s26, $0xb8;
	[tilespmem:$0x1F800] =	vst v63  }
0x5e: {  	_ =	swait.ge @!p0 [sflag:s9], $0x3C00  }
0x5f: {  	s22 =	smov.u32 s14;
	[sflag:s9] =	ssyncset.done @!p0 $0x0  }
0x60: {  	s22 =	simm.s32 @p0 $0x27D8;
	[sflag:s9] =	ssyncadd.s32 @!p0 $0xFFFFC400;
	s9 =	simm.s32 @!p0 $0xB  }
0x61: {  	s22 =	sadd.s32 @!p0 s5, s22;
	_ =	swait.ge @!p0 [sflag:s9], $0x3C00  }
0x62: {  	s22 =	sshrl.u32 @!p0 s22, $0x3;
	[sflag:s9] =	ssyncset.done @!p0 $0x0  }
0x63: {  	[sflag:s9] =	ssyncadd.s32 @!p0 $0xFFFFC400;
	s9 =	sadd.s32 @!p0 s6, s22;
	s22 =	simm.s32 @!p0 $0x14200  }
0x64: {  	[tilespmem:s22], [sflag:$0x5] =	stream.linear.gather @!p0 [hbm4b:s9+s10], $0x78, $0x38;
	[tilespmem:$0x1F800] =	vst v63  }
0x65: {  	s9 =	simm.s32 @!p0 $0x2  }
0x66: {  	_ =	swait.ge @!p0 [sflag:s9], $0x78  }
0x67: {  	p1 =	sgt.u32 @!p0 s16, $0x19;
	[sflag:s9] =	ssyncset.done @!p0 $0x0  }
0x68: {  	p1 =	por p1, p0;
	[sflag:s9] =	ssyncadd.s32 @!p0 $0xFFFFFF88;
	s9 =	simm.s32 @!p0 $0x17F00  }
0x69: {  	[tilespmem:s9], [sflag:$0x8] =	stream.indirect.gather @!p0 [hbm4b:s4+s17], $0x80, s11, s17, $0xb8;
	[tilespmem:$0x1F800] =	vst v63  }
0x6a: {  	s10 =	simm.s32 @!p1 $0x0;
	s9 =	sadd.s32 @!p1 s15, s18  }
0x6b: {  	s11 =	simm.s32 @!p1 $0x14100;
	s15 =	sadd.s32 @!p0 $0x2D, s15;
	s9 =	sadd.s32 @!p1 $0x4B, s9  }
0x6c: {  	[tilespmem:s11], [sflag:$0x3] =	stream.linear.gather @!p1 [hbm4b:s9+s10], $0x78, $0x38;
	[tilespmem:$0x1F800] =	vst v63  }
0x6d: {  	p1 =	sne.s32 @!p0 s15, $0x4EC  }
0x6e: {  	p1 =	por p0, !p1  }
.Ltmp0:
0x6f: {  	s9 =	simm.s32 @!p0 $0x6;
	(pc) =	sbr.rel @!p1 .LBB2_2-.Ltmp0, $4  }
0x70: {  	_ =	swait.ge @!p0 [sflag:s9], $0x78  }
0x71: {  	[sflag:s9] =	ssyncset.done @!p0 $0x0  }
0x72: {  	s16 =	sadd.s32 @!p0 $0x1, s16;
	s14 =	sadd.s32 @!p0 $0x168, s14;
	[sflag:s9] =	ssyncadd.s32 @!p0 $0xFFFFFF88  }
0x73: {  	[spmem:s1] =	stream.indirect.scatter.add.f32 @!p0 [tilespmem:s21], [sflag:$0xC], $0x80, s20, s17, $0xb8;
	[tilespmem:$0x1F800] =	vst v63  }
0x74: {  	s9 =	simm.s32 $0xA  }
0x75: {  	_ =	swait.ge [sflag:s9], $0x3C00  }
0x76: {  	[sflag:s9] =	ssyncset.done $0x0  }
0x77: {  	[sflag:s9] =	ssyncadd.s32 $0xFFFFC400  }
0x78: {  	_ =	swait.ge [sflag:s23], $0x3C00  }
0x79: {  	[sflag:s23] =	ssyncset.done $0x0  }
0x7a: {  	[sflag:s23] =	ssyncadd.s32 $0xFFFFC400  }
0x7b: {  	_ =	swait.ge [sflag:s8], $0x3C00  }
0x7c: {  	[sflag:s8] =	ssyncset.done $0x0  }
0x7d: {  	s10 =	simm.s32 $0x1F700;
	s21 =	rddreg [dreg:$0xa];
	[sflag:s8] =	ssyncadd.s32 $0xFFFFC400  }
0x7e: {  	[tilespmem:s10], [sflag:$0xD] =	stream.linear.gather [hbm4b:s21+s2], $0x28, $0x38;
	[tilespmem:$0x1F800] =	vst v63  }
0x7f: {  	_ =	swait.ge [sflag:s31], $0x28  }
0x80: {  	[sflag:s31] =	ssyncset.done $0x0  }
0x81: {  	s11 =	simm.s32 $0x1F780;
	s22 =	rddreg [dreg:$0xb];
	[sflag:s31] =	ssyncadd.s32 $0xFFFFFFD8  }
0x82: {  	[tilespmem:s11], [sflag:$0xD] =	stream.linear.gather [hbm4b:s22+s2], $0x28, $0x38;
	[tilespmem:$0x1F800] =	vst v63  }
0x83: {  	_ =	swait.ge [sflag:s31], $0x28  }
0x84: {  	[sflag:s31] =	ssyncset.done $0x0  }
0x85: {  	s14 =	simm.s32 $0x14300;
	s25 =	simm.s32 $0x28;
	[sflag:s31] =	ssyncadd.s32 $0xFFFFFFD8  }
0x86: {  	[tilespmem:s14], [sflag:$0x7] =	stream.indirect.gather [hbm4b:s4+s25], $0x80, s10, s25, $0xb8;
	[tilespmem:$0x1F800] =	vst v63  }
0x87: {  	_ =	swait.ge [sflag:s0], $0x1400  }
0x88: {  	[sflag:s0] =	ssyncset.done $0x0  }
0x89: {  	[sflag:s0] =	ssyncadd.s32 $0xFFFFEC00  }
0x8a: {  	[spmem:s1] =	stream.indirect.scatter.add.f32 [tilespmem:s14], [sflag:$0xD], $0x80, s11, s25, $0xb8;
	[tilespmem:$0x1F800] =	vst v63  }
0x8b: {  	_ =	swait.ge [sflag:s31], $0x1400  }
0x8c: {  	[sflag:s31] =	ssyncset.done $0x0  }
0x8d: {  	[sflag:s31] =	ssyncadd.s32 $0xFFFFEC00  }
0x8e: {  	[bflag:$0x0] =	sbarrier.arrive $0xFFFF  }
0x8f: {  	s28 =	rddreg [dreg:$0xe]  }
0x90: {  	[hbm:s28], [sflag:s12] =	dma.local [spmem:s13], $0x2800  }
0x91: {  	_ =	swait.ge [sflag:s31], $0x2800  }
0x92: {  	s7 =	sadd.s32 $0x1, s7;
	s29 =	rddreg [dreg:$0xc]  }
0x93: {  	p0 =	sne.s32 s7, s29  }
.Ltmp1:
0x94: {  	_ = 	snop;
	(pc) =	sbr.rel @p0 .LBB2_1-.Ltmp1, $3  }
0x95: {  	_ =	sdelay $0x1  }
0x96: {  	[sflag:s31] =	ssyncset.done $0x0  }
0x97: {  	[sflag:s31] =	ssyncadd.s32 $0xFFFFD800  }
0x98: {  	_ =	sfence.sel $0x180000  }
0x99: {  	[bflag:$0x0] =	sbarrier.arrive $0xFFFF  }
0x9a: {  	_ =	strace $0x9000004D  }
0x9b: {  	s0 =	stileid.u32;
	[bflag:$0x2] =	sbarrier.arrive $0xFFFF  }
0x9c: {  	p0 =	sne.s32 s0, $0x0;
	s0 =	rddreg [dreg:$0x3]  }
0x9d: {  	s0 =	sadd.s32 @!p0 $0x100000, s0  }
0x9e: {  	[sflag:s0] =	ssyncadd.tile.s32 @!p0 $0x1;
	_ =	shalt  }
.Lfunc_end2:
_tile_overlayer_lowered:
.L_overlay_start_2:
0x9f: {  	(tag) =	ssettag $0x2  }
0xa0: {  	s0 =	rddreg [dreg:$0x0];
	s2 =	stileid.u32  }
0xa1: {  	s1 =	rddreg [dreg:$0x1];
	p0 =	sne.s32 s2, $0x0  }
0xa2: {  	s3 =	rddreg [dreg:$0x2];
	[bflag:$0x3] =	sbarrier.arrive $0xFFFF;
	s2 =	simm.s32 @!p0 $0x1C0D  }
0xa3: {  	[timem:s3], [sflag:s2] =	dma.local @!p0 [hbm:s0], s1  }
0xa4: {  	s0 =	simm.s32 @!p0 $0xD  }
0xa5: {  	_ =	swait.ge @!p0 [sflag:s0], s1  }
0xa6: {  	s1 =	ssub.s32 @!p0 $0x0, s1;
	[sflag:s0] =	ssyncset.done @!p0 $0x0  }
0xa7: {  	[sflag:s0] =	ssyncadd.s32 @!p0 s1  }
0xa8: {  	[bflag:$0x3] =	sbarrier.arrive $0xFFFF  }
0xa9: {  	_ =	shalt  }

// kernel: kernel.19.cloned.1.call-start
scs
__scs_entry_jumppad:
0x0: {  	(pc) =	sbr.rel $0x88, $3  }
0x1: {  	(tag) =	ssettag $0x0;
	lr =	simm.s32 $0x1  }
0x2: {  	[smem:$0x3F93] =	sst lr;
	_ =	strace $0xD0000000  }
0x3: {  	_ = 	snop  }
0x4: {  	_ = 	snop  }
0x5: {  	_ = 	snop  }
0x6: {  	_ = 	snop  }
0x7: {  	_ = 	snop  }
__scs_overlays_trampoline_lowered:
0x8: {  	[smem:$0x3FA2] =	sst s0  }
0x9: {  	[smem:$0x3FA3] =	sst s1  }
0xa: {  	[smem:$0x3FA4] =	sst s2  }
0xb: {  	[smem:$0x3FA5] =	sst s3  }
0xc: {  	[smem:$0x3FA6] =	sst s4  }
0xd: {  	[smem:$0x3FA7] =	sst s5  }
0xe: {  	[smem:$0x3FA8] =	sst s6  }
0xf: {  	[smem:$0x3FA9] =	sst s7  }
0x10: {  	[smem:$0x3FAA] =	sst s8  }
0x11: {  	[smem:$0x3FAB] =	sst s9;
	s0 =	simm.s32 @!p0 $0x0  }
0x12: {  	s1 =	sld [smem:$0x3F91];
	s0 =	simm.s32 @p0 $0x1  }
0x13: {  	[smem:$0x3FAC] =	sst s0;
	s0 =	simm.s32 @!p1 $0x0  }
0x14: {  	s2 =	sld [smem:$0x3F90];
	s0 =	simm.s32 @p1 $0x1  }
0x15: {  	[smem:$0x3FAD] =	sst s0;
	s0 =	simm.s32 @!p2 $0x0  }
0x16: {  	s3 =	sld [smem:$0x3FDB];
	s0 =	simm.s32 @p2 $0x1  }
0x17: {  	s4 =	simm.s32 $0x1BF5;
	[smem:$0x3FAF] =	sst s0  }
0x18: {  	s0 =	sld [smem:$0x3F92];
	_ =	swait.ge [sflag:s4], $0x0  }
0x19: {  	s7 =	sld [smem:$0x3F93]  }
0x1a: {  	s8 =	sadd.s32 $0xFFFFE003, lr  }
0x1b: {  	s9 =	sadd.s32 $0xFFFFFEF7, lr;
	s5 =	simm.s32 $0xFFFFFFFF;
	p2 =	slt.u32 s8, $0xFFFFF086  }
0x1c: {  	p1 =	slt.u32 s9, $0xF7A;
	s5 =	simm.s32 @!p2 $0x0  }
0x1d: {  	s5 =	simm.s32 @p1 $0x1;
	p0 =	seq.s32 s7, s2  }
0x1e: {  	s7 =	smul.u32 @!p0 $0xF7A, s2;
	p2 =	seq.s32 @!p0 s5, $0x0  }
0x1f: {  	s9 =	smul.u32 $0xF7A, s1;
	s8 =	simm.s32 @!p0 $0x1BF5;
	p2 =	por !p2, p0  }
0x20: {  	[sflag:s8] =	ssyncset.s32 @!p0 $0xFFFFF086;
	s6 =	sadd.s32 @!p0 s3, s7;
	s7 =	simm.s32 @!p0 $0x108  }
0x21: {  	s3 =	sadd.s32 s3, s9;
	s6 =	sadd.s32 @!p0 $0x88, s6;
	s7 =	simm.s32 @p2 $0x1082  }
0x22: {  	[simem:s7], [sflag:s8] =	dma.local @!p0 [hbm:s6], $0xF7A  }
0x23: {  	s9 =	sor.u32 $0xD0000000, s2;
	s6 =	simm.s32 $0x108;
	_ =	swait.ge @!p0 [sflag:s8], $0x0  }
0x24: {  	s3 =	sadd.s32 $0x88, s3;
	s6 =	simm.s32 @!p1 $0x1082;
	[sflag:s4] =	ssyncset.s32 $0xFFFFF086  }
0x25: {  	[simem:s6], [sflag:s4] =	dma.local [hbm:s3], $0xF7A  }
0x26: {  	[smem:$0x3F93] =	sst s1;
	(tag) =	ssettag s2;
	_ =	strace s9  }
0x27: {  	s1 =	sld [smem:$0x3FA3]  }
0x28: {  	s2 =	sld [smem:$0x3FA4]  }
0x29: {  	s4 =	sld [smem:$0x3FA6]  }
0x2a: {  	p0 =	seq.s32 s5, $0x0;
	s5 =	sld [smem:$0x3FA7]  }
0x2b: {  	s6 =	sld [smem:$0x3FA8]  }
0x2c: {  	s7 =	sld [smem:$0x3FA9]  }
0x2d: {  	s3 =	simm.s32 $0x108;
	s8 =	sld [smem:$0x3FAA]  }
0x2e: {  	s3 =	simm.s32 @!p0 $0x1082;
	s9 =	sld [smem:$0x3FAB]  }
0x2f: {  	lr =	sadd.s32 s0, s3;
	s0 =	sld [smem:$0x3FA2]  }
0x30: {  	s3 =	sld [smem:$0x3FA5]  }
0x31: {  	[smem:$0x3FAE] =	sst s10  }
0x32: {  	s10 =	sld [smem:$0x3FAC];
	_ =	sdelay $0x3  }
0x33: {  	p0 =	seq.s32 s10, $0x1;
	s10 =	sld [smem:$0x3FAE];
	_ =	sdelay $0x3  }
0x34: {  	[smem:$0x3FAE] =	sst s10  }
0x35: {  	s10 =	sld [smem:$0x3FAD];
	_ =	sdelay $0x3  }
0x36: {  	p1 =	seq.s32 s10, $0x1;
	s10 =	sld [smem:$0x3FAE];
	_ =	sdelay $0x3  }
0x37: {  	[smem:$0x3FAE] =	sst s10  }
0x38: {  	s10 =	sld [smem:$0x3FAF]  }
0x39: {  	_ = 	snop;
	(pc) =	sbr.ind lr, $3  }
0x3a: {  	_ = 	snop  }
0x3b: {  	_ = 	snop  }
0x3c: {  	p2 =	seq.s32 s10, $0x1;
	s10 =	sld [smem:$0x3FAE]  }
0x3d: {  	_ =	shalt  }
0x3e: {  	_ =	shalt  }
0x3f: {  	_ =	shalt  }
0x40: {  	_ =	shalt  }
0x41: {  	_ =	shalt  }
0x42: {  	_ =	shalt  }
0x43: {  	_ =	shalt  }
0x44: {  	_ =	shalt  }
0x45: {  	_ =	shalt  }
0x46: {  	_ =	shalt  }
0x47: {  	_ =	shalt  }
0x48: {  	_ =	shalt  }
0x49: {  	_ =	shalt  }
0x4a: {  	_ =	shalt  }
0x4b: {  	_ =	shalt  }
0x4c: {  	_ =	shalt  }
0x4d: {  	_ =	shalt  }
0x4e: {  	_ =	shalt  }
0x4f: {  	_ =	shalt  }
0x50: {  	_ =	shalt  }
0x51: {  	_ =	shalt  }
0x52: {  	_ =	shalt  }
0x53: {  	_ =	shalt  }
0x54: {  	_ =	shalt  }
0x55: {  	_ =	shalt  }
0x56: {  	_ =	shalt  }
0x57: {  	_ =	shalt  }
0x58: {  	_ =	shalt  }
0x59: {  	_ =	shalt  }
0x5a: {  	_ =	shalt  }
0x5b: {  	_ =	shalt  }
0x5c: {  	_ =	shalt  }
0x5d: {  	_ =	shalt  }
0x5e: {  	_ =	shalt  }
0x5f: {  	_ =	shalt  }
0x60: {  	_ =	shalt  }
0x61: {  	_ =	shalt  }
0x62: {  	_ =	shalt  }
0x63: {  	_ =	shalt  }
0x64: {  	_ =	shalt  }
0x65: {  	_ =	shalt  }
0x66: {  	_ =	shalt  }
0x67: {  	_ =	shalt  }
0x68: {  	_ =	shalt  }
0x69: {  	_ =	shalt  }
0x6a: {  	_ =	shalt  }
0x6b: {  	_ =	shalt  }
0x6c: {  	_ =	shalt  }
0x6d: {  	_ =	shalt  }
0x6e: {  	_ =	shalt  }
0x6f: {  	_ =	shalt  }
0x70: {  	_ =	shalt  }
0x71: {  	_ =	shalt  }
0x72: {  	_ =	shalt  }
0x73: {  	_ =	shalt  }
0x74: {  	_ =	shalt  }
0x75: {  	_ =	shalt  }
0x76: {  	_ =	shalt  }
0x77: {  	_ =	shalt  }
0x78: {  	_ =	shalt  }
0x79: {  	_ =	shalt  }
0x7a: {  	_ =	shalt  }
0x7b: {  	_ =	shalt  }
0x7c: {  	_ =	shalt  }
0x7d: {  	_ =	shalt  }
0x7e: {  	_ =	shalt  }
0x7f: {  	_ =	shalt  }
0x80: {  	_ =	shalt  }
0x81: {  	_ =	shalt  }
0x82: {  	_ =	shalt  }
0x83: {  	_ =	shalt  }
0x84: {  	_ =	shalt  }
0x85: {  	_ =	shalt  }
0x86: {  	_ =	shalt  }
0x87: {  	_ =	shalt  }
.Lfunc_end0:
.L_simem_size_0:
called_computation.3_lowered:
.L_overlay_start_0:
0x88: {  	s2 =	sld [smem:$0x3FD9]  }
0x89: {  	s3 =	sld [smem:$0x3FFE];
	_ =	sdelay $0x1  }
0x8a: {  	s1 =	srdreg.scid  }
0x8b: {  	s0 =	sand.u32 $0x1, s1  }
0x8c: {  	s17 =	sshll.u32 s0, $0xA;
	s2 =	sadd.s32 s3, s2  }
0x8d: {  	s2 =	sadd.s32 s2, s17  }
0x8e: {  	[smem:$0x3FBA] =	sst s2  }
0x8f: {  	_ = 	snop  }
0x90: {  	s2 =	sld [smem:$0x3FD0];
	(tm) =	ssettm $0x1  }
0x91: {  	s18 =	sld [smem:$0x3FFB];
	_ =	sdelay $0x3  }
0x92: {  	_ =	strace s18  }
0x93: {  	s3 =	sld [smem:$0x3FFC];
	_ =	sdelay $0x3  }
0x94: {  	_ =	strace s3  }
0x95: {  	s3 =	sld [smem:$0x3FFD];
	_ =	sdelay $0x3  }
0x96: {  	_ =	strace s3  }
0x97: {  	_ =	strace $0x8FFFFFFF  }
0x98: {  	s19 =	sld [smem:$0x3FDB];
	_ =	sdelay $0x1  }
0x99: {  	s4 =	simm.s32 $_scs_section_size  }
0x9a: {  	s5 =	simm.s32 $_size__tile_overlayer_lowered;
	s6 =	simm.s32 $_tile_overlayer_lowered  }
0x9b: {  	s22 =	simm.s32 $0x1BFF;
	s21 =	sshll.u32 s6, $0x1;
	s3 =	sadd.s32 s4, s19  }
0x9c: {  	s7 =	simm.s32 $0x0;
	s20 =	sshll.u32 s5, $0x1;
	s5 =	sadd.s32 s21, s3  }
0x9d: {  	[timem:s7], [sflag:s22] =	dma.local [hbm:s5], s20  }
0x9e: {  	_ =	swait.ge [sflag:s22], s20  }
0x9f: {  	s4 =	ssub.s32 $0x0, s20;
	[sflag:s22] =	ssyncset.done $0x0  }
0xa0: {  	[sflag:s22] =	ssyncadd.s32 s4;
	_ =	sdelay $0x1  }
0xa1: {  	s23 =	simm.s32 $0x1B8B  }
0xa2: {  	_ =	swait.ge [sflag:s23], $0x1  }
0xa3: {  	[sflag:s23] =	ssyncset.done $0x0  }
0xa4: {  	s25 =	simm.s32 $0x1B8E;
	s24 =	sld [smem:$0x3FFE];
	[sflag:s23] =	ssyncadd.s32 $0xFFFFFFFF  }
0xa5: {  	s26 =	simm.s32 $execute0_lowered;
	[smem:$0x3FD2] =	sst s25  }
0xa6: {  	s5 =	sshll.u32 s26, $0x1;
	_ =	strace $0x8000004F;
	[dreg:$0x1] =	wrdreg $0xFFFFFFFF  }
0xa7: {  	s28 =	simm.s32 $_size_execute0_lowered;
	s3 =	sadd.s32 s3, s5;
	[dreg:$0x0] =	wrdreg $0x0  }
0xa8: {  	s5 =	sshll.u32 s28, $0x1;
	[dreg:$0x2] =	wrdreg s3  }
0xa9: {  	[dreg:$0x3] =	wrdreg s5  }
0xaa: {  	[dreg:$0x4] =	wrdreg $0xC0  }
0xab: {  	_ =	task [dreg:s7], $0x5FFFF  }
0xac: {  	[dreg:$0x1] =	wrdreg $0xFFFFFFFF  }
0xad: {  	[dreg:$0x0] =	wrdreg $0x60  }
0xae: {  	[dreg:$0x2] =	wrdreg s2  }
0xaf: {  	[dreg:$0x3] =	wrdreg s24  }
0xb0: {  	[dreg:$0x4] =	wrdreg $0x0  }
0xb1: {  	[dreg:$0x5] =	wrdreg $0x9  }
0xb2: {  	_ =	task.clear_ibuf [dreg:s7], $0x6FFFF;
	_ =	strace $0x9000004F  }
0xb3: {  	s29 =	simm.s32 $0x9;
	_ =	strace $0x80000051  }
0xb4: {  	_ =	swait.ge [sflag:s29], $0x1  }
0xb5: {  	[sflag:s29] =	ssyncadd.s32 $0xFFFFFFFF  }
0xb6: {  	_ =	strace $0x90000051  }
0xb7: {  	_ =	sfence  }
0xb8: {  	s30 =	sld [smem:$0x0];
	_ =	sdelay $0x2  }
0xb9: {  	s31 =	sshll.u32 s1, $0xD;
	s1 =	sshrl.u32 s1, $0x2  }
0xba: {  	s3 =	sand.u32 $0x4000, s31;
	s1 =	sadd.s32 s1, s30  }
0xbb: {  	s0 =	sor.u32 s3, s0;
	s1 =	sshll.u32 s1, $0x11  }
0xbc: {  	s0 =	sor.u32 s1, s0  }
0xbd: {  	s0 =	sadd.s32 $0x8F2B, s0  }
0xbe: {  	[sflag:s0] =	ssyncadd.remote.s32 $0x1  }
0xbf: {  	_ =	sfence.sel $0xFFFF  }
0xc0: {  	[dreg:$0x0] =	wrdreg $0xFFFFFFFF;
	(pc) =	sbr.abs _section_cstart, $3  }
0xc1: {  	[dreg:$0x1] =	wrdreg $0xFFFFFFFF  }
0xc2: {  	_ =	task.clear_ibuf [dreg:s7], $0x2FFFF;
	_ =	strace $0x9FFFFFFF  }
0xc3: {  	(tm) =	ssettm $0x7FFFFFFF  }
tec
execute0_lowered:
.L_overlay_start_1:
0x0: {  	(tag) =	ssettag $0x1  }
0x1: {  	s0 =	rddreg [dreg:$0x0]  }
0x2: {  	s3 =	rddreg [dreg:$0x1]  }
0x3: {  	s1 =	rddreg [dreg:$0x2];
	s2 =	simm.s32 $0x0  }
0x4: {  	s5 =	srdreg.scid;
	s14 =	stileid.u32;
	s30 =	simm.s32 $0x17F00  }
0x5: {  	s31 =	simm.s32 $0xD;
	s8 =	sand.u32 $0x1, s5;
	s5 =	smul.u32 $0x2710, s14  }
0x6: {  	[smem:$0x7FF] =	sst s2;
	s4 =	sadd.s32 $0xFC00, s3;
	s21 =	smul.u32 $0x50000, s14  }
0x7: {  	s7 =	sadd.s32 $0x5C00, s3;
	s6 =	sadd.s32 $0xAC00, s3;
	s25 =	smul.u32 $0x2800, s14  }
0x8: {  	s9 =	sadd.s32 $0x5FC00, s3;
	s3 =	sadd.s32 $0x87C00, s3;
	s28 =	smul.u32 $0x4E2, s14  }
0x9: {  	s14 =	simm.s32 $0x14300;
	_ =	strace $0x80000050;
	s10 =	ssub.s32 $0x2, s8  }
0xa: {  	p0 =	seq.s32 s8, $0x0;
	s11 =	sshrl.u32 s10, $0x1;
	s12 =	sadd.s32 $0x78, s5  }
0xb: {  	s20 =	sshrl.u32 s5, $0x3;
	s23 =	sshrl.u32 s21, $0x2;
	s24 =	sadd.s32 $0x26E8, s5  }
0xc: {  	s4 =	smov.u32 @p0 s0;
	s3 =	smov.u32 @p0 s9;
	s15 =	sadd.s32 s7, s20  }
0xd: {  	s10 =	ssub.s32 s10, s11;
	s11 =	sadd.s32 s6, s20;
	[dreg:$0x4] =	wrdreg s15  }
0xe: {  	s18 =	sadd.s32 s28, s7;
	s8 =	sadd.s32 s23, s1;
	[dreg:$0x7] =	wrdreg s11  }
0xf: {  	s19 =	sadd.s32 s28, s6;
	s0 =	sadd.s32 s4, s25;
	[dreg:$0x9] =	wrdreg s8  }
0x10: {  	s12 =	sshrl.u32 s12, $0x3;
	s29 =	sadd.s32 s3, s25;
	[dreg:$0xd] =	wrdreg s0  }
0x11: {  	s3 =	simm.s32 $0x5;
	s13 =	sadd.s32 s7, s12;
	[dreg:$0xe] =	wrdreg s29  }
0x12: {  	s23 =	simm.s32 $0xB;
	s15 =	sadd.s32 $0x1E, s15;
	[dreg:$0x5] =	wrdreg s13  }
0x13: {  	s22 =	sadd.s32 s6, s12;
	s11 =	sshrl.u32 s24, $0x3;
	[dreg:$0x6] =	wrdreg s15  }
0x14: {  	s10 =	smax.u32 s10, $0x1;
	s24 =	simm.s32 $0x14200;
	[dreg:$0x8] =	wrdreg s22  }
0x15: {  	s0 =	simm.s32 $0x7;
	s26 =	sadd.s32 s7, s11;
	[dreg:$0xc] =	wrdreg s10  }
0x16: {  	s8 =	simm.s32 $0xC;
	s11 =	sadd.s32 s6, s11;
	[dreg:$0xa] =	wrdreg s26  }
0x17: {  	s7 =	simm.s32 $0x0;
	[dreg:$0xb] =	wrdreg s11;
	s26 =	simm.s32 $0x78  }
.LBB2_1:
0x18: {  	s9 =	rddreg [dreg:$0x4];
	s10 =	simm.s32 $0x14000  }
0x19: {  	[tilespmem:s10], [sflag:$0x1] =	stream.linear.gather [hbm4b:s9+s2], $0x78, $0x38;
	[tilespmem:$0x1F800] =	vst v63  }
0x1a: {  	s12 =	rddreg [dreg:$0x5];
	s11 =	simm.s32 $0x14080  }
0x1b: {  	[tilespmem:s11], [sflag:$0x2] =	stream.linear.gather [hbm4b:s12+s2], $0x78, $0x38;
	[tilespmem:$0x1F800] =	vst v63  }
0x1c: {  	s13 =	rddreg [dreg:$0x6];
	s12 =	simm.s32 $0x14100  }
0x1d: {  	[tilespmem:s12], [sflag:$0x3] =	stream.linear.gather [hbm4b:s13+s2], $0x78, $0x38;
	[tilespmem:$0x1F800] =	vst v63  }
0x1e: {  	s15 =	rddreg [dreg:$0x7];
	s16 =	simm.s32 $0x14180  }
0x1f: {  	[tilespmem:s16], [sflag:$0x4] =	stream.linear.gather [hbm4b:s15+s2], $0x78, $0x38;
	[tilespmem:$0x1F800] =	vst v63  }
0x20: {  	s17 =	rddreg [dreg:$0x8];
	s20 =	simm.s32 $0x1  }
0x21: {  	[tilespmem:s24], [sflag:$0x5] =	stream.linear.gather [hbm4b:s17+s2], $0x78, $0x38;
	[tilespmem:$0x1F800] =	vst v63  }
0x22: {  	_ =	swait.ge [sflag:s20], $0x78  }
0x23: {  	[sflag:s20] =	ssyncset.done $0x0  }
0x24: {  	s21 =	simm.s32 $0x2;
	s22 =	stileid.u32;
	[sflag:s20] =	ssyncadd.s32 $0xFFFFFF88  }
0x25: {  	[tilespmem:s14], [sflag:$0x7] =	stream.indirect.gather [hbm4b:s4+s26], $0x80, s10, s26, $0xb8;
	[tilespmem:$0x1F800] =	vst v63  }
0x26: {  	s25 =	sshll.u32 s22, $0x6;
	_ =	swait.ge [sflag:s21], $0x78  }
0x27: {  	s12 =	sor.u32 $0x1C0D, s25;
	[sflag:s21] =	ssyncset.done $0x0;
	s28 =	rddreg [dreg:$0x9]  }
0x28: {  	s29 =	rddreg [dreg:$0xd];
	[sflag:s21] =	ssyncadd.s32 $0xFFFFFF88;
	s13 =	sshrl.u32 s28, $0x3  }
0x29: {  	[tilespmem:s30], [sflag:$0x8] =	stream.indirect.gather [hbm4b:s4+s26], $0x80, s11, s26, $0xb8;
	[tilespmem:$0x1F800] =	vst v63  }
0x2a: {  	[spmem:s13], [sflag:s12] =	dma.local [hbm:s29], $0x2800  }
0x2b: {  	_ =	swait.ge [sflag:s31], $0x2800  }
0x2c: {  	[sflag:s31] =	ssyncset.done $0x0  }
0x2d: {  	s15 =	simm.s32 $0x0;
	[sflag:s31] =	ssyncadd.s32 $0xFFFFD800  }
0x2e: {  	s16 =	simm.s32 $0x0;
	s14 =	simm.s32 $0x1E0;
	[bflag:$0x0] =	sbarrier.arrive $0xFFFF  }
.LBB2_2:
0x2f: {  	p0 =	seq.s32 s16, $0x0  }
0x30: {  	_ =	swait.ge [sflag:s0], $0x3C00;
	p1 =	seq.s32 @!p0 s16, $0x1B  }
0x31: {  	[sflag:s0] =	ssyncset.done $0x0;
	p1 =	por p1, p0  }
0x32: {  	[sflag:s0] =	ssyncadd.s32 $0xFFFFC400;
	s17 =	simm.s32 @!p1 $0xC  }
0x33: {  	_ =	swait.ge @!p1 [sflag:s17], $0x3C00  }
0x34: {  	p0 =	seq.s32 s15, $0x4BF;
	[sflag:s17] =	ssyncset.done @!p1 $0x0  }
0x35: {  	[sflag:s17] =	ssyncadd.s32 @!p1 $0xFFFFC400;
	s17 =	simm.s32 @p0 $0x4  }
0x36: {  	_ =	swait.ge @p0 [sflag:s17], $0x78  }
0x37: {  	s20 =	simm.s32 @p0 $0x14180;
	[sflag:s17] =	ssyncset.done @p0 $0x0  }
0x38: {  	s21 =	simm.s32 @p0 $0x14300;
	[sflag:s17] =	ssyncadd.s32 @p0 $0xFFFFFF88;
	s17 =	simm.s32 @p0 $0x78  }
0x39: {  	[spmem:s1] =	stream.indirect.scatter.add.f32 @p0 [tilespmem:s21], [sflag:$0xA], $0x80, s20, s17, $0xb8;
	[tilespmem:$0x1F800] =	vst v63  }
0x3a: {  	s17 =	simm.s32 @p0 $0x8  }
0x3b: {  	_ =	swait.ge @p0 [sflag:s17], $0x3C00  }
0x3c: {  	s9 =	sadd.s32 @!p0 s15, s19;
	s10 =	simm.s32 @!p0 $0x0;
	[sflag:s17] =	ssyncset.done @p0 $0x0  }
0x3d: {  	s20 =	simm.s32 @!p0 $0x14280;
	[sflag:s17] =	ssyncadd.s32 @p0 $0xFFFFC400;
	s17 =	sadd.s32 @!p0 $0x1E, s9  }
0x3e: {  	[tilespmem:s20], [sflag:$0x6] =	stream.linear.gather @!p0 [hbm4b:s17+s10], $0x78, $0x38;
	[tilespmem:$0x1F800] =	vst v63  }
0x3f: {  	s17 =	simm.s32 @!p0 $0x3  }
0x40: {  	_ =	swait.ge @!p0 [sflag:s17], $0x78  }
0x41: {  	s11 =	simm.s32 @!p0 $0x14100;
	[sflag:s17] =	ssyncset.done @!p0 $0x0  }
0x42: {  	s21 =	simm.s32 @!p0 $0x1BB00;
	[sflag:s17] =	ssyncadd.s32 @!p0 $0xFFFFFF88;
	s17 =	simm.s32 @!p0 $0x78  }
0x43: {  	[tilespmem:s21], [sflag:$0x9] =	stream.indirect.gather @!p0 [hbm4b:s4+s17], $0x80, s11, s17, $0xb8;
	[tilespmem:$0x1F800] =	vst v63  }
0x44: {  	s11 =	sadd.s32 @!p0 s15, s18  }
0x45: {  	s28 =	simm.s32 @!p0 $0x14000;
	s25 =	sadd.s32 @!p0 $0x2D, s11  }
0x46: {  	[tilespmem:s28], [sflag:$0x1] =	stream.linear.gather @!p0 [hbm4b:s25+s10], $0x78, $0x38;
	[tilespmem:$0x1F800] =	vst v63  }
0x47: {  	s25 =	simm.s32 @!p0 $0x4  }
0x48: {  	_ =	swait.ge @!p0 [sflag:s25], $0x78  }
0x49: {  	s29 =	simm.s32 @!p0 $0x14300;
	[sflag:s25] =	ssyncset.done @!p0 $0x0  }
0x4a: {  	s22 =	simm.s32 @!p0 $0x8;
	[sflag:s25] =	ssyncadd.s32 @!p0 $0xFFFFFF88;
	s25 =	simm.s32 @!p0 $0x14180  }
0x4b: {  	[spmem:s1] =	stream.indirect.scatter.add.f32 @!p0 [tilespmem:s29], [sflag:$0xA], $0x80, s25, s17, $0xb8;
	[tilespmem:$0x1F800] =	vst v63  }
0x4c: {  	_ =	swait.ge @!p0 [sflag:s22], $0x3C00  }
0x4d: {  	[sflag:s22] =	ssyncset.done @!p0 $0x0  }
0x4e: {  	[sflag:s22] =	ssyncadd.s32 @!p0 $0xFFFFC400;
	s22 =	simm.s32 @!p0 $0xA  }
0x4f: {  	_ =	swait.ge @!p0 [sflag:s22], $0x3C00  }
0x50: {  	[sflag:s22] =	ssyncset.done @!p0 $0x0  }
0x51: {  	s9 =	sadd.s32 @!p0 $0x2D, s9;
	[sflag:s22] =	ssyncadd.s32 @!p0 $0xFFFFC400  }
0x52: {  	[tilespmem:s25], [sflag:$0x4] =	stream.linear.gather @!p0 [hbm4b:s9+s10], $0x78, $0x38;
	[tilespmem:$0x1F800] =	vst v63  }
0x53: {  	s9 =	simm.s32 @!p0 $0x1  }
0x54: {  	_ =	swait.ge @!p0 [sflag:s9], $0x78  }
0x55: {  	[sflag:s9] =	ssyncset.done @!p0 $0x0  }
0x56: {  	[sflag:s9] =	ssyncadd.s32 @!p0 $0xFFFFFF88  }
0x57: {  	[tilespmem:s29], [sflag:$0x7] =	stream.indirect.gather @!p0 [hbm4b:s4+s17], $0x80, s28, s17, $0xb8;
	[tilespmem:$0x1F800] =	vst v63  }
0x58: {  	s9 =	sadd.s32 @!p0 $0x3C, s11;
	s11 =	simm.s32 @!p0 $0x14080  }
0x59: {  	[tilespmem:s11], [sflag:$0x2] =	stream.linear.gather @!p0 [hbm4b:s9+s10], $0x78, $0x38;
	[tilespmem:$0x1F800] =	vst v63  }
0x5a: {  	_ =	swait.ge [sflag:s3], $0x78  }
0x5b: {  	[sflag:s3] =	ssyncset.done $0x0  }
0x5c: {  	s9 =	simm.s32 @!p0 $0x9;
	[sflag:s3] =	ssyncadd.s32 $0xFFFFFF88  }
0x5d: {  	[spmem:s1] =	stream.indirect.scatter.add.f32 [tilespmem:s30], [sflag:$0xB], $0x80, s24, s26, $0xb8;
	[tilespmem:$0x1F800] =	vst v63  }
0x5e: {  	_ =	swait.ge @!p0 [sflag:s9], $0x3C00  }
0x5f: {  	s22 =	smov.u32 s14;
	[sflag:s9] =	ssyncset.done @!p0 $0x0  }
0x60: {  	s22 =	simm.s32 @p0 $0x27D8;
	[sflag:s9] =	ssyncadd.s32 @!p0 $0xFFFFC400;
	s9 =	simm.s32 @!p0 $0xB  }
0x61: {  	s22 =	sadd.s32 @!p0 s5, s22;
	_ =	swait.ge @!p0 [sflag:s9], $0x3C00  }
0x62: {  	s22 =	sshrl.u32 @!p0 s22, $0x3;
	[sflag:s9] =	ssyncset.done @!p0 $0x0  }
0x63: {  	[sflag:s9] =	ssyncadd.s32 @!p0 $0xFFFFC400;
	s9 =	sadd.s32 @!p0 s6, s22;
	s22 =	simm.s32 @!p0 $0x14200  }
0x64: {  	[tilespmem:s22], [sflag:$0x5] =	stream.linear.gather @!p0 [hbm4b:s9+s10], $0x78, $0x38;
	[tilespmem:$0x1F800] =	vst v63  }
0x65: {  	s9 =	simm.s32 @!p0 $0x2  }
0x66: {  	_ =	swait.ge @!p0 [sflag:s9], $0x78  }
0x67: {  	p1 =	sgt.u32 @!p0 s16, $0x19;
	[sflag:s9] =	ssyncset.done @!p0 $0x0  }
0x68: {  	p1 =	por p1, p0;
	[sflag:s9] =	ssyncadd.s32 @!p0 $0xFFFFFF88;
	s9 =	simm.s32 @!p0 $0x17F00  }
0x69: {  	[tilespmem:s9], [sflag:$0x8] =	stream.indirect.gather @!p0 [hbm4b:s4+s17], $0x80, s11, s17, $0xb8;
	[tilespmem:$0x1F800] =	vst v63  }
0x6a: {  	s10 =	simm.s32 @!p1 $0x0;
	s9 =	sadd.s32 @!p1 s15, s18  }
0x6b: {  	s11 =	simm.s32 @!p1 $0x14100;
	s15 =	sadd.s32 @!p0 $0x2D, s15;
	s9 =	sadd.s32 @!p1 $0x4B, s9  }
0x6c: {  	[tilespmem:s11], [sflag:$0x3] =	stream.linear.gather @!p1 [hbm4b:s9+s10], $0x78, $0x38;
	[tilespmem:$0x1F800] =	vst v63  }
0x6d: {  	p1 =	sne.s32 @!p0 s15, $0x4EC  }
0x6e: {  	p1 =	por p0, !p1  }
.Ltmp0:
0x6f: {  	s9 =	simm.s32 @!p0 $0x6;
	(pc) =	sbr.rel @!p1 .LBB2_2-.Ltmp0, $4  }
0x70: {  	_ =	swait.ge @!p0 [sflag:s9], $0x78  }
0x71: {  	[sflag:s9] =	ssyncset.done @!p0 $0x0  }
0x72: {  	s16 =	sadd.s32 @!p0 $0x1, s16;
	s14 =	sadd.s32 @!p0 $0x168, s14;
	[sflag:s9] =	ssyncadd.s32 @!p0 $0xFFFFFF88  }
0x73: {  	[spmem:s1] =	stream.indirect.scatter.add.f32 @!p0 [tilespmem:s21], [sflag:$0xC], $0x80, s20, s17, $0xb8;
	[tilespmem:$0x1F800] =	vst v63  }
0x74: {  	s9 =	simm.s32 $0xA  }
0x75: {  	_ =	swait.ge [sflag:s9], $0x3C00  }
0x76: {  	[sflag:s9] =	ssyncset.done $0x0  }
0x77: {  	[sflag:s9] =	ssyncadd.s32 $0xFFFFC400  }
0x78: {  	_ =	swait.ge [sflag:s23], $0x3C00  }
0x79: {  	[sflag:s23] =	ssyncset.done $0x0  }
0x7a: {  	[sflag:s23] =	ssyncadd.s32 $0xFFFFC400  }
0x7b: {  	_ =	swait.ge [sflag:s8], $0x3C00  }
0x7c: {  	[sflag:s8] =	ssyncset.done $0x0  }
0x7d: {  	s10 =	simm.s32 $0x1F700;
	s21 =	rddreg [dreg:$0xa];
	[sflag:s8] =	ssyncadd.s32 $0xFFFFC400  }
0x7e: {  	[tilespmem:s10], [sflag:$0xD] =	stream.linear.gather [hbm4b:s21+s2], $0x28, $0x38;
	[tilespmem:$0x1F800] =	vst v63  }
0x7f: {  	_ =	swait.ge [sflag:s31], $0x28  }
0x80: {  	[sflag:s31] =	ssyncset.done $0x0  }
0x81: {  	s11 =	simm.s32 $0x1F780;
	s22 =	rddreg [dreg:$0xb];
	[sflag:s31] =	ssyncadd.s32 $0xFFFFFFD8  }
0x82: {  	[tilespmem:s11], [sflag:$0xD] =	stream.linear.gather [hbm4b:s22+s2], $0x28, $0x38;
	[tilespmem:$0x1F800] =	vst v63  }
0x83: {  	_ =	swait.ge [sflag:s31], $0x28  }
0x84: {  	[sflag:s31] =	ssyncset.done $0x0  }
0x85: {  	s14 =	simm.s32 $0x14300;
	s25 =	simm.s32 $0x28;
	[sflag:s31] =	ssyncadd.s32 $0xFFFFFFD8  }
0x86: {  	[tilespmem:s14], [sflag:$0x7] =	stream.indirect.gather [hbm4b:s4+s25], $0x80, s10, s25, $0xb8;
	[tilespmem:$0x1F800] =	vst v63  }
0x87: {  	_ =	swait.ge [sflag:s0], $0x1400  }
0x88: {  	[sflag:s0] =	ssyncset.done $0x0  }
0x89: {  	[sflag:s0] =	ssyncadd.s32 $0xFFFFEC00  }
0x8a: {  	[spmem:s1] =	stream.indirect.scatter.add.f32 [tilespmem:s14], [sflag:$0xD], $0x80, s11, s25, $0xb8;
	[tilespmem:$0x1F800] =	vst v63  }
0x8b: {  	_ =	swait.ge [sflag:s31], $0x1400  }
0x8c: {  	[sflag:s31] =	ssyncset.done $0x0  }
0x8d: {  	[sflag:s31] =	ssyncadd.s32 $0xFFFFEC00  }
0x8e: {  	[bflag:$0x0] =	sbarrier.arrive $0xFFFF  }
0x8f: {  	s28 =	rddreg [dreg:$0xe]  }
0x90: {  	[hbm:s28], [sflag:s12] =	dma.local [spmem:s13], $0x2800  }
0x91: {  	_ =	swait.ge [sflag:s31], $0x2800  }
0x92: {  	s7 =	sadd.s32 $0x1, s7;
	s29 =	rddreg [dreg:$0xc]  }
0x93: {  	p0 =	sne.s32 s7, s29  }
.Ltmp1:
0x94: {  	_ = 	snop;
	(pc) =	sbr.rel @p0 .LBB2_1-.Ltmp1, $3  }
0x95: {  	_ =	sdelay $0x1  }
0x96: {  	[sflag:s31] =	ssyncset.done $0x0  }
0x97: {  	[sflag:s31] =	ssyncadd.s32 $0xFFFFD800  }
0x98: {  	_ =	sfence.sel $0x180000  }
0x99: {  	[bflag:$0x0] =	sbarrier.arrive $0xFFFF  }
0x9a: {  	_ =	strace $0x90000050  }
0x9b: {  	s0 =	stileid.u32;
	[bflag:$0x2] =	sbarrier.arrive $0xFFFF  }
0x9c: {  	p0 =	sne.s32 s0, $0x0;
	s0 =	rddreg [dreg:$0x3]  }
0x9d: {  	s0 =	sadd.s32 @!p0 $0x100000, s0  }
0x9e: {  	[sflag:s0] =	ssyncadd.tile.s32 @!p0 $0x1;
	_ =	shalt  }
.Lfunc_end2:
_tile_overlayer_lowered:
.L_overlay_start_2:
0x9f: {  	(tag) =	ssettag $0x2  }
0xa0: {  	s0 =	rddreg [dreg:$0x0];
	s2 =	stileid.u32  }
0xa1: {  	s1 =	rddreg [dreg:$0x1];
	p0 =	sne.s32 s2, $0x0  }
0xa2: {  	s3 =	rddreg [dreg:$0x2];
	[bflag:$0x3] =	sbarrier.arrive $0xFFFF;
	s2 =	simm.s32 @!p0 $0x1C0D  }
0xa3: {  	[timem:s3], [sflag:s2] =	dma.local @!p0 [hbm:s0], s1  }
0xa4: {  	s0 =	simm.s32 @!p0 $0xD  }
0xa5: {  	_ =	swait.ge @!p0 [sflag:s0], s1  }
0xa6: {  	s1 =	ssub.s32 @!p0 $0x0, s1;
	[sflag:s0] =	ssyncset.done @!p0 $0x0  }
0xa7: {  	[sflag:s0] =	ssyncadd.s32 @!p0 s1  }
0xa8: {  	[bflag:$0x3] =	sbarrier.arrive $0xFFFF  }
0xa9: {  	_ =	shalt  }

</sc_bundles>
